<compile_context>
chip_gen: v7x
topology: tpu7x:2x2x1
jax: 0.10.2.dev20260603
libtpu: 0.0.44.dev20260713+nightly
codegen_flags: <defaults>
</compile_context>

<pallas_src>
import functools

import jax
import jax.numpy as jnp
from jax import lax
from jax.experimental import pallas as pl
from jax.experimental.pallas import tpu as pltpu
from jax.experimental.pallas import tpu_sc as plsc

N_NODES = 100000
H_DIM = 128
NUM_RELS = 100
N_TRIPLETS = 500000

NC = 2
NS = 16
L = 16
NW = NC * NS

C = 128
TU = 2
W = H_DIM // 2
NSLOT = 3


def _score_body(n_chunks, b_per_w,
                emb_hbm, wrel_hbm, src_hbm, rel_hbm, dst_hbm, out_hbm,
                wrel_v, sidx_v, didx_v, ridx_v, srows_v, orows_v, scores_v,
                sem_idx, sem_rows, sem_out):
    wid = lax.axis_index("s") * NC + lax.axis_index("c")
    base_w = wid * b_per_w
    pltpu.sync_copy(wrel_hbm, wrel_v)
    lane = lax.iota(jnp.int32, L)

    def start_idx(chunk, slot):
        base = base_w + chunk * C
        pltpu.async_copy(src_hbm.at[pl.ds(base, C)], sidx_v[slot], sem_idx[slot])
        pltpu.async_copy(dst_hbm.at[pl.ds(base, C)], didx_v[slot], sem_idx[slot])
        pltpu.async_copy(rel_hbm.at[pl.ds(base, C)], ridx_v[slot].at[pl.ds(0, C)],
                         sem_idx[slot])

    def wait_idx(slot):
        pltpu.make_async_copy(src_hbm.at[pl.ds(0, C)], sidx_v[slot], sem_idx[slot]).wait()
        pltpu.make_async_copy(dst_hbm.at[pl.ds(0, C)], didx_v[slot], sem_idx[slot]).wait()
        pltpu.make_async_copy(rel_hbm.at[pl.ds(0, C)], ridx_v[slot].at[pl.ds(0, C)],
                              sem_idx[slot]).wait()

    def start_rows(slot):
        pltpu.async_copy(emb_hbm.at[sidx_v[slot]], srows_v[slot], sem_rows[slot])
        pltpu.async_copy(emb_hbm.at[didx_v[slot]], orows_v[slot], sem_rows[slot])

    def wait_rows(slot):
        pltpu.make_async_copy(emb_hbm.at[sidx_v[slot]], srows_v[slot], sem_rows[slot]).wait()
        pltpu.make_async_copy(emb_hbm.at[didx_v[slot]], orows_v[slot], sem_rows[slot]).wait()

    def start_out(chunk, slot):
        pltpu.async_copy(scores_v[slot], out_hbm.at[pl.ds(base_w + chunk * C, C)],
                         sem_out[slot])

    def wait_out(slot):
        pltpu.make_async_copy(scores_v[slot], out_hbm.at[pl.ds(0, C)], sem_out[slot]).wait()

    def compute(slot):
        zero = jnp.zeros((L,), jnp.float32)

        def zero_body(g, gcarry):
            scores_v[slot][pl.ds(g * L, L)] = zero
            return gcarry

        lax.fori_loop(0, C // L, zero_body, 0)

        def trip_body(tt, tcarry):
            rvec = ridx_v[slot][pl.ds(tt * TU, L)] * W
            for u in range(TU):
                t = tt * TU + u
                rbase = rvec[u]
                acc0 = zero
                acc1 = zero
                for k in range(W // L):
                    sv = srows_v[slot][t, pl.ds(k * L, L)]
                    ov = orows_v[slot][t, pl.ds(k * L, L)]
                    rv = wrel_v[pl.ds(rbase + k * L, L)]
                    prod = (plsc.bitcast(sv, jnp.bfloat16)
                            * plsc.bitcast(ov, jnp.bfloat16)
                            * plsc.bitcast(rv, jnp.bfloat16))
                    pi = plsc.bitcast(prod, jnp.int32)
                    pe = plsc.bitcast(pi << 16, jnp.float32)
                    po = plsc.bitcast(pi & jnp.int32(-65536), jnp.float32)
                    acc0 = acc0 + pe
                    acc1 = acc1 + po
                plsc.addupdate_scatter(scores_v[slot],
                                       [jnp.full((L,), t, jnp.int32)],
                                       acc0 + acc1)
            return tcarry

        lax.fori_loop(0, C // TU, trip_body, 0)

    for s in range(NSLOT):
        start_idx(s, s)
    wait_idx(0)
    start_rows(0)
    for i in range(NSLOT):
        wait_idx((i + 1) % NSLOT)
        start_rows((i + 1) % NSLOT)
        wait_rows(i)
        compute(i)
        start_out(i, i)
        start_idx(i + NSLOT, i)

    def block_body(g, carry):
        for k in range(NSLOT):
            i = NSLOT + NSLOT * g + k
            wait_idx((k + 1) % NSLOT)
            start_rows((k + 1) % NSLOT)
            wait_rows(k)
            wait_out(k)
            compute(k)
            start_out(i, k)
            start_idx(i + NSLOT, k)
        return carry

    lax.fori_loop(0, (n_chunks - 2 * NSLOT) // NSLOT, block_body, 0)

    i = n_chunks - NSLOT
    for k in range(NSLOT - 1):
        wait_idx(k + 1)
        start_rows(k + 1)
        wait_rows(k)
        wait_out(k)
        compute(k)
        start_out(i + k, k)
    wait_rows(NSLOT - 1)
    wait_out(NSLOT - 1)
    compute(NSLOT - 1)
    start_out(n_chunks - 1, NSLOT - 1)
    for s in range(NSLOT):
        wait_out(s)


def kernel(embedding, w_relation, src, rel, dst):
    n = src.shape[0]
    step = NW * C * NSLOT
    n_pad = ((n + step - 1) // step) * step
    pad = n_pad - n
    if pad:
        zpad = jnp.zeros((pad,), src.dtype)
        src = jnp.concatenate([src, zpad])
        rel = jnp.concatenate([rel, zpad])
        dst = jnp.concatenate([dst, zpad])
    b_per_w = n_pad // NW
    n_chunks = b_per_w // C
    assert n_chunks >= 3 * NSLOT and n_chunks % NSLOT == 0

    def _pack_bf16_pairs(x):
        u = jax.lax.bitcast_convert_type(x, jnp.uint32)
        hi = (u + jnp.uint32(0x7FFF) + ((u >> 16) & jnp.uint32(1))) >> 16
        packed = hi[:, :W] | (hi[:, W:] << 16)
        return jax.lax.bitcast_convert_type(packed, jnp.float32)

    emb_packed = _pack_bf16_pairs(embedding)
    wrel_packed = _pack_bf16_pairs(w_relation)

    mesh = plsc.VectorSubcoreMesh(core_axis_name="c", subcore_axis_name="s")
    body = functools.partial(_score_body, n_chunks, b_per_w)
    score = pl.kernel(
        body,
        out_type=jax.ShapeDtypeStruct((n_pad,), jnp.float32),
        mesh=mesh,
        compiler_params=pltpu.CompilerParams(needs_layout_passes=False, use_tc_tiling_on_sc=False),
        scratch_types=[
            pltpu.VMEM((NUM_RELS * W,), jnp.float32),
            [pltpu.VMEM((C,), jnp.int32) for _ in range(NSLOT)],
            [pltpu.VMEM((C,), jnp.int32) for _ in range(NSLOT)],
            [pltpu.VMEM((C + L,), jnp.int32) for _ in range(NSLOT)],
            [pltpu.VMEM((C, W), jnp.float32) for _ in range(NSLOT)],
            [pltpu.VMEM((C, W), jnp.float32) for _ in range(NSLOT)],
            [pltpu.VMEM((C,), jnp.float32) for _ in range(NSLOT)],
            [pltpu.SemaphoreType.DMA for _ in range(NSLOT)],
            [pltpu.SemaphoreType.DMA for _ in range(NSLOT)],
            [pltpu.SemaphoreType.DMA for _ in range(NSLOT)],
        ],
    )(emb_packed, wrel_packed.reshape(-1), src, rel, dst)
    return score[:n]

# --- scband reference (transcript-rebuilt; emitter-appended) ---
"""Pipeline reference for scband-link-predict-77996606095486 (READ-ONLY COPY).

The authoritative reference and input builder live on the scoring server;
editing this copy changes nothing except your own understanding.
"""

import jax, jax.numpy as jnp
import numpy as np

N_NODES = 100000
H_DIM = 128
NUM_RELS = 100
N_TRIPLETS = 500000


def setup_inputs(seed: int = 0) -> dict:
    key = jax.random.key(seed)
    k1, k2, k3, k4, k5 = jax.random.split(key, 5)
    embedding = jax.random.normal(k1, (N_NODES, H_DIM), dtype=jnp.float32)
    # xavier_uniform_ with gain=calculate_gain('relu')=sqrt(2)
    gain = float(np.sqrt(2.0))
    a = gain * float(np.sqrt(6.0 / (NUM_RELS + H_DIM)))
    w_relation = jax.random.uniform(k2, (NUM_RELS, H_DIM), dtype=jnp.float32, minval=-a, maxval=a)
    src = jax.random.randint(k3, (N_TRIPLETS,), 0, N_NODES, dtype=jnp.int32)
    rel = jax.random.randint(k4, (N_TRIPLETS,), 0, NUM_RELS, dtype=jnp.int32)
    dst = jax.random.randint(k5, (N_TRIPLETS,), 0, N_NODES, dtype=jnp.int32)
    return {"embedding": embedding, "w_relation": w_relation, "src": src, "rel": rel, "dst": dst}


def reference(embedding, w_relation, src, rel, dst):
    # LinkPredict.calc_score: DistMult score over triplets
    s = jnp.take(embedding, src, axis=0)
    r = jnp.take(w_relation, rel, axis=0)
    o = jnp.take(embedding, dst, axis=0)
    score = jnp.sum(s * r * o, axis=1)
    return score

if __name__ == "__main__":
    import jax
    _d = setup_inputs()
    print(jax.jit(kernel)(*tuple(_d.values())))

</pallas_src>

<mosaic_0001>
#map = affine_map<(d0, d1) -> (0, 0)>
#map1 = affine_map<(d0, d1) -> (0)>
module attributes {stable_mosaic.version = 14 : i64} {
  func.func @_score_body(%arg0: i32, %arg1: i32, %arg2: memref<100000x64xf32, #tpu.memory_space<hbm>>, %arg3: memref<6400xf32, #tpu.memory_space<hbm>>, %arg4: memref<503808xi32, #tpu.memory_space<hbm>>, %arg5: memref<503808xi32, #tpu.memory_space<hbm>>, %arg6: memref<503808xi32, #tpu.memory_space<hbm>>, %arg7: memref<503808xf32, #tpu.memory_space<hbm>>, %arg8: memref<6400xf32, #tpu.memory_space<vmem>>, %arg9: memref<128xi32, #tpu.memory_space<vmem>>, %arg10: memref<128xi32, #tpu.memory_space<vmem>>, %arg11: memref<128xi32, #tpu.memory_space<vmem>>, %arg12: memref<128xi32, #tpu.memory_space<vmem>>, %arg13: memref<128xi32, #tpu.memory_space<vmem>>, %arg14: memref<128xi32, #tpu.memory_space<vmem>>, %arg15: memref<144xi32, #tpu.memory_space<vmem>>, %arg16: memref<144xi32, #tpu.memory_space<vmem>>, %arg17: memref<144xi32, #tpu.memory_space<vmem>>, %arg18: memref<128x64xf32, #tpu.memory_space<vmem>>, %arg19: memref<128x64xf32, #tpu.memory_space<vmem>>, %arg20: memref<128x64xf32, #tpu.memory_space<vmem>>, %arg21: memref<128x64xf32, #tpu.memory_space<vmem>>, %arg22: memref<128x64xf32, #tpu.memory_space<vmem>>, %arg23: memref<128x64xf32, #tpu.memory_space<vmem>>, %arg24: memref<128xf32, #tpu.memory_space<vmem>>, %arg25: memref<128xf32, #tpu.memory_space<vmem>>, %arg26: memref<128xf32, #tpu.memory_space<vmem>>, %arg27: memref<!tpu.dma_semaphore, #tpu.memory_space<semaphore_mem>>, %arg28: memref<!tpu.dma_semaphore, #tpu.memory_space<semaphore_mem>>, %arg29: memref<!tpu.dma_semaphore, #tpu.memory_space<semaphore_mem>>, %arg30: memref<!tpu.dma_semaphore, #tpu.memory_space<semaphore_mem>>, %arg31: memref<!tpu.dma_semaphore, #tpu.memory_space<semaphore_mem>>, %arg32: memref<!tpu.dma_semaphore, #tpu.memory_space<semaphore_mem>>, %arg33: memref<!tpu.dma_semaphore, #tpu.memory_space<semaphore_mem>>, %arg34: memref<!tpu.dma_semaphore, #tpu.memory_space<semaphore_mem>>, %arg35: memref<!tpu.dma_semaphore, #tpu.memory_space<semaphore_mem>>) attributes {dimension_semantics = [#tpu.dimension_semantics<core_parallel>, #tpu.dimension_semantics<subcore_parallel>], iteration_bounds = array<i64: 2, 16>, scalar_prefetch = 0 : i64, scratch_operands = 28 : i64, tpu.core_type = #tpu.core_type<sc_vector_subcore>, window_params = [{transform_indices = #map}, {transform_indices = #map1}, {transform_indices = #map1}, {transform_indices = #map1}, {transform_indices = #map1}, {transform_indices = #map1}]} {
    %mul3A = arith.constant 2 : i32
    %mul3A_0 = arith.muli %arg1, %mul3A : i32
    %add3A = arith.addi %mul3A_0, %arg0 : i32
    %mul3A_1 = arith.constant 15744 : i32
    %mul3A_2 = arith.muli %add3A, %mul3A_1 : i32
    "tpu.region"() ({
      %run_scoped3A = tpu.sem_alloc : memref<!tpu.dma_semaphore, #tpu.memory_space<semaphore_mem>>
      tpu.enqueue_dma source(%arg3 : memref<6400xf32, #tpu.memory_space<hbm>>) target(%arg8 : memref<6400xf32, #tpu.memory_space<vmem>>) target_semaphore(%run_scoped3A : memref<!tpu.dma_semaphore, #tpu.memory_space<semaphore_mem>>)
      tpu.wait_dma2 semaphore(%run_scoped3A : memref<!tpu.dma_semaphore, #tpu.memory_space<semaphore_mem>>) src(%arg3 : memref<6400xf32, #tpu.memory_space<hbm>>) dst(%arg8 : memref<6400xf32, #tpu.memory_space<vmem>>)
      tpu.yield
    }) : () -> ()
    %iota3A = tpu.iota {dimensions = array<i32: 0>} : vector<16xi32>
    %add3A_3 = arith.constant 0 : i32
    %add3A_4 = arith.addi %mul3A_2, %add3A_3 : i32
    %dma_start3A = tpu.memref_slice %arg4[%add3A_4] : memref<503808xi32, #tpu.memory_space<hbm>> -> memref<128xi32, #tpu.memory_space<hbm>>
    %dma_start3A_5 = tpu.memref_slice %arg4[%add3A_4] : memref<503808xi32, #tpu.memory_space<hbm>> -> memref<128xi32, #tpu.memory_space<hbm>>
    tpu.enqueue_dma source(%dma_start3A_5 : memref<128xi32, #tpu.memory_space<hbm>>) target(%arg9 : memref<128xi32, #tpu.memory_space<vmem>>) target_semaphore(%arg27 : memref<!tpu.dma_semaphore, #tpu.memory_space<semaphore_mem>>)
    %dma_start3A_6 = tpu.memref_slice %arg6[%add3A_4] : memref<503808xi32, #tpu.memory_space<hbm>> -> memref<128xi32, #tpu.memory_space<hbm>>
    %dma_start3A_7 = tpu.memref_slice %arg6[%add3A_4] : memref<503808xi32, #tpu.memory_space<hbm>> -> memref<128xi32, #tpu.memory_space<hbm>>
    tpu.enqueue_dma source(%dma_start3A_7 : memref<128xi32, #tpu.memory_space<hbm>>) target(%arg12 : memref<128xi32, #tpu.memory_space<vmem>>) target_semaphore(%arg27 : memref<!tpu.dma_semaphore, #tpu.memory_space<semaphore_mem>>)
    %dma_start3A_8 = arith.constant 0 : i32
    %dma_start3A_9 = tpu.memref_slice %arg15[%dma_start3A_8] : memref<144xi32, #tpu.memory_space<vmem>> -> memref<128xi32, #tpu.memory_space<vmem>>
    %dma_start3A_10 = tpu.memref_slice %arg5[%add3A_4] : memref<503808xi32, #tpu.memory_space<hbm>> -> memref<128xi32, #tpu.memory_space<hbm>>
    %dma_start3A_11 = arith.constant 0 : i32
    %dma_start3A_12 = tpu.memref_slice %arg15[%dma_start3A_11] : memref<144xi32, #tpu.memory_space<vmem>> -> memref<128xi32, #tpu.memory_space<vmem>>
    %dma_start3A_13 = tpu.memref_slice %arg5[%add3A_4] : memref<503808xi32, #tpu.memory_space<hbm>> -> memref<128xi32, #tpu.memory_space<hbm>>
    tpu.enqueue_dma source(%dma_start3A_13 : memref<128xi32, #tpu.memory_space<hbm>>) target(%dma_start3A_12 : memref<128xi32, #tpu.memory_space<vmem>>) target_semaphore(%arg27 : memref<!tpu.dma_semaphore, #tpu.memory_space<semaphore_mem>>)
    %add3A_14 = arith.constant 128 : i32
    %add3A_15 = arith.addi %mul3A_2, %add3A_14 : i32
    %dma_start3A_16 = tpu.memref_slice %arg4[%add3A_15] : memref<503808xi32, #tpu.memory_space<hbm>> -> memref<128xi32, #tpu.memory_space<hbm>>
    %dma_start3A_17 = tpu.memref_slice %arg4[%add3A_15] : memref<503808xi32, #tpu.memory_space<hbm>> -> memref<128xi32, #tpu.memory_space<hbm>>
    tpu.enqueue_dma source(%dma_start3A_17 : memref<128xi32, #tpu.memory_space<hbm>>) target(%arg10 : memref<128xi32, #tpu.memory_space<vmem>>) target_semaphore(%arg28 : memref<!tpu.dma_semaphore, #tpu.memory_space<semaphore_mem>>)
    %dma_start3A_18 = tpu.memref_slice %arg6[%add3A_15] : memref<503808xi32, #tpu.memory_space<hbm>> -> memref<128xi32, #tpu.memory_space<hbm>>
    %dma_start3A_19 = tpu.memref_slice %arg6[%add3A_15] : memref<503808xi32, #tpu.memory_space<hbm>> -> memref<128xi32, #tpu.memory_space<hbm>>
    tpu.enqueue_dma source(%dma_start3A_19 : memref<128xi32, #tpu.memory_space<hbm>>) target(%arg13 : memref<128xi32, #tpu.memory_space<vmem>>) target_semaphore(%arg28 : memref<!tpu.dma_semaphore, #tpu.memory_space<semaphore_mem>>)
    %dma_start3A_20 = arith.constant 0 : i32
    %dma_start3A_21 = tpu.memref_slice %arg16[%dma_start3A_20] : memref<144xi32, #tpu.memory_space<vmem>> -> memref<128xi32, #tpu.memory_space<vmem>>
    %dma_start3A_22 = tpu.memref_slice %arg5[%add3A_15] : memref<503808xi32, #tpu.memory_space<hbm>> -> memref<128xi32, #tpu.memory_space<hbm>>
    %dma_start3A_23 = arith.constant 0 : i32
    %dma_start3A_24 = tpu.memref_slice %arg16[%dma_start3A_23] : memref<144xi32, #tpu.memory_space<vmem>> -> memref<128xi32, #tpu.memory_space<vmem>>
    %dma_start3A_25 = tpu.memref_slice %arg5[%add3A_15] : memref<503808xi32, #tpu.memory_space<hbm>> -> memref<128xi32, #tpu.memory_space<hbm>>
    tpu.enqueue_dma source(%dma_start3A_25 : memref<128xi32, #tpu.memory_space<hbm>>) target(%dma_start3A_24 : memref<128xi32, #tpu.memory_space<vmem>>) target_semaphore(%arg28 : memref<!tpu.dma_semaphore, #tpu.memory_space<semaphore_mem>>)
    %add3A_26 = arith.constant 256 : i32
    %add3A_27 = arith.addi %mul3A_2, %add3A_26 : i32
    %dma_start3A_28 = tpu.memref_slice %arg4[%add3A_27] : memref<503808xi32, #tpu.memory_space<hbm>> -> memref<128xi32, #tpu.memory_space<hbm>>
    %dma_start3A_29 = tpu.memref_slice %arg4[%add3A_27] : memref<503808xi32, #tpu.memory_space<hbm>> -> memref<128xi32, #tpu.memory_space<hbm>>
    tpu.enqueue_dma source(%dma_start3A_29 : memref<128xi32, #tpu.memory_space<hbm>>) target(%arg11 : memref<128xi32, #tpu.memory_space<vmem>>) target_semaphore(%arg29 : memref<!tpu.dma_semaphore, #tpu.memory_space<semaphore_mem>>)
    %dma_start3A_30 = tpu.memref_slice %arg6[%add3A_27] : memref<503808xi32, #tpu.memory_space<hbm>> -> memref<128xi32, #tpu.memory_space<hbm>>
    %dma_start3A_31 = tpu.memref_slice %arg6[%add3A_27] : memref<503808xi32, #tpu.memory_space<hbm>> -> memref<128xi32, #tpu.memory_space<hbm>>
    tpu.enqueue_dma source(%dma_start3A_31 : memref<128xi32, #tpu.memory_space<hbm>>) target(%arg14 : memref<128xi32, #tpu.memory_space<vmem>>) target_semaphore(%arg29 : memref<!tpu.dma_semaphore, #tpu.memory_space<semaphore_mem>>)
    %dma_start3A_32 = arith.constant 0 : i32
    %dma_start3A_33 = tpu.memref_slice %arg17[%dma_start3A_32] : memref<144xi32, #tpu.memory_space<vmem>> -> memref<128xi32, #tpu.memory_space<vmem>>
    %dma_start3A_34 = tpu.memref_slice %arg5[%add3A_27] : memref<503808xi32, #tpu.memory_space<hbm>> -> memref<128xi32, #tpu.memory_space<hbm>>
    %dma_start3A_35 = arith.constant 0 : i32
    %dma_start3A_36 = tpu.memref_slice %arg17[%dma_start3A_35] : memref<144xi32, #tpu.memory_space<vmem>> -> memref<128xi32, #tpu.memory_space<vmem>>
    %dma_start3A_37 = tpu.memref_slice %arg5[%add3A_27] : memref<503808xi32, #tpu.memory_space<hbm>> -> memref<128xi32, #tpu.memory_space<hbm>>
    tpu.enqueue_dma source(%dma_start3A_37 : memref<128xi32, #tpu.memory_space<hbm>>) target(%dma_start3A_36 : memref<128xi32, #tpu.memory_space<vmem>>) target_semaphore(%arg29 : memref<!tpu.dma_semaphore, #tpu.memory_space<semaphore_mem>>)
    %dma_wait3A = arith.constant 0 : i32
    %dma_wait3A_38 = tpu.memref_slice %arg4[%dma_wait3A] : memref<503808xi32, #tpu.memory_space<hbm>> -> memref<128xi32, #tpu.memory_space<hbm>>
    %dma_wait3A_39 = arith.constant 0 : i32
    %dma_wait3A_40 = tpu.memref_slice %arg4[%dma_wait3A_39] : memref<503808xi32, #tpu.memory_space<hbm>> -> memref<128xi32, #tpu.memory_space<hbm>>
    tpu.wait_dma2 semaphore(%arg27 : memref<!tpu.dma_semaphore, #tpu.memory_space<semaphore_mem>>) src(%dma_wait3A_40 : memref<128xi32, #tpu.memory_space<hbm>>) dst(%arg9 : memref<128xi32, #tpu.memory_space<vmem>>)
    %dma_wait3A_41 = arith.constant 0 : i32
    %dma_wait3A_42 = tpu.memref_slice %arg6[%dma_wait3A_41] : memref<503808xi32, #tpu.memory_space<hbm>> -> memref<128xi32, #tpu.memory_space<hbm>>
    %dma_wait3A_43 = arith.constant 0 : i32
    %dma_wait3A_44 = tpu.memref_slice %arg6[%dma_wait3A_43] : memref<503808xi32, #tpu.memory_space<hbm>> -> memref<128xi32, #tpu.memory_space<hbm>>
    tpu.wait_dma2 semaphore(%arg27 : memref<!tpu.dma_semaphore, #tpu.memory_space<semaphore_mem>>) src(%dma_wait3A_44 : memref<128xi32, #tpu.memory_space<hbm>>) dst(%arg12 : memref<128xi32, #tpu.memory_space<vmem>>)
    %dma_wait3A_45 = arith.constant 0 : i32
    %dma_wait3A_46 = tpu.memref_slice %arg15[%dma_wait3A_45] : memref<144xi32, #tpu.memory_space<vmem>> -> memref<128xi32, #tpu.memory_space<vmem>>
    %dma_wait3A_47 = arith.constant 0 : i32
    %dma_wait3A_48 = tpu.memref_slice %arg5[%dma_wait3A_47] : memref<503808xi32, #tpu.memory_space<hbm>> -> memref<128xi32, #tpu.memory_space<hbm>>
    %dma_wait3A_49 = arith.constant 0 : i32
    %dma_wait3A_50 = tpu.memref_slice %arg15[%dma_wait3A_49] : memref<144xi32, #tpu.memory_space<vmem>> -> memref<128xi32, #tpu.memory_space<vmem>>
    %dma_wait3A_51 = arith.constant 0 : i32
    %dma_wait3A_52 = tpu.memref_slice %arg5[%dma_wait3A_51] : memref<503808xi32, #tpu.memory_space<hbm>> -> memref<128xi32, #tpu.memory_space<hbm>>
    tpu.wait_dma2 semaphore(%arg27 : memref<!tpu.dma_semaphore, #tpu.memory_space<semaphore_mem>>) src(%dma_wait3A_52 : memref<128xi32, #tpu.memory_space<hbm>>) dst(%dma_wait3A_50 : memref<128xi32, #tpu.memory_space<vmem>>)
    %dma_start3A_53 = arith.constant 0 : i32
    %dma_start3A_54 = arith.constant 0 : i32
    %dma_start3A_55 = tpu.memref_slice %arg2[%dma_start3A_53, %dma_start3A_54] : memref<100000x64xf32, #tpu.memory_space<hbm>> -> memref<100000x64xf32, #tpu.memory_space<hbm>>
    tpu.enqueue_indirect_dma source(%dma_start3A_55 : memref<100000x64xf32, #tpu.memory_space<hbm>>) target(%arg18 : memref<128x64xf32, #tpu.memory_space<vmem>>) offsets(%arg9 : memref<128xi32, #tpu.memory_space<vmem>>) semaphore(%arg30 : memref<!tpu.dma_semaphore, #tpu.memory_space<semaphore_mem>>)
    %dma_start3A_56 = arith.constant 0 : i32
    %dma_start3A_57 = arith.constant 0 : i32
    %dma_start3A_58 = tpu.memref_slice %arg2[%dma_start3A_56, %dma_start3A_57] : memref<100000x64xf32, #tpu.memory_space<hbm>> -> memref<100000x64xf32, #tpu.memory_space<hbm>>
    tpu.enqueue_indirect_dma source(%dma_start3A_58 : memref<100000x64xf32, #tpu.memory_space<hbm>>) target(%arg21 : memref<128x64xf32, #tpu.memory_space<vmem>>) offsets(%arg12 : memref<128xi32, #tpu.memory_space<vmem>>) semaphore(%arg30 : memref<!tpu.dma_semaphore, #tpu.memory_space<semaphore_mem>>)
    %dma_wait3A_59 = arith.constant 0 : i32
    %dma_wait3A_60 = tpu.memref_slice %arg4[%dma_wait3A_59] : memref<503808xi32, #tpu.memory_space<hbm>> -> memref<128xi32, #tpu.memory_space<hbm>>
    %dma_wait3A_61 = arith.constant 0 : i32
    %dma_wait3A_62 = tpu.memref_slice %arg4[%dma_wait3A_61] : memref<503808xi32, #tpu.memory_space<hbm>> -> memref<128xi32, #tpu.memory_space<hbm>>
    tpu.wait_dma2 semaphore(%arg28 : memref<!tpu.dma_semaphore, #tpu.memory_space<semaphore_mem>>) src(%dma_wait3A_62 : memref<128xi32, #tpu.memory_space<hbm>>) dst(%arg10 : memref<128xi32, #tpu.memory_space<vmem>>)
    %dma_wait3A_63 = arith.constant 0 : i32
    %dma_wait3A_64 = tpu.memref_slice %arg6[%dma_wait3A_63] : memref<503808xi32, #tpu.memory_space<hbm>> -> memref<128xi32, #tpu.memory_space<hbm>>
    %dma_wait3A_65 = arith.constant 0 : i32
    %dma_wait3A_66 = tpu.memref_slice %arg6[%dma_wait3A_65] : memref<503808xi32, #tpu.memory_space<hbm>> -> memref<128xi32, #tpu.memory_space<hbm>>
    tpu.wait_dma2 semaphore(%arg28 : memref<!tpu.dma_semaphore, #tpu.memory_space<semaphore_mem>>) src(%dma_wait3A_66 : memref<128xi32, #tpu.memory_space<hbm>>) dst(%arg13 : memref<128xi32, #tpu.memory_space<vmem>>)
    %dma_wait3A_67 = arith.constant 0 : i32
    %dma_wait3A_68 = tpu.memref_slice %arg16[%dma_wait3A_67] : memref<144xi32, #tpu.memory_space<vmem>> -> memref<128xi32, #tpu.memory_space<vmem>>
    %dma_wait3A_69 = arith.constant 0 : i32
    %dma_wait3A_70 = tpu.memref_slice %arg5[%dma_wait3A_69] : memref<503808xi32, #tpu.memory_space<hbm>> -> memref<128xi32, #tpu.memory_space<hbm>>
    %dma_wait3A_71 = arith.constant 0 : i32
    %dma_wait3A_72 = tpu.memref_slice %arg16[%dma_wait3A_71] : memref<144xi32, #tpu.memory_space<vmem>> -> memref<128xi32, #tpu.memory_space<vmem>>
    %dma_wait3A_73 = arith.constant 0 : i32
    %dma_wait3A_74 = tpu.memref_slice %arg5[%dma_wait3A_73] : memref<503808xi32, #tpu.memory_space<hbm>> -> memref<128xi32, #tpu.memory_space<hbm>>
    tpu.wait_dma2 semaphore(%arg28 : memref<!tpu.dma_semaphore, #tpu.memory_space<semaphore_mem>>) src(%dma_wait3A_74 : memref<128xi32, #tpu.memory_space<hbm>>) dst(%dma_wait3A_72 : memref<128xi32, #tpu.memory_space<vmem>>)
    %dma_start3A_75 = arith.constant 0 : i32
    %dma_start3A_76 = arith.constant 0 : i32
    %dma_start3A_77 = tpu.memref_slice %arg2[%dma_start3A_75, %dma_start3A_76] : memref<100000x64xf32, #tpu.memory_space<hbm>> -> memref<100000x64xf32, #tpu.memory_space<hbm>>
    tpu.enqueue_indirect_dma source(%dma_start3A_77 : memref<100000x64xf32, #tpu.memory_space<hbm>>) target(%arg19 : memref<128x64xf32, #tpu.memory_space<vmem>>) offsets(%arg10 : memref<128xi32, #tpu.memory_space<vmem>>) semaphore(%arg31 : memref<!tpu.dma_semaphore, #tpu.memory_space<semaphore_mem>>)
    %dma_start3A_78 = arith.constant 0 : i32
    %dma_start3A_79 = arith.constant 0 : i32
    %dma_start3A_80 = tpu.memref_slice %arg2[%dma_start3A_78, %dma_start3A_79] : memref<100000x64xf32, #tpu.memory_space<hbm>> -> memref<100000x64xf32, #tpu.memory_space<hbm>>
    tpu.enqueue_indirect_dma source(%dma_start3A_80 : memref<100000x64xf32, #tpu.memory_space<hbm>>) target(%arg22 : memref<128x64xf32, #tpu.memory_space<vmem>>) offsets(%arg13 : memref<128xi32, #tpu.memory_space<vmem>>) semaphore(%arg31 : memref<!tpu.dma_semaphore, #tpu.memory_space<semaphore_mem>>)
    %dma_wait3A_81 = arith.constant 0 : i32
    %dma_wait3A_82 = arith.constant 0 : i32
    %dma_wait3A_83 = tpu.memref_slice %arg2[%dma_wait3A_81, %dma_wait3A_82] : memref<100000x64xf32, #tpu.memory_space<hbm>> -> memref<100000x64xf32, #tpu.memory_space<hbm>>
    tpu.wait_indirect_dma semaphore(%arg30 : memref<!tpu.dma_semaphore, #tpu.memory_space<semaphore_mem>>) src(%dma_wait3A_83 : memref<100000x64xf32, #tpu.memory_space<hbm>>) dst(%arg18 : memref<128x64xf32, #tpu.memory_space<vmem>>)
    %dma_wait3A_84 = arith.constant 0 : i32
    %dma_wait3A_85 = arith.constant 0 : i32
    %dma_wait3A_86 = tpu.memref_slice %arg2[%dma_wait3A_84, %dma_wait3A_85] : memref<100000x64xf32, #tpu.memory_space<hbm>> -> memref<100000x64xf32, #tpu.memory_space<hbm>>
    tpu.wait_indirect_dma semaphore(%arg30 : memref<!tpu.dma_semaphore, #tpu.memory_space<semaphore_mem>>) src(%dma_wait3A_86 : memref<100000x64xf32, #tpu.memory_space<hbm>>) dst(%arg21 : memref<128x64xf32, #tpu.memory_space<vmem>>)
    %broadcast_in_dim3A = arith.constant 0.000000e+00 : f32
    %broadcast_in_dim3A_87 = vector.broadcast %broadcast_in_dim3A : f32 to vector<16xf32>
    %scan3A = arith.constant 0 : i32
    %scan3A_88 = arith.constant 0 : i32
    %scan3A_89 = arith.constant 8 : i32
    %scan3A_90 = arith.addi %scan3A_88, %scan3A_89 : i32
    %scan3A_91 = arith.constant 1 : i32
    scf.for %scan3A_377 = %scan3A_88 to %scan3A_90 step %scan3A_91  : i32 {
      %mul3A_378 = arith.constant 16 : i32
      %mul3A_379 = arith.muli %scan3A_377, %mul3A_378 : i32
      %swap3A = arith.index_cast %mul3A_379 : i32 to index
      %swap3A_380 = tpu.vector_load %arg24[%swap3A] {strides = array<i32>} : memref<128xf32, #tpu.memory_space<vmem>>, vector<16xf32>,
      tpu.vector_store %arg24[%swap3A], %broadcast_in_dim3A_87 {strides = array<i32>} : memref<128xf32, #tpu.memory_space<vmem>>, vector<16xf32>,
    }
    %scan3A_92 = arith.constant 8 : i32
    %scan3A_93 = arith.constant 0 : i32
    %scan3A_94 = arith.constant 0 : i32
    %scan3A_95 = arith.constant 64 : i32
    %scan3A_96 = arith.addi %scan3A_94, %scan3A_95 : i32
    %scan3A_97 = arith.constant 1 : i32
    scf.for %scan3A_377 = %scan3A_94 to %scan3A_96 step %scan3A_97  : i32 {
      %mul3A_378 = arith.constant 2 : i32
      %mul3A_379 = arith.muli %scan3A_377, %mul3A_378 : i32
      %get3A = arith.index_cast %mul3A_379 : i32 to index
      %get3A_380 = tpu.vector_load %arg15[%get3A] {strides = array<i32>} : memref<144xi32, #tpu.memory_space<vmem>>, vector<16xi32>,
      %mul3A_381 = arith.constant 64 : i32
      %mul3A_382 = vector.broadcast %mul3A_381 : i32 to vector<16xi32>
      %mul3A_383 = arith.muli %get3A_380, %mul3A_382 : vector<16xi32>
      %mul3A_384 = arith.constant 2 : i32
      %mul3A_385 = arith.muli %scan3A_377, %mul3A_384 : i32
      %add3A_386 = arith.constant 0 : i32
      %add3A_387 = arith.addi %mul3A_385, %add3A_386 : i32
      %slice3A = vector.extract_strided_slice %mul3A_383 {offsets = [0], sizes = [1], strides = [1]} : vector<16xi32> to vector<1xi32>
      %squeeze3A = vector.extract %slice3A[0] : i32 from vector<1xi32>
      %get3A_388 = arith.index_cast %add3A_387 : i32 to index
      %get3A_389 = arith.constant 0 : index
      %get3A_390 = tpu.vector_load %arg18[%get3A_388, %get3A_389] {strides = array<i32>} : memref<128x64xf32, #tpu.memory_space<vmem>>, vector<16xf32>,
      %get3A_391 = arith.index_cast %add3A_387 : i32 to index
      %get3A_392 = arith.constant 0 : index
      %get3A_393 = tpu.vector_load %arg21[%get3A_391, %get3A_392] {strides = array<i32>} : memref<128x64xf32, #tpu.memory_space<vmem>>, vector<16xf32>,
      %add3A_394 = arith.constant 0 : i32
      %add3A_395 = arith.addi %squeeze3A, %add3A_394 : i32
      %get3A_396 = arith.index_cast %add3A_395 : i32 to index
      %get3A_397 = tpu.vector_load %arg8[%get3A_396] {strides = array<i32>} : memref<6400xf32, #tpu.memory_space<vmem>>, vector<16xf32>,
      %bitcast3A = vector.bitcast %get3A_390 : vector<16xf32> to vector<32xbf16>
      %bitcast3A_398 = vector.bitcast %get3A_393 : vector<16xf32> to vector<32xbf16>
      %mul3A_399 = arith.mulf %bitcast3A, %bitcast3A_398 : vector<32xbf16>
      %bitcast3A_400 = vector.bitcast %get3A_397 : vector<16xf32> to vector<32xbf16>
      %mul3A_401 = arith.mulf %mul3A_399, %bitcast3A_400 : vector<32xbf16>
      %bitcast3A_402 = vector.bitcast %mul3A_401 : vector<32xbf16> to vector<16xi32>
      %shift_left3A = arith.constant 16 : i32
      %shift_left3A_403 = vector.broadcast %shift_left3A : i32 to vector<16xi32>
      %shift_left3A_404 = arith.shli %bitcast3A_402, %shift_left3A_403 : vector<16xi32>
      %bitcast3A_405 = vector.bitcast %shift_left3A_404 : vector<16xi32> to vector<16xf32>
      %and3A = arith.constant -65536 : i32
      %and3A_406 = vector.broadcast %and3A : i32 to vector<16xi32>
      %and3A_407 = arith.andi %bitcast3A_402, %and3A_406 : vector<16xi32>
      %bitcast3A_408 = vector.bitcast %and3A_407 : vector<16xi32> to vector<16xf32>
      %add3A_409 = arith.addf %broadcast_in_dim3A_87, %bitcast3A_405 : vector<16xf32>
      %add3A_410 = arith.addf %broadcast_in_dim3A_87, %bitcast3A_408 : vector<16xf32>
      %get3A_411 = arith.index_cast %add3A_387 : i32 to index
      %get3A_412 = arith.constant 16 : index
      %get3A_413 = tpu.vector_load %arg18[%get3A_411, %get3A_412] {strides = array<i32>} : memref<128x64xf32, #tpu.memory_space<vmem>>, vector<16xf32>,
      %get3A_414 = arith.index_cast %add3A_387 : i32 to index
      %get3A_415 = arith.constant 16 : index
      %get3A_416 = tpu.vector_load %arg21[%get3A_414, %get3A_415] {strides = array<i32>} : memref<128x64xf32, #tpu.memory_space<vmem>>, vector<16xf32>,
      %add3A_417 = arith.constant 16 : i32
      %add3A_418 = arith.addi %squeeze3A, %add3A_417 : i32
      %get3A_419 = arith.index_cast %add3A_418 : i32 to index
      %get3A_420 = tpu.vector_load %arg8[%get3A_419] {strides = array<i32>} : memref<6400xf32, #tpu.memory_space<vmem>>, vector<16xf32>,
      %bitcast3A_421 = vector.bitcast %get3A_413 : vector<16xf32> to vector<32xbf16>
      %bitcast3A_422 = vector.bitcast %get3A_416 : vector<16xf32> to vector<32xbf16>
      %mul3A_423 = arith.mulf %bitcast3A_421, %bitcast3A_422 : vector<32xbf16>
      %bitcast3A_424 = vector.bitcast %get3A_420 : vector<16xf32> to vector<32xbf16>
      %mul3A_425 = arith.mulf %mul3A_423, %bitcast3A_424 : vector<32xbf16>
      %bitcast3A_426 = vector.bitcast %mul3A_425 : vector<32xbf16> to vector<16xi32>
      %shift_left3A_427 = arith.constant 16 : i32
      %shift_left3A_428 = vector.broadcast %shift_left3A_427 : i32 to vector<16xi32>
      %shift_left3A_429 = arith.shli %bitcast3A_426, %shift_left3A_428 : vector<16xi32>
      %bitcast3A_430 = vector.bitcast %shift_left3A_429 : vector<16xi32> to vector<16xf32>
      %and3A_431 = arith.constant -65536 : i32
      %and3A_432 = vector.broadcast %and3A_431 : i32 to vector<16xi32>
      %and3A_433 = arith.andi %bitcast3A_426, %and3A_432 : vector<16xi32>
      %bitcast3A_434 = vector.bitcast %and3A_433 : vector<16xi32> to vector<16xf32>
      %add3A_435 = arith.addf %add3A_409, %bitcast3A_430 : vector<16xf32>
      %add3A_436 = arith.addf %add3A_410, %bitcast3A_434 : vector<16xf32>
      %get3A_437 = arith.index_cast %add3A_387 : i32 to index
      %get3A_438 = arith.constant 32 : index
      %get3A_439 = tpu.vector_load %arg18[%get3A_437, %get3A_438] {strides = array<i32>} : memref<128x64xf32, #tpu.memory_space<vmem>>, vector<16xf32>,
      %get3A_440 = arith.index_cast %add3A_387 : i32 to index
      %get3A_441 = arith.constant 32 : index
      %get3A_442 = tpu.vector_load %arg21[%get3A_440, %get3A_441] {strides = array<i32>} : memref<128x64xf32, #tpu.memory_space<vmem>>, vector<16xf32>,
      %add3A_443 = arith.constant 32 : i32
      %add3A_444 = arith.addi %squeeze3A, %add3A_443 : i32
      %get3A_445 = arith.index_cast %add3A_444 : i32 to index
      %get3A_446 = tpu.vector_load %arg8[%get3A_445] {strides = array<i32>} : memref<6400xf32, #tpu.memory_space<vmem>>, vector<16xf32>,
      %bitcast3A_447 = vector.bitcast %get3A_439 : vector<16xf32> to vector<32xbf16>
      %bitcast3A_448 = vector.bitcast %get3A_442 : vector<16xf32> to vector<32xbf16>
      %mul3A_449 = arith.mulf %bitcast3A_447, %bitcast3A_448 : vector<32xbf16>
      %bitcast3A_450 = vector.bitcast %get3A_446 : vector<16xf32> to vector<32xbf16>
      %mul3A_451 = arith.mulf %mul3A_449, %bitcast3A_450 : vector<32xbf16>
      %bitcast3A_452 = vector.bitcast %mul3A_451 : vector<32xbf16> to vector<16xi32>
      %shift_left3A_453 = arith.constant 16 : i32
      %shift_left3A_454 = vector.broadcast %shift_left3A_453 : i32 to vector<16xi32>
      %shift_left3A_455 = arith.shli %bitcast3A_452, %shift_left3A_454 : vector<16xi32>
      %bitcast3A_456 = vector.bitcast %shift_left3A_455 : vector<16xi32> to vector<16xf32>
      %and3A_457 = arith.constant -65536 : i32
      %and3A_458 = vector.broadcast %and3A_457 : i32 to vector<16xi32>
      %and3A_459 = arith.andi %bitcast3A_452, %and3A_458 : vector<16xi32>
      %bitcast3A_460 = vector.bitcast %and3A_459 : vector<16xi32> to vector<16xf32>
      %add3A_461 = arith.addf %add3A_435, %bitcast3A_456 : vector<16xf32>
      %add3A_462 = arith.addf %add3A_436, %bitcast3A_460 : vector<16xf32>
      %get3A_463 = arith.index_cast %add3A_387 : i32 to index
      %get3A_464 = arith.constant 48 : index
      %get3A_465 = tpu.vector_load %arg18[%get3A_463, %get3A_464] {strides = array<i32>} : memref<128x64xf32, #tpu.memory_space<vmem>>, vector<16xf32>,
      %get3A_466 = arith.index_cast %add3A_387 : i32 to index
      %get3A_467 = arith.constant 48 : index
      %get3A_468 = tpu.vector_load %arg21[%get3A_466, %get3A_467] {strides = array<i32>} : memref<128x64xf32, #tpu.memory_space<vmem>>, vector<16xf32>,
      %add3A_469 = arith.constant 48 : i32
      %add3A_470 = arith.addi %squeeze3A, %add3A_469 : i32
      %get3A_471 = arith.index_cast %add3A_470 : i32 to index
      %get3A_472 = tpu.vector_load %arg8[%get3A_471] {strides = array<i32>} : memref<6400xf32, #tpu.memory_space<vmem>>, vector<16xf32>,
      %bitcast3A_473 = vector.bitcast %get3A_465 : vector<16xf32> to vector<32xbf16>
      %bitcast3A_474 = vector.bitcast %get3A_468 : vector<16xf32> to vector<32xbf16>
      %mul3A_475 = arith.mulf %bitcast3A_473, %bitcast3A_474 : vector<32xbf16>
      %bitcast3A_476 = vector.bitcast %get3A_472 : vector<16xf32> to vector<32xbf16>
      %mul3A_477 = arith.mulf %mul3A_475, %bitcast3A_476 : vector<32xbf16>
      %bitcast3A_478 = vector.bitcast %mul3A_477 : vector<32xbf16> to vector<16xi32>
      %shift_left3A_479 = arith.constant 16 : i32
      %shift_left3A_480 = vector.broadcast %shift_left3A_479 : i32 to vector<16xi32>
      %shift_left3A_481 = arith.shli %bitcast3A_478, %shift_left3A_480 : vector<16xi32>
      %bitcast3A_482 = vector.bitcast %shift_left3A_481 : vector<16xi32> to vector<16xf32>
      %and3A_483 = arith.constant -65536 : i32
      %and3A_484 = vector.broadcast %and3A_483 : i32 to vector<16xi32>
      %and3A_485 = arith.andi %bitcast3A_478, %and3A_484 : vector<16xi32>
      %bitcast3A_486 = vector.bitcast %and3A_485 : vector<16xi32> to vector<16xf32>
      %add3A_487 = arith.addf %add3A_461, %bitcast3A_482 : vector<16xf32>
      %add3A_488 = arith.addf %add3A_462, %bitcast3A_486 : vector<16xf32>
      %broadcast_in_dim3A_489 = vector.broadcast %add3A_387 : i32 to vector<16xi32>
      %add3A_490 = arith.addf %add3A_487, %add3A_488 : vector<16xf32>
      tpu.vector_store_idx %arg24[%broadcast_in_dim3A_489], %add3A_490 {add = true} : memref<128xf32, #tpu.memory_space<vmem>>[vector<16xi32>], vector<16xf32>,
      %mul3A_491 = arith.constant 2 : i32
      %mul3A_492 = arith.muli %scan3A_377, %mul3A_491 : i32
      %add3A_493 = arith.constant 1 : i32
      %add3A_494 = arith.addi %mul3A_492, %add3A_493 : i32
      %slice3A_495 = vector.extract_strided_slice %mul3A_383 {offsets = [1], sizes = [1], strides = [1]} : vector<16xi32> to vector<1xi32>
      %squeeze3A_496 = vector.extract %slice3A_495[0] : i32 from vector<1xi32>
      %get3A_497 = arith.index_cast %add3A_494 : i32 to index
      %get3A_498 = arith.constant 0 : index
      %get3A_499 = tpu.vector_load %arg18[%get3A_497, %get3A_498] {strides = array<i32>} : memref<128x64xf32, #tpu.memory_space<vmem>>, vector<16xf32>,
      %get3A_500 = arith.index_cast %add3A_494 : i32 to index
      %get3A_501 = arith.constant 0 : index
      %get3A_502 = tpu.vector_load %arg21[%get3A_500, %get3A_501] {strides = array<i32>} : memref<128x64xf32, #tpu.memory_space<vmem>>, vector<16xf32>,
      %add3A_503 = arith.constant 0 : i32
      %add3A_504 = arith.addi %squeeze3A_496, %add3A_503 : i32
      %get3A_505 = arith.index_cast %add3A_504 : i32 to index
      %get3A_506 = tpu.vector_load %arg8[%get3A_505] {strides = array<i32>} : memref<6400xf32, #tpu.memory_space<vmem>>, vector<16xf32>,
      %bitcast3A_507 = vector.bitcast %get3A_499 : vector<16xf32> to vector<32xbf16>
      %bitcast3A_508 = vector.bitcast %get3A_502 : vector<16xf32> to vector<32xbf16>
      %mul3A_509 = arith.mulf %bitcast3A_507, %bitcast3A_508 : vector<32xbf16>
      %bitcast3A_510 = vector.bitcast %get3A_506 : vector<16xf32> to vector<32xbf16>
      %mul3A_511 = arith.mulf %mul3A_509, %bitcast3A_510 : vector<32xbf16>
      %bitcast3A_512 = vector.bitcast %mul3A_511 : vector<32xbf16> to vector<16xi32>
      %shift_left3A_513 = arith.constant 16 : i32
      %shift_left3A_514 = vector.broadcast %shift_left3A_513 : i32 to vector<16xi32>
      %shift_left3A_515 = arith.shli %bitcast3A_512, %shift_left3A_514 : vector<16xi32>
      %bitcast3A_516 = vector.bitcast %shift_left3A_515 : vector<16xi32> to vector<16xf32>
      %and3A_517 = arith.constant -65536 : i32
      %and3A_518 = vector.broadcast %and3A_517 : i32 to vector<16xi32>
      %and3A_519 = arith.andi %bitcast3A_512, %and3A_518 : vector<16xi32>
      %bitcast3A_520 = vector.bitcast %and3A_519 : vector<16xi32> to vector<16xf32>
      %add3A_521 = arith.addf %broadcast_in_dim3A_87, %bitcast3A_516 : vector<16xf32>
      %add3A_522 = arith.addf %broadcast_in_dim3A_87, %bitcast3A_520 : vector<16xf32>
      %get3A_523 = arith.index_cast %add3A_494 : i32 to index
      %get3A_524 = arith.constant 16 : index
      %get3A_525 = tpu.vector_load %arg18[%get3A_523, %get3A_524] {strides = array<i32>} : memref<128x64xf32, #tpu.memory_space<vmem>>, vector<16xf32>,
      %get3A_526 = arith.index_cast %add3A_494 : i32 to index
      %get3A_527 = arith.constant 16 : index
      %get3A_528 = tpu.vector_load %arg21[%get3A_526, %get3A_527] {strides = array<i32>} : memref<128x64xf32, #tpu.memory_space<vmem>>, vector<16xf32>,
      %add3A_529 = arith.constant 16 : i32
      %add3A_530 = arith.addi %squeeze3A_496, %add3A_529 : i32
      %get3A_531 = arith.index_cast %add3A_530 : i32 to index
      %get3A_532 = tpu.vector_load %arg8[%get3A_531] {strides = array<i32>} : memref<6400xf32, #tpu.memory_space<vmem>>, vector<16xf32>,
      %bitcast3A_533 = vector.bitcast %get3A_525 : vector<16xf32> to vector<32xbf16>
      %bitcast3A_534 = vector.bitcast %get3A_528 : vector<16xf32> to vector<32xbf16>
      %mul3A_535 = arith.mulf %bitcast3A_533, %bitcast3A_534 : vector<32xbf16>
      %bitcast3A_536 = vector.bitcast %get3A_532 : vector<16xf32> to vector<32xbf16>
      %mul3A_537 = arith.mulf %mul3A_535, %bitcast3A_536 : vector<32xbf16>
      %bitcast3A_538 = vector.bitcast %mul3A_537 : vector<32xbf16> to vector<16xi32>
      %shift_left3A_539 = arith.constant 16 : i32
      %shift_left3A_540 = vector.broadcast %shift_left3A_539 : i32 to vector<16xi32>
      %shift_left3A_541 = arith.shli %bitcast3A_538, %shift_left3A_540 : vector<16xi32>
      %bitcast3A_542 = vector.bitcast %shift_left3A_541 : vector<16xi32> to vector<16xf32>
      %and3A_543 = arith.constant -65536 : i32
      %and3A_544 = vector.broadcast %and3A_543 : i32 to vector<16xi32>
      %and3A_545 = arith.andi %bitcast3A_538, %and3A_544 : vector<16xi32>
      %bitcast3A_546 = vector.bitcast %and3A_545 : vector<16xi32> to vector<16xf32>
      %add3A_547 = arith.addf %add3A_521, %bitcast3A_542 : vector<16xf32>
      %add3A_548 = arith.addf %add3A_522, %bitcast3A_546 : vector<16xf32>
      %get3A_549 = arith.index_cast %add3A_494 : i32 to index
      %get3A_550 = arith.constant 32 : index
      %get3A_551 = tpu.vector_load %arg18[%get3A_549, %get3A_550] {strides = array<i32>} : memref<128x64xf32, #tpu.memory_space<vmem>>, vector<16xf32>,
      %get3A_552 = arith.index_cast %add3A_494 : i32 to index
      %get3A_553 = arith.constant 32 : index
      %get3A_554 = tpu.vector_load %arg21[%get3A_552, %get3A_553] {strides = array<i32>} : memref<128x64xf32, #tpu.memory_space<vmem>>, vector<16xf32>,
      %add3A_555 = arith.constant 32 : i32
      %add3A_556 = arith.addi %squeeze3A_496, %add3A_555 : i32
      %get3A_557 = arith.index_cast %add3A_556 : i32 to index
      %get3A_558 = tpu.vector_load %arg8[%get3A_557] {strides = array<i32>} : memref<6400xf32, #tpu.memory_space<vmem>>, vector<16xf32>,
      %bitcast3A_559 = vector.bitcast %get3A_551 : vector<16xf32> to vector<32xbf16>
      %bitcast3A_560 = vector.bitcast %get3A_554 : vector<16xf32> to vector<32xbf16>
      %mul3A_561 = arith.mulf %bitcast3A_559, %bitcast3A_560 : vector<32xbf16>
      %bitcast3A_562 = vector.bitcast %get3A_558 : vector<16xf32> to vector<32xbf16>
      %mul3A_563 = arith.mulf %mul3A_561, %bitcast3A_562 : vector<32xbf16>
      %bitcast3A_564 = vector.bitcast %mul3A_563 : vector<32xbf16> to vector<16xi32>
      %shift_left3A_565 = arith.constant 16 : i32
      %shift_left3A_566 = vector.broadcast %shift_left3A_565 : i32 to vector<16xi32>
      %shift_left3A_567 = arith.shli %bitcast3A_564, %shift_left3A_566 : vector<16xi32>
      %bitcast3A_568 = vector.bitcast %shift_left3A_567 : vector<16xi32> to vector<16xf32>
      %and3A_569 = arith.constant -65536 : i32
      %and3A_570 = vector.broadcast %and3A_569 : i32 to vector<16xi32>
      %and3A_571 = arith.andi %bitcast3A_564, %and3A_570 : vector<16xi32>
      %bitcast3A_572 = vector.bitcast %and3A_571 : vector<16xi32> to vector<16xf32>
      %add3A_573 = arith.addf %add3A_547, %bitcast3A_568 : vector<16xf32>
      %add3A_574 = arith.addf %add3A_548, %bitcast3A_572 : vector<16xf32>
      %get3A_575 = arith.index_cast %add3A_494 : i32 to index
      %get3A_576 = arith.constant 48 : index
      %get3A_577 = tpu.vector_load %arg18[%get3A_575, %get3A_576] {strides = array<i32>} : memref<128x64xf32, #tpu.memory_space<vmem>>, vector<16xf32>,
      %get3A_578 = arith.index_cast %add3A_494 : i32 to index
      %get3A_579 = arith.constant 48 : index
      %get3A_580 = tpu.vector_load %arg21[%get3A_578, %get3A_579] {strides = array<i32>} : memref<128x64xf32, #tpu.memory_space<vmem>>, vector<16xf32>,
      %add3A_581 = arith.constant 48 : i32
      %add3A_582 = arith.addi %squeeze3A_496, %add3A_581 : i32
      %get3A_583 = arith.index_cast %add3A_582 : i32 to index
      %get3A_584 = tpu.vector_load %arg8[%get3A_583] {strides = array<i32>} : memref<6400xf32, #tpu.memory_space<vmem>>, vector<16xf32>,
      %bitcast3A_585 = vector.bitcast %get3A_577 : vector<16xf32> to vector<32xbf16>
      %bitcast3A_586 = vector.bitcast %get3A_580 : vector<16xf32> to vector<32xbf16>
      %mul3A_587 = arith.mulf %bitcast3A_585, %bitcast3A_586 : vector<32xbf16>
      %bitcast3A_588 = vector.bitcast %get3A_584 : vector<16xf32> to vector<32xbf16>
      %mul3A_589 = arith.mulf %mul3A_587, %bitcast3A_588 : vector<32xbf16>
      %bitcast3A_590 = vector.bitcast %mul3A_589 : vector<32xbf16> to vector<16xi32>
      %shift_left3A_591 = arith.constant 16 : i32
      %shift_left3A_592 = vector.broadcast %shift_left3A_591 : i32 to vector<16xi32>
      %shift_left3A_593 = arith.shli %bitcast3A_590, %shift_left3A_592 : vector<16xi32>
      %bitcast3A_594 = vector.bitcast %shift_left3A_593 : vector<16xi32> to vector<16xf32>
      %and3A_595 = arith.constant -65536 : i32
      %and3A_596 = vector.broadcast %and3A_595 : i32 to vector<16xi32>
      %and3A_597 = arith.andi %bitcast3A_590, %and3A_596 : vector<16xi32>
      %bitcast3A_598 = vector.bitcast %and3A_597 : vector<16xi32> to vector<16xf32>
      %add3A_599 = arith.addf %add3A_573, %bitcast3A_594 : vector<16xf32>
      %add3A_600 = arith.addf %add3A_574, %bitcast3A_598 : vector<16xf32>
      %broadcast_in_dim3A_601 = vector.broadcast %add3A_494 : i32 to vector<16xi32>
      %add3A_602 = arith.addf %add3A_599, %add3A_600 : vector<16xf32>
      tpu.vector_store_idx %arg24[%broadcast_in_dim3A_601], %add3A_602 {add = true} : memref<128xf32, #tpu.memory_space<vmem>>[vector<16xi32>], vector<16xf32>,
    }
    %scan3A_98 = arith.constant 64 : i32
    %add3A_99 = arith.constant 0 : i32
    %add3A_100 = arith.addi %mul3A_2, %add3A_99 : i32
    %dma_start3A_101 = tpu.memref_slice %arg7[%add3A_100] : memref<503808xf32, #tpu.memory_space<hbm>> -> memref<128xf32, #tpu.memory_space<hbm>>
    %dma_start3A_102 = tpu.memref_slice %arg7[%add3A_100] : memref<503808xf32, #tpu.memory_space<hbm>> -> memref<128xf32, #tpu.memory_space<hbm>>
    tpu.enqueue_dma source(%arg24 : memref<128xf32, #tpu.memory_space<vmem>>) target(%dma_start3A_102 : memref<128xf32, #tpu.memory_space<hbm>>) target_semaphore(%arg33 : memref<!tpu.dma_semaphore, #tpu.memory_space<semaphore_mem>>)
    %add3A_103 = arith.constant 384 : i32
    %add3A_104 = arith.addi %mul3A_2, %add3A_103 : i32
    %dma_start3A_105 = tpu.memref_slice %arg4[%add3A_104] : memref<503808xi32, #tpu.memory_space<hbm>> -> memref<128xi32, #tpu.memory_space<hbm>>
    %dma_start3A_106 = tpu.memref_slice %arg4[%add3A_104] : memref<503808xi32, #tpu.memory_space<hbm>> -> memref<128xi32, #tpu.memory_space<hbm>>
    tpu.enqueue_dma source(%dma_start3A_106 : memref<128xi32, #tpu.memory_space<hbm>>) target(%arg9 : memref<128xi32, #tpu.memory_space<vmem>>) target_semaphore(%arg27 : memref<!tpu.dma_semaphore, #tpu.memory_space<semaphore_mem>>)
    %dma_start3A_107 = tpu.memref_slice %arg6[%add3A_104] : memref<503808xi32, #tpu.memory_space<hbm>> -> memref<128xi32, #tpu.memory_space<hbm>>
    %dma_start3A_108 = tpu.memref_slice %arg6[%add3A_104] : memref<503808xi32, #tpu.memory_space<hbm>> -> memref<128xi32, #tpu.memory_space<hbm>>
    tpu.enqueue_dma source(%dma_start3A_108 : memref<128xi32, #tpu.memory_space<hbm>>) target(%arg12 : memref<128xi32, #tpu.memory_space<vmem>>) target_semaphore(%arg27 : memref<!tpu.dma_semaphore, #tpu.memory_space<semaphore_mem>>)
    %dma_start3A_109 = arith.constant 0 : i32
    %dma_start3A_110 = tpu.memref_slice %arg15[%dma_start3A_109] : memref<144xi32, #tpu.memory_space<vmem>> -> memref<128xi32, #tpu.memory_space<vmem>>
    %dma_start3A_111 = tpu.memref_slice %arg5[%add3A_104] : memref<503808xi32, #tpu.memory_space<hbm>> -> memref<128xi32, #tpu.memory_space<hbm>>
    %dma_start3A_112 = arith.constant 0 : i32
    %dma_start3A_113 = tpu.memref_slice %arg15[%dma_start3A_112] : memref<144xi32, #tpu.memory_space<vmem>> -> memref<128xi32, #tpu.memory_space<vmem>>
    %dma_start3A_114 = tpu.memref_slice %arg5[%add3A_104] : memref<503808xi32, #tpu.memory_space<hbm>> -> memref<128xi32, #tpu.memory_space<hbm>>
    tpu.enqueue_dma source(%dma_start3A_114 : memref<128xi32, #tpu.memory_space<hbm>>) target(%dma_start3A_113 : memref<128xi32, #tpu.memory_space<vmem>>) target_semaphore(%arg27 : memref<!tpu.dma_semaphore, #tpu.memory_space<semaphore_mem>>)
    %dma_wait3A_115 = arith.constant 0 : i32
    %dma_wait3A_116 = tpu.memref_slice %arg4[%dma_wait3A_115] : memref<503808xi32, #tpu.memory_space<hbm>> -> memref<128xi32, #tpu.memory_space<hbm>>
    %dma_wait3A_117 = arith.constant 0 : i32
    %dma_wait3A_118 = tpu.memref_slice %arg4[%dma_wait3A_117] : memref<503808xi32, #tpu.memory_space<hbm>> -> memref<128xi32, #tpu.memory_space<hbm>>
    tpu.wait_dma2 semaphore(%arg29 : memref<!tpu.dma_semaphore, #tpu.memory_space<semaphore_mem>>) src(%dma_wait3A_118 : memref<128xi32, #tpu.memory_space<hbm>>) dst(%arg11 : memref<128xi32, #tpu.memory_space<vmem>>)
    %dma_wait3A_119 = arith.constant 0 : i32
    %dma_wait3A_120 = tpu.memref_slice %arg6[%dma_wait3A_119] : memref<503808xi32, #tpu.memory_space<hbm>> -> memref<128xi32, #tpu.memory_space<hbm>>
    %dma_wait3A_121 = arith.constant 0 : i32
    %dma_wait3A_122 = tpu.memref_slice %arg6[%dma_wait3A_121] : memref<503808xi32, #tpu.memory_space<hbm>> -> memref<128xi32, #tpu.memory_space<hbm>>
    tpu.wait_dma2 semaphore(%arg29 : memref<!tpu.dma_semaphore, #tpu.memory_space<semaphore_mem>>) src(%dma_wait3A_122 : memref<128xi32, #tpu.memory_space<hbm>>) dst(%arg14 : memref<128xi32, #tpu.memory_space<vmem>>)
    %dma_wait3A_123 = arith.constant 0 : i32
    %dma_wait3A_124 = tpu.memref_slice %arg17[%dma_wait3A_123] : memref<144xi32, #tpu.memory_space<vmem>> -> memref<128xi32, #tpu.memory_space<vmem>>
    %dma_wait3A_125 = arith.constant 0 : i32
    %dma_wait3A_126 = tpu.memref_slice %arg5[%dma_wait3A_125] : memref<503808xi32, #tpu.memory_space<hbm>> -> memref<128xi32, #tpu.memory_space<hbm>>
    %dma_wait3A_127 = arith.constant 0 : i32
    %dma_wait3A_128 = tpu.memref_slice %arg17[%dma_wait3A_127] : memref<144xi32, #tpu.memory_space<vmem>> -> memref<128xi32, #tpu.memory_space<vmem>>
    %dma_wait3A_129 = arith.constant 0 : i32
    %dma_wait3A_130 = tpu.memref_slice %arg5[%dma_wait3A_129] : memref<503808xi32, #tpu.memory_space<hbm>> -> memref<128xi32, #tpu.memory_space<hbm>>
    tpu.wait_dma2 semaphore(%arg29 : memref<!tpu.dma_semaphore, #tpu.memory_space<semaphore_mem>>) src(%dma_wait3A_130 : memref<128xi32, #tpu.memory_space<hbm>>) dst(%dma_wait3A_128 : memref<128xi32, #tpu.memory_space<vmem>>)
    %dma_start3A_131 = arith.constant 0 : i32
    %dma_start3A_132 = arith.constant 0 : i32
    %dma_start3A_133 = tpu.memref_slice %arg2[%dma_start3A_131, %dma_start3A_132] : memref<100000x64xf32, #tpu.memory_space<hbm>> -> memref<100000x64xf32, #tpu.memory_space<hbm>>
    tpu.enqueue_indirect_dma source(%dma_start3A_133 : memref<100000x64xf32, #tpu.memory_space<hbm>>) target(%arg20 : memref<128x64xf32, #tpu.memory_space<vmem>>) offsets(%arg11 : memref<128xi32, #tpu.memory_space<vmem>>) semaphore(%arg32 : memref<!tpu.dma_semaphore, #tpu.memory_space<semaphore_mem>>)
    %dma_start3A_134 = arith.constant 0 : i32
    %dma_start3A_135 = arith.constant 0 : i32
    %dma_start3A_136 = tpu.memref_slice %arg2[%dma_start3A_134, %dma_start3A_135] : memref<100000x64xf32, #tpu.memory_space<hbm>> -> memref<100000x64xf32, #tpu.memory_space<hbm>>
    tpu.enqueue_indirect_dma source(%dma_start3A_136 : memref<100000x64xf32, #tpu.memory_space<hbm>>) target(%arg23 : memref<128x64xf32, #tpu.memory_space<vmem>>) offsets(%arg14 : memref<128xi32, #tpu.memory_space<vmem>>) semaphore(%arg32 : memref<!tpu.dma_semaphore, #tpu.memory_space<semaphore_mem>>)
    %dma_wait3A_137 = arith.constant 0 : i32
    %dma_wait3A_138 = arith.constant 0 : i32
    %dma_wait3A_139 = tpu.memref_slice %arg2[%dma_wait3A_137, %dma_wait3A_138] : memref<100000x64xf32, #tpu.memory_space<hbm>> -> memref<100000x64xf32, #tpu.memory_space<hbm>>
    tpu.wait_indirect_dma semaphore(%arg31 : memref<!tpu.dma_semaphore, #tpu.memory_space<semaphore_mem>>) src(%dma_wait3A_139 : memref<100000x64xf32, #tpu.memory_space<hbm>>) dst(%arg19 : memref<128x64xf32, #tpu.memory_space<vmem>>)
    %dma_wait3A_140 = arith.constant 0 : i32
    %dma_wait3A_141 = arith.constant 0 : i32
    %dma_wait3A_142 = tpu.memref_slice %arg2[%dma_wait3A_140, %dma_wait3A_141] : memref<100000x64xf32, #tpu.memory_space<hbm>> -> memref<100000x64xf32, #tpu.memory_space<hbm>>
    tpu.wait_indirect_dma semaphore(%arg31 : memref<!tpu.dma_semaphore, #tpu.memory_space<semaphore_mem>>) src(%dma_wait3A_142 : memref<100000x64xf32, #tpu.memory_space<hbm>>) dst(%arg22 : memref<128x64xf32, #tpu.memory_space<vmem>>)
    %broadcast_in_dim3A_143 = arith.constant 0.000000e+00 : f32
    %broadcast_in_dim3A_144 = vector.broadcast %broadcast_in_dim3A_143 : f32 to vector<16xf32>
    %scan3A_145 = arith.constant 0 : i32
    %scan3A_146 = arith.constant 0 : i32
    %scan3A_147 = arith.constant 8 : i32
    %scan3A_148 = arith.addi %scan3A_146, %scan3A_147 : i32
    %scan3A_149 = arith.constant 1 : i32
    scf.for %scan3A_377 = %scan3A_146 to %scan3A_148 step %scan3A_149  : i32 {
      %mul3A_378 = arith.constant 16 : i32
      %mul3A_379 = arith.muli %scan3A_377, %mul3A_378 : i32
      %swap3A = arith.index_cast %mul3A_379 : i32 to index
      %swap3A_380 = tpu.vector_load %arg25[%swap3A] {strides = array<i32>} : memref<128xf32, #tpu.memory_space<vmem>>, vector<16xf32>,
      tpu.vector_store %arg25[%swap3A], %broadcast_in_dim3A_144 {strides = array<i32>} : memref<128xf32, #tpu.memory_space<vmem>>, vector<16xf32>,
    }
    %scan3A_150 = arith.constant 8 : i32
    %scan3A_151 = arith.constant 0 : i32
    %scan3A_152 = arith.constant 0 : i32
    %scan3A_153 = arith.constant 64 : i32
    %scan3A_154 = arith.addi %scan3A_152, %scan3A_153 : i32
    %scan3A_155 = arith.constant 1 : i32
    scf.for %scan3A_377 = %scan3A_152 to %scan3A_154 step %scan3A_155  : i32 {
      %mul3A_378 = arith.constant 2 : i32
      %mul3A_379 = arith.muli %scan3A_377, %mul3A_378 : i32
      %get3A = arith.index_cast %mul3A_379 : i32 to index
      %get3A_380 = tpu.vector_load %arg16[%get3A] {strides = array<i32>} : memref<144xi32, #tpu.memory_space<vmem>>, vector<16xi32>,
      %mul3A_381 = arith.constant 64 : i32
      %mul3A_382 = vector.broadcast %mul3A_381 : i32 to vector<16xi32>
      %mul3A_383 = arith.muli %get3A_380, %mul3A_382 : vector<16xi32>
      %mul3A_384 = arith.constant 2 : i32
      %mul3A_385 = arith.muli %scan3A_377, %mul3A_384 : i32
      %add3A_386 = arith.constant 0 : i32
      %add3A_387 = arith.addi %mul3A_385, %add3A_386 : i32
      %slice3A = vector.extract_strided_slice %mul3A_383 {offsets = [0], sizes = [1], strides = [1]} : vector<16xi32> to vector<1xi32>
      %squeeze3A = vector.extract %slice3A[0] : i32 from vector<1xi32>
      %get3A_388 = arith.index_cast %add3A_387 : i32 to index
      %get3A_389 = arith.constant 0 : index
      %get3A_390 = tpu.vector_load %arg19[%get3A_388, %get3A_389] {strides = array<i32>} : memref<128x64xf32, #tpu.memory_space<vmem>>, vector<16xf32>,
      %get3A_391 = arith.index_cast %add3A_387 : i32 to index
      %get3A_392 = arith.constant 0 : index
      %get3A_393 = tpu.vector_load %arg22[%get3A_391, %get3A_392] {strides = array<i32>} : memref<128x64xf32, #tpu.memory_space<vmem>>, vector<16xf32>,
      %add3A_394 = arith.constant 0 : i32
      %add3A_395 = arith.addi %squeeze3A, %add3A_394 : i32
      %get3A_396 = arith.index_cast %add3A_395 : i32 to index
      %get3A_397 = tpu.vector_load %arg8[%get3A_396] {strides = array<i32>} : memref<6400xf32, #tpu.memory_space<vmem>>, vector<16xf32>,
      %bitcast3A = vector.bitcast %get3A_390 : vector<16xf32> to vector<32xbf16>
      %bitcast3A_398 = vector.bitcast %get3A_393 : vector<16xf32> to vector<32xbf16>
      %mul3A_399 = arith.mulf %bitcast3A, %bitcast3A_398 : vector<32xbf16>
      %bitcast3A_400 = vector.bitcast %get3A_397 : vector<16xf32> to vector<32xbf16>
      %mul3A_401 = arith.mulf %mul3A_399, %bitcast3A_400 : vector<32xbf16>
      %bitcast3A_402 = vector.bitcast %mul3A_401 : vector<32xbf16> to vector<16xi32>
      %shift_left3A = arith.constant 16 : i32
      %shift_left3A_403 = vector.broadcast %shift_left3A : i32 to vector<16xi32>
      %shift_left3A_404 = arith.shli %bitcast3A_402, %shift_left3A_403 : vector<16xi32>
      %bitcast3A_405 = vector.bitcast %shift_left3A_404 : vector<16xi32> to vector<16xf32>
      %and3A = arith.constant -65536 : i32
      %and3A_406 = vector.broadcast %and3A : i32 to vector<16xi32>
      %and3A_407 = arith.andi %bitcast3A_402, %and3A_406 : vector<16xi32>
      %bitcast3A_408 = vector.bitcast %and3A_407 : vector<16xi32> to vector<16xf32>
      %add3A_409 = arith.addf %broadcast_in_dim3A_144, %bitcast3A_405 : vector<16xf32>
      %add3A_410 = arith.addf %broadcast_in_dim3A_144, %bitcast3A_408 : vector<16xf32>
      %get3A_411 = arith.index_cast %add3A_387 : i32 to index
      %get3A_412 = arith.constant 16 : index
      %get3A_413 = tpu.vector_load %arg19[%get3A_411, %get3A_412] {strides = array<i32>} : memref<128x64xf32, #tpu.memory_space<vmem>>, vector<16xf32>,
      %get3A_414 = arith.index_cast %add3A_387 : i32 to index
      %get3A_415 = arith.constant 16 : index
      %get3A_416 = tpu.vector_load %arg22[%get3A_414, %get3A_415] {strides = array<i32>} : memref<128x64xf32, #tpu.memory_space<vmem>>, vector<16xf32>,
      %add3A_417 = arith.constant 16 : i32
      %add3A_418 = arith.addi %squeeze3A, %add3A_417 : i32
      %get3A_419 = arith.index_cast %add3A_418 : i32 to index
      %get3A_420 = tpu.vector_load %arg8[%get3A_419] {strides = array<i32>} : memref<6400xf32, #tpu.memory_space<vmem>>, vector<16xf32>,
      %bitcast3A_421 = vector.bitcast %get3A_413 : vector<16xf32> to vector<32xbf16>
      %bitcast3A_422 = vector.bitcast %get3A_416 : vector<16xf32> to vector<32xbf16>
      %mul3A_423 = arith.mulf %bitcast3A_421, %bitcast3A_422 : vector<32xbf16>
      %bitcast3A_424 = vector.bitcast %get3A_420 : vector<16xf32> to vector<32xbf16>
      %mul3A_425 = arith.mulf %mul3A_423, %bitcast3A_424 : vector<32xbf16>
      %bitcast3A_426 = vector.bitcast %mul3A_425 : vector<32xbf16> to vector<16xi32>
      %shift_left3A_427 = arith.constant 16 : i32
      %shift_left3A_428 = vector.broadcast %shift_left3A_427 : i32 to vector<16xi32>
      %shift_left3A_429 = arith.shli %bitcast3A_426, %shift_left3A_428 : vector<16xi32>
      %bitcast3A_430 = vector.bitcast %shift_left3A_429 : vector<16xi32> to vector<16xf32>
      %and3A_431 = arith.constant -65536 : i32
      %and3A_432 = vector.broadcast %and3A_431 : i32 to vector<16xi32>
      %and3A_433 = arith.andi %bitcast3A_426, %and3A_432 : vector<16xi32>
      %bitcast3A_434 = vector.bitcast %and3A_433 : vector<16xi32> to vector<16xf32>
      %add3A_435 = arith.addf %add3A_409, %bitcast3A_430 : vector<16xf32>
      %add3A_436 = arith.addf %add3A_410, %bitcast3A_434 : vector<16xf32>
      %get3A_437 = arith.index_cast %add3A_387 : i32 to index
      %get3A_438 = arith.constant 32 : index
      %get3A_439 = tpu.vector_load %arg19[%get3A_437, %get3A_438] {strides = array<i32>} : memref<128x64xf32, #tpu.memory_space<vmem>>, vector<16xf32>,
      %get3A_440 = arith.index_cast %add3A_387 : i32 to index
      %get3A_441 = arith.constant 32 : index
      %get3A_442 = tpu.vector_load %arg22[%get3A_440, %get3A_441] {strides = array<i32>} : memref<128x64xf32, #tpu.memory_space<vmem>>, vector<16xf32>,
      %add3A_443 = arith.constant 32 : i32
      %add3A_444 = arith.addi %squeeze3A, %add3A_443 : i32
      %get3A_445 = arith.index_cast %add3A_444 : i32 to index
      %get3A_446 = tpu.vector_load %arg8[%get3A_445] {strides = array<i32>} : memref<6400xf32, #tpu.memory_space<vmem>>, vector<16xf32>,
      %bitcast3A_447 = vector.bitcast %get3A_439 : vector<16xf32> to vector<32xbf16>
      %bitcast3A_448 = vector.bitcast %get3A_442 : vector<16xf32> to vector<32xbf16>
      %mul3A_449 = arith.mulf %bitcast3A_447, %bitcast3A_448 : vector<32xbf16>
      %bitcast3A_450 = vector.bitcast %get3A_446 : vector<16xf32> to vector<32xbf16>
      %mul3A_451 = arith.mulf %mul3A_449, %bitcast3A_450 : vector<32xbf16>
      %bitcast3A_452 = vector.bitcast %mul3A_451 : vector<32xbf16> to vector<16xi32>
      %shift_left3A_453 = arith.constant 16 : i32
      %shift_left3A_454 = vector.broadcast %shift_left3A_453 : i32 to vector<16xi32>
      %shift_left3A_455 = arith.shli %bitcast3A_452, %shift_left3A_454 : vector<16xi32>
      %bitcast3A_456 = vector.bitcast %shift_left3A_455 : vector<16xi32> to vector<16xf32>
      %and3A_457 = arith.constant -65536 : i32
      %and3A_458 = vector.broadcast %and3A_457 : i32 to vector<16xi32>
      %and3A_459 = arith.andi %bitcast3A_452, %and3A_458 : vector<16xi32>
      %bitcast3A_460 = vector.bitcast %and3A_459 : vector<16xi32> to vector<16xf32>
      %add3A_461 = arith.addf %add3A_435, %bitcast3A_456 : vector<16xf32>
      %add3A_462 = arith.addf %add3A_436, %bitcast3A_460 : vector<16xf32>
      %get3A_463 = arith.index_cast %add3A_387 : i32 to index
      %get3A_464 = arith.constant 48 : index
      %get3A_465 = tpu.vector_load %arg19[%get3A_463, %get3A_464] {strides = array<i32>} : memref<128x64xf32, #tpu.memory_space<vmem>>, vector<16xf32>,
      %get3A_466 = arith.index_cast %add3A_387 : i32 to index
      %get3A_467 = arith.constant 48 : index
      %get3A_468 = tpu.vector_load %arg22[%get3A_466, %get3A_467] {strides = array<i32>} : memref<128x64xf32, #tpu.memory_space<vmem>>, vector<16xf32>,
      %add3A_469 = arith.constant 48 : i32
      %add3A_470 = arith.addi %squeeze3A, %add3A_469 : i32
      %get3A_471 = arith.index_cast %add3A_470 : i32 to index
      %get3A_472 = tpu.vector_load %arg8[%get3A_471] {strides = array<i32>} : memref<6400xf32, #tpu.memory_space<vmem>>, vector<16xf32>,
      %bitcast3A_473 = vector.bitcast %get3A_465 : vector<16xf32> to vector<32xbf16>
      %bitcast3A_474 = vector.bitcast %get3A_468 : vector<16xf32> to vector<32xbf16>
      %mul3A_475 = arith.mulf %bitcast3A_473, %bitcast3A_474 : vector<32xbf16>
      %bitcast3A_476 = vector.bitcast %get3A_472 : vector<16xf32> to vector<32xbf16>
      %mul3A_477 = arith.mulf %mul3A_475, %bitcast3A_476 : vector<32xbf16>
      %bitcast3A_478 = vector.bitcast %mul3A_477 : vector<32xbf16> to vector<16xi32>
      %shift_left3A_479 = arith.constant 16 : i32
      %shift_left3A_480 = vector.broadcast %shift_left3A_479 : i32 to vector<16xi32>
      %shift_left3A_481 = arith.shli %bitcast3A_478, %shift_left3A_480 : vector<16xi32>
      %bitcast3A_482 = vector.bitcast %shift_left3A_481 : vector<16xi32> to vector<16xf32>
      %and3A_483 = arith.constant -65536 : i32
      %and3A_484 = vector.broadcast %and3A_483 : i32 to vector<16xi32>
      %and3A_485 = arith.andi %bitcast3A_478, %and3A_484 : vector<16xi32>
      %bitcast3A_486 = vector.bitcast %and3A_485 : vector<16xi32> to vector<16xf32>
      %add3A_487 = arith.addf %add3A_461, %bitcast3A_482 : vector<16xf32>
      %add3A_488 = arith.addf %add3A_462, %bitcast3A_486 : vector<16xf32>
      %broadcast_in_dim3A_489 = vector.broadcast %add3A_387 : i32 to vector<16xi32>
      %add3A_490 = arith.addf %add3A_487, %add3A_488 : vector<16xf32>
      tpu.vector_store_idx %arg25[%broadcast_in_dim3A_489], %add3A_490 {add = true} : memref<128xf32, #tpu.memory_space<vmem>>[vector<16xi32>], vector<16xf32>,
      %mul3A_491 = arith.constant 2 : i32
      %mul3A_492 = arith.muli %scan3A_377, %mul3A_491 : i32
      %add3A_493 = arith.constant 1 : i32
      %add3A_494 = arith.addi %mul3A_492, %add3A_493 : i32
      %slice3A_495 = vector.extract_strided_slice %mul3A_383 {offsets = [1], sizes = [1], strides = [1]} : vector<16xi32> to vector<1xi32>
      %squeeze3A_496 = vector.extract %slice3A_495[0] : i32 from vector<1xi32>
      %get3A_497 = arith.index_cast %add3A_494 : i32 to index
      %get3A_498 = arith.constant 0 : index
      %get3A_499 = tpu.vector_load %arg19[%get3A_497, %get3A_498] {strides = array<i32>} : memref<128x64xf32, #tpu.memory_space<vmem>>, vector<16xf32>,
      %get3A_500 = arith.index_cast %add3A_494 : i32 to index
      %get3A_501 = arith.constant 0 : index
      %get3A_502 = tpu.vector_load %arg22[%get3A_500, %get3A_501] {strides = array<i32>} : memref<128x64xf32, #tpu.memory_space<vmem>>, vector<16xf32>,
      %add3A_503 = arith.constant 0 : i32
      %add3A_504 = arith.addi %squeeze3A_496, %add3A_503 : i32
      %get3A_505 = arith.index_cast %add3A_504 : i32 to index
      %get3A_506 = tpu.vector_load %arg8[%get3A_505] {strides = array<i32>} : memref<6400xf32, #tpu.memory_space<vmem>>, vector<16xf32>,
      %bitcast3A_507 = vector.bitcast %get3A_499 : vector<16xf32> to vector<32xbf16>
      %bitcast3A_508 = vector.bitcast %get3A_502 : vector<16xf32> to vector<32xbf16>
      %mul3A_509 = arith.mulf %bitcast3A_507, %bitcast3A_508 : vector<32xbf16>
      %bitcast3A_510 = vector.bitcast %get3A_506 : vector<16xf32> to vector<32xbf16>
      %mul3A_511 = arith.mulf %mul3A_509, %bitcast3A_510 : vector<32xbf16>
      %bitcast3A_512 = vector.bitcast %mul3A_511 : vector<32xbf16> to vector<16xi32>
      %shift_left3A_513 = arith.constant 16 : i32
      %shift_left3A_514 = vector.broadcast %shift_left3A_513 : i32 to vector<16xi32>
      %shift_left3A_515 = arith.shli %bitcast3A_512, %shift_left3A_514 : vector<16xi32>
      %bitcast3A_516 = vector.bitcast %shift_left3A_515 : vector<16xi32> to vector<16xf32>
      %and3A_517 = arith.constant -65536 : i32
      %and3A_518 = vector.broadcast %and3A_517 : i32 to vector<16xi32>
      %and3A_519 = arith.andi %bitcast3A_512, %and3A_518 : vector<16xi32>
      %bitcast3A_520 = vector.bitcast %and3A_519 : vector<16xi32> to vector<16xf32>
      %add3A_521 = arith.addf %broadcast_in_dim3A_144, %bitcast3A_516 : vector<16xf32>
      %add3A_522 = arith.addf %broadcast_in_dim3A_144, %bitcast3A_520 : vector<16xf32>
      %get3A_523 = arith.index_cast %add3A_494 : i32 to index
      %get3A_524 = arith.constant 16 : index
      %get3A_525 = tpu.vector_load %arg19[%get3A_523, %get3A_524] {strides = array<i32>} : memref<128x64xf32, #tpu.memory_space<vmem>>, vector<16xf32>,
      %get3A_526 = arith.index_cast %add3A_494 : i32 to index
      %get3A_527 = arith.constant 16 : index
      %get3A_528 = tpu.vector_load %arg22[%get3A_526, %get3A_527] {strides = array<i32>} : memref<128x64xf32, #tpu.memory_space<vmem>>, vector<16xf32>,
      %add3A_529 = arith.constant 16 : i32
      %add3A_530 = arith.addi %squeeze3A_496, %add3A_529 : i32
      %get3A_531 = arith.index_cast %add3A_530 : i32 to index
      %get3A_532 = tpu.vector_load %arg8[%get3A_531] {strides = array<i32>} : memref<6400xf32, #tpu.memory_space<vmem>>, vector<16xf32>,
      %bitcast3A_533 = vector.bitcast %get3A_525 : vector<16xf32> to vector<32xbf16>
      %bitcast3A_534 = vector.bitcast %get3A_528 : vector<16xf32> to vector<32xbf16>
      %mul3A_535 = arith.mulf %bitcast3A_533, %bitcast3A_534 : vector<32xbf16>
      %bitcast3A_536 = vector.bitcast %get3A_532 : vector<16xf32> to vector<32xbf16>
      %mul3A_537 = arith.mulf %mul3A_535, %bitcast3A_536 : vector<32xbf16>
      %bitcast3A_538 = vector.bitcast %mul3A_537 : vector<32xbf16> to vector<16xi32>
      %shift_left3A_539 = arith.constant 16 : i32
      %shift_left3A_540 = vector.broadcast %shift_left3A_539 : i32 to vector<16xi32>
      %shift_left3A_541 = arith.shli %bitcast3A_538, %shift_left3A_540 : vector<16xi32>
      %bitcast3A_542 = vector.bitcast %shift_left3A_541 : vector<16xi32> to vector<16xf32>
      %and3A_543 = arith.constant -65536 : i32
      %and3A_544 = vector.broadcast %and3A_543 : i32 to vector<16xi32>
      %and3A_545 = arith.andi %bitcast3A_538, %and3A_544 : vector<16xi32>
      %bitcast3A_546 = vector.bitcast %and3A_545 : vector<16xi32> to vector<16xf32>
      %add3A_547 = arith.addf %add3A_521, %bitcast3A_542 : vector<16xf32>
      %add3A_548 = arith.addf %add3A_522, %bitcast3A_546 : vector<16xf32>
      %get3A_549 = arith.index_cast %add3A_494 : i32 to index
      %get3A_550 = arith.constant 32 : index
      %get3A_551 = tpu.vector_load %arg19[%get3A_549, %get3A_550] {strides = array<i32>} : memref<128x64xf32, #tpu.memory_space<vmem>>, vector<16xf32>,
      %get3A_552 = arith.index_cast %add3A_494 : i32 to index
      %get3A_553 = arith.constant 32 : index
      %get3A_554 = tpu.vector_load %arg22[%get3A_552, %get3A_553] {strides = array<i32>} : memref<128x64xf32, #tpu.memory_space<vmem>>, vector<16xf32>,
      %add3A_555 = arith.constant 32 : i32
      %add3A_556 = arith.addi %squeeze3A_496, %add3A_555 : i32
      %get3A_557 = arith.index_cast %add3A_556 : i32 to index
      %get3A_558 = tpu.vector_load %arg8[%get3A_557] {strides = array<i32>} : memref<6400xf32, #tpu.memory_space<vmem>>, vector<16xf32>,
      %bitcast3A_559 = vector.bitcast %get3A_551 : vector<16xf32> to vector<32xbf16>
      %bitcast3A_560 = vector.bitcast %get3A_554 : vector<16xf32> to vector<32xbf16>
      %mul3A_561 = arith.mulf %bitcast3A_559, %bitcast3A_560 : vector<32xbf16>
      %bitcast3A_562 = vector.bitcast %get3A_558 : vector<16xf32> to vector<32xbf16>
      %mul3A_563 = arith.mulf %mul3A_561, %bitcast3A_562 : vector<32xbf16>
      %bitcast3A_564 = vector.bitcast %mul3A_563 : vector<32xbf16> to vector<16xi32>
      %shift_left3A_565 = arith.constant 16 : i32
      %shift_left3A_566 = vector.broadcast %shift_left3A_565 : i32 to vector<16xi32>
      %shift_left3A_567 = arith.shli %bitcast3A_564, %shift_left3A_566 : vector<16xi32>
      %bitcast3A_568 = vector.bitcast %shift_left3A_567 : vector<16xi32> to vector<16xf32>
      %and3A_569 = arith.constant -65536 : i32
      %and3A_570 = vector.broadcast %and3A_569 : i32 to vector<16xi32>
      %and3A_571 = arith.andi %bitcast3A_564, %and3A_570 : vector<16xi32>
      %bitcast3A_572 = vector.bitcast %and3A_571 : vector<16xi32> to vector<16xf32>
      %add3A_573 = arith.addf %add3A_547, %bitcast3A_568 : vector<16xf32>
      %add3A_574 = arith.addf %add3A_548, %bitcast3A_572 : vector<16xf32>
      %get3A_575 = arith.index_cast %add3A_494 : i32 to index
      %get3A_576 = arith.constant 48 : index
      %get3A_577 = tpu.vector_load %arg19[%get3A_575, %get3A_576] {strides = array<i32>} : memref<128x64xf32, #tpu.memory_space<vmem>>, vector<16xf32>,
      %get3A_578 = arith.index_cast %add3A_494 : i32 to index
      %get3A_579 = arith.constant 48 : index
      %get3A_580 = tpu.vector_load %arg22[%get3A_578, %get3A_579] {strides = array<i32>} : memref<128x64xf32, #tpu.memory_space<vmem>>, vector<16xf32>,
      %add3A_581 = arith.constant 48 : i32
      %add3A_582 = arith.addi %squeeze3A_496, %add3A_581 : i32
      %get3A_583 = arith.index_cast %add3A_582 : i32 to index
      %get3A_584 = tpu.vector_load %arg8[%get3A_583] {strides = array<i32>} : memref<6400xf32, #tpu.memory_space<vmem>>, vector<16xf32>,
      %bitcast3A_585 = vector.bitcast %get3A_577 : vector<16xf32> to vector<32xbf16>
      %bitcast3A_586 = vector.bitcast %get3A_580 : vector<16xf32> to vector<32xbf16>
      %mul3A_587 = arith.mulf %bitcast3A_585, %bitcast3A_586 : vector<32xbf16>
      %bitcast3A_588 = vector.bitcast %get3A_584 : vector<16xf32> to vector<32xbf16>
      %mul3A_589 = arith.mulf %mul3A_587, %bitcast3A_588 : vector<32xbf16>
      %bitcast3A_590 = vector.bitcast %mul3A_589 : vector<32xbf16> to vector<16xi32>
      %shift_left3A_591 = arith.constant 16 : i32
      %shift_left3A_592 = vector.broadcast %shift_left3A_591 : i32 to vector<16xi32>
      %shift_left3A_593 = arith.shli %bitcast3A_590, %shift_left3A_592 : vector<16xi32>
      %bitcast3A_594 = vector.bitcast %shift_left3A_593 : vector<16xi32> to vector<16xf32>
      %and3A_595 = arith.constant -65536 : i32
      %and3A_596 = vector.broadcast %and3A_595 : i32 to vector<16xi32>
      %and3A_597 = arith.andi %bitcast3A_590, %and3A_596 : vector<16xi32>
      %bitcast3A_598 = vector.bitcast %and3A_597 : vector<16xi32> to vector<16xf32>
      %add3A_599 = arith.addf %add3A_573, %bitcast3A_594 : vector<16xf32>
      %add3A_600 = arith.addf %add3A_574, %bitcast3A_598 : vector<16xf32>
      %broadcast_in_dim3A_601 = vector.broadcast %add3A_494 : i32 to vector<16xi32>
      %add3A_602 = arith.addf %add3A_599, %add3A_600 : vector<16xf32>
      tpu.vector_store_idx %arg25[%broadcast_in_dim3A_601], %add3A_602 {add = true} : memref<128xf32, #tpu.memory_space<vmem>>[vector<16xi32>], vector<16xf32>,
    }
    %scan3A_156 = arith.constant 64 : i32
    %add3A_157 = arith.constant 128 : i32
    %add3A_158 = arith.addi %mul3A_2, %add3A_157 : i32
    %dma_start3A_159 = tpu.memref_slice %arg7[%add3A_158] : memref<503808xf32, #tpu.memory_space<hbm>> -> memref<128xf32, #tpu.memory_space<hbm>>
    %dma_start3A_160 = tpu.memref_slice %arg7[%add3A_158] : memref<503808xf32, #tpu.memory_space<hbm>> -> memref<128xf32, #tpu.memory_space<hbm>>
    tpu.enqueue_dma source(%arg25 : memref<128xf32, #tpu.memory_space<vmem>>) target(%dma_start3A_160 : memref<128xf32, #tpu.memory_space<hbm>>) target_semaphore(%arg34 : memref<!tpu.dma_semaphore, #tpu.memory_space<semaphore_mem>>)
    %add3A_161 = arith.constant 512 : i32
    %add3A_162 = arith.addi %mul3A_2, %add3A_161 : i32
    %dma_start3A_163 = tpu.memref_slice %arg4[%add3A_162] : memref<503808xi32, #tpu.memory_space<hbm>> -> memref<128xi32, #tpu.memory_space<hbm>>
    %dma_start3A_164 = tpu.memref_slice %arg4[%add3A_162] : memref<503808xi32, #tpu.memory_space<hbm>> -> memref<128xi32, #tpu.memory_space<hbm>>
    tpu.enqueue_dma source(%dma_start3A_164 : memref<128xi32, #tpu.memory_space<hbm>>) target(%arg10 : memref<128xi32, #tpu.memory_space<vmem>>) target_semaphore(%arg28 : memref<!tpu.dma_semaphore, #tpu.memory_space<semaphore_mem>>)
    %dma_start3A_165 = tpu.memref_slice %arg6[%add3A_162] : memref<503808xi32, #tpu.memory_space<hbm>> -> memref<128xi32, #tpu.memory_space<hbm>>
    %dma_start3A_166 = tpu.memref_slice %arg6[%add3A_162] : memref<503808xi32, #tpu.memory_space<hbm>> -> memref<128xi32, #tpu.memory_space<hbm>>
    tpu.enqueue_dma source(%dma_start3A_166 : memref<128xi32, #tpu.memory_space<hbm>>) target(%arg13 : memref<128xi32, #tpu.memory_space<vmem>>) target_semaphore(%arg28 : memref<!tpu.dma_semaphore, #tpu.memory_space<semaphore_mem>>)
    %dma_start3A_167 = arith.constant 0 : i32
    %dma_start3A_168 = tpu.memref_slice %arg16[%dma_start3A_167] : memref<144xi32, #tpu.memory_space<vmem>> -> memref<128xi32, #tpu.memory_space<vmem>>
    %dma_start3A_169 = tpu.memref_slice %arg5[%add3A_162] : memref<503808xi32, #tpu.memory_space<hbm>> -> memref<128xi32, #tpu.memory_space<hbm>>
    %dma_start3A_170 = arith.constant 0 : i32
    %dma_start3A_171 = tpu.memref_slice %arg16[%dma_start3A_170] : memref<144xi32, #tpu.memory_space<vmem>> -> memref<128xi32, #tpu.memory_space<vmem>>
    %dma_start3A_172 = tpu.memref_slice %arg5[%add3A_162] : memref<503808xi32, #tpu.memory_space<hbm>> -> memref<128xi32, #tpu.memory_space<hbm>>
    tpu.enqueue_dma source(%dma_start3A_172 : memref<128xi32, #tpu.memory_space<hbm>>) target(%dma_start3A_171 : memref<128xi32, #tpu.memory_space<vmem>>) target_semaphore(%arg28 : memref<!tpu.dma_semaphore, #tpu.memory_space<semaphore_mem>>)
    %dma_wait3A_173 = arith.constant 0 : i32
    %dma_wait3A_174 = tpu.memref_slice %arg4[%dma_wait3A_173] : memref<503808xi32, #tpu.memory_space<hbm>> -> memref<128xi32, #tpu.memory_space<hbm>>
    %dma_wait3A_175 = arith.constant 0 : i32
    %dma_wait3A_176 = tpu.memref_slice %arg4[%dma_wait3A_175] : memref<503808xi32, #tpu.memory_space<hbm>> -> memref<128xi32, #tpu.memory_space<hbm>>
    tpu.wait_dma2 semaphore(%arg27 : memref<!tpu.dma_semaphore, #tpu.memory_space<semaphore_mem>>) src(%dma_wait3A_176 : memref<128xi32, #tpu.memory_space<hbm>>) dst(%arg9 : memref<128xi32, #tpu.memory_space<vmem>>)
    %dma_wait3A_177 = arith.constant 0 : i32
    %dma_wait3A_178 = tpu.memref_slice %arg6[%dma_wait3A_177] : memref<503808xi32, #tpu.memory_space<hbm>> -> memref<128xi32, #tpu.memory_space<hbm>>
    %dma_wait3A_179 = arith.constant 0 : i32
    %dma_wait3A_180 = tpu.memref_slice %arg6[%dma_wait3A_179] : memref<503808xi32, #tpu.memory_space<hbm>> -> memref<128xi32, #tpu.memory_space<hbm>>
    tpu.wait_dma2 semaphore(%arg27 : memref<!tpu.dma_semaphore, #tpu.memory_space<semaphore_mem>>) src(%dma_wait3A_180 : memref<128xi32, #tpu.memory_space<hbm>>) dst(%arg12 : memref<128xi32, #tpu.memory_space<vmem>>)
    %dma_wait3A_181 = arith.constant 0 : i32
    %dma_wait3A_182 = tpu.memref_slice %arg15[%dma_wait3A_181] : memref<144xi32, #tpu.memory_space<vmem>> -> memref<128xi32, #tpu.memory_space<vmem>>
    %dma_wait3A_183 = arith.constant 0 : i32
    %dma_wait3A_184 = tpu.memref_slice %arg5[%dma_wait3A_183] : memref<503808xi32, #tpu.memory_space<hbm>> -> memref<128xi32, #tpu.memory_space<hbm>>
    %dma_wait3A_185 = arith.constant 0 : i32
    %dma_wait3A_186 = tpu.memref_slice %arg15[%dma_wait3A_185] : memref<144xi32, #tpu.memory_space<vmem>> -> memref<128xi32, #tpu.memory_space<vmem>>
    %dma_wait3A_187 = arith.constant 0 : i32
    %dma_wait3A_188 = tpu.memref_slice %arg5[%dma_wait3A_187] : memref<503808xi32, #tpu.memory_space<hbm>> -> memref<128xi32, #tpu.memory_space<hbm>>
    tpu.wait_dma2 semaphore(%arg27 : memref<!tpu.dma_semaphore, #tpu.memory_space<semaphore_mem>>) src(%dma_wait3A_188 : memref<128xi32, #tpu.memory_space<hbm>>) dst(%dma_wait3A_186 : memref<128xi32, #tpu.memory_space<vmem>>)
    %dma_start3A_189 = arith.constant 0 : i32
    %dma_start3A_190 = arith.constant 0 : i32
    %dma_start3A_191 = tpu.memref_slice %arg2[%dma_start3A_189, %dma_start3A_190] : memref<100000x64xf32, #tpu.memory_space<hbm>> -> memref<100000x64xf32, #tpu.memory_space<hbm>>
    tpu.enqueue_indirect_dma source(%dma_start3A_191 : memref<100000x64xf32, #tpu.memory_space<hbm>>) target(%arg18 : memref<128x64xf32, #tpu.memory_space<vmem>>) offsets(%arg9 : memref<128xi32, #tpu.memory_space<vmem>>) semaphore(%arg30 : memref<!tpu.dma_semaphore, #tpu.memory_space<semaphore_mem>>)
    %dma_start3A_192 = arith.constant 0 : i32
    %dma_start3A_193 = arith.constant 0 : i32
    %dma_start3A_194 = tpu.memref_slice %arg2[%dma_start3A_192, %dma_start3A_193] : memref<100000x64xf32, #tpu.memory_space<hbm>> -> memref<100000x64xf32, #tpu.memory_space<hbm>>
    tpu.enqueue_indirect_dma source(%dma_start3A_194 : memref<100000x64xf32, #tpu.memory_space<hbm>>) target(%arg21 : memref<128x64xf32, #tpu.memory_space<vmem>>) offsets(%arg12 : memref<128xi32, #tpu.memory_space<vmem>>) semaphore(%arg30 : memref<!tpu.dma_semaphore, #tpu.memory_space<semaphore_mem>>)
    %dma_wait3A_195 = arith.constant 0 : i32
    %dma_wait3A_196 = arith.constant 0 : i32
    %dma_wait3A_197 = tpu.memref_slice %arg2[%dma_wait3A_195, %dma_wait3A_196] : memref<100000x64xf32, #tpu.memory_space<hbm>> -> memref<100000x64xf32, #tpu.memory_space<hbm>>
    tpu.wait_indirect_dma semaphore(%arg32 : memref<!tpu.dma_semaphore, #tpu.memory_space<semaphore_mem>>) src(%dma_wait3A_197 : memref<100000x64xf32, #tpu.memory_space<hbm>>) dst(%arg20 : memref<128x64xf32, #tpu.memory_space<vmem>>)
    %dma_wait3A_198 = arith.constant 0 : i32
    %dma_wait3A_199 = arith.constant 0 : i32
    %dma_wait3A_200 = tpu.memref_slice %arg2[%dma_wait3A_198, %dma_wait3A_199] : memref<100000x64xf32, #tpu.memory_space<hbm>> -> memref<100000x64xf32, #tpu.memory_space<hbm>>
    tpu.wait_indirect_dma semaphore(%arg32 : memref<!tpu.dma_semaphore, #tpu.memory_space<semaphore_mem>>) src(%dma_wait3A_200 : memref<100000x64xf32, #tpu.memory_space<hbm>>) dst(%arg23 : memref<128x64xf32, #tpu.memory_space<vmem>>)
    %broadcast_in_dim3A_201 = arith.constant 0.000000e+00 : f32
    %broadcast_in_dim3A_202 = vector.broadcast %broadcast_in_dim3A_201 : f32 to vector<16xf32>
    %scan3A_203 = arith.constant 0 : i32
    %scan3A_204 = arith.constant 0 : i32
    %scan3A_205 = arith.constant 8 : i32
    %scan3A_206 = arith.addi %scan3A_204, %scan3A_205 : i32
    %scan3A_207 = arith.constant 1 : i32
    scf.for %scan3A_377 = %scan3A_204 to %scan3A_206 step %scan3A_207  : i32 {
      %mul3A_378 = arith.constant 16 : i32
      %mul3A_379 = arith.muli %scan3A_377, %mul3A_378 : i32
      %swap3A = arith.index_cast %mul3A_379 : i32 to index
      %swap3A_380 = tpu.vector_load %arg26[%swap3A] {strides = array<i32>} : memref<128xf32, #tpu.memory_space<vmem>>, vector<16xf32>,
      tpu.vector_store %arg26[%swap3A], %broadcast_in_dim3A_202 {strides = array<i32>} : memref<128xf32, #tpu.memory_space<vmem>>, vector<16xf32>,
    }
    %scan3A_208 = arith.constant 8 : i32
    %scan3A_209 = arith.constant 0 : i32
    %scan3A_210 = arith.constant 0 : i32
    %scan3A_211 = arith.constant 64 : i32
    %scan3A_212 = arith.addi %scan3A_210, %scan3A_211 : i32
    %scan3A_213 = arith.constant 1 : i32
    scf.for %scan3A_377 = %scan3A_210 to %scan3A_212 step %scan3A_213  : i32 {
      %mul3A_378 = arith.constant 2 : i32
      %mul3A_379 = arith.muli %scan3A_377, %mul3A_378 : i32
      %get3A = arith.index_cast %mul3A_379 : i32 to index
      %get3A_380 = tpu.vector_load %arg17[%get3A] {strides = array<i32>} : memref<144xi32, #tpu.memory_space<vmem>>, vector<16xi32>,
      %mul3A_381 = arith.constant 64 : i32
      %mul3A_382 = vector.broadcast %mul3A_381 : i32 to vector<16xi32>
      %mul3A_383 = arith.muli %get3A_380, %mul3A_382 : vector<16xi32>
      %mul3A_384 = arith.constant 2 : i32
      %mul3A_385 = arith.muli %scan3A_377, %mul3A_384 : i32
      %add3A_386 = arith.constant 0 : i32
      %add3A_387 = arith.addi %mul3A_385, %add3A_386 : i32
      %slice3A = vector.extract_strided_slice %mul3A_383 {offsets = [0], sizes = [1], strides = [1]} : vector<16xi32> to vector<1xi32>
      %squeeze3A = vector.extract %slice3A[0] : i32 from vector<1xi32>
      %get3A_388 = arith.index_cast %add3A_387 : i32 to index
      %get3A_389 = arith.constant 0 : index
      %get3A_390 = tpu.vector_load %arg20[%get3A_388, %get3A_389] {strides = array<i32>} : memref<128x64xf32, #tpu.memory_space<vmem>>, vector<16xf32>,
      %get3A_391 = arith.index_cast %add3A_387 : i32 to index
      %get3A_392 = arith.constant 0 : index
      %get3A_393 = tpu.vector_load %arg23[%get3A_391, %get3A_392] {strides = array<i32>} : memref<128x64xf32, #tpu.memory_space<vmem>>, vector<16xf32>,
      %add3A_394 = arith.constant 0 : i32
      %add3A_395 = arith.addi %squeeze3A, %add3A_394 : i32
      %get3A_396 = arith.index_cast %add3A_395 : i32 to index
      %get3A_397 = tpu.vector_load %arg8[%get3A_396] {strides = array<i32>} : memref<6400xf32, #tpu.memory_space<vmem>>, vector<16xf32>,
      %bitcast3A = vector.bitcast %get3A_390 : vector<16xf32> to vector<32xbf16>
      %bitcast3A_398 = vector.bitcast %get3A_393 : vector<16xf32> to vector<32xbf16>
      %mul3A_399 = arith.mulf %bitcast3A, %bitcast3A_398 : vector<32xbf16>
      %bitcast3A_400 = vector.bitcast %get3A_397 : vector<16xf32> to vector<32xbf16>
      %mul3A_401 = arith.mulf %mul3A_399, %bitcast3A_400 : vector<32xbf16>
      %bitcast3A_402 = vector.bitcast %mul3A_401 : vector<32xbf16> to vector<16xi32>
      %shift_left3A = arith.constant 16 : i32
      %shift_left3A_403 = vector.broadcast %shift_left3A : i32 to vector<16xi32>
      %shift_left3A_404 = arith.shli %bitcast3A_402, %shift_left3A_403 : vector<16xi32>
      %bitcast3A_405 = vector.bitcast %shift_left3A_404 : vector<16xi32> to vector<16xf32>
      %and3A = arith.constant -65536 : i32
      %and3A_406 = vector.broadcast %and3A : i32 to vector<16xi32>
      %and3A_407 = arith.andi %bitcast3A_402, %and3A_406 : vector<16xi32>
      %bitcast3A_408 = vector.bitcast %and3A_407 : vector<16xi32> to vector<16xf32>
      %add3A_409 = arith.addf %broadcast_in_dim3A_202, %bitcast3A_405 : vector<16xf32>
      %add3A_410 = arith.addf %broadcast_in_dim3A_202, %bitcast3A_408 : vector<16xf32>
      %get3A_411 = arith.index_cast %add3A_387 : i32 to index
      %get3A_412 = arith.constant 16 : index
      %get3A_413 = tpu.vector_load %arg20[%get3A_411, %get3A_412] {strides = array<i32>} : memref<128x64xf32, #tpu.memory_space<vmem>>, vector<16xf32>,
      %get3A_414 = arith.index_cast %add3A_387 : i32 to index
      %get3A_415 = arith.constant 16 : index
      %get3A_416 = tpu.vector_load %arg23[%get3A_414, %get3A_415] {strides = array<i32>} : memref<128x64xf32, #tpu.memory_space<vmem>>, vector<16xf32>,
      %add3A_417 = arith.constant 16 : i32
      %add3A_418 = arith.addi %squeeze3A, %add3A_417 : i32
      %get3A_419 = arith.index_cast %add3A_418 : i32 to index
      %get3A_420 = tpu.vector_load %arg8[%get3A_419] {strides = array<i32>} : memref<6400xf32, #tpu.memory_space<vmem>>, vector<16xf32>,
      %bitcast3A_421 = vector.bitcast %get3A_413 : vector<16xf32> to vector<32xbf16>
      %bitcast3A_422 = vector.bitcast %get3A_416 : vector<16xf32> to vector<32xbf16>
      %mul3A_423 = arith.mulf %bitcast3A_421, %bitcast3A_422 : vector<32xbf16>
      %bitcast3A_424 = vector.bitcast %get3A_420 : vector<16xf32> to vector<32xbf16>
      %mul3A_425 = arith.mulf %mul3A_423, %bitcast3A_424 : vector<32xbf16>
      %bitcast3A_426 = vector.bitcast %mul3A_425 : vector<32xbf16> to vector<16xi32>
      %shift_left3A_427 = arith.constant 16 : i32
      %shift_left3A_428 = vector.broadcast %shift_left3A_427 : i32 to vector<16xi32>
      %shift_left3A_429 = arith.shli %bitcast3A_426, %shift_left3A_428 : vector<16xi32>
      %bitcast3A_430 = vector.bitcast %shift_left3A_429 : vector<16xi32> to vector<16xf32>
      %and3A_431 = arith.constant -65536 : i32
      %and3A_432 = vector.broadcast %and3A_431 : i32 to vector<16xi32>
      %and3A_433 = arith.andi %bitcast3A_426, %and3A_432 : vector<16xi32>
      %bitcast3A_434 = vector.bitcast %and3A_433 : vector<16xi32> to vector<16xf32>
      %add3A_435 = arith.addf %add3A_409, %bitcast3A_430 : vector<16xf32>
      %add3A_436 = arith.addf %add3A_410, %bitcast3A_434 : vector<16xf32>
      %get3A_437 = arith.index_cast %add3A_387 : i32 to index
      %get3A_438 = arith.constant 32 : index
      %get3A_439 = tpu.vector_load %arg20[%get3A_437, %get3A_438] {strides = array<i32>} : memref<128x64xf32, #tpu.memory_space<vmem>>, vector<16xf32>,
      %get3A_440 = arith.index_cast %add3A_387 : i32 to index
      %get3A_441 = arith.constant 32 : index
      %get3A_442 = tpu.vector_load %arg23[%get3A_440, %get3A_441] {strides = array<i32>} : memref<128x64xf32, #tpu.memory_space<vmem>>, vector<16xf32>,
      %add3A_443 = arith.constant 32 : i32
      %add3A_444 = arith.addi %squeeze3A, %add3A_443 : i32
      %get3A_445 = arith.index_cast %add3A_444 : i32 to index
      %get3A_446 = tpu.vector_load %arg8[%get3A_445] {strides = array<i32>} : memref<6400xf32, #tpu.memory_space<vmem>>, vector<16xf32>,
      %bitcast3A_447 = vector.bitcast %get3A_439 : vector<16xf32> to vector<32xbf16>
      %bitcast3A_448 = vector.bitcast %get3A_442 : vector<16xf32> to vector<32xbf16>
      %mul3A_449 = arith.mulf %bitcast3A_447, %bitcast3A_448 : vector<32xbf16>
      %bitcast3A_450 = vector.bitcast %get3A_446 : vector<16xf32> to vector<32xbf16>
      %mul3A_451 = arith.mulf %mul3A_449, %bitcast3A_450 : vector<32xbf16>
      %bitcast3A_452 = vector.bitcast %mul3A_451 : vector<32xbf16> to vector<16xi32>
      %shift_left3A_453 = arith.constant 16 : i32
      %shift_left3A_454 = vector.broadcast %shift_left3A_453 : i32 to vector<16xi32>
      %shift_left3A_455 = arith.shli %bitcast3A_452, %shift_left3A_454 : vector<16xi32>
      %bitcast3A_456 = vector.bitcast %shift_left3A_455 : vector<16xi32> to vector<16xf32>
      %and3A_457 = arith.constant -65536 : i32
      %and3A_458 = vector.broadcast %and3A_457 : i32 to vector<16xi32>
      %and3A_459 = arith.andi %bitcast3A_452, %and3A_458 : vector<16xi32>
      %bitcast3A_460 = vector.bitcast %and3A_459 : vector<16xi32> to vector<16xf32>
      %add3A_461 = arith.addf %add3A_435, %bitcast3A_456 : vector<16xf32>
      %add3A_462 = arith.addf %add3A_436, %bitcast3A_460 : vector<16xf32>
      %get3A_463 = arith.index_cast %add3A_387 : i32 to index
      %get3A_464 = arith.constant 48 : index
      %get3A_465 = tpu.vector_load %arg20[%get3A_463, %get3A_464] {strides = array<i32>} : memref<128x64xf32, #tpu.memory_space<vmem>>, vector<16xf32>,
      %get3A_466 = arith.index_cast %add3A_387 : i32 to index
      %get3A_467 = arith.constant 48 : index
      %get3A_468 = tpu.vector_load %arg23[%get3A_466, %get3A_467] {strides = array<i32>} : memref<128x64xf32, #tpu.memory_space<vmem>>, vector<16xf32>,
      %add3A_469 = arith.constant 48 : i32
      %add3A_470 = arith.addi %squeeze3A, %add3A_469 : i32
      %get3A_471 = arith.index_cast %add3A_470 : i32 to index
      %get3A_472 = tpu.vector_load %arg8[%get3A_471] {strides = array<i32>} : memref<6400xf32, #tpu.memory_space<vmem>>, vector<16xf32>,
      %bitcast3A_473 = vector.bitcast %get3A_465 : vector<16xf32> to vector<32xbf16>
      %bitcast3A_474 = vector.bitcast %get3A_468 : vector<16xf32> to vector<32xbf16>
      %mul3A_475 = arith.mulf %bitcast3A_473, %bitcast3A_474 : vector<32xbf16>
      %bitcast3A_476 = vector.bitcast %get3A_472 : vector<16xf32> to vector<32xbf16>
      %mul3A_477 = arith.mulf %mul3A_475, %bitcast3A_476 : vector<32xbf16>
      %bitcast3A_478 = vector.bitcast %mul3A_477 : vector<32xbf16> to vector<16xi32>
      %shift_left3A_479 = arith.constant 16 : i32
      %shift_left3A_480 = vector.broadcast %shift_left3A_479 : i32 to vector<16xi32>
      %shift_left3A_481 = arith.shli %bitcast3A_478, %shift_left3A_480 : vector<16xi32>
      %bitcast3A_482 = vector.bitcast %shift_left3A_481 : vector<16xi32> to vector<16xf32>
      %and3A_483 = arith.constant -65536 : i32
      %and3A_484 = vector.broadcast %and3A_483 : i32 to vector<16xi32>
      %and3A_485 = arith.andi %bitcast3A_478, %and3A_484 : vector<16xi32>
      %bitcast3A_486 = vector.bitcast %and3A_485 : vector<16xi32> to vector<16xf32>
      %add3A_487 = arith.addf %add3A_461, %bitcast3A_482 : vector<16xf32>
      %add3A_488 = arith.addf %add3A_462, %bitcast3A_486 : vector<16xf32>
      %broadcast_in_dim3A_489 = vector.broadcast %add3A_387 : i32 to vector<16xi32>
      %add3A_490 = arith.addf %add3A_487, %add3A_488 : vector<16xf32>
      tpu.vector_store_idx %arg26[%broadcast_in_dim3A_489], %add3A_490 {add = true} : memref<128xf32, #tpu.memory_space<vmem>>[vector<16xi32>], vector<16xf32>,
      %mul3A_491 = arith.constant 2 : i32
      %mul3A_492 = arith.muli %scan3A_377, %mul3A_491 : i32
      %add3A_493 = arith.constant 1 : i32
      %add3A_494 = arith.addi %mul3A_492, %add3A_493 : i32
      %slice3A_495 = vector.extract_strided_slice %mul3A_383 {offsets = [1], sizes = [1], strides = [1]} : vector<16xi32> to vector<1xi32>
      %squeeze3A_496 = vector.extract %slice3A_495[0] : i32 from vector<1xi32>
      %get3A_497 = arith.index_cast %add3A_494 : i32 to index
      %get3A_498 = arith.constant 0 : index
      %get3A_499 = tpu.vector_load %arg20[%get3A_497, %get3A_498] {strides = array<i32>} : memref<128x64xf32, #tpu.memory_space<vmem>>, vector<16xf32>,
      %get3A_500 = arith.index_cast %add3A_494 : i32 to index
      %get3A_501 = arith.constant 0 : index
      %get3A_502 = tpu.vector_load %arg23[%get3A_500, %get3A_501] {strides = array<i32>} : memref<128x64xf32, #tpu.memory_space<vmem>>, vector<16xf32>,
      %add3A_503 = arith.constant 0 : i32
      %add3A_504 = arith.addi %squeeze3A_496, %add3A_503 : i32
      %get3A_505 = arith.index_cast %add3A_504 : i32 to index
      %get3A_506 = tpu.vector_load %arg8[%get3A_505] {strides = array<i32>} : memref<6400xf32, #tpu.memory_space<vmem>>, vector<16xf32>,
      %bitcast3A_507 = vector.bitcast %get3A_499 : vector<16xf32> to vector<32xbf16>
      %bitcast3A_508 = vector.bitcast %get3A_502 : vector<16xf32> to vector<32xbf16>
      %mul3A_509 = arith.mulf %bitcast3A_507, %bitcast3A_508 : vector<32xbf16>
      %bitcast3A_510 = vector.bitcast %get3A_506 : vector<16xf32> to vector<32xbf16>
      %mul3A_511 = arith.mulf %mul3A_509, %bitcast3A_510 : vector<32xbf16>
      %bitcast3A_512 = vector.bitcast %mul3A_511 : vector<32xbf16> to vector<16xi32>
      %shift_left3A_513 = arith.constant 16 : i32
      %shift_left3A_514 = vector.broadcast %shift_left3A_513 : i32 to vector<16xi32>
      %shift_left3A_515 = arith.shli %bitcast3A_512, %shift_left3A_514 : vector<16xi32>
      %bitcast3A_516 = vector.bitcast %shift_left3A_515 : vector<16xi32> to vector<16xf32>
      %and3A_517 = arith.constant -65536 : i32
      %and3A_518 = vector.broadcast %and3A_517 : i32 to vector<16xi32>
      %and3A_519 = arith.andi %bitcast3A_512, %and3A_518 : vector<16xi32>
      %bitcast3A_520 = vector.bitcast %and3A_519 : vector<16xi32> to vector<16xf32>
      %add3A_521 = arith.addf %broadcast_in_dim3A_202, %bitcast3A_516 : vector<16xf32>
      %add3A_522 = arith.addf %broadcast_in_dim3A_202, %bitcast3A_520 : vector<16xf32>
      %get3A_523 = arith.index_cast %add3A_494 : i32 to index
      %get3A_524 = arith.constant 16 : index
      %get3A_525 = tpu.vector_load %arg20[%get3A_523, %get3A_524] {strides = array<i32>} : memref<128x64xf32, #tpu.memory_space<vmem>>, vector<16xf32>,
      %get3A_526 = arith.index_cast %add3A_494 : i32 to index
      %get3A_527 = arith.constant 16 : index
      %get3A_528 = tpu.vector_load %arg23[%get3A_526, %get3A_527] {strides = array<i32>} : memref<128x64xf32, #tpu.memory_space<vmem>>, vector<16xf32>,
      %add3A_529 = arith.constant 16 : i32
      %add3A_530 = arith.addi %squeeze3A_496, %add3A_529 : i32
      %get3A_531 = arith.index_cast %add3A_530 : i32 to index
      %get3A_532 = tpu.vector_load %arg8[%get3A_531] {strides = array<i32>} : memref<6400xf32, #tpu.memory_space<vmem>>, vector<16xf32>,
      %bitcast3A_533 = vector.bitcast %get3A_525 : vector<16xf32> to vector<32xbf16>
      %bitcast3A_534 = vector.bitcast %get3A_528 : vector<16xf32> to vector<32xbf16>
      %mul3A_535 = arith.mulf %bitcast3A_533, %bitcast3A_534 : vector<32xbf16>
      %bitcast3A_536 = vector.bitcast %get3A_532 : vector<16xf32> to vector<32xbf16>
      %mul3A_537 = arith.mulf %mul3A_535, %bitcast3A_536 : vector<32xbf16>
      %bitcast3A_538 = vector.bitcast %mul3A_537 : vector<32xbf16> to vector<16xi32>
      %shift_left3A_539 = arith.constant 16 : i32
      %shift_left3A_540 = vector.broadcast %shift_left3A_539 : i32 to vector<16xi32>
      %shift_left3A_541 = arith.shli %bitcast3A_538, %shift_left3A_540 : vector<16xi32>
      %bitcast3A_542 = vector.bitcast %shift_left3A_541 : vector<16xi32> to vector<16xf32>
      %and3A_543 = arith.constant -65536 : i32
      %and3A_544 = vector.broadcast %and3A_543 : i32 to vector<16xi32>
      %and3A_545 = arith.andi %bitcast3A_538, %and3A_544 : vector<16xi32>
      %bitcast3A_546 = vector.bitcast %and3A_545 : vector<16xi32> to vector<16xf32>
      %add3A_547 = arith.addf %add3A_521, %bitcast3A_542 : vector<16xf32>
      %add3A_548 = arith.addf %add3A_522, %bitcast3A_546 : vector<16xf32>
      %get3A_549 = arith.index_cast %add3A_494 : i32 to index
      %get3A_550 = arith.constant 32 : index
      %get3A_551 = tpu.vector_load %arg20[%get3A_549, %get3A_550] {strides = array<i32>} : memref<128x64xf32, #tpu.memory_space<vmem>>, vector<16xf32>,
      %get3A_552 = arith.index_cast %add3A_494 : i32 to index
      %get3A_553 = arith.constant 32 : index
      %get3A_554 = tpu.vector_load %arg23[%get3A_552, %get3A_553] {strides = array<i32>} : memref<128x64xf32, #tpu.memory_space<vmem>>, vector<16xf32>,
      %add3A_555 = arith.constant 32 : i32
      %add3A_556 = arith.addi %squeeze3A_496, %add3A_555 : i32
      %get3A_557 = arith.index_cast %add3A_556 : i32 to index
      %get3A_558 = tpu.vector_load %arg8[%get3A_557] {strides = array<i32>} : memref<6400xf32, #tpu.memory_space<vmem>>, vector<16xf32>,
      %bitcast3A_559 = vector.bitcast %get3A_551 : vector<16xf32> to vector<32xbf16>
      %bitcast3A_560 = vector.bitcast %get3A_554 : vector<16xf32> to vector<32xbf16>
      %mul3A_561 = arith.mulf %bitcast3A_559, %bitcast3A_560 : vector<32xbf16>
      %bitcast3A_562 = vector.bitcast %get3A_558 : vector<16xf32> to vector<32xbf16>
      %mul3A_563 = arith.mulf %mul3A_561, %bitcast3A_562 : vector<32xbf16>
      %bitcast3A_564 = vector.bitcast %mul3A_563 : vector<32xbf16> to vector<16xi32>
      %shift_left3A_565 = arith.constant 16 : i32
      %shift_left3A_566 = vector.broadcast %shift_left3A_565 : i32 to vector<16xi32>
      %shift_left3A_567 = arith.shli %bitcast3A_564, %shift_left3A_566 : vector<16xi32>
      %bitcast3A_568 = vector.bitcast %shift_left3A_567 : vector<16xi32> to vector<16xf32>
      %and3A_569 = arith.constant -65536 : i32
      %and3A_570 = vector.broadcast %and3A_569 : i32 to vector<16xi32>
      %and3A_571 = arith.andi %bitcast3A_564, %and3A_570 : vector<16xi32>
      %bitcast3A_572 = vector.bitcast %and3A_571 : vector<16xi32> to vector<16xf32>
      %add3A_573 = arith.addf %add3A_547, %bitcast3A_568 : vector<16xf32>
      %add3A_574 = arith.addf %add3A_548, %bitcast3A_572 : vector<16xf32>
      %get3A_575 = arith.index_cast %add3A_494 : i32 to index
      %get3A_576 = arith.constant 48 : index
      %get3A_577 = tpu.vector_load %arg20[%get3A_575, %get3A_576] {strides = array<i32>} : memref<128x64xf32, #tpu.memory_space<vmem>>, vector<16xf32>,
      %get3A_578 = arith.index_cast %add3A_494 : i32 to index
      %get3A_579 = arith.constant 48 : index
      %get3A_580 = tpu.vector_load %arg23[%get3A_578, %get3A_579] {strides = array<i32>} : memref<128x64xf32, #tpu.memory_space<vmem>>, vector<16xf32>,
      %add3A_581 = arith.constant 48 : i32
      %add3A_582 = arith.addi %squeeze3A_496, %add3A_581 : i32
      %get3A_583 = arith.index_cast %add3A_582 : i32 to index
      %get3A_584 = tpu.vector_load %arg8[%get3A_583] {strides = array<i32>} : memref<6400xf32, #tpu.memory_space<vmem>>, vector<16xf32>,
      %bitcast3A_585 = vector.bitcast %get3A_577 : vector<16xf32> to vector<32xbf16>
      %bitcast3A_586 = vector.bitcast %get3A_580 : vector<16xf32> to vector<32xbf16>
      %mul3A_587 = arith.mulf %bitcast3A_585, %bitcast3A_586 : vector<32xbf16>
      %bitcast3A_588 = vector.bitcast %get3A_584 : vector<16xf32> to vector<32xbf16>
      %mul3A_589 = arith.mulf %mul3A_587, %bitcast3A_588 : vector<32xbf16>
      %bitcast3A_590 = vector.bitcast %mul3A_589 : vector<32xbf16> to vector<16xi32>
      %shift_left3A_591 = arith.constant 16 : i32
      %shift_left3A_592 = vector.broadcast %shift_left3A_591 : i32 to vector<16xi32>
      %shift_left3A_593 = arith.shli %bitcast3A_590, %shift_left3A_592 : vector<16xi32>
      %bitcast3A_594 = vector.bitcast %shift_left3A_593 : vector<16xi32> to vector<16xf32>
      %and3A_595 = arith.constant -65536 : i32
      %and3A_596 = vector.broadcast %and3A_595 : i32 to vector<16xi32>
      %and3A_597 = arith.andi %bitcast3A_590, %and3A_596 : vector<16xi32>
      %bitcast3A_598 = vector.bitcast %and3A_597 : vector<16xi32> to vector<16xf32>
      %add3A_599 = arith.addf %add3A_573, %bitcast3A_594 : vector<16xf32>
      %add3A_600 = arith.addf %add3A_574, %bitcast3A_598 : vector<16xf32>
      %broadcast_in_dim3A_601 = vector.broadcast %add3A_494 : i32 to vector<16xi32>
      %add3A_602 = arith.addf %add3A_599, %add3A_600 : vector<16xf32>
      tpu.vector_store_idx %arg26[%broadcast_in_dim3A_601], %add3A_602 {add = true} : memref<128xf32, #tpu.memory_space<vmem>>[vector<16xi32>], vector<16xf32>,
    }
    %scan3A_214 = arith.constant 64 : i32
    %add3A_215 = arith.constant 256 : i32
    %add3A_216 = arith.addi %mul3A_2, %add3A_215 : i32
    %dma_start3A_217 = tpu.memref_slice %arg7[%add3A_216] : memref<503808xf32, #tpu.memory_space<hbm>> -> memref<128xf32, #tpu.memory_space<hbm>>
    %dma_start3A_218 = tpu.memref_slice %arg7[%add3A_216] : memref<503808xf32, #tpu.memory_space<hbm>> -> memref<128xf32, #tpu.memory_space<hbm>>
    tpu.enqueue_dma source(%arg26 : memref<128xf32, #tpu.memory_space<vmem>>) target(%dma_start3A_218 : memref<128xf32, #tpu.memory_space<hbm>>) target_semaphore(%arg35 : memref<!tpu.dma_semaphore, #tpu.memory_space<semaphore_mem>>)
    %add3A_219 = arith.constant 640 : i32
    %add3A_220 = arith.addi %mul3A_2, %add3A_219 : i32
    %dma_start3A_221 = tpu.memref_slice %arg4[%add3A_220] : memref<503808xi32, #tpu.memory_space<hbm>> -> memref<128xi32, #tpu.memory_space<hbm>>
    %dma_start3A_222 = tpu.memref_slice %arg4[%add3A_220] : memref<503808xi32, #tpu.memory_space<hbm>> -> memref<128xi32, #tpu.memory_space<hbm>>
    tpu.enqueue_dma source(%dma_start3A_222 : memref<128xi32, #tpu.memory_space<hbm>>) target(%arg11 : memref<128xi32, #tpu.memory_space<vmem>>) target_semaphore(%arg29 : memref<!tpu.dma_semaphore, #tpu.memory_space<semaphore_mem>>)
    %dma_start3A_223 = tpu.memref_slice %arg6[%add3A_220] : memref<503808xi32, #tpu.memory_space<hbm>> -> memref<128xi32, #tpu.memory_space<hbm>>
    %dma_start3A_224 = tpu.memref_slice %arg6[%add3A_220] : memref<503808xi32, #tpu.memory_space<hbm>> -> memref<128xi32, #tpu.memory_space<hbm>>
    tpu.enqueue_dma source(%dma_start3A_224 : memref<128xi32, #tpu.memory_space<hbm>>) target(%arg14 : memref<128xi32, #tpu.memory_space<vmem>>) target_semaphore(%arg29 : memref<!tpu.dma_semaphore, #tpu.memory_space<semaphore_mem>>)
    %dma_start3A_225 = arith.constant 0 : i32
    %dma_start3A_226 = tpu.memref_slice %arg17[%dma_start3A_225] : memref<144xi32, #tpu.memory_space<vmem>> -> memref<128xi32, #tpu.memory_space<vmem>>
    %dma_start3A_227 = tpu.memref_slice %arg5[%add3A_220] : memref<503808xi32, #tpu.memory_space<hbm>> -> memref<128xi32, #tpu.memory_space<hbm>>
    %dma_start3A_228 = arith.constant 0 : i32
    %dma_start3A_229 = tpu.memref_slice %arg17[%dma_start3A_228] : memref<144xi32, #tpu.memory_space<vmem>> -> memref<128xi32, #tpu.memory_space<vmem>>
    %dma_start3A_230 = tpu.memref_slice %arg5[%add3A_220] : memref<503808xi32, #tpu.memory_space<hbm>> -> memref<128xi32, #tpu.memory_space<hbm>>
    tpu.enqueue_dma source(%dma_start3A_230 : memref<128xi32, #tpu.memory_space<hbm>>) target(%dma_start3A_229 : memref<128xi32, #tpu.memory_space<vmem>>) target_semaphore(%arg29 : memref<!tpu.dma_semaphore, #tpu.memory_space<semaphore_mem>>)
    %scan3A_231 = arith.constant 0 : i32
    %scan3A_232 = arith.constant 0 : i32
    %scan3A_233 = arith.constant 39 : i32
    %scan3A_234 = arith.addi %scan3A_232, %scan3A_233 : i32
    %scan3A_235 = arith.constant 1 : i32
    scf.for %scan3A_377 = %scan3A_232 to %scan3A_234 step %scan3A_235  : i32 {
      %mul3A_378 = arith.constant 3 : i32
      %mul3A_379 = arith.muli %mul3A_378, %scan3A_377 : i32
      %add3A_380 = arith.constant 3 : i32
      %add3A_381 = arith.addi %add3A_380, %mul3A_379 : i32
      %add3A_382 = arith.constant 0 : i32
      %add3A_383 = arith.addi %add3A_381, %add3A_382 : i32
      %dma_wait3A_384 = arith.constant 0 : i32
      %dma_wait3A_385 = tpu.memref_slice %arg4[%dma_wait3A_384] : memref<503808xi32, #tpu.memory_space<hbm>> -> memref<128xi32, #tpu.memory_space<hbm>>
      %dma_wait3A_386 = arith.constant 0 : i32
      %dma_wait3A_387 = tpu.memref_slice %arg4[%dma_wait3A_386] : memref<503808xi32, #tpu.memory_space<hbm>> -> memref<128xi32, #tpu.memory_space<hbm>>
      tpu.wait_dma2 semaphore(%arg28 : memref<!tpu.dma_semaphore, #tpu.memory_space<semaphore_mem>>) src(%dma_wait3A_387 : memref<128xi32, #tpu.memory_space<hbm>>) dst(%arg10 : memref<128xi32, #tpu.memory_space<vmem>>)
      %dma_wait3A_388 = arith.constant 0 : i32
      %dma_wait3A_389 = tpu.memref_slice %arg6[%dma_wait3A_388] : memref<503808xi32, #tpu.memory_space<hbm>> -> memref<128xi32, #tpu.memory_space<hbm>>
      %dma_wait3A_390 = arith.constant 0 : i32
      %dma_wait3A_391 = tpu.memref_slice %arg6[%dma_wait3A_390] : memref<503808xi32, #tpu.memory_space<hbm>> -> memref<128xi32, #tpu.memory_space<hbm>>
      tpu.wait_dma2 semaphore(%arg28 : memref<!tpu.dma_semaphore, #tpu.memory_space<semaphore_mem>>) src(%dma_wait3A_391 : memref<128xi32, #tpu.memory_space<hbm>>) dst(%arg13 : memref<128xi32, #tpu.memory_space<vmem>>)
      %dma_wait3A_392 = arith.constant 0 : i32
      %dma_wait3A_393 = tpu.memref_slice %arg16[%dma_wait3A_392] : memref<144xi32, #tpu.memory_space<vmem>> -> memref<128xi32, #tpu.memory_space<vmem>>
      %dma_wait3A_394 = arith.constant 0 : i32
      %dma_wait3A_395 = tpu.memref_slice %arg5[%dma_wait3A_394] : memref<503808xi32, #tpu.memory_space<hbm>> -> memref<128xi32, #tpu.memory_space<hbm>>
      %dma_wait3A_396 = arith.constant 0 : i32
      %dma_wait3A_397 = tpu.memref_slice %arg16[%dma_wait3A_396] : memref<144xi32, #tpu.memory_space<vmem>> -> memref<128xi32, #tpu.memory_space<vmem>>
      %dma_wait3A_398 = arith.constant 0 : i32
      %dma_wait3A_399 = tpu.memref_slice %arg5[%dma_wait3A_398] : memref<503808xi32, #tpu.memory_space<hbm>> -> memref<128xi32, #tpu.memory_space<hbm>>
      tpu.wait_dma2 semaphore(%arg28 : memref<!tpu.dma_semaphore, #tpu.memory_space<semaphore_mem>>) src(%dma_wait3A_399 : memref<128xi32, #tpu.memory_space<hbm>>) dst(%dma_wait3A_397 : memref<128xi32, #tpu.memory_space<vmem>>)
      %dma_start3A_400 = arith.constant 0 : i32
      %dma_start3A_401 = arith.constant 0 : i32
      %dma_start3A_402 = tpu.memref_slice %arg2[%dma_start3A_400, %dma_start3A_401] : memref<100000x64xf32, #tpu.memory_space<hbm>> -> memref<100000x64xf32, #tpu.memory_space<hbm>>
      tpu.enqueue_indirect_dma source(%dma_start3A_402 : memref<100000x64xf32, #tpu.memory_space<hbm>>) target(%arg19 : memref<128x64xf32, #tpu.memory_space<vmem>>) offsets(%arg10 : memref<128xi32, #tpu.memory_space<vmem>>) semaphore(%arg31 : memref<!tpu.dma_semaphore, #tpu.memory_space<semaphore_mem>>)
      %dma_start3A_403 = arith.constant 0 : i32
      %dma_start3A_404 = arith.constant 0 : i32
      %dma_start3A_405 = tpu.memref_slice %arg2[%dma_start3A_403, %dma_start3A_404] : memref<100000x64xf32, #tpu.memory_space<hbm>> -> memref<100000x64xf32, #tpu.memory_space<hbm>>
      tpu.enqueue_indirect_dma source(%dma_start3A_405 : memref<100000x64xf32, #tpu.memory_space<hbm>>) target(%arg22 : memref<128x64xf32, #tpu.memory_space<vmem>>) offsets(%arg13 : memref<128xi32, #tpu.memory_space<vmem>>) semaphore(%arg31 : memref<!tpu.dma_semaphore, #tpu.memory_space<semaphore_mem>>)
      %dma_wait3A_406 = arith.constant 0 : i32
      %dma_wait3A_407 = arith.constant 0 : i32
      %dma_wait3A_408 = tpu.memref_slice %arg2[%dma_wait3A_406, %dma_wait3A_407] : memref<100000x64xf32, #tpu.memory_space<hbm>> -> memref<100000x64xf32, #tpu.memory_space<hbm>>
      tpu.wait_indirect_dma semaphore(%arg30 : memref<!tpu.dma_semaphore, #tpu.memory_space<semaphore_mem>>) src(%dma_wait3A_408 : memref<100000x64xf32, #tpu.memory_space<hbm>>) dst(%arg18 : memref<128x64xf32, #tpu.memory_space<vmem>>)
      %dma_wait3A_409 = arith.constant 0 : i32
      %dma_wait3A_410 = arith.constant 0 : i32
      %dma_wait3A_411 = tpu.memref_slice %arg2[%dma_wait3A_409, %dma_wait3A_410] : memref<100000x64xf32, #tpu.memory_space<hbm>> -> memref<100000x64xf32, #tpu.memory_space<hbm>>
      tpu.wait_indirect_dma semaphore(%arg30 : memref<!tpu.dma_semaphore, #tpu.memory_space<semaphore_mem>>) src(%dma_wait3A_411 : memref<100000x64xf32, #tpu.memory_space<hbm>>) dst(%arg21 : memref<128x64xf32, #tpu.memory_space<vmem>>)
      %dma_wait3A_412 = arith.constant 0 : i32
      %dma_wait3A_413 = tpu.memref_slice %arg7[%dma_wait3A_412] : memref<503808xf32, #tpu.memory_space<hbm>> -> memref<128xf32, #tpu.memory_space<hbm>>
      %dma_wait3A_414 = arith.constant 0 : i32
      %dma_wait3A_415 = tpu.memref_slice %arg7[%dma_wait3A_414] : memref<503808xf32, #tpu.memory_space<hbm>> -> memref<128xf32, #tpu.memory_space<hbm>>
      tpu.wait_dma2 semaphore(%arg33 : memref<!tpu.dma_semaphore, #tpu.memory_space<semaphore_mem>>) src(%arg24 : memref<128xf32, #tpu.memory_space<vmem>>) dst(%dma_wait3A_415 : memref<128xf32, #tpu.memory_space<hbm>>)
      %broadcast_in_dim3A_416 = arith.constant 0.000000e+00 : f32
      %broadcast_in_dim3A_417 = vector.broadcast %broadcast_in_dim3A_416 : f32 to vector<16xf32>
      %scan3A_418 = arith.constant 0 : i32
      %scan3A_419 = arith.constant 0 : i32
      %scan3A_420 = arith.constant 8 : i32
      %scan3A_421 = arith.addi %scan3A_419, %scan3A_420 : i32
      %scan3A_422 = arith.constant 1 : i32
      scf.for %scan3A_594 = %scan3A_419 to %scan3A_421 step %scan3A_422  : i32 {
        %mul3A_595 = arith.constant 16 : i32
        %mul3A_596 = arith.muli %scan3A_594, %mul3A_595 : i32
        %swap3A = arith.index_cast %mul3A_596 : i32 to index
        %swap3A_597 = tpu.vector_load %arg24[%swap3A] {strides = array<i32>} : memref<128xf32, #tpu.memory_space<vmem>>, vector<16xf32>,
        tpu.vector_store %arg24[%swap3A], %broadcast_in_dim3A_417 {strides = array<i32>} : memref<128xf32, #tpu.memory_space<vmem>>, vector<16xf32>,
      }
      %scan3A_423 = arith.constant 8 : i32
      %scan3A_424 = arith.constant 0 : i32
      %scan3A_425 = arith.constant 0 : i32
      %scan3A_426 = arith.constant 64 : i32
      %scan3A_427 = arith.addi %scan3A_425, %scan3A_426 : i32
      %scan3A_428 = arith.constant 1 : i32
      scf.for %scan3A_594 = %scan3A_425 to %scan3A_427 step %scan3A_428  : i32 {
        %mul3A_595 = arith.constant 2 : i32
        %mul3A_596 = arith.muli %scan3A_594, %mul3A_595 : i32
        %get3A = arith.index_cast %mul3A_596 : i32 to index
        %get3A_597 = tpu.vector_load %arg15[%get3A] {strides = array<i32>} : memref<144xi32, #tpu.memory_space<vmem>>, vector<16xi32>,
        %mul3A_598 = arith.constant 64 : i32
        %mul3A_599 = vector.broadcast %mul3A_598 : i32 to vector<16xi32>
        %mul3A_600 = arith.muli %get3A_597, %mul3A_599 : vector<16xi32>
        %mul3A_601 = arith.constant 2 : i32
        %mul3A_602 = arith.muli %scan3A_594, %mul3A_601 : i32
        %add3A_603 = arith.constant 0 : i32
        %add3A_604 = arith.addi %mul3A_602, %add3A_603 : i32
        %slice3A = vector.extract_strided_slice %mul3A_600 {offsets = [0], sizes = [1], strides = [1]} : vector<16xi32> to vector<1xi32>
        %squeeze3A = vector.extract %slice3A[0] : i32 from vector<1xi32>
        %get3A_605 = arith.index_cast %add3A_604 : i32 to index
        %get3A_606 = arith.constant 0 : index
        %get3A_607 = tpu.vector_load %arg18[%get3A_605, %get3A_606] {strides = array<i32>} : memref<128x64xf32, #tpu.memory_space<vmem>>, vector<16xf32>,
        %get3A_608 = arith.index_cast %add3A_604 : i32 to index
        %get3A_609 = arith.constant 0 : index
        %get3A_610 = tpu.vector_load %arg21[%get3A_608, %get3A_609] {strides = array<i32>} : memref<128x64xf32, #tpu.memory_space<vmem>>, vector<16xf32>,
        %add3A_611 = arith.constant 0 : i32
        %add3A_612 = arith.addi %squeeze3A, %add3A_611 : i32
        %get3A_613 = arith.index_cast %add3A_612 : i32 to index
        %get3A_614 = tpu.vector_load %arg8[%get3A_613] {strides = array<i32>} : memref<6400xf32, #tpu.memory_space<vmem>>, vector<16xf32>,
        %bitcast3A = vector.bitcast %get3A_607 : vector<16xf32> to vector<32xbf16>
        %bitcast3A_615 = vector.bitcast %get3A_610 : vector<16xf32> to vector<32xbf16>
        %mul3A_616 = arith.mulf %bitcast3A, %bitcast3A_615 : vector<32xbf16>
        %bitcast3A_617 = vector.bitcast %get3A_614 : vector<16xf32> to vector<32xbf16>
        %mul3A_618 = arith.mulf %mul3A_616, %bitcast3A_617 : vector<32xbf16>
        %bitcast3A_619 = vector.bitcast %mul3A_618 : vector<32xbf16> to vector<16xi32>
        %shift_left3A = arith.constant 16 : i32
        %shift_left3A_620 = vector.broadcast %shift_left3A : i32 to vector<16xi32>
        %shift_left3A_621 = arith.shli %bitcast3A_619, %shift_left3A_620 : vector<16xi32>
        %bitcast3A_622 = vector.bitcast %shift_left3A_621 : vector<16xi32> to vector<16xf32>
        %and3A = arith.constant -65536 : i32
        %and3A_623 = vector.broadcast %and3A : i32 to vector<16xi32>
        %and3A_624 = arith.andi %bitcast3A_619, %and3A_623 : vector<16xi32>
        %bitcast3A_625 = vector.bitcast %and3A_624 : vector<16xi32> to vector<16xf32>
        %add3A_626 = arith.addf %broadcast_in_dim3A_417, %bitcast3A_622 : vector<16xf32>
        %add3A_627 = arith.addf %broadcast_in_dim3A_417, %bitcast3A_625 : vector<16xf32>
        %get3A_628 = arith.index_cast %add3A_604 : i32 to index
        %get3A_629 = arith.constant 16 : index
        %get3A_630 = tpu.vector_load %arg18[%get3A_628, %get3A_629] {strides = array<i32>} : memref<128x64xf32, #tpu.memory_space<vmem>>, vector<16xf32>,
        %get3A_631 = arith.index_cast %add3A_604 : i32 to index
        %get3A_632 = arith.constant 16 : index
        %get3A_633 = tpu.vector_load %arg21[%get3A_631, %get3A_632] {strides = array<i32>} : memref<128x64xf32, #tpu.memory_space<vmem>>, vector<16xf32>,
        %add3A_634 = arith.constant 16 : i32
        %add3A_635 = arith.addi %squeeze3A, %add3A_634 : i32
        %get3A_636 = arith.index_cast %add3A_635 : i32 to index
        %get3A_637 = tpu.vector_load %arg8[%get3A_636] {strides = array<i32>} : memref<6400xf32, #tpu.memory_space<vmem>>, vector<16xf32>,
        %bitcast3A_638 = vector.bitcast %get3A_630 : vector<16xf32> to vector<32xbf16>
        %bitcast3A_639 = vector.bitcast %get3A_633 : vector<16xf32> to vector<32xbf16>
        %mul3A_640 = arith.mulf %bitcast3A_638, %bitcast3A_639 : vector<32xbf16>
        %bitcast3A_641 = vector.bitcast %get3A_637 : vector<16xf32> to vector<32xbf16>
        %mul3A_642 = arith.mulf %mul3A_640, %bitcast3A_641 : vector<32xbf16>
        %bitcast3A_643 = vector.bitcast %mul3A_642 : vector<32xbf16> to vector<16xi32>
        %shift_left3A_644 = arith.constant 16 : i32
        %shift_left3A_645 = vector.broadcast %shift_left3A_644 : i32 to vector<16xi32>
        %shift_left3A_646 = arith.shli %bitcast3A_643, %shift_left3A_645 : vector<16xi32>
        %bitcast3A_647 = vector.bitcast %shift_left3A_646 : vector<16xi32> to vector<16xf32>
        %and3A_648 = arith.constant -65536 : i32
        %and3A_649 = vector.broadcast %and3A_648 : i32 to vector<16xi32>
        %and3A_650 = arith.andi %bitcast3A_643, %and3A_649 : vector<16xi32>
        %bitcast3A_651 = vector.bitcast %and3A_650 : vector<16xi32> to vector<16xf32>
        %add3A_652 = arith.addf %add3A_626, %bitcast3A_647 : vector<16xf32>
        %add3A_653 = arith.addf %add3A_627, %bitcast3A_651 : vector<16xf32>
        %get3A_654 = arith.index_cast %add3A_604 : i32 to index
        %get3A_655 = arith.constant 32 : index
        %get3A_656 = tpu.vector_load %arg18[%get3A_654, %get3A_655] {strides = array<i32>} : memref<128x64xf32, #tpu.memory_space<vmem>>, vector<16xf32>,
        %get3A_657 = arith.index_cast %add3A_604 : i32 to index
        %get3A_658 = arith.constant 32 : index
        %get3A_659 = tpu.vector_load %arg21[%get3A_657, %get3A_658] {strides = array<i32>} : memref<128x64xf32, #tpu.memory_space<vmem>>, vector<16xf32>,
        %add3A_660 = arith.constant 32 : i32
        %add3A_661 = arith.addi %squeeze3A, %add3A_660 : i32
        %get3A_662 = arith.index_cast %add3A_661 : i32 to index
        %get3A_663 = tpu.vector_load %arg8[%get3A_662] {strides = array<i32>} : memref<6400xf32, #tpu.memory_space<vmem>>, vector<16xf32>,
        %bitcast3A_664 = vector.bitcast %get3A_656 : vector<16xf32> to vector<32xbf16>
        %bitcast3A_665 = vector.bitcast %get3A_659 : vector<16xf32> to vector<32xbf16>
        %mul3A_666 = arith.mulf %bitcast3A_664, %bitcast3A_665 : vector<32xbf16>
        %bitcast3A_667 = vector.bitcast %get3A_663 : vector<16xf32> to vector<32xbf16>
        %mul3A_668 = arith.mulf %mul3A_666, %bitcast3A_667 : vector<32xbf16>
        %bitcast3A_669 = vector.bitcast %mul3A_668 : vector<32xbf16> to vector<16xi32>
        %shift_left3A_670 = arith.constant 16 : i32
        %shift_left3A_671 = vector.broadcast %shift_left3A_670 : i32 to vector<16xi32>
        %shift_left3A_672 = arith.shli %bitcast3A_669, %shift_left3A_671 : vector<16xi32>
        %bitcast3A_673 = vector.bitcast %shift_left3A_672 : vector<16xi32> to vector<16xf32>
        %and3A_674 = arith.constant -65536 : i32
        %and3A_675 = vector.broadcast %and3A_674 : i32 to vector<16xi32>
        %and3A_676 = arith.andi %bitcast3A_669, %and3A_675 : vector<16xi32>
        %bitcast3A_677 = vector.bitcast %and3A_676 : vector<16xi32> to vector<16xf32>
        %add3A_678 = arith.addf %add3A_652, %bitcast3A_673 : vector<16xf32>
        %add3A_679 = arith.addf %add3A_653, %bitcast3A_677 : vector<16xf32>
        %get3A_680 = arith.index_cast %add3A_604 : i32 to index
        %get3A_681 = arith.constant 48 : index
        %get3A_682 = tpu.vector_load %arg18[%get3A_680, %get3A_681] {strides = array<i32>} : memref<128x64xf32, #tpu.memory_space<vmem>>, vector<16xf32>,
        %get3A_683 = arith.index_cast %add3A_604 : i32 to index
        %get3A_684 = arith.constant 48 : index
        %get3A_685 = tpu.vector_load %arg21[%get3A_683, %get3A_684] {strides = array<i32>} : memref<128x64xf32, #tpu.memory_space<vmem>>, vector<16xf32>,
        %add3A_686 = arith.constant 48 : i32
        %add3A_687 = arith.addi %squeeze3A, %add3A_686 : i32
        %get3A_688 = arith.index_cast %add3A_687 : i32 to index
        %get3A_689 = tpu.vector_load %arg8[%get3A_688] {strides = array<i32>} : memref<6400xf32, #tpu.memory_space<vmem>>, vector<16xf32>,
        %bitcast3A_690 = vector.bitcast %get3A_682 : vector<16xf32> to vector<32xbf16>
        %bitcast3A_691 = vector.bitcast %get3A_685 : vector<16xf32> to vector<32xbf16>
        %mul3A_692 = arith.mulf %bitcast3A_690, %bitcast3A_691 : vector<32xbf16>
        %bitcast3A_693 = vector.bitcast %get3A_689 : vector<16xf32> to vector<32xbf16>
        %mul3A_694 = arith.mulf %mul3A_692, %bitcast3A_693 : vector<32xbf16>
        %bitcast3A_695 = vector.bitcast %mul3A_694 : vector<32xbf16> to vector<16xi32>
        %shift_left3A_696 = arith.constant 16 : i32
        %shift_left3A_697 = vector.broadcast %shift_left3A_696 : i32 to vector<16xi32>
        %shift_left3A_698 = arith.shli %bitcast3A_695, %shift_left3A_697 : vector<16xi32>
        %bitcast3A_699 = vector.bitcast %shift_left3A_698 : vector<16xi32> to vector<16xf32>
        %and3A_700 = arith.constant -65536 : i32
        %and3A_701 = vector.broadcast %and3A_700 : i32 to vector<16xi32>
        %and3A_702 = arith.andi %bitcast3A_695, %and3A_701 : vector<16xi32>
        %bitcast3A_703 = vector.bitcast %and3A_702 : vector<16xi32> to vector<16xf32>
        %add3A_704 = arith.addf %add3A_678, %bitcast3A_699 : vector<16xf32>
        %add3A_705 = arith.addf %add3A_679, %bitcast3A_703 : vector<16xf32>
        %broadcast_in_dim3A_706 = vector.broadcast %add3A_604 : i32 to vector<16xi32>
        %add3A_707 = arith.addf %add3A_704, %add3A_705 : vector<16xf32>
        tpu.vector_store_idx %arg24[%broadcast_in_dim3A_706], %add3A_707 {add = true} : memref<128xf32, #tpu.memory_space<vmem>>[vector<16xi32>], vector<16xf32>,
        %mul3A_708 = arith.constant 2 : i32
        %mul3A_709 = arith.muli %scan3A_594, %mul3A_708 : i32
        %add3A_710 = arith.constant 1 : i32
        %add3A_711 = arith.addi %mul3A_709, %add3A_710 : i32
        %slice3A_712 = vector.extract_strided_slice %mul3A_600 {offsets = [1], sizes = [1], strides = [1]} : vector<16xi32> to vector<1xi32>
        %squeeze3A_713 = vector.extract %slice3A_712[0] : i32 from vector<1xi32>
        %get3A_714 = arith.index_cast %add3A_711 : i32 to index
        %get3A_715 = arith.constant 0 : index
        %get3A_716 = tpu.vector_load %arg18[%get3A_714, %get3A_715] {strides = array<i32>} : memref<128x64xf32, #tpu.memory_space<vmem>>, vector<16xf32>,
        %get3A_717 = arith.index_cast %add3A_711 : i32 to index
        %get3A_718 = arith.constant 0 : index
        %get3A_719 = tpu.vector_load %arg21[%get3A_717, %get3A_718] {strides = array<i32>} : memref<128x64xf32, #tpu.memory_space<vmem>>, vector<16xf32>,
        %add3A_720 = arith.constant 0 : i32
        %add3A_721 = arith.addi %squeeze3A_713, %add3A_720 : i32
        %get3A_722 = arith.index_cast %add3A_721 : i32 to index
        %get3A_723 = tpu.vector_load %arg8[%get3A_722] {strides = array<i32>} : memref<6400xf32, #tpu.memory_space<vmem>>, vector<16xf32>,
        %bitcast3A_724 = vector.bitcast %get3A_716 : vector<16xf32> to vector<32xbf16>
        %bitcast3A_725 = vector.bitcast %get3A_719 : vector<16xf32> to vector<32xbf16>
        %mul3A_726 = arith.mulf %bitcast3A_724, %bitcast3A_725 : vector<32xbf16>
        %bitcast3A_727 = vector.bitcast %get3A_723 : vector<16xf32> to vector<32xbf16>
        %mul3A_728 = arith.mulf %mul3A_726, %bitcast3A_727 : vector<32xbf16>
        %bitcast3A_729 = vector.bitcast %mul3A_728 : vector<32xbf16> to vector<16xi32>
        %shift_left3A_730 = arith.constant 16 : i32
        %shift_left3A_731 = vector.broadcast %shift_left3A_730 : i32 to vector<16xi32>
        %shift_left3A_732 = arith.shli %bitcast3A_729, %shift_left3A_731 : vector<16xi32>
        %bitcast3A_733 = vector.bitcast %shift_left3A_732 : vector<16xi32> to vector<16xf32>
        %and3A_734 = arith.constant -65536 : i32
        %and3A_735 = vector.broadcast %and3A_734 : i32 to vector<16xi32>
        %and3A_736 = arith.andi %bitcast3A_729, %and3A_735 : vector<16xi32>
        %bitcast3A_737 = vector.bitcast %and3A_736 : vector<16xi32> to vector<16xf32>
        %add3A_738 = arith.addf %broadcast_in_dim3A_417, %bitcast3A_733 : vector<16xf32>
        %add3A_739 = arith.addf %broadcast_in_dim3A_417, %bitcast3A_737 : vector<16xf32>
        %get3A_740 = arith.index_cast %add3A_711 : i32 to index
        %get3A_741 = arith.constant 16 : index
        %get3A_742 = tpu.vector_load %arg18[%get3A_740, %get3A_741] {strides = array<i32>} : memref<128x64xf32, #tpu.memory_space<vmem>>, vector<16xf32>,
        %get3A_743 = arith.index_cast %add3A_711 : i32 to index
        %get3A_744 = arith.constant 16 : index
        %get3A_745 = tpu.vector_load %arg21[%get3A_743, %get3A_744] {strides = array<i32>} : memref<128x64xf32, #tpu.memory_space<vmem>>, vector<16xf32>,
        %add3A_746 = arith.constant 16 : i32
        %add3A_747 = arith.addi %squeeze3A_713, %add3A_746 : i32
        %get3A_748 = arith.index_cast %add3A_747 : i32 to index
        %get3A_749 = tpu.vector_load %arg8[%get3A_748] {strides = array<i32>} : memref<6400xf32, #tpu.memory_space<vmem>>, vector<16xf32>,
        %bitcast3A_750 = vector.bitcast %get3A_742 : vector<16xf32> to vector<32xbf16>
        %bitcast3A_751 = vector.bitcast %get3A_745 : vector<16xf32> to vector<32xbf16>
        %mul3A_752 = arith.mulf %bitcast3A_750, %bitcast3A_751 : vector<32xbf16>
        %bitcast3A_753 = vector.bitcast %get3A_749 : vector<16xf32> to vector<32xbf16>
        %mul3A_754 = arith.mulf %mul3A_752, %bitcast3A_753 : vector<32xbf16>
        %bitcast3A_755 = vector.bitcast %mul3A_754 : vector<32xbf16> to vector<16xi32>
        %shift_left3A_756 = arith.constant 16 : i32
        %shift_left3A_757 = vector.broadcast %shift_left3A_756 : i32 to vector<16xi32>
        %shift_left3A_758 = arith.shli %bitcast3A_755, %shift_left3A_757 : vector<16xi32>
        %bitcast3A_759 = vector.bitcast %shift_left3A_758 : vector<16xi32> to vector<16xf32>
        %and3A_760 = arith.constant -65536 : i32
        %and3A_761 = vector.broadcast %and3A_760 : i32 to vector<16xi32>
        %and3A_762 = arith.andi %bitcast3A_755, %and3A_761 : vector<16xi32>
        %bitcast3A_763 = vector.bitcast %and3A_762 : vector<16xi32> to vector<16xf32>
        %add3A_764 = arith.addf %add3A_738, %bitcast3A_759 : vector<16xf32>
        %add3A_765 = arith.addf %add3A_739, %bitcast3A_763 : vector<16xf32>
        %get3A_766 = arith.index_cast %add3A_711 : i32 to index
        %get3A_767 = arith.constant 32 : index
        %get3A_768 = tpu.vector_load %arg18[%get3A_766, %get3A_767] {strides = array<i32>} : memref<128x64xf32, #tpu.memory_space<vmem>>, vector<16xf32>,
        %get3A_769 = arith.index_cast %add3A_711 : i32 to index
        %get3A_770 = arith.constant 32 : index
        %get3A_771 = tpu.vector_load %arg21[%get3A_769, %get3A_770] {strides = array<i32>} : memref<128x64xf32, #tpu.memory_space<vmem>>, vector<16xf32>,
        %add3A_772 = arith.constant 32 : i32
        %add3A_773 = arith.addi %squeeze3A_713, %add3A_772 : i32
        %get3A_774 = arith.index_cast %add3A_773 : i32 to index
        %get3A_775 = tpu.vector_load %arg8[%get3A_774] {strides = array<i32>} : memref<6400xf32, #tpu.memory_space<vmem>>, vector<16xf32>,
        %bitcast3A_776 = vector.bitcast %get3A_768 : vector<16xf32> to vector<32xbf16>
        %bitcast3A_777 = vector.bitcast %get3A_771 : vector<16xf32> to vector<32xbf16>
        %mul3A_778 = arith.mulf %bitcast3A_776, %bitcast3A_777 : vector<32xbf16>
        %bitcast3A_779 = vector.bitcast %get3A_775 : vector<16xf32> to vector<32xbf16>
        %mul3A_780 = arith.mulf %mul3A_778, %bitcast3A_779 : vector<32xbf16>
        %bitcast3A_781 = vector.bitcast %mul3A_780 : vector<32xbf16> to vector<16xi32>
        %shift_left3A_782 = arith.constant 16 : i32
        %shift_left3A_783 = vector.broadcast %shift_left3A_782 : i32 to vector<16xi32>
        %shift_left3A_784 = arith.shli %bitcast3A_781, %shift_left3A_783 : vector<16xi32>
        %bitcast3A_785 = vector.bitcast %shift_left3A_784 : vector<16xi32> to vector<16xf32>
        %and3A_786 = arith.constant -65536 : i32
        %and3A_787 = vector.broadcast %and3A_786 : i32 to vector<16xi32>
        %and3A_788 = arith.andi %bitcast3A_781, %and3A_787 : vector<16xi32>
        %bitcast3A_789 = vector.bitcast %and3A_788 : vector<16xi32> to vector<16xf32>
        %add3A_790 = arith.addf %add3A_764, %bitcast3A_785 : vector<16xf32>
        %add3A_791 = arith.addf %add3A_765, %bitcast3A_789 : vector<16xf32>
        %get3A_792 = arith.index_cast %add3A_711 : i32 to index
        %get3A_793 = arith.constant 48 : index
        %get3A_794 = tpu.vector_load %arg18[%get3A_792, %get3A_793] {strides = array<i32>} : memref<128x64xf32, #tpu.memory_space<vmem>>, vector<16xf32>,
        %get3A_795 = arith.index_cast %add3A_711 : i32 to index
        %get3A_796 = arith.constant 48 : index
        %get3A_797 = tpu.vector_load %arg21[%get3A_795, %get3A_796] {strides = array<i32>} : memref<128x64xf32, #tpu.memory_space<vmem>>, vector<16xf32>,
        %add3A_798 = arith.constant 48 : i32
        %add3A_799 = arith.addi %squeeze3A_713, %add3A_798 : i32
        %get3A_800 = arith.index_cast %add3A_799 : i32 to index
        %get3A_801 = tpu.vector_load %arg8[%get3A_800] {strides = array<i32>} : memref<6400xf32, #tpu.memory_space<vmem>>, vector<16xf32>,
        %bitcast3A_802 = vector.bitcast %get3A_794 : vector<16xf32> to vector<32xbf16>
        %bitcast3A_803 = vector.bitcast %get3A_797 : vector<16xf32> to vector<32xbf16>
        %mul3A_804 = arith.mulf %bitcast3A_802, %bitcast3A_803 : vector<32xbf16>
        %bitcast3A_805 = vector.bitcast %get3A_801 : vector<16xf32> to vector<32xbf16>
        %mul3A_806 = arith.mulf %mul3A_804, %bitcast3A_805 : vector<32xbf16>
        %bitcast3A_807 = vector.bitcast %mul3A_806 : vector<32xbf16> to vector<16xi32>
        %shift_left3A_808 = arith.constant 16 : i32
        %shift_left3A_809 = vector.broadcast %shift_left3A_808 : i32 to vector<16xi32>
        %shift_left3A_810 = arith.shli %bitcast3A_807, %shift_left3A_809 : vector<16xi32>
        %bitcast3A_811 = vector.bitcast %shift_left3A_810 : vector<16xi32> to vector<16xf32>
        %and3A_812 = arith.constant -65536 : i32
        %and3A_813 = vector.broadcast %and3A_812 : i32 to vector<16xi32>
        %and3A_814 = arith.andi %bitcast3A_807, %and3A_813 : vector<16xi32>
        %bitcast3A_815 = vector.bitcast %and3A_814 : vector<16xi32> to vector<16xf32>
        %add3A_816 = arith.addf %add3A_790, %bitcast3A_811 : vector<16xf32>
        %add3A_817 = arith.addf %add3A_791, %bitcast3A_815 : vector<16xf32>
        %broadcast_in_dim3A_818 = vector.broadcast %add3A_711 : i32 to vector<16xi32>
        %add3A_819 = arith.addf %add3A_816, %add3A_817 : vector<16xf32>
        tpu.vector_store_idx %arg24[%broadcast_in_dim3A_818], %add3A_819 {add = true} : memref<128xf32, #tpu.memory_space<vmem>>[vector<16xi32>], vector<16xf32>,
      }
      %scan3A_429 = arith.constant 64 : i32
      %mul3A_430 = arith.constant 128 : i32
      %mul3A_431 = arith.muli %add3A_383, %mul3A_430 : i32
      %add3A_432 = arith.addi %mul3A_2, %mul3A_431 : i32
      %dma_start3A_433 = tpu.memref_slice %arg7[%add3A_432] : memref<503808xf32, #tpu.memory_space<hbm>> -> memref<128xf32, #tpu.memory_space<hbm>>
      %dma_start3A_434 = tpu.memref_slice %arg7[%add3A_432] : memref<503808xf32, #tpu.memory_space<hbm>> -> memref<128xf32, #tpu.memory_space<hbm>>
      tpu.enqueue_dma source(%arg24 : memref<128xf32, #tpu.memory_space<vmem>>) target(%dma_start3A_434 : memref<128xf32, #tpu.memory_space<hbm>>) target_semaphore(%arg33 : memref<!tpu.dma_semaphore, #tpu.memory_space<semaphore_mem>>)
      %add3A_435 = arith.constant 3 : i32
      %add3A_436 = arith.addi %add3A_383, %add3A_435 : i32
      %mul3A_437 = arith.constant 128 : i32
      %mul3A_438 = arith.muli %add3A_436, %mul3A_437 : i32
      %add3A_439 = arith.addi %mul3A_2, %mul3A_438 : i32
      %dma_start3A_440 = tpu.memref_slice %arg4[%add3A_439] : memref<503808xi32, #tpu.memory_space<hbm>> -> memref<128xi32, #tpu.memory_space<hbm>>
      %dma_start3A_441 = tpu.memref_slice %arg4[%add3A_439] : memref<503808xi32, #tpu.memory_space<hbm>> -> memref<128xi32, #tpu.memory_space<hbm>>
      tpu.enqueue_dma source(%dma_start3A_441 : memref<128xi32, #tpu.memory_space<hbm>>) target(%arg9 : memref<128xi32, #tpu.memory_space<vmem>>) target_semaphore(%arg27 : memref<!tpu.dma_semaphore, #tpu.memory_space<semaphore_mem>>)
      %dma_start3A_442 = tpu.memref_slice %arg6[%add3A_439] : memref<503808xi32, #tpu.memory_space<hbm>> -> memref<128xi32, #tpu.memory_space<hbm>>
      %dma_start3A_443 = tpu.memref_slice %arg6[%add3A_439] : memref<503808xi32, #tpu.memory_space<hbm>> -> memref<128xi32, #tpu.memory_space<hbm>>
      tpu.enqueue_dma source(%dma_start3A_443 : memref<128xi32, #tpu.memory_space<hbm>>) target(%arg12 : memref<128xi32, #tpu.memory_space<vmem>>) target_semaphore(%arg27 : memref<!tpu.dma_semaphore, #tpu.memory_space<semaphore_mem>>)
      %dma_start3A_444 = arith.constant 0 : i32
      %dma_start3A_445 = tpu.memref_slice %arg15[%dma_start3A_444] : memref<144xi32, #tpu.memory_space<vmem>> -> memref<128xi32, #tpu.memory_space<vmem>>
      %dma_start3A_446 = tpu.memref_slice %arg5[%add3A_439] : memref<503808xi32, #tpu.memory_space<hbm>> -> memref<128xi32, #tpu.memory_space<hbm>>
      %dma_start3A_447 = arith.constant 0 : i32
      %dma_start3A_448 = tpu.memref_slice %arg15[%dma_start3A_447] : memref<144xi32, #tpu.memory_space<vmem>> -> memref<128xi32, #tpu.memory_space<vmem>>
      %dma_start3A_449 = tpu.memref_slice %arg5[%add3A_439] : memref<503808xi32, #tpu.memory_space<hbm>> -> memref<128xi32, #tpu.memory_space<hbm>>
      tpu.enqueue_dma source(%dma_start3A_449 : memref<128xi32, #tpu.memory_space<hbm>>) target(%dma_start3A_448 : memref<128xi32, #tpu.memory_space<vmem>>) target_semaphore(%arg27 : memref<!tpu.dma_semaphore, #tpu.memory_space<semaphore_mem>>)
      %mul3A_450 = arith.constant 3 : i32
      %mul3A_451 = arith.muli %mul3A_450, %scan3A_377 : i32
      %add3A_452 = arith.constant 3 : i32
      %add3A_453 = arith.addi %add3A_452, %mul3A_451 : i32
      %add3A_454 = arith.constant 1 : i32
      %add3A_455 = arith.addi %add3A_453, %add3A_454 : i32
      %dma_wait3A_456 = arith.constant 0 : i32
      %dma_wait3A_457 = tpu.memref_slice %arg4[%dma_wait3A_456] : memref<503808xi32, #tpu.memory_space<hbm>> -> memref<128xi32, #tpu.memory_space<hbm>>
      %dma_wait3A_458 = arith.constant 0 : i32
      %dma_wait3A_459 = tpu.memref_slice %arg4[%dma_wait3A_458] : memref<503808xi32, #tpu.memory_space<hbm>> -> memref<128xi32, #tpu.memory_space<hbm>>
      tpu.wait_dma2 semaphore(%arg29 : memref<!tpu.dma_semaphore, #tpu.memory_space<semaphore_mem>>) src(%dma_wait3A_459 : memref<128xi32, #tpu.memory_space<hbm>>) dst(%arg11 : memref<128xi32, #tpu.memory_space<vmem>>)
      %dma_wait3A_460 = arith.constant 0 : i32
      %dma_wait3A_461 = tpu.memref_slice %arg6[%dma_wait3A_460] : memref<503808xi32, #tpu.memory_space<hbm>> -> memref<128xi32, #tpu.memory_space<hbm>>
      %dma_wait3A_462 = arith.constant 0 : i32
      %dma_wait3A_463 = tpu.memref_slice %arg6[%dma_wait3A_462] : memref<503808xi32, #tpu.memory_space<hbm>> -> memref<128xi32, #tpu.memory_space<hbm>>
      tpu.wait_dma2 semaphore(%arg29 : memref<!tpu.dma_semaphore, #tpu.memory_space<semaphore_mem>>) src(%dma_wait3A_463 : memref<128xi32, #tpu.memory_space<hbm>>) dst(%arg14 : memref<128xi32, #tpu.memory_space<vmem>>)
      %dma_wait3A_464 = arith.constant 0 : i32
      %dma_wait3A_465 = tpu.memref_slice %arg17[%dma_wait3A_464] : memref<144xi32, #tpu.memory_space<vmem>> -> memref<128xi32, #tpu.memory_space<vmem>>
      %dma_wait3A_466 = arith.constant 0 : i32
      %dma_wait3A_467 = tpu.memref_slice %arg5[%dma_wait3A_466] : memref<503808xi32, #tpu.memory_space<hbm>> -> memref<128xi32, #tpu.memory_space<hbm>>
      %dma_wait3A_468 = arith.constant 0 : i32
      %dma_wait3A_469 = tpu.memref_slice %arg17[%dma_wait3A_468] : memref<144xi32, #tpu.memory_space<vmem>> -> memref<128xi32, #tpu.memory_space<vmem>>
      %dma_wait3A_470 = arith.constant 0 : i32
      %dma_wait3A_471 = tpu.memref_slice %arg5[%dma_wait3A_470] : memref<503808xi32, #tpu.memory_space<hbm>> -> memref<128xi32, #tpu.memory_space<hbm>>
      tpu.wait_dma2 semaphore(%arg29 : memref<!tpu.dma_semaphore, #tpu.memory_space<semaphore_mem>>) src(%dma_wait3A_471 : memref<128xi32, #tpu.memory_space<hbm>>) dst(%dma_wait3A_469 : memref<128xi32, #tpu.memory_space<vmem>>)
      %dma_start3A_472 = arith.constant 0 : i32
      %dma_start3A_473 = arith.constant 0 : i32
      %dma_start3A_474 = tpu.memref_slice %arg2[%dma_start3A_472, %dma_start3A_473] : memref<100000x64xf32, #tpu.memory_space<hbm>> -> memref<100000x64xf32, #tpu.memory_space<hbm>>
      tpu.enqueue_indirect_dma source(%dma_start3A_474 : memref<100000x64xf32, #tpu.memory_space<hbm>>) target(%arg20 : memref<128x64xf32, #tpu.memory_space<vmem>>) offsets(%arg11 : memref<128xi32, #tpu.memory_space<vmem>>) semaphore(%arg32 : memref<!tpu.dma_semaphore, #tpu.memory_space<semaphore_mem>>)
      %dma_start3A_475 = arith.constant 0 : i32
      %dma_start3A_476 = arith.constant 0 : i32
      %dma_start3A_477 = tpu.memref_slice %arg2[%dma_start3A_475, %dma_start3A_476] : memref<100000x64xf32, #tpu.memory_space<hbm>> -> memref<100000x64xf32, #tpu.memory_space<hbm>>
      tpu.enqueue_indirect_dma source(%dma_start3A_477 : memref<100000x64xf32, #tpu.memory_space<hbm>>) target(%arg23 : memref<128x64xf32, #tpu.memory_space<vmem>>) offsets(%arg14 : memref<128xi32, #tpu.memory_space<vmem>>) semaphore(%arg32 : memref<!tpu.dma_semaphore, #tpu.memory_space<semaphore_mem>>)
      %dma_wait3A_478 = arith.constant 0 : i32
      %dma_wait3A_479 = arith.constant 0 : i32
      %dma_wait3A_480 = tpu.memref_slice %arg2[%dma_wait3A_478, %dma_wait3A_479] : memref<100000x64xf32, #tpu.memory_space<hbm>> -> memref<100000x64xf32, #tpu.memory_space<hbm>>
      tpu.wait_indirect_dma semaphore(%arg31 : memref<!tpu.dma_semaphore, #tpu.memory_space<semaphore_mem>>) src(%dma_wait3A_480 : memref<100000x64xf32, #tpu.memory_space<hbm>>) dst(%arg19 : memref<128x64xf32, #tpu.memory_space<vmem>>)
      %dma_wait3A_481 = arith.constant 0 : i32
      %dma_wait3A_482 = arith.constant 0 : i32
      %dma_wait3A_483 = tpu.memref_slice %arg2[%dma_wait3A_481, %dma_wait3A_482] : memref<100000x64xf32, #tpu.memory_space<hbm>> -> memref<100000x64xf32, #tpu.memory_space<hbm>>
      tpu.wait_indirect_dma semaphore(%arg31 : memref<!tpu.dma_semaphore, #tpu.memory_space<semaphore_mem>>) src(%dma_wait3A_483 : memref<100000x64xf32, #tpu.memory_space<hbm>>) dst(%arg22 : memref<128x64xf32, #tpu.memory_space<vmem>>)
      %dma_wait3A_484 = arith.constant 0 : i32
      %dma_wait3A_485 = tpu.memref_slice %arg7[%dma_wait3A_484] : memref<503808xf32, #tpu.memory_space<hbm>> -> memref<128xf32, #tpu.memory_space<hbm>>
      %dma_wait3A_486 = arith.constant 0 : i32
      %dma_wait3A_487 = tpu.memref_slice %arg7[%dma_wait3A_486] : memref<503808xf32, #tpu.memory_space<hbm>> -> memref<128xf32, #tpu.memory_space<hbm>>
      tpu.wait_dma2 semaphore(%arg34 : memref<!tpu.dma_semaphore, #tpu.memory_space<semaphore_mem>>) src(%arg25 : memref<128xf32, #tpu.memory_space<vmem>>) dst(%dma_wait3A_487 : memref<128xf32, #tpu.memory_space<hbm>>)
      %broadcast_in_dim3A_488 = arith.constant 0.000000e+00 : f32
      %broadcast_in_dim3A_489 = vector.broadcast %broadcast_in_dim3A_488 : f32 to vector<16xf32>
      %scan3A_490 = arith.constant 0 : i32
      %scan3A_491 = arith.constant 0 : i32
      %scan3A_492 = arith.constant 8 : i32
      %scan3A_493 = arith.addi %scan3A_491, %scan3A_492 : i32
      %scan3A_494 = arith.constant 1 : i32
      scf.for %scan3A_594 = %scan3A_491 to %scan3A_493 step %scan3A_494  : i32 {
        %mul3A_595 = arith.constant 16 : i32
        %mul3A_596 = arith.muli %scan3A_594, %mul3A_595 : i32
        %swap3A = arith.index_cast %mul3A_596 : i32 to index
        %swap3A_597 = tpu.vector_load %arg25[%swap3A] {strides = array<i32>} : memref<128xf32, #tpu.memory_space<vmem>>, vector<16xf32>,
        tpu.vector_store %arg25[%swap3A], %broadcast_in_dim3A_489 {strides = array<i32>} : memref<128xf32, #tpu.memory_space<vmem>>, vector<16xf32>,
      }
      %scan3A_495 = arith.constant 8 : i32
      %scan3A_496 = arith.constant 0 : i32
      %scan3A_497 = arith.constant 0 : i32
      %scan3A_498 = arith.constant 64 : i32
      %scan3A_499 = arith.addi %scan3A_497, %scan3A_498 : i32
      %scan3A_500 = arith.constant 1 : i32
      scf.for %scan3A_594 = %scan3A_497 to %scan3A_499 step %scan3A_500  : i32 {
        %mul3A_595 = arith.constant 2 : i32
        %mul3A_596 = arith.muli %scan3A_594, %mul3A_595 : i32
        %get3A = arith.index_cast %mul3A_596 : i32 to index
        %get3A_597 = tpu.vector_load %arg16[%get3A] {strides = array<i32>} : memref<144xi32, #tpu.memory_space<vmem>>, vector<16xi32>,
        %mul3A_598 = arith.constant 64 : i32
        %mul3A_599 = vector.broadcast %mul3A_598 : i32 to vector<16xi32>
        %mul3A_600 = arith.muli %get3A_597, %mul3A_599 : vector<16xi32>
        %mul3A_601 = arith.constant 2 : i32
        %mul3A_602 = arith.muli %scan3A_594, %mul3A_601 : i32
        %add3A_603 = arith.constant 0 : i32
        %add3A_604 = arith.addi %mul3A_602, %add3A_603 : i32
        %slice3A = vector.extract_strided_slice %mul3A_600 {offsets = [0], sizes = [1], strides = [1]} : vector<16xi32> to vector<1xi32>
        %squeeze3A = vector.extract %slice3A[0] : i32 from vector<1xi32>
        %get3A_605 = arith.index_cast %add3A_604 : i32 to index
        %get3A_606 = arith.constant 0 : index
        %get3A_607 = tpu.vector_load %arg19[%get3A_605, %get3A_606] {strides = array<i32>} : memref<128x64xf32, #tpu.memory_space<vmem>>, vector<16xf32>,
        %get3A_608 = arith.index_cast %add3A_604 : i32 to index
        %get3A_609 = arith.constant 0 : index
        %get3A_610 = tpu.vector_load %arg22[%get3A_608, %get3A_609] {strides = array<i32>} : memref<128x64xf32, #tpu.memory_space<vmem>>, vector<16xf32>,
        %add3A_611 = arith.constant 0 : i32
        %add3A_612 = arith.addi %squeeze3A, %add3A_611 : i32
        %get3A_613 = arith.index_cast %add3A_612 : i32 to index
        %get3A_614 = tpu.vector_load %arg8[%get3A_613] {strides = array<i32>} : memref<6400xf32, #tpu.memory_space<vmem>>, vector<16xf32>,
        %bitcast3A = vector.bitcast %get3A_607 : vector<16xf32> to vector<32xbf16>
        %bitcast3A_615 = vector.bitcast %get3A_610 : vector<16xf32> to vector<32xbf16>
        %mul3A_616 = arith.mulf %bitcast3A, %bitcast3A_615 : vector<32xbf16>
        %bitcast3A_617 = vector.bitcast %get3A_614 : vector<16xf32> to vector<32xbf16>
        %mul3A_618 = arith.mulf %mul3A_616, %bitcast3A_617 : vector<32xbf16>
        %bitcast3A_619 = vector.bitcast %mul3A_618 : vector<32xbf16> to vector<16xi32>
        %shift_left3A = arith.constant 16 : i32
        %shift_left3A_620 = vector.broadcast %shift_left3A : i32 to vector<16xi32>
        %shift_left3A_621 = arith.shli %bitcast3A_619, %shift_left3A_620 : vector<16xi32>
        %bitcast3A_622 = vector.bitcast %shift_left3A_621 : vector<16xi32> to vector<16xf32>
        %and3A = arith.constant -65536 : i32
        %and3A_623 = vector.broadcast %and3A : i32 to vector<16xi32>
        %and3A_624 = arith.andi %bitcast3A_619, %and3A_623 : vector<16xi32>
        %bitcast3A_625 = vector.bitcast %and3A_624 : vector<16xi32> to vector<16xf32>
        %add3A_626 = arith.addf %broadcast_in_dim3A_489, %bitcast3A_622 : vector<16xf32>
        %add3A_627 = arith.addf %broadcast_in_dim3A_489, %bitcast3A_625 : vector<16xf32>
        %get3A_628 = arith.index_cast %add3A_604 : i32 to index
        %get3A_629 = arith.constant 16 : index
        %get3A_630 = tpu.vector_load %arg19[%get3A_628, %get3A_629] {strides = array<i32>} : memref<128x64xf32, #tpu.memory_space<vmem>>, vector<16xf32>,
        %get3A_631 = arith.index_cast %add3A_604 : i32 to index
        %get3A_632 = arith.constant 16 : index
        %get3A_633 = tpu.vector_load %arg22[%get3A_631, %get3A_632] {strides = array<i32>} : memref<128x64xf32, #tpu.memory_space<vmem>>, vector<16xf32>,
        %add3A_634 = arith.constant 16 : i32
        %add3A_635 = arith.addi %squeeze3A, %add3A_634 : i32
        %get3A_636 = arith.index_cast %add3A_635 : i32 to index
        %get3A_637 = tpu.vector_load %arg8[%get3A_636] {strides = array<i32>} : memref<6400xf32, #tpu.memory_space<vmem>>, vector<16xf32>,
        %bitcast3A_638 = vector.bitcast %get3A_630 : vector<16xf32> to vector<32xbf16>
        %bitcast3A_639 = vector.bitcast %get3A_633 : vector<16xf32> to vector<32xbf16>
        %mul3A_640 = arith.mulf %bitcast3A_638, %bitcast3A_639 : vector<32xbf16>
        %bitcast3A_641 = vector.bitcast %get3A_637 : vector<16xf32> to vector<32xbf16>
        %mul3A_642 = arith.mulf %mul3A_640, %bitcast3A_641 : vector<32xbf16>
        %bitcast3A_643 = vector.bitcast %mul3A_642 : vector<32xbf16> to vector<16xi32>
        %shift_left3A_644 = arith.constant 16 : i32
        %shift_left3A_645 = vector.broadcast %shift_left3A_644 : i32 to vector<16xi32>
        %shift_left3A_646 = arith.shli %bitcast3A_643, %shift_left3A_645 : vector<16xi32>
        %bitcast3A_647 = vector.bitcast %shift_left3A_646 : vector<16xi32> to vector<16xf32>
        %and3A_648 = arith.constant -65536 : i32
        %and3A_649 = vector.broadcast %and3A_648 : i32 to vector<16xi32>
        %and3A_650 = arith.andi %bitcast3A_643, %and3A_649 : vector<16xi32>
        %bitcast3A_651 = vector.bitcast %and3A_650 : vector<16xi32> to vector<16xf32>
        %add3A_652 = arith.addf %add3A_626, %bitcast3A_647 : vector<16xf32>
        %add3A_653 = arith.addf %add3A_627, %bitcast3A_651 : vector<16xf32>
        %get3A_654 = arith.index_cast %add3A_604 : i32 to index
        %get3A_655 = arith.constant 32 : index
        %get3A_656 = tpu.vector_load %arg19[%get3A_654, %get3A_655] {strides = array<i32>} : memref<128x64xf32, #tpu.memory_space<vmem>>, vector<16xf32>,
        %get3A_657 = arith.index_cast %add3A_604 : i32 to index
        %get3A_658 = arith.constant 32 : index
        %get3A_659 = tpu.vector_load %arg22[%get3A_657, %get3A_658] {strides = array<i32>} : memref<128x64xf32, #tpu.memory_space<vmem>>, vector<16xf32>,
        %add3A_660 = arith.constant 32 : i32
        %add3A_661 = arith.addi %squeeze3A, %add3A_660 : i32
        %get3A_662 = arith.index_cast %add3A_661 : i32 to index
        %get3A_663 = tpu.vector_load %arg8[%get3A_662] {strides = array<i32>} : memref<6400xf32, #tpu.memory_space<vmem>>, vector<16xf32>,
        %bitcast3A_664 = vector.bitcast %get3A_656 : vector<16xf32> to vector<32xbf16>
        %bitcast3A_665 = vector.bitcast %get3A_659 : vector<16xf32> to vector<32xbf16>
        %mul3A_666 = arith.mulf %bitcast3A_664, %bitcast3A_665 : vector<32xbf16>
        %bitcast3A_667 = vector.bitcast %get3A_663 : vector<16xf32> to vector<32xbf16>
        %mul3A_668 = arith.mulf %mul3A_666, %bitcast3A_667 : vector<32xbf16>
        %bitcast3A_669 = vector.bitcast %mul3A_668 : vector<32xbf16> to vector<16xi32>
        %shift_left3A_670 = arith.constant 16 : i32
        %shift_left3A_671 = vector.broadcast %shift_left3A_670 : i32 to vector<16xi32>
        %shift_left3A_672 = arith.shli %bitcast3A_669, %shift_left3A_671 : vector<16xi32>
        %bitcast3A_673 = vector.bitcast %shift_left3A_672 : vector<16xi32> to vector<16xf32>
        %and3A_674 = arith.constant -65536 : i32
        %and3A_675 = vector.broadcast %and3A_674 : i32 to vector<16xi32>
        %and3A_676 = arith.andi %bitcast3A_669, %and3A_675 : vector<16xi32>
        %bitcast3A_677 = vector.bitcast %and3A_676 : vector<16xi32> to vector<16xf32>
        %add3A_678 = arith.addf %add3A_652, %bitcast3A_673 : vector<16xf32>
        %add3A_679 = arith.addf %add3A_653, %bitcast3A_677 : vector<16xf32>
        %get3A_680 = arith.index_cast %add3A_604 : i32 to index
        %get3A_681 = arith.constant 48 : index
        %get3A_682 = tpu.vector_load %arg19[%get3A_680, %get3A_681] {strides = array<i32>} : memref<128x64xf32, #tpu.memory_space<vmem>>, vector<16xf32>,
        %get3A_683 = arith.index_cast %add3A_604 : i32 to index
        %get3A_684 = arith.constant 48 : index
        %get3A_685 = tpu.vector_load %arg22[%get3A_683, %get3A_684] {strides = array<i32>} : memref<128x64xf32, #tpu.memory_space<vmem>>, vector<16xf32>,
        %add3A_686 = arith.constant 48 : i32
        %add3A_687 = arith.addi %squeeze3A, %add3A_686 : i32
        %get3A_688 = arith.index_cast %add3A_687 : i32 to index
        %get3A_689 = tpu.vector_load %arg8[%get3A_688] {strides = array<i32>} : memref<6400xf32, #tpu.memory_space<vmem>>, vector<16xf32>,
        %bitcast3A_690 = vector.bitcast %get3A_682 : vector<16xf32> to vector<32xbf16>
        %bitcast3A_691 = vector.bitcast %get3A_685 : vector<16xf32> to vector<32xbf16>
        %mul3A_692 = arith.mulf %bitcast3A_690, %bitcast3A_691 : vector<32xbf16>
        %bitcast3A_693 = vector.bitcast %get3A_689 : vector<16xf32> to vector<32xbf16>
        %mul3A_694 = arith.mulf %mul3A_692, %bitcast3A_693 : vector<32xbf16>
        %bitcast3A_695 = vector.bitcast %mul3A_694 : vector<32xbf16> to vector<16xi32>
        %shift_left3A_696 = arith.constant 16 : i32
        %shift_left3A_697 = vector.broadcast %shift_left3A_696 : i32 to vector<16xi32>
        %shift_left3A_698 = arith.shli %bitcast3A_695, %shift_left3A_697 : vector<16xi32>
        %bitcast3A_699 = vector.bitcast %shift_left3A_698 : vector<16xi32> to vector<16xf32>
        %and3A_700 = arith.constant -65536 : i32
        %and3A_701 = vector.broadcast %and3A_700 : i32 to vector<16xi32>
        %and3A_702 = arith.andi %bitcast3A_695, %and3A_701 : vector<16xi32>
        %bitcast3A_703 = vector.bitcast %and3A_702 : vector<16xi32> to vector<16xf32>
        %add3A_704 = arith.addf %add3A_678, %bitcast3A_699 : vector<16xf32>
        %add3A_705 = arith.addf %add3A_679, %bitcast3A_703 : vector<16xf32>
        %broadcast_in_dim3A_706 = vector.broadcast %add3A_604 : i32 to vector<16xi32>
        %add3A_707 = arith.addf %add3A_704, %add3A_705 : vector<16xf32>
        tpu.vector_store_idx %arg25[%broadcast_in_dim3A_706], %add3A_707 {add = true} : memref<128xf32, #tpu.memory_space<vmem>>[vector<16xi32>], vector<16xf32>,
        %mul3A_708 = arith.constant 2 : i32
        %mul3A_709 = arith.muli %scan3A_594, %mul3A_708 : i32
        %add3A_710 = arith.constant 1 : i32
        %add3A_711 = arith.addi %mul3A_709, %add3A_710 : i32
        %slice3A_712 = vector.extract_strided_slice %mul3A_600 {offsets = [1], sizes = [1], strides = [1]} : vector<16xi32> to vector<1xi32>
        %squeeze3A_713 = vector.extract %slice3A_712[0] : i32 from vector<1xi32>
        %get3A_714 = arith.index_cast %add3A_711 : i32 to index
        %get3A_715 = arith.constant 0 : index
        %get3A_716 = tpu.vector_load %arg19[%get3A_714, %get3A_715] {strides = array<i32>} : memref<128x64xf32, #tpu.memory_space<vmem>>, vector<16xf32>,
        %get3A_717 = arith.index_cast %add3A_711 : i32 to index
        %get3A_718 = arith.constant 0 : index
        %get3A_719 = tpu.vector_load %arg22[%get3A_717, %get3A_718] {strides = array<i32>} : memref<128x64xf32, #tpu.memory_space<vmem>>, vector<16xf32>,
        %add3A_720 = arith.constant 0 : i32
        %add3A_721 = arith.addi %squeeze3A_713, %add3A_720 : i32
        %get3A_722 = arith.index_cast %add3A_721 : i32 to index
        %get3A_723 = tpu.vector_load %arg8[%get3A_722] {strides = array<i32>} : memref<6400xf32, #tpu.memory_space<vmem>>, vector<16xf32>,
        %bitcast3A_724 = vector.bitcast %get3A_716 : vector<16xf32> to vector<32xbf16>
        %bitcast3A_725 = vector.bitcast %get3A_719 : vector<16xf32> to vector<32xbf16>
        %mul3A_726 = arith.mulf %bitcast3A_724, %bitcast3A_725 : vector<32xbf16>
        %bitcast3A_727 = vector.bitcast %get3A_723 : vector<16xf32> to vector<32xbf16>
        %mul3A_728 = arith.mulf %mul3A_726, %bitcast3A_727 : vector<32xbf16>
        %bitcast3A_729 = vector.bitcast %mul3A_728 : vector<32xbf16> to vector<16xi32>
        %shift_left3A_730 = arith.constant 16 : i32
        %shift_left3A_731 = vector.broadcast %shift_left3A_730 : i32 to vector<16xi32>
        %shift_left3A_732 = arith.shli %bitcast3A_729, %shift_left3A_731 : vector<16xi32>
        %bitcast3A_733 = vector.bitcast %shift_left3A_732 : vector<16xi32> to vector<16xf32>
        %and3A_734 = arith.constant -65536 : i32
        %and3A_735 = vector.broadcast %and3A_734 : i32 to vector<16xi32>
        %and3A_736 = arith.andi %bitcast3A_729, %and3A_735 : vector<16xi32>
        %bitcast3A_737 = vector.bitcast %and3A_736 : vector<16xi32> to vector<16xf32>
        %add3A_738 = arith.addf %broadcast_in_dim3A_489, %bitcast3A_733 : vector<16xf32>
        %add3A_739 = arith.addf %broadcast_in_dim3A_489, %bitcast3A_737 : vector<16xf32>
        %get3A_740 = arith.index_cast %add3A_711 : i32 to index
        %get3A_741 = arith.constant 16 : index
        %get3A_742 = tpu.vector_load %arg19[%get3A_740, %get3A_741] {strides = array<i32>} : memref<128x64xf32, #tpu.memory_space<vmem>>, vector<16xf32>,
        %get3A_743 = arith.index_cast %add3A_711 : i32 to index
        %get3A_744 = arith.constant 16 : index
        %get3A_745 = tpu.vector_load %arg22[%get3A_743, %get3A_744] {strides = array<i32>} : memref<128x64xf32, #tpu.memory_space<vmem>>, vector<16xf32>,
        %add3A_746 = arith.constant 16 : i32
        %add3A_747 = arith.addi %squeeze3A_713, %add3A_746 : i32
        %get3A_748 = arith.index_cast %add3A_747 : i32 to index
        %get3A_749 = tpu.vector_load %arg8[%get3A_748] {strides = array<i32>} : memref<6400xf32, #tpu.memory_space<vmem>>, vector<16xf32>,
        %bitcast3A_750 = vector.bitcast %get3A_742 : vector<16xf32> to vector<32xbf16>
        %bitcast3A_751 = vector.bitcast %get3A_745 : vector<16xf32> to vector<32xbf16>
        %mul3A_752 = arith.mulf %bitcast3A_750, %bitcast3A_751 : vector<32xbf16>
        %bitcast3A_753 = vector.bitcast %get3A_749 : vector<16xf32> to vector<32xbf16>
        %mul3A_754 = arith.mulf %mul3A_752, %bitcast3A_753 : vector<32xbf16>
        %bitcast3A_755 = vector.bitcast %mul3A_754 : vector<32xbf16> to vector<16xi32>
        %shift_left3A_756 = arith.constant 16 : i32
        %shift_left3A_757 = vector.broadcast %shift_left3A_756 : i32 to vector<16xi32>
        %shift_left3A_758 = arith.shli %bitcast3A_755, %shift_left3A_757 : vector<16xi32>
        %bitcast3A_759 = vector.bitcast %shift_left3A_758 : vector<16xi32> to vector<16xf32>
        %and3A_760 = arith.constant -65536 : i32
        %and3A_761 = vector.broadcast %and3A_760 : i32 to vector<16xi32>
        %and3A_762 = arith.andi %bitcast3A_755, %and3A_761 : vector<16xi32>
        %bitcast3A_763 = vector.bitcast %and3A_762 : vector<16xi32> to vector<16xf32>
        %add3A_764 = arith.addf %add3A_738, %bitcast3A_759 : vector<16xf32>
        %add3A_765 = arith.addf %add3A_739, %bitcast3A_763 : vector<16xf32>
        %get3A_766 = arith.index_cast %add3A_711 : i32 to index
        %get3A_767 = arith.constant 32 : index
        %get3A_768 = tpu.vector_load %arg19[%get3A_766, %get3A_767] {strides = array<i32>} : memref<128x64xf32, #tpu.memory_space<vmem>>, vector<16xf32>,
        %get3A_769 = arith.index_cast %add3A_711 : i32 to index
        %get3A_770 = arith.constant 32 : index
        %get3A_771 = tpu.vector_load %arg22[%get3A_769, %get3A_770] {strides = array<i32>} : memref<128x64xf32, #tpu.memory_space<vmem>>, vector<16xf32>,
        %add3A_772 = arith.constant 32 : i32
        %add3A_773 = arith.addi %squeeze3A_713, %add3A_772 : i32
        %get3A_774 = arith.index_cast %add3A_773 : i32 to index
        %get3A_775 = tpu.vector_load %arg8[%get3A_774] {strides = array<i32>} : memref<6400xf32, #tpu.memory_space<vmem>>, vector<16xf32>,
        %bitcast3A_776 = vector.bitcast %get3A_768 : vector<16xf32> to vector<32xbf16>
        %bitcast3A_777 = vector.bitcast %get3A_771 : vector<16xf32> to vector<32xbf16>
        %mul3A_778 = arith.mulf %bitcast3A_776, %bitcast3A_777 : vector<32xbf16>
        %bitcast3A_779 = vector.bitcast %get3A_775 : vector<16xf32> to vector<32xbf16>
        %mul3A_780 = arith.mulf %mul3A_778, %bitcast3A_779 : vector<32xbf16>
        %bitcast3A_781 = vector.bitcast %mul3A_780 : vector<32xbf16> to vector<16xi32>
        %shift_left3A_782 = arith.constant 16 : i32
        %shift_left3A_783 = vector.broadcast %shift_left3A_782 : i32 to vector<16xi32>
        %shift_left3A_784 = arith.shli %bitcast3A_781, %shift_left3A_783 : vector<16xi32>
        %bitcast3A_785 = vector.bitcast %shift_left3A_784 : vector<16xi32> to vector<16xf32>
        %and3A_786 = arith.constant -65536 : i32
        %and3A_787 = vector.broadcast %and3A_786 : i32 to vector<16xi32>
        %and3A_788 = arith.andi %bitcast3A_781, %and3A_787 : vector<16xi32>
        %bitcast3A_789 = vector.bitcast %and3A_788 : vector<16xi32> to vector<16xf32>
        %add3A_790 = arith.addf %add3A_764, %bitcast3A_785 : vector<16xf32>
        %add3A_791 = arith.addf %add3A_765, %bitcast3A_789 : vector<16xf32>
        %get3A_792 = arith.index_cast %add3A_711 : i32 to index
        %get3A_793 = arith.constant 48 : index
        %get3A_794 = tpu.vector_load %arg19[%get3A_792, %get3A_793] {strides = array<i32>} : memref<128x64xf32, #tpu.memory_space<vmem>>, vector<16xf32>,
        %get3A_795 = arith.index_cast %add3A_711 : i32 to index
        %get3A_796 = arith.constant 48 : index
        %get3A_797 = tpu.vector_load %arg22[%get3A_795, %get3A_796] {strides = array<i32>} : memref<128x64xf32, #tpu.memory_space<vmem>>, vector<16xf32>,
        %add3A_798 = arith.constant 48 : i32
        %add3A_799 = arith.addi %squeeze3A_713, %add3A_798 : i32
        %get3A_800 = arith.index_cast %add3A_799 : i32 to index
        %get3A_801 = tpu.vector_load %arg8[%get3A_800] {strides = array<i32>} : memref<6400xf32, #tpu.memory_space<vmem>>, vector<16xf32>,
        %bitcast3A_802 = vector.bitcast %get3A_794 : vector<16xf32> to vector<32xbf16>
        %bitcast3A_803 = vector.bitcast %get3A_797 : vector<16xf32> to vector<32xbf16>
        %mul3A_804 = arith.mulf %bitcast3A_802, %bitcast3A_803 : vector<32xbf16>
        %bitcast3A_805 = vector.bitcast %get3A_801 : vector<16xf32> to vector<32xbf16>
        %mul3A_806 = arith.mulf %mul3A_804, %bitcast3A_805 : vector<32xbf16>
        %bitcast3A_807 = vector.bitcast %mul3A_806 : vector<32xbf16> to vector<16xi32>
        %shift_left3A_808 = arith.constant 16 : i32
        %shift_left3A_809 = vector.broadcast %shift_left3A_808 : i32 to vector<16xi32>
        %shift_left3A_810 = arith.shli %bitcast3A_807, %shift_left3A_809 : vector<16xi32>
        %bitcast3A_811 = vector.bitcast %shift_left3A_810 : vector<16xi32> to vector<16xf32>
        %and3A_812 = arith.constant -65536 : i32
        %and3A_813 = vector.broadcast %and3A_812 : i32 to vector<16xi32>
        %and3A_814 = arith.andi %bitcast3A_807, %and3A_813 : vector<16xi32>
        %bitcast3A_815 = vector.bitcast %and3A_814 : vector<16xi32> to vector<16xf32>
        %add3A_816 = arith.addf %add3A_790, %bitcast3A_811 : vector<16xf32>
        %add3A_817 = arith.addf %add3A_791, %bitcast3A_815 : vector<16xf32>
        %broadcast_in_dim3A_818 = vector.broadcast %add3A_711 : i32 to vector<16xi32>
        %add3A_819 = arith.addf %add3A_816, %add3A_817 : vector<16xf32>
        tpu.vector_store_idx %arg25[%broadcast_in_dim3A_818], %add3A_819 {add = true} : memref<128xf32, #tpu.memory_space<vmem>>[vector<16xi32>], vector<16xf32>,
      }
      %scan3A_501 = arith.constant 64 : i32
      %mul3A_502 = arith.constant 128 : i32
      %mul3A_503 = arith.muli %add3A_455, %mul3A_502 : i32
      %add3A_504 = arith.addi %mul3A_2, %mul3A_503 : i32
      %dma_start3A_505 = tpu.memref_slice %arg7[%add3A_504] : memref<503808xf32, #tpu.memory_space<hbm>> -> memref<128xf32, #tpu.memory_space<hbm>>
      %dma_start3A_506 = tpu.memref_slice %arg7[%add3A_504] : memref<503808xf32, #tpu.memory_space<hbm>> -> memref<128xf32, #tpu.memory_space<hbm>>
      tpu.enqueue_dma source(%arg25 : memref<128xf32, #tpu.memory_space<vmem>>) target(%dma_start3A_506 : memref<128xf32, #tpu.memory_space<hbm>>) target_semaphore(%arg34 : memref<!tpu.dma_semaphore, #tpu.memory_space<semaphore_mem>>)
      %add3A_507 = arith.constant 3 : i32
      %add3A_508 = arith.addi %add3A_455, %add3A_507 : i32
      %mul3A_509 = arith.constant 128 : i32
      %mul3A_510 = arith.muli %add3A_508, %mul3A_509 : i32
      %add3A_511 = arith.addi %mul3A_2, %mul3A_510 : i32
      %dma_start3A_512 = tpu.memref_slice %arg4[%add3A_511] : memref<503808xi32, #tpu.memory_space<hbm>> -> memref<128xi32, #tpu.memory_space<hbm>>
      %dma_start3A_513 = tpu.memref_slice %arg4[%add3A_511] : memref<503808xi32, #tpu.memory_space<hbm>> -> memref<128xi32, #tpu.memory_space<hbm>>
      tpu.enqueue_dma source(%dma_start3A_513 : memref<128xi32, #tpu.memory_space<hbm>>) target(%arg10 : memref<128xi32, #tpu.memory_space<vmem>>) target_semaphore(%arg28 : memref<!tpu.dma_semaphore, #tpu.memory_space<semaphore_mem>>)
      %dma_start3A_514 = tpu.memref_slice %arg6[%add3A_511] : memref<503808xi32, #tpu.memory_space<hbm>> -> memref<128xi32, #tpu.memory_space<hbm>>
      %dma_start3A_515 = tpu.memref_slice %arg6[%add3A_511] : memref<503808xi32, #tpu.memory_space<hbm>> -> memref<128xi32, #tpu.memory_space<hbm>>
      tpu.enqueue_dma source(%dma_start3A_515 : memref<128xi32, #tpu.memory_space<hbm>>) target(%arg13 : memref<128xi32, #tpu.memory_space<vmem>>) target_semaphore(%arg28 : memref<!tpu.dma_semaphore, #tpu.memory_space<semaphore_mem>>)
      %dma_start3A_516 = arith.constant 0 : i32
      %dma_start3A_517 = tpu.memref_slice %arg16[%dma_start3A_516] : memref<144xi32, #tpu.memory_space<vmem>> -> memref<128xi32, #tpu.memory_space<vmem>>
      %dma_start3A_518 = tpu.memref_slice %arg5[%add3A_511] : memref<503808xi32, #tpu.memory_space<hbm>> -> memref<128xi32, #tpu.memory_space<hbm>>
      %dma_start3A_519 = arith.constant 0 : i32
      %dma_start3A_520 = tpu.memref_slice %arg16[%dma_start3A_519] : memref<144xi32, #tpu.memory_space<vmem>> -> memref<128xi32, #tpu.memory_space<vmem>>
      %dma_start3A_521 = tpu.memref_slice %arg5[%add3A_511] : memref<503808xi32, #tpu.memory_space<hbm>> -> memref<128xi32, #tpu.memory_space<hbm>>
      tpu.enqueue_dma source(%dma_start3A_521 : memref<128xi32, #tpu.memory_space<hbm>>) target(%dma_start3A_520 : memref<128xi32, #tpu.memory_space<vmem>>) target_semaphore(%arg28 : memref<!tpu.dma_semaphore, #tpu.memory_space<semaphore_mem>>)
      %mul3A_522 = arith.constant 3 : i32
      %mul3A_523 = arith.muli %mul3A_522, %scan3A_377 : i32
      %add3A_524 = arith.constant 3 : i32
      %add3A_525 = arith.addi %add3A_524, %mul3A_523 : i32
      %add3A_526 = arith.constant 2 : i32
      %add3A_527 = arith.addi %add3A_525, %add3A_526 : i32
      %dma_wait3A_528 = arith.constant 0 : i32
      %dma_wait3A_529 = tpu.memref_slice %arg4[%dma_wait3A_528] : memref<503808xi32, #tpu.memory_space<hbm>> -> memref<128xi32, #tpu.memory_space<hbm>>
      %dma_wait3A_530 = arith.constant 0 : i32
      %dma_wait3A_531 = tpu.memref_slice %arg4[%dma_wait3A_530] : memref<503808xi32, #tpu.memory_space<hbm>> -> memref<128xi32, #tpu.memory_space<hbm>>
      tpu.wait_dma2 semaphore(%arg27 : memref<!tpu.dma_semaphore, #tpu.memory_space<semaphore_mem>>) src(%dma_wait3A_531 : memref<128xi32, #tpu.memory_space<hbm>>) dst(%arg9 : memref<128xi32, #tpu.memory_space<vmem>>)
      %dma_wait3A_532 = arith.constant 0 : i32
      %dma_wait3A_533 = tpu.memref_slice %arg6[%dma_wait3A_532] : memref<503808xi32, #tpu.memory_space<hbm>> -> memref<128xi32, #tpu.memory_space<hbm>>
      %dma_wait3A_534 = arith.constant 0 : i32
      %dma_wait3A_535 = tpu.memref_slice %arg6[%dma_wait3A_534] : memref<503808xi32, #tpu.memory_space<hbm>> -> memref<128xi32, #tpu.memory_space<hbm>>
      tpu.wait_dma2 semaphore(%arg27 : memref<!tpu.dma_semaphore, #tpu.memory_space<semaphore_mem>>) src(%dma_wait3A_535 : memref<128xi32, #tpu.memory_space<hbm>>) dst(%arg12 : memref<128xi32, #tpu.memory_space<vmem>>)
      %dma_wait3A_536 = arith.constant 0 : i32
      %dma_wait3A_537 = tpu.memref_slice %arg15[%dma_wait3A_536] : memref<144xi32, #tpu.memory_space<vmem>> -> memref<128xi32, #tpu.memory_space<vmem>>
      %dma_wait3A_538 = arith.constant 0 : i32
      %dma_wait3A_539 = tpu.memref_slice %arg5[%dma_wait3A_538] : memref<503808xi32, #tpu.memory_space<hbm>> -> memref<128xi32, #tpu.memory_space<hbm>>
      %dma_wait3A_540 = arith.constant 0 : i32
      %dma_wait3A_541 = tpu.memref_slice %arg15[%dma_wait3A_540] : memref<144xi32, #tpu.memory_space<vmem>> -> memref<128xi32, #tpu.memory_space<vmem>>
      %dma_wait3A_542 = arith.constant 0 : i32
      %dma_wait3A_543 = tpu.memref_slice %arg5[%dma_wait3A_542] : memref<503808xi32, #tpu.memory_space<hbm>> -> memref<128xi32, #tpu.memory_space<hbm>>
      tpu.wait_dma2 semaphore(%arg27 : memref<!tpu.dma_semaphore, #tpu.memory_space<semaphore_mem>>) src(%dma_wait3A_543 : memref<128xi32, #tpu.memory_space<hbm>>) dst(%dma_wait3A_541 : memref<128xi32, #tpu.memory_space<vmem>>)
      %dma_start3A_544 = arith.constant 0 : i32
      %dma_start3A_545 = arith.constant 0 : i32
      %dma_start3A_546 = tpu.memref_slice %arg2[%dma_start3A_544, %dma_start3A_545] : memref<100000x64xf32, #tpu.memory_space<hbm>> -> memref<100000x64xf32, #tpu.memory_space<hbm>>
      tpu.enqueue_indirect_dma source(%dma_start3A_546 : memref<100000x64xf32, #tpu.memory_space<hbm>>) target(%arg18 : memref<128x64xf32, #tpu.memory_space<vmem>>) offsets(%arg9 : memref<128xi32, #tpu.memory_space<vmem>>) semaphore(%arg30 : memref<!tpu.dma_semaphore, #tpu.memory_space<semaphore_mem>>)
      %dma_start3A_547 = arith.constant 0 : i32
      %dma_start3A_548 = arith.constant 0 : i32
      %dma_start3A_549 = tpu.memref_slice %arg2[%dma_start3A_547, %dma_start3A_548] : memref<100000x64xf32, #tpu.memory_space<hbm>> -> memref<100000x64xf32, #tpu.memory_space<hbm>>
      tpu.enqueue_indirect_dma source(%dma_start3A_549 : memref<100000x64xf32, #tpu.memory_space<hbm>>) target(%arg21 : memref<128x64xf32, #tpu.memory_space<vmem>>) offsets(%arg12 : memref<128xi32, #tpu.memory_space<vmem>>) semaphore(%arg30 : memref<!tpu.dma_semaphore, #tpu.memory_space<semaphore_mem>>)
      %dma_wait3A_550 = arith.constant 0 : i32
      %dma_wait3A_551 = arith.constant 0 : i32
      %dma_wait3A_552 = tpu.memref_slice %arg2[%dma_wait3A_550, %dma_wait3A_551] : memref<100000x64xf32, #tpu.memory_space<hbm>> -> memref<100000x64xf32, #tpu.memory_space<hbm>>
      tpu.wait_indirect_dma semaphore(%arg32 : memref<!tpu.dma_semaphore, #tpu.memory_space<semaphore_mem>>) src(%dma_wait3A_552 : memref<100000x64xf32, #tpu.memory_space<hbm>>) dst(%arg20 : memref<128x64xf32, #tpu.memory_space<vmem>>)
      %dma_wait3A_553 = arith.constant 0 : i32
      %dma_wait3A_554 = arith.constant 0 : i32
      %dma_wait3A_555 = tpu.memref_slice %arg2[%dma_wait3A_553, %dma_wait3A_554] : memref<100000x64xf32, #tpu.memory_space<hbm>> -> memref<100000x64xf32, #tpu.memory_space<hbm>>
      tpu.wait_indirect_dma semaphore(%arg32 : memref<!tpu.dma_semaphore, #tpu.memory_space<semaphore_mem>>) src(%dma_wait3A_555 : memref<100000x64xf32, #tpu.memory_space<hbm>>) dst(%arg23 : memref<128x64xf32, #tpu.memory_space<vmem>>)
      %dma_wait3A_556 = arith.constant 0 : i32
      %dma_wait3A_557 = tpu.memref_slice %arg7[%dma_wait3A_556] : memref<503808xf32, #tpu.memory_space<hbm>> -> memref<128xf32, #tpu.memory_space<hbm>>
      %dma_wait3A_558 = arith.constant 0 : i32
      %dma_wait3A_559 = tpu.memref_slice %arg7[%dma_wait3A_558] : memref<503808xf32, #tpu.memory_space<hbm>> -> memref<128xf32, #tpu.memory_space<hbm>>
      tpu.wait_dma2 semaphore(%arg35 : memref<!tpu.dma_semaphore, #tpu.memory_space<semaphore_mem>>) src(%arg26 : memref<128xf32, #tpu.memory_space<vmem>>) dst(%dma_wait3A_559 : memref<128xf32, #tpu.memory_space<hbm>>)
      %broadcast_in_dim3A_560 = arith.constant 0.000000e+00 : f32
      %broadcast_in_dim3A_561 = vector.broadcast %broadcast_in_dim3A_560 : f32 to vector<16xf32>
      %scan3A_562 = arith.constant 0 : i32
      %scan3A_563 = arith.constant 0 : i32
      %scan3A_564 = arith.constant 8 : i32
      %scan3A_565 = arith.addi %scan3A_563, %scan3A_564 : i32
      %scan3A_566 = arith.constant 1 : i32
      scf.for %scan3A_594 = %scan3A_563 to %scan3A_565 step %scan3A_566  : i32 {
        %mul3A_595 = arith.constant 16 : i32
        %mul3A_596 = arith.muli %scan3A_594, %mul3A_595 : i32
        %swap3A = arith.index_cast %mul3A_596 : i32 to index
        %swap3A_597 = tpu.vector_load %arg26[%swap3A] {strides = array<i32>} : memref<128xf32, #tpu.memory_space<vmem>>, vector<16xf32>,
        tpu.vector_store %arg26[%swap3A], %broadcast_in_dim3A_561 {strides = array<i32>} : memref<128xf32, #tpu.memory_space<vmem>>, vector<16xf32>,
      }
      %scan3A_567 = arith.constant 8 : i32
      %scan3A_568 = arith.constant 0 : i32
      %scan3A_569 = arith.constant 0 : i32
      %scan3A_570 = arith.constant 64 : i32
      %scan3A_571 = arith.addi %scan3A_569, %scan3A_570 : i32
      %scan3A_572 = arith.constant 1 : i32
      scf.for %scan3A_594 = %scan3A_569 to %scan3A_571 step %scan3A_572  : i32 {
        %mul3A_595 = arith.constant 2 : i32
        %mul3A_596 = arith.muli %scan3A_594, %mul3A_595 : i32
        %get3A = arith.index_cast %mul3A_596 : i32 to index
        %get3A_597 = tpu.vector_load %arg17[%get3A] {strides = array<i32>} : memref<144xi32, #tpu.memory_space<vmem>>, vector<16xi32>,
        %mul3A_598 = arith.constant 64 : i32
        %mul3A_599 = vector.broadcast %mul3A_598 : i32 to vector<16xi32>
        %mul3A_600 = arith.muli %get3A_597, %mul3A_599 : vector<16xi32>
        %mul3A_601 = arith.constant 2 : i32
        %mul3A_602 = arith.muli %scan3A_594, %mul3A_601 : i32
        %add3A_603 = arith.constant 0 : i32
        %add3A_604 = arith.addi %mul3A_602, %add3A_603 : i32
        %slice3A = vector.extract_strided_slice %mul3A_600 {offsets = [0], sizes = [1], strides = [1]} : vector<16xi32> to vector<1xi32>
        %squeeze3A = vector.extract %slice3A[0] : i32 from vector<1xi32>
        %get3A_605 = arith.index_cast %add3A_604 : i32 to index
        %get3A_606 = arith.constant 0 : index
        %get3A_607 = tpu.vector_load %arg20[%get3A_605, %get3A_606] {strides = array<i32>} : memref<128x64xf32, #tpu.memory_space<vmem>>, vector<16xf32>,
        %get3A_608 = arith.index_cast %add3A_604 : i32 to index
        %get3A_609 = arith.constant 0 : index
        %get3A_610 = tpu.vector_load %arg23[%get3A_608, %get3A_609] {strides = array<i32>} : memref<128x64xf32, #tpu.memory_space<vmem>>, vector<16xf32>,
        %add3A_611 = arith.constant 0 : i32
        %add3A_612 = arith.addi %squeeze3A, %add3A_611 : i32
        %get3A_613 = arith.index_cast %add3A_612 : i32 to index
        %get3A_614 = tpu.vector_load %arg8[%get3A_613] {strides = array<i32>} : memref<6400xf32, #tpu.memory_space<vmem>>, vector<16xf32>,
        %bitcast3A = vector.bitcast %get3A_607 : vector<16xf32> to vector<32xbf16>
        %bitcast3A_615 = vector.bitcast %get3A_610 : vector<16xf32> to vector<32xbf16>
        %mul3A_616 = arith.mulf %bitcast3A, %bitcast3A_615 : vector<32xbf16>
        %bitcast3A_617 = vector.bitcast %get3A_614 : vector<16xf32> to vector<32xbf16>
        %mul3A_618 = arith.mulf %mul3A_616, %bitcast3A_617 : vector<32xbf16>
        %bitcast3A_619 = vector.bitcast %mul3A_618 : vector<32xbf16> to vector<16xi32>
        %shift_left3A = arith.constant 16 : i32
        %shift_left3A_620 = vector.broadcast %shift_left3A : i32 to vector<16xi32>
        %shift_left3A_621 = arith.shli %bitcast3A_619, %shift_left3A_620 : vector<16xi32>
        %bitcast3A_622 = vector.bitcast %shift_left3A_621 : vector<16xi32> to vector<16xf32>
        %and3A = arith.constant -65536 : i32
        %and3A_623 = vector.broadcast %and3A : i32 to vector<16xi32>
        %and3A_624 = arith.andi %bitcast3A_619, %and3A_623 : vector<16xi32>
        %bitcast3A_625 = vector.bitcast %and3A_624 : vector<16xi32> to vector<16xf32>
        %add3A_626 = arith.addf %broadcast_in_dim3A_561, %bitcast3A_622 : vector<16xf32>
        %add3A_627 = arith.addf %broadcast_in_dim3A_561, %bitcast3A_625 : vector<16xf32>
        %get3A_628 = arith.index_cast %add3A_604 : i32 to index
        %get3A_629 = arith.constant 16 : index
        %get3A_630 = tpu.vector_load %arg20[%get3A_628, %get3A_629] {strides = array<i32>} : memref<128x64xf32, #tpu.memory_space<vmem>>, vector<16xf32>,
        %get3A_631 = arith.index_cast %add3A_604 : i32 to index
        %get3A_632 = arith.constant 16 : index
        %get3A_633 = tpu.vector_load %arg23[%get3A_631, %get3A_632] {strides = array<i32>} : memref<128x64xf32, #tpu.memory_space<vmem>>, vector<16xf32>,
        %add3A_634 = arith.constant 16 : i32
        %add3A_635 = arith.addi %squeeze3A, %add3A_634 : i32
        %get3A_636 = arith.index_cast %add3A_635 : i32 to index
        %get3A_637 = tpu.vector_load %arg8[%get3A_636] {strides = array<i32>} : memref<6400xf32, #tpu.memory_space<vmem>>, vector<16xf32>,
        %bitcast3A_638 = vector.bitcast %get3A_630 : vector<16xf32> to vector<32xbf16>
        %bitcast3A_639 = vector.bitcast %get3A_633 : vector<16xf32> to vector<32xbf16>
        %mul3A_640 = arith.mulf %bitcast3A_638, %bitcast3A_639 : vector<32xbf16>
        %bitcast3A_641 = vector.bitcast %get3A_637 : vector<16xf32> to vector<32xbf16>
        %mul3A_642 = arith.mulf %mul3A_640, %bitcast3A_641 : vector<32xbf16>
        %bitcast3A_643 = vector.bitcast %mul3A_642 : vector<32xbf16> to vector<16xi32>
        %shift_left3A_644 = arith.constant 16 : i32
        %shift_left3A_645 = vector.broadcast %shift_left3A_644 : i32 to vector<16xi32>
        %shift_left3A_646 = arith.shli %bitcast3A_643, %shift_left3A_645 : vector<16xi32>
        %bitcast3A_647 = vector.bitcast %shift_left3A_646 : vector<16xi32> to vector<16xf32>
        %and3A_648 = arith.constant -65536 : i32
        %and3A_649 = vector.broadcast %and3A_648 : i32 to vector<16xi32>
        %and3A_650 = arith.andi %bitcast3A_643, %and3A_649 : vector<16xi32>
        %bitcast3A_651 = vector.bitcast %and3A_650 : vector<16xi32> to vector<16xf32>
        %add3A_652 = arith.addf %add3A_626, %bitcast3A_647 : vector<16xf32>
        %add3A_653 = arith.addf %add3A_627, %bitcast3A_651 : vector<16xf32>
        %get3A_654 = arith.index_cast %add3A_604 : i32 to index
        %get3A_655 = arith.constant 32 : index
        %get3A_656 = tpu.vector_load %arg20[%get3A_654, %get3A_655] {strides = array<i32>} : memref<128x64xf32, #tpu.memory_space<vmem>>, vector<16xf32>,
        %get3A_657 = arith.index_cast %add3A_604 : i32 to index
        %get3A_658 = arith.constant 32 : index
        %get3A_659 = tpu.vector_load %arg23[%get3A_657, %get3A_658] {strides = array<i32>} : memref<128x64xf32, #tpu.memory_space<vmem>>, vector<16xf32>,
        %add3A_660 = arith.constant 32 : i32
        %add3A_661 = arith.addi %squeeze3A, %add3A_660 : i32
        %get3A_662 = arith.index_cast %add3A_661 : i32 to index
        %get3A_663 = tpu.vector_load %arg8[%get3A_662] {strides = array<i32>} : memref<6400xf32, #tpu.memory_space<vmem>>, vector<16xf32>,
        %bitcast3A_664 = vector.bitcast %get3A_656 : vector<16xf32> to vector<32xbf16>
        %bitcast3A_665 = vector.bitcast %get3A_659 : vector<16xf32> to vector<32xbf16>
        %mul3A_666 = arith.mulf %bitcast3A_664, %bitcast3A_665 : vector<32xbf16>
        %bitcast3A_667 = vector.bitcast %get3A_663 : vector<16xf32> to vector<32xbf16>
        %mul3A_668 = arith.mulf %mul3A_666, %bitcast3A_667 : vector<32xbf16>
        %bitcast3A_669 = vector.bitcast %mul3A_668 : vector<32xbf16> to vector<16xi32>
        %shift_left3A_670 = arith.constant 16 : i32
        %shift_left3A_671 = vector.broadcast %shift_left3A_670 : i32 to vector<16xi32>
        %shift_left3A_672 = arith.shli %bitcast3A_669, %shift_left3A_671 : vector<16xi32>
        %bitcast3A_673 = vector.bitcast %shift_left3A_672 : vector<16xi32> to vector<16xf32>
        %and3A_674 = arith.constant -65536 : i32
        %and3A_675 = vector.broadcast %and3A_674 : i32 to vector<16xi32>
        %and3A_676 = arith.andi %bitcast3A_669, %and3A_675 : vector<16xi32>
        %bitcast3A_677 = vector.bitcast %and3A_676 : vector<16xi32> to vector<16xf32>
        %add3A_678 = arith.addf %add3A_652, %bitcast3A_673 : vector<16xf32>
        %add3A_679 = arith.addf %add3A_653, %bitcast3A_677 : vector<16xf32>
        %get3A_680 = arith.index_cast %add3A_604 : i32 to index
        %get3A_681 = arith.constant 48 : index
        %get3A_682 = tpu.vector_load %arg20[%get3A_680, %get3A_681] {strides = array<i32>} : memref<128x64xf32, #tpu.memory_space<vmem>>, vector<16xf32>,
        %get3A_683 = arith.index_cast %add3A_604 : i32 to index
        %get3A_684 = arith.constant 48 : index
        %get3A_685 = tpu.vector_load %arg23[%get3A_683, %get3A_684] {strides = array<i32>} : memref<128x64xf32, #tpu.memory_space<vmem>>, vector<16xf32>,
        %add3A_686 = arith.constant 48 : i32
        %add3A_687 = arith.addi %squeeze3A, %add3A_686 : i32
        %get3A_688 = arith.index_cast %add3A_687 : i32 to index
        %get3A_689 = tpu.vector_load %arg8[%get3A_688] {strides = array<i32>} : memref<6400xf32, #tpu.memory_space<vmem>>, vector<16xf32>,
        %bitcast3A_690 = vector.bitcast %get3A_682 : vector<16xf32> to vector<32xbf16>
        %bitcast3A_691 = vector.bitcast %get3A_685 : vector<16xf32> to vector<32xbf16>
        %mul3A_692 = arith.mulf %bitcast3A_690, %bitcast3A_691 : vector<32xbf16>
        %bitcast3A_693 = vector.bitcast %get3A_689 : vector<16xf32> to vector<32xbf16>
        %mul3A_694 = arith.mulf %mul3A_692, %bitcast3A_693 : vector<32xbf16>
        %bitcast3A_695 = vector.bitcast %mul3A_694 : vector<32xbf16> to vector<16xi32>
        %shift_left3A_696 = arith.constant 16 : i32
        %shift_left3A_697 = vector.broadcast %shift_left3A_696 : i32 to vector<16xi32>
        %shift_left3A_698 = arith.shli %bitcast3A_695, %shift_left3A_697 : vector<16xi32>
        %bitcast3A_699 = vector.bitcast %shift_left3A_698 : vector<16xi32> to vector<16xf32>
        %and3A_700 = arith.constant -65536 : i32
        %and3A_701 = vector.broadcast %and3A_700 : i32 to vector<16xi32>
        %and3A_702 = arith.andi %bitcast3A_695, %and3A_701 : vector<16xi32>
        %bitcast3A_703 = vector.bitcast %and3A_702 : vector<16xi32> to vector<16xf32>
        %add3A_704 = arith.addf %add3A_678, %bitcast3A_699 : vector<16xf32>
        %add3A_705 = arith.addf %add3A_679, %bitcast3A_703 : vector<16xf32>
        %broadcast_in_dim3A_706 = vector.broadcast %add3A_604 : i32 to vector<16xi32>
        %add3A_707 = arith.addf %add3A_704, %add3A_705 : vector<16xf32>
        tpu.vector_store_idx %arg26[%broadcast_in_dim3A_706], %add3A_707 {add = true} : memref<128xf32, #tpu.memory_space<vmem>>[vector<16xi32>], vector<16xf32>,
        %mul3A_708 = arith.constant 2 : i32
        %mul3A_709 = arith.muli %scan3A_594, %mul3A_708 : i32
        %add3A_710 = arith.constant 1 : i32
        %add3A_711 = arith.addi %mul3A_709, %add3A_710 : i32
        %slice3A_712 = vector.extract_strided_slice %mul3A_600 {offsets = [1], sizes = [1], strides = [1]} : vector<16xi32> to vector<1xi32>
        %squeeze3A_713 = vector.extract %slice3A_712[0] : i32 from vector<1xi32>
        %get3A_714 = arith.index_cast %add3A_711 : i32 to index
        %get3A_715 = arith.constant 0 : index
        %get3A_716 = tpu.vector_load %arg20[%get3A_714, %get3A_715] {strides = array<i32>} : memref<128x64xf32, #tpu.memory_space<vmem>>, vector<16xf32>,
        %get3A_717 = arith.index_cast %add3A_711 : i32 to index
        %get3A_718 = arith.constant 0 : index
        %get3A_719 = tpu.vector_load %arg23[%get3A_717, %get3A_718] {strides = array<i32>} : memref<128x64xf32, #tpu.memory_space<vmem>>, vector<16xf32>,
        %add3A_720 = arith.constant 0 : i32
        %add3A_721 = arith.addi %squeeze3A_713, %add3A_720 : i32
        %get3A_722 = arith.index_cast %add3A_721 : i32 to index
        %get3A_723 = tpu.vector_load %arg8[%get3A_722] {strides = array<i32>} : memref<6400xf32, #tpu.memory_space<vmem>>, vector<16xf32>,
        %bitcast3A_724 = vector.bitcast %get3A_716 : vector<16xf32> to vector<32xbf16>
        %bitcast3A_725 = vector.bitcast %get3A_719 : vector<16xf32> to vector<32xbf16>
        %mul3A_726 = arith.mulf %bitcast3A_724, %bitcast3A_725 : vector<32xbf16>
        %bitcast3A_727 = vector.bitcast %get3A_723 : vector<16xf32> to vector<32xbf16>
        %mul3A_728 = arith.mulf %mul3A_726, %bitcast3A_727 : vector<32xbf16>
        %bitcast3A_729 = vector.bitcast %mul3A_728 : vector<32xbf16> to vector<16xi32>
        %shift_left3A_730 = arith.constant 16 : i32
        %shift_left3A_731 = vector.broadcast %shift_left3A_730 : i32 to vector<16xi32>
        %shift_left3A_732 = arith.shli %bitcast3A_729, %shift_left3A_731 : vector<16xi32>
        %bitcast3A_733 = vector.bitcast %shift_left3A_732 : vector<16xi32> to vector<16xf32>
        %and3A_734 = arith.constant -65536 : i32
        %and3A_735 = vector.broadcast %and3A_734 : i32 to vector<16xi32>
        %and3A_736 = arith.andi %bitcast3A_729, %and3A_735 : vector<16xi32>
        %bitcast3A_737 = vector.bitcast %and3A_736 : vector<16xi32> to vector<16xf32>
        %add3A_738 = arith.addf %broadcast_in_dim3A_561, %bitcast3A_733 : vector<16xf32>
        %add3A_739 = arith.addf %broadcast_in_dim3A_561, %bitcast3A_737 : vector<16xf32>
        %get3A_740 = arith.index_cast %add3A_711 : i32 to index
        %get3A_741 = arith.constant 16 : index
        %get3A_742 = tpu.vector_load %arg20[%get3A_740, %get3A_741] {strides = array<i32>} : memref<128x64xf32, #tpu.memory_space<vmem>>, vector<16xf32>,
        %get3A_743 = arith.index_cast %add3A_711 : i32 to index
        %get3A_744 = arith.constant 16 : index
        %get3A_745 = tpu.vector_load %arg23[%get3A_743, %get3A_744] {strides = array<i32>} : memref<128x64xf32, #tpu.memory_space<vmem>>, vector<16xf32>,
        %add3A_746 = arith.constant 16 : i32
        %add3A_747 = arith.addi %squeeze3A_713, %add3A_746 : i32
        %get3A_748 = arith.index_cast %add3A_747 : i32 to index
        %get3A_749 = tpu.vector_load %arg8[%get3A_748] {strides = array<i32>} : memref<6400xf32, #tpu.memory_space<vmem>>, vector<16xf32>,
        %bitcast3A_750 = vector.bitcast %get3A_742 : vector<16xf32> to vector<32xbf16>
        %bitcast3A_751 = vector.bitcast %get3A_745 : vector<16xf32> to vector<32xbf16>
        %mul3A_752 = arith.mulf %bitcast3A_750, %bitcast3A_751 : vector<32xbf16>
        %bitcast3A_753 = vector.bitcast %get3A_749 : vector<16xf32> to vector<32xbf16>
        %mul3A_754 = arith.mulf %mul3A_752, %bitcast3A_753 : vector<32xbf16>
        %bitcast3A_755 = vector.bitcast %mul3A_754 : vector<32xbf16> to vector<16xi32>
        %shift_left3A_756 = arith.constant 16 : i32
        %shift_left3A_757 = vector.broadcast %shift_left3A_756 : i32 to vector<16xi32>
        %shift_left3A_758 = arith.shli %bitcast3A_755, %shift_left3A_757 : vector<16xi32>
        %bitcast3A_759 = vector.bitcast %shift_left3A_758 : vector<16xi32> to vector<16xf32>
        %and3A_760 = arith.constant -65536 : i32
        %and3A_761 = vector.broadcast %and3A_760 : i32 to vector<16xi32>
        %and3A_762 = arith.andi %bitcast3A_755, %and3A_761 : vector<16xi32>
        %bitcast3A_763 = vector.bitcast %and3A_762 : vector<16xi32> to vector<16xf32>
        %add3A_764 = arith.addf %add3A_738, %bitcast3A_759 : vector<16xf32>
        %add3A_765 = arith.addf %add3A_739, %bitcast3A_763 : vector<16xf32>
        %get3A_766 = arith.index_cast %add3A_711 : i32 to index
        %get3A_767 = arith.constant 32 : index
        %get3A_768 = tpu.vector_load %arg20[%get3A_766, %get3A_767] {strides = array<i32>} : memref<128x64xf32, #tpu.memory_space<vmem>>, vector<16xf32>,
        %get3A_769 = arith.index_cast %add3A_711 : i32 to index
        %get3A_770 = arith.constant 32 : index
        %get3A_771 = tpu.vector_load %arg23[%get3A_769, %get3A_770] {strides = array<i32>} : memref<128x64xf32, #tpu.memory_space<vmem>>, vector<16xf32>,
        %add3A_772 = arith.constant 32 : i32
        %add3A_773 = arith.addi %squeeze3A_713, %add3A_772 : i32
        %get3A_774 = arith.index_cast %add3A_773 : i32 to index
        %get3A_775 = tpu.vector_load %arg8[%get3A_774] {strides = array<i32>} : memref<6400xf32, #tpu.memory_space<vmem>>, vector<16xf32>,
        %bitcast3A_776 = vector.bitcast %get3A_768 : vector<16xf32> to vector<32xbf16>
        %bitcast3A_777 = vector.bitcast %get3A_771 : vector<16xf32> to vector<32xbf16>
        %mul3A_778 = arith.mulf %bitcast3A_776, %bitcast3A_777 : vector<32xbf16>
        %bitcast3A_779 = vector.bitcast %get3A_775 : vector<16xf32> to vector<32xbf16>
        %mul3A_780 = arith.mulf %mul3A_778, %bitcast3A_779 : vector<32xbf16>
        %bitcast3A_781 = vector.bitcast %mul3A_780 : vector<32xbf16> to vector<16xi32>
        %shift_left3A_782 = arith.constant 16 : i32
        %shift_left3A_783 = vector.broadcast %shift_left3A_782 : i32 to vector<16xi32>
        %shift_left3A_784 = arith.shli %bitcast3A_781, %shift_left3A_783 : vector<16xi32>
        %bitcast3A_785 = vector.bitcast %shift_left3A_784 : vector<16xi32> to vector<16xf32>
        %and3A_786 = arith.constant -65536 : i32
        %and3A_787 = vector.broadcast %and3A_786 : i32 to vector<16xi32>
        %and3A_788 = arith.andi %bitcast3A_781, %and3A_787 : vector<16xi32>
        %bitcast3A_789 = vector.bitcast %and3A_788 : vector<16xi32> to vector<16xf32>
        %add3A_790 = arith.addf %add3A_764, %bitcast3A_785 : vector<16xf32>
        %add3A_791 = arith.addf %add3A_765, %bitcast3A_789 : vector<16xf32>
        %get3A_792 = arith.index_cast %add3A_711 : i32 to index
        %get3A_793 = arith.constant 48 : index
        %get3A_794 = tpu.vector_load %arg20[%get3A_792, %get3A_793] {strides = array<i32>} : memref<128x64xf32, #tpu.memory_space<vmem>>, vector<16xf32>,
        %get3A_795 = arith.index_cast %add3A_711 : i32 to index
        %get3A_796 = arith.constant 48 : index
        %get3A_797 = tpu.vector_load %arg23[%get3A_795, %get3A_796] {strides = array<i32>} : memref<128x64xf32, #tpu.memory_space<vmem>>, vector<16xf32>,
        %add3A_798 = arith.constant 48 : i32
        %add3A_799 = arith.addi %squeeze3A_713, %add3A_798 : i32
        %get3A_800 = arith.index_cast %add3A_799 : i32 to index
        %get3A_801 = tpu.vector_load %arg8[%get3A_800] {strides = array<i32>} : memref<6400xf32, #tpu.memory_space<vmem>>, vector<16xf32>,
        %bitcast3A_802 = vector.bitcast %get3A_794 : vector<16xf32> to vector<32xbf16>
        %bitcast3A_803 = vector.bitcast %get3A_797 : vector<16xf32> to vector<32xbf16>
        %mul3A_804 = arith.mulf %bitcast3A_802, %bitcast3A_803 : vector<32xbf16>
        %bitcast3A_805 = vector.bitcast %get3A_801 : vector<16xf32> to vector<32xbf16>
        %mul3A_806 = arith.mulf %mul3A_804, %bitcast3A_805 : vector<32xbf16>
        %bitcast3A_807 = vector.bitcast %mul3A_806 : vector<32xbf16> to vector<16xi32>
        %shift_left3A_808 = arith.constant 16 : i32
        %shift_left3A_809 = vector.broadcast %shift_left3A_808 : i32 to vector<16xi32>
        %shift_left3A_810 = arith.shli %bitcast3A_807, %shift_left3A_809 : vector<16xi32>
        %bitcast3A_811 = vector.bitcast %shift_left3A_810 : vector<16xi32> to vector<16xf32>
        %and3A_812 = arith.constant -65536 : i32
        %and3A_813 = vector.broadcast %and3A_812 : i32 to vector<16xi32>
        %and3A_814 = arith.andi %bitcast3A_807, %and3A_813 : vector<16xi32>
        %bitcast3A_815 = vector.bitcast %and3A_814 : vector<16xi32> to vector<16xf32>
        %add3A_816 = arith.addf %add3A_790, %bitcast3A_811 : vector<16xf32>
        %add3A_817 = arith.addf %add3A_791, %bitcast3A_815 : vector<16xf32>
        %broadcast_in_dim3A_818 = vector.broadcast %add3A_711 : i32 to vector<16xi32>
        %add3A_819 = arith.addf %add3A_816, %add3A_817 : vector<16xf32>
        tpu.vector_store_idx %arg26[%broadcast_in_dim3A_818], %add3A_819 {add = true} : memref<128xf32, #tpu.memory_space<vmem>>[vector<16xi32>], vector<16xf32>,
      }
      %scan3A_573 = arith.constant 64 : i32
      %mul3A_574 = arith.constant 128 : i32
      %mul3A_575 = arith.muli %add3A_527, %mul3A_574 : i32
      %add3A_576 = arith.addi %mul3A_2, %mul3A_575 : i32
      %dma_start3A_577 = tpu.memref_slice %arg7[%add3A_576] : memref<503808xf32, #tpu.memory_space<hbm>> -> memref<128xf32, #tpu.memory_space<hbm>>
      %dma_start3A_578 = tpu.memref_slice %arg7[%add3A_576] : memref<503808xf32, #tpu.memory_space<hbm>> -> memref<128xf32, #tpu.memory_space<hbm>>
      tpu.enqueue_dma source(%arg26 : memref<128xf32, #tpu.memory_space<vmem>>) target(%dma_start3A_578 : memref<128xf32, #tpu.memory_space<hbm>>) target_semaphore(%arg35 : memref<!tpu.dma_semaphore, #tpu.memory_space<semaphore_mem>>)
      %add3A_579 = arith.constant 3 : i32
      %add3A_580 = arith.addi %add3A_527, %add3A_579 : i32
      %mul3A_581 = arith.constant 128 : i32
      %mul3A_582 = arith.muli %add3A_580, %mul3A_581 : i32
      %add3A_583 = arith.addi %mul3A_2, %mul3A_582 : i32
      %dma_start3A_584 = tpu.memref_slice %arg4[%add3A_583] : memref<503808xi32, #tpu.memory_space<hbm>> -> memref<128xi32, #tpu.memory_space<hbm>>
      %dma_start3A_585 = tpu.memref_slice %arg4[%add3A_583] : memref<503808xi32, #tpu.memory_space<hbm>> -> memref<128xi32, #tpu.memory_space<hbm>>
      tpu.enqueue_dma source(%dma_start3A_585 : memref<128xi32, #tpu.memory_space<hbm>>) target(%arg11 : memref<128xi32, #tpu.memory_space<vmem>>) target_semaphore(%arg29 : memref<!tpu.dma_semaphore, #tpu.memory_space<semaphore_mem>>)
      %dma_start3A_586 = tpu.memref_slice %arg6[%add3A_583] : memref<503808xi32, #tpu.memory_space<hbm>> -> memref<128xi32, #tpu.memory_space<hbm>>
      %dma_start3A_587 = tpu.memref_slice %arg6[%add3A_583] : memref<503808xi32, #tpu.memory_space<hbm>> -> memref<128xi32, #tpu.memory_space<hbm>>
      tpu.enqueue_dma source(%dma_start3A_587 : memref<128xi32, #tpu.memory_space<hbm>>) target(%arg14 : memref<128xi32, #tpu.memory_space<vmem>>) target_semaphore(%arg29 : memref<!tpu.dma_semaphore, #tpu.memory_space<semaphore_mem>>)
      %dma_start3A_588 = arith.constant 0 : i32
      %dma_start3A_589 = tpu.memref_slice %arg17[%dma_start3A_588] : memref<144xi32, #tpu.memory_space<vmem>> -> memref<128xi32, #tpu.memory_space<vmem>>
      %dma_start3A_590 = tpu.memref_slice %arg5[%add3A_583] : memref<503808xi32, #tpu.memory_space<hbm>> -> memref<128xi32, #tpu.memory_space<hbm>>
      %dma_start3A_591 = arith.constant 0 : i32
      %dma_start3A_592 = tpu.memref_slice %arg17[%dma_start3A_591] : memref<144xi32, #tpu.memory_space<vmem>> -> memref<128xi32, #tpu.memory_space<vmem>>
      %dma_start3A_593 = tpu.memref_slice %arg5[%add3A_583] : memref<503808xi32, #tpu.memory_space<hbm>> -> memref<128xi32, #tpu.memory_space<hbm>>
      tpu.enqueue_dma source(%dma_start3A_593 : memref<128xi32, #tpu.memory_space<hbm>>) target(%dma_start3A_592 : memref<128xi32, #tpu.memory_space<vmem>>) target_semaphore(%arg29 : memref<!tpu.dma_semaphore, #tpu.memory_space<semaphore_mem>>)
    }
    %scan3A_236 = arith.constant 39 : i32
    %dma_wait3A_237 = arith.constant 0 : i32
    %dma_wait3A_238 = tpu.memref_slice %arg4[%dma_wait3A_237] : memref<503808xi32, #tpu.memory_space<hbm>> -> memref<128xi32, #tpu.memory_space<hbm>>
    %dma_wait3A_239 = arith.constant 0 : i32
    %dma_wait3A_240 = tpu.memref_slice %arg4[%dma_wait3A_239] : memref<503808xi32, #tpu.memory_space<hbm>> -> memref<128xi32, #tpu.memory_space<hbm>>
    tpu.wait_dma2 semaphore(%arg28 : memref<!tpu.dma_semaphore, #tpu.memory_space<semaphore_mem>>) src(%dma_wait3A_240 : memref<128xi32, #tpu.memory_space<hbm>>) dst(%arg10 : memref<128xi32, #tpu.memory_space<vmem>>)
    %dma_wait3A_241 = arith.constant 0 : i32
    %dma_wait3A_242 = tpu.memref_slice %arg6[%dma_wait3A_241] : memref<503808xi32, #tpu.memory_space<hbm>> -> memref<128xi32, #tpu.memory_space<hbm>>
    %dma_wait3A_243 = arith.constant 0 : i32
    %dma_wait3A_244 = tpu.memref_slice %arg6[%dma_wait3A_243] : memref<503808xi32, #tpu.memory_space<hbm>> -> memref<128xi32, #tpu.memory_space<hbm>>
    tpu.wait_dma2 semaphore(%arg28 : memref<!tpu.dma_semaphore, #tpu.memory_space<semaphore_mem>>) src(%dma_wait3A_244 : memref<128xi32, #tpu.memory_space<hbm>>) dst(%arg13 : memref<128xi32, #tpu.memory_space<vmem>>)
    %dma_wait3A_245 = arith.constant 0 : i32
    %dma_wait3A_246 = tpu.memref_slice %arg16[%dma_wait3A_245] : memref<144xi32, #tpu.memory_space<vmem>> -> memref<128xi32, #tpu.memory_space<vmem>>
    %dma_wait3A_247 = arith.constant 0 : i32
    %dma_wait3A_248 = tpu.memref_slice %arg5[%dma_wait3A_247] : memref<503808xi32, #tpu.memory_space<hbm>> -> memref<128xi32, #tpu.memory_space<hbm>>
    %dma_wait3A_249 = arith.constant 0 : i32
    %dma_wait3A_250 = tpu.memref_slice %arg16[%dma_wait3A_249] : memref<144xi32, #tpu.memory_space<vmem>> -> memref<128xi32, #tpu.memory_space<vmem>>
    %dma_wait3A_251 = arith.constant 0 : i32
    %dma_wait3A_252 = tpu.memref_slice %arg5[%dma_wait3A_251] : memref<503808xi32, #tpu.memory_space<hbm>> -> memref<128xi32, #tpu.memory_space<hbm>>
    tpu.wait_dma2 semaphore(%arg28 : memref<!tpu.dma_semaphore, #tpu.memory_space<semaphore_mem>>) src(%dma_wait3A_252 : memref<128xi32, #tpu.memory_space<hbm>>) dst(%dma_wait3A_250 : memref<128xi32, #tpu.memory_space<vmem>>)
    %dma_start3A_253 = arith.constant 0 : i32
    %dma_start3A_254 = arith.constant 0 : i32
    %dma_start3A_255 = tpu.memref_slice %arg2[%dma_start3A_253, %dma_start3A_254] : memref<100000x64xf32, #tpu.memory_space<hbm>> -> memref<100000x64xf32, #tpu.memory_space<hbm>>
    tpu.enqueue_indirect_dma source(%dma_start3A_255 : memref<100000x64xf32, #tpu.memory_space<hbm>>) target(%arg19 : memref<128x64xf32, #tpu.memory_space<vmem>>) offsets(%arg10 : memref<128xi32, #tpu.memory_space<vmem>>) semaphore(%arg31 : memref<!tpu.dma_semaphore, #tpu.memory_space<semaphore_mem>>)
    %dma_start3A_256 = arith.constant 0 : i32
    %dma_start3A_257 = arith.constant 0 : i32
    %dma_start3A_258 = tpu.memref_slice %arg2[%dma_start3A_256, %dma_start3A_257] : memref<100000x64xf32, #tpu.memory_space<hbm>> -> memref<100000x64xf32, #tpu.memory_space<hbm>>
    tpu.enqueue_indirect_dma source(%dma_start3A_258 : memref<100000x64xf32, #tpu.memory_space<hbm>>) target(%arg22 : memref<128x64xf32, #tpu.memory_space<vmem>>) offsets(%arg13 : memref<128xi32, #tpu.memory_space<vmem>>) semaphore(%arg31 : memref<!tpu.dma_semaphore, #tpu.memory_space<semaphore_mem>>)
    %dma_wait3A_259 = arith.constant 0 : i32
    %dma_wait3A_260 = arith.constant 0 : i32
    %dma_wait3A_261 = tpu.memref_slice %arg2[%dma_wait3A_259, %dma_wait3A_260] : memref<100000x64xf32, #tpu.memory_space<hbm>> -> memref<100000x64xf32, #tpu.memory_space<hbm>>
    tpu.wait_indirect_dma semaphore(%arg30 : memref<!tpu.dma_semaphore, #tpu.memory_space<semaphore_mem>>) src(%dma_wait3A_261 : memref<100000x64xf32, #tpu.memory_space<hbm>>) dst(%arg18 : memref<128x64xf32, #tpu.memory_space<vmem>>)
    %dma_wait3A_262 = arith.constant 0 : i32
    %dma_wait3A_263 = arith.constant 0 : i32
    %dma_wait3A_264 = tpu.memref_slice %arg2[%dma_wait3A_262, %dma_wait3A_263] : memref<100000x64xf32, #tpu.memory_space<hbm>> -> memref<100000x64xf32, #tpu.memory_space<hbm>>
    tpu.wait_indirect_dma semaphore(%arg30 : memref<!tpu.dma_semaphore, #tpu.memory_space<semaphore_mem>>) src(%dma_wait3A_264 : memref<100000x64xf32, #tpu.memory_space<hbm>>) dst(%arg21 : memref<128x64xf32, #tpu.memory_space<vmem>>)
    %dma_wait3A_265 = arith.constant 0 : i32
    %dma_wait3A_266 = tpu.memref_slice %arg7[%dma_wait3A_265] : memref<503808xf32, #tpu.memory_space<hbm>> -> memref<128xf32, #tpu.memory_space<hbm>>
    %dma_wait3A_267 = arith.constant 0 : i32
    %dma_wait3A_268 = tpu.memref_slice %arg7[%dma_wait3A_267] : memref<503808xf32, #tpu.memory_space<hbm>> -> memref<128xf32, #tpu.memory_space<hbm>>
    tpu.wait_dma2 semaphore(%arg33 : memref<!tpu.dma_semaphore, #tpu.memory_space<semaphore_mem>>) src(%arg24 : memref<128xf32, #tpu.memory_space<vmem>>) dst(%dma_wait3A_268 : memref<128xf32, #tpu.memory_space<hbm>>)
    %broadcast_in_dim3A_269 = arith.constant 0.000000e+00 : f32
    %broadcast_in_dim3A_270 = vector.broadcast %broadcast_in_dim3A_269 : f32 to vector<16xf32>
    %scan3A_271 = arith.constant 0 : i32
    %scan3A_272 = arith.constant 0 : i32
    %scan3A_273 = arith.constant 8 : i32
    %scan3A_274 = arith.addi %scan3A_272, %scan3A_273 : i32
    %scan3A_275 = arith.constant 1 : i32
    scf.for %scan3A_377 = %scan3A_272 to %scan3A_274 step %scan3A_275  : i32 {
      %mul3A_378 = arith.constant 16 : i32
      %mul3A_379 = arith.muli %scan3A_377, %mul3A_378 : i32
      %swap3A = arith.index_cast %mul3A_379 : i32 to index
      %swap3A_380 = tpu.vector_load %arg24[%swap3A] {strides = array<i32>} : memref<128xf32, #tpu.memory_space<vmem>>, vector<16xf32>,
      tpu.vector_store %arg24[%swap3A], %broadcast_in_dim3A_270 {strides = array<i32>} : memref<128xf32, #tpu.memory_space<vmem>>, vector<16xf32>,
    }
    %scan3A_276 = arith.constant 8 : i32
    %scan3A_277 = arith.constant 0 : i32
    %scan3A_278 = arith.constant 0 : i32
    %scan3A_279 = arith.constant 64 : i32
    %scan3A_280 = arith.addi %scan3A_278, %scan3A_279 : i32
    %scan3A_281 = arith.constant 1 : i32
    scf.for %scan3A_377 = %scan3A_278 to %scan3A_280 step %scan3A_281  : i32 {
      %mul3A_378 = arith.constant 2 : i32
      %mul3A_379 = arith.muli %scan3A_377, %mul3A_378 : i32
      %get3A = arith.index_cast %mul3A_379 : i32 to index
      %get3A_380 = tpu.vector_load %arg15[%get3A] {strides = array<i32>} : memref<144xi32, #tpu.memory_space<vmem>>, vector<16xi32>,
      %mul3A_381 = arith.constant 64 : i32
      %mul3A_382 = vector.broadcast %mul3A_381 : i32 to vector<16xi32>
      %mul3A_383 = arith.muli %get3A_380, %mul3A_382 : vector<16xi32>
      %mul3A_384 = arith.constant 2 : i32
      %mul3A_385 = arith.muli %scan3A_377, %mul3A_384 : i32
      %add3A_386 = arith.constant 0 : i32
      %add3A_387 = arith.addi %mul3A_385, %add3A_386 : i32
      %slice3A = vector.extract_strided_slice %mul3A_383 {offsets = [0], sizes = [1], strides = [1]} : vector<16xi32> to vector<1xi32>
      %squeeze3A = vector.extract %slice3A[0] : i32 from vector<1xi32>
      %get3A_388 = arith.index_cast %add3A_387 : i32 to index
      %get3A_389 = arith.constant 0 : index
      %get3A_390 = tpu.vector_load %arg18[%get3A_388, %get3A_389] {strides = array<i32>} : memref<128x64xf32, #tpu.memory_space<vmem>>, vector<16xf32>,
      %get3A_391 = arith.index_cast %add3A_387 : i32 to index
      %get3A_392 = arith.constant 0 : index
      %get3A_393 = tpu.vector_load %arg21[%get3A_391, %get3A_392] {strides = array<i32>} : memref<128x64xf32, #tpu.memory_space<vmem>>, vector<16xf32>,
      %add3A_394 = arith.constant 0 : i32
      %add3A_395 = arith.addi %squeeze3A, %add3A_394 : i32
      %get3A_396 = arith.index_cast %add3A_395 : i32 to index
      %get3A_397 = tpu.vector_load %arg8[%get3A_396] {strides = array<i32>} : memref<6400xf32, #tpu.memory_space<vmem>>, vector<16xf32>,
      %bitcast3A = vector.bitcast %get3A_390 : vector<16xf32> to vector<32xbf16>
      %bitcast3A_398 = vector.bitcast %get3A_393 : vector<16xf32> to vector<32xbf16>
      %mul3A_399 = arith.mulf %bitcast3A, %bitcast3A_398 : vector<32xbf16>
      %bitcast3A_400 = vector.bitcast %get3A_397 : vector<16xf32> to vector<32xbf16>
      %mul3A_401 = arith.mulf %mul3A_399, %bitcast3A_400 : vector<32xbf16>
      %bitcast3A_402 = vector.bitcast %mul3A_401 : vector<32xbf16> to vector<16xi32>
      %shift_left3A = arith.constant 16 : i32
      %shift_left3A_403 = vector.broadcast %shift_left3A : i32 to vector<16xi32>
      %shift_left3A_404 = arith.shli %bitcast3A_402, %shift_left3A_403 : vector<16xi32>
      %bitcast3A_405 = vector.bitcast %shift_left3A_404 : vector<16xi32> to vector<16xf32>
      %and3A = arith.constant -65536 : i32
      %and3A_406 = vector.broadcast %and3A : i32 to vector<16xi32>
      %and3A_407 = arith.andi %bitcast3A_402, %and3A_406 : vector<16xi32>
      %bitcast3A_408 = vector.bitcast %and3A_407 : vector<16xi32> to vector<16xf32>
      %add3A_409 = arith.addf %broadcast_in_dim3A_270, %bitcast3A_405 : vector<16xf32>
      %add3A_410 = arith.addf %broadcast_in_dim3A_270, %bitcast3A_408 : vector<16xf32>
      %get3A_411 = arith.index_cast %add3A_387 : i32 to index
      %get3A_412 = arith.constant 16 : index
      %get3A_413 = tpu.vector_load %arg18[%get3A_411, %get3A_412] {strides = array<i32>} : memref<128x64xf32, #tpu.memory_space<vmem>>, vector<16xf32>,
      %get3A_414 = arith.index_cast %add3A_387 : i32 to index
      %get3A_415 = arith.constant 16 : index
      %get3A_416 = tpu.vector_load %arg21[%get3A_414, %get3A_415] {strides = array<i32>} : memref<128x64xf32, #tpu.memory_space<vmem>>, vector<16xf32>,
      %add3A_417 = arith.constant 16 : i32
      %add3A_418 = arith.addi %squeeze3A, %add3A_417 : i32
      %get3A_419 = arith.index_cast %add3A_418 : i32 to index
      %get3A_420 = tpu.vector_load %arg8[%get3A_419] {strides = array<i32>} : memref<6400xf32, #tpu.memory_space<vmem>>, vector<16xf32>,
      %bitcast3A_421 = vector.bitcast %get3A_413 : vector<16xf32> to vector<32xbf16>
      %bitcast3A_422 = vector.bitcast %get3A_416 : vector<16xf32> to vector<32xbf16>
      %mul3A_423 = arith.mulf %bitcast3A_421, %bitcast3A_422 : vector<32xbf16>
      %bitcast3A_424 = vector.bitcast %get3A_420 : vector<16xf32> to vector<32xbf16>
      %mul3A_425 = arith.mulf %mul3A_423, %bitcast3A_424 : vector<32xbf16>
      %bitcast3A_426 = vector.bitcast %mul3A_425 : vector<32xbf16> to vector<16xi32>
      %shift_left3A_427 = arith.constant 16 : i32
      %shift_left3A_428 = vector.broadcast %shift_left3A_427 : i32 to vector<16xi32>
      %shift_left3A_429 = arith.shli %bitcast3A_426, %shift_left3A_428 : vector<16xi32>
      %bitcast3A_430 = vector.bitcast %shift_left3A_429 : vector<16xi32> to vector<16xf32>
      %and3A_431 = arith.constant -65536 : i32
      %and3A_432 = vector.broadcast %and3A_431 : i32 to vector<16xi32>
      %and3A_433 = arith.andi %bitcast3A_426, %and3A_432 : vector<16xi32>
      %bitcast3A_434 = vector.bitcast %and3A_433 : vector<16xi32> to vector<16xf32>
      %add3A_435 = arith.addf %add3A_409, %bitcast3A_430 : vector<16xf32>
      %add3A_436 = arith.addf %add3A_410, %bitcast3A_434 : vector<16xf32>
      %get3A_437 = arith.index_cast %add3A_387 : i32 to index
      %get3A_438 = arith.constant 32 : index
      %get3A_439 = tpu.vector_load %arg18[%get3A_437, %get3A_438] {strides = array<i32>} : memref<128x64xf32, #tpu.memory_space<vmem>>, vector<16xf32>,
      %get3A_440 = arith.index_cast %add3A_387 : i32 to index
      %get3A_441 = arith.constant 32 : index
      %get3A_442 = tpu.vector_load %arg21[%get3A_440, %get3A_441] {strides = array<i32>} : memref<128x64xf32, #tpu.memory_space<vmem>>, vector<16xf32>,
      %add3A_443 = arith.constant 32 : i32
      %add3A_444 = arith.addi %squeeze3A, %add3A_443 : i32
      %get3A_445 = arith.index_cast %add3A_444 : i32 to index
      %get3A_446 = tpu.vector_load %arg8[%get3A_445] {strides = array<i32>} : memref<6400xf32, #tpu.memory_space<vmem>>, vector<16xf32>,
      %bitcast3A_447 = vector.bitcast %get3A_439 : vector<16xf32> to vector<32xbf16>
      %bitcast3A_448 = vector.bitcast %get3A_442 : vector<16xf32> to vector<32xbf16>
      %mul3A_449 = arith.mulf %bitcast3A_447, %bitcast3A_448 : vector<32xbf16>
      %bitcast3A_450 = vector.bitcast %get3A_446 : vector<16xf32> to vector<32xbf16>
      %mul3A_451 = arith.mulf %mul3A_449, %bitcast3A_450 : vector<32xbf16>
      %bitcast3A_452 = vector.bitcast %mul3A_451 : vector<32xbf16> to vector<16xi32>
      %shift_left3A_453 = arith.constant 16 : i32
      %shift_left3A_454 = vector.broadcast %shift_left3A_453 : i32 to vector<16xi32>
      %shift_left3A_455 = arith.shli %bitcast3A_452, %shift_left3A_454 : vector<16xi32>
      %bitcast3A_456 = vector.bitcast %shift_left3A_455 : vector<16xi32> to vector<16xf32>
      %and3A_457 = arith.constant -65536 : i32
      %and3A_458 = vector.broadcast %and3A_457 : i32 to vector<16xi32>
      %and3A_459 = arith.andi %bitcast3A_452, %and3A_458 : vector<16xi32>
      %bitcast3A_460 = vector.bitcast %and3A_459 : vector<16xi32> to vector<16xf32>
      %add3A_461 = arith.addf %add3A_435, %bitcast3A_456 : vector<16xf32>
      %add3A_462 = arith.addf %add3A_436, %bitcast3A_460 : vector<16xf32>
      %get3A_463 = arith.index_cast %add3A_387 : i32 to index
      %get3A_464 = arith.constant 48 : index
      %get3A_465 = tpu.vector_load %arg18[%get3A_463, %get3A_464] {strides = array<i32>} : memref<128x64xf32, #tpu.memory_space<vmem>>, vector<16xf32>,
      %get3A_466 = arith.index_cast %add3A_387 : i32 to index
      %get3A_467 = arith.constant 48 : index
      %get3A_468 = tpu.vector_load %arg21[%get3A_466, %get3A_467] {strides = array<i32>} : memref<128x64xf32, #tpu.memory_space<vmem>>, vector<16xf32>,
      %add3A_469 = arith.constant 48 : i32
      %add3A_470 = arith.addi %squeeze3A, %add3A_469 : i32
      %get3A_471 = arith.index_cast %add3A_470 : i32 to index
      %get3A_472 = tpu.vector_load %arg8[%get3A_471] {strides = array<i32>} : memref<6400xf32, #tpu.memory_space<vmem>>, vector<16xf32>,
      %bitcast3A_473 = vector.bitcast %get3A_465 : vector<16xf32> to vector<32xbf16>
      %bitcast3A_474 = vector.bitcast %get3A_468 : vector<16xf32> to vector<32xbf16>
      %mul3A_475 = arith.mulf %bitcast3A_473, %bitcast3A_474 : vector<32xbf16>
      %bitcast3A_476 = vector.bitcast %get3A_472 : vector<16xf32> to vector<32xbf16>
      %mul3A_477 = arith.mulf %mul3A_475, %bitcast3A_476 : vector<32xbf16>
      %bitcast3A_478 = vector.bitcast %mul3A_477 : vector<32xbf16> to vector<16xi32>
      %shift_left3A_479 = arith.constant 16 : i32
      %shift_left3A_480 = vector.broadcast %shift_left3A_479 : i32 to vector<16xi32>
      %shift_left3A_481 = arith.shli %bitcast3A_478, %shift_left3A_480 : vector<16xi32>
      %bitcast3A_482 = vector.bitcast %shift_left3A_481 : vector<16xi32> to vector<16xf32>
      %and3A_483 = arith.constant -65536 : i32
      %and3A_484 = vector.broadcast %and3A_483 : i32 to vector<16xi32>
      %and3A_485 = arith.andi %bitcast3A_478, %and3A_484 : vector<16xi32>
      %bitcast3A_486 = vector.bitcast %and3A_485 : vector<16xi32> to vector<16xf32>
      %add3A_487 = arith.addf %add3A_461, %bitcast3A_482 : vector<16xf32>
      %add3A_488 = arith.addf %add3A_462, %bitcast3A_486 : vector<16xf32>
      %broadcast_in_dim3A_489 = vector.broadcast %add3A_387 : i32 to vector<16xi32>
      %add3A_490 = arith.addf %add3A_487, %add3A_488 : vector<16xf32>
      tpu.vector_store_idx %arg24[%broadcast_in_dim3A_489], %add3A_490 {add = true} : memref<128xf32, #tpu.memory_space<vmem>>[vector<16xi32>], vector<16xf32>,
      %mul3A_491 = arith.constant 2 : i32
      %mul3A_492 = arith.muli %scan3A_377, %mul3A_491 : i32
      %add3A_493 = arith.constant 1 : i32
      %add3A_494 = arith.addi %mul3A_492, %add3A_493 : i32
      %slice3A_495 = vector.extract_strided_slice %mul3A_383 {offsets = [1], sizes = [1], strides = [1]} : vector<16xi32> to vector<1xi32>
      %squeeze3A_496 = vector.extract %slice3A_495[0] : i32 from vector<1xi32>
      %get3A_497 = arith.index_cast %add3A_494 : i32 to index
      %get3A_498 = arith.constant 0 : index
      %get3A_499 = tpu.vector_load %arg18[%get3A_497, %get3A_498] {strides = array<i32>} : memref<128x64xf32, #tpu.memory_space<vmem>>, vector<16xf32>,
      %get3A_500 = arith.index_cast %add3A_494 : i32 to index
      %get3A_501 = arith.constant 0 : index
      %get3A_502 = tpu.vector_load %arg21[%get3A_500, %get3A_501] {strides = array<i32>} : memref<128x64xf32, #tpu.memory_space<vmem>>, vector<16xf32>,
      %add3A_503 = arith.constant 0 : i32
      %add3A_504 = arith.addi %squeeze3A_496, %add3A_503 : i32
      %get3A_505 = arith.index_cast %add3A_504 : i32 to index
      %get3A_506 = tpu.vector_load %arg8[%get3A_505] {strides = array<i32>} : memref<6400xf32, #tpu.memory_space<vmem>>, vector<16xf32>,
      %bitcast3A_507 = vector.bitcast %get3A_499 : vector<16xf32> to vector<32xbf16>
      %bitcast3A_508 = vector.bitcast %get3A_502 : vector<16xf32> to vector<32xbf16>
      %mul3A_509 = arith.mulf %bitcast3A_507, %bitcast3A_508 : vector<32xbf16>
      %bitcast3A_510 = vector.bitcast %get3A_506 : vector<16xf32> to vector<32xbf16>
      %mul3A_511 = arith.mulf %mul3A_509, %bitcast3A_510 : vector<32xbf16>
      %bitcast3A_512 = vector.bitcast %mul3A_511 : vector<32xbf16> to vector<16xi32>
      %shift_left3A_513 = arith.constant 16 : i32
      %shift_left3A_514 = vector.broadcast %shift_left3A_513 : i32 to vector<16xi32>
      %shift_left3A_515 = arith.shli %bitcast3A_512, %shift_left3A_514 : vector<16xi32>
      %bitcast3A_516 = vector.bitcast %shift_left3A_515 : vector<16xi32> to vector<16xf32>
      %and3A_517 = arith.constant -65536 : i32
      %and3A_518 = vector.broadcast %and3A_517 : i32 to vector<16xi32>
      %and3A_519 = arith.andi %bitcast3A_512, %and3A_518 : vector<16xi32>
      %bitcast3A_520 = vector.bitcast %and3A_519 : vector<16xi32> to vector<16xf32>
      %add3A_521 = arith.addf %broadcast_in_dim3A_270, %bitcast3A_516 : vector<16xf32>
      %add3A_522 = arith.addf %broadcast_in_dim3A_270, %bitcast3A_520 : vector<16xf32>
      %get3A_523 = arith.index_cast %add3A_494 : i32 to index
      %get3A_524 = arith.constant 16 : index
      %get3A_525 = tpu.vector_load %arg18[%get3A_523, %get3A_524] {strides = array<i32>} : memref<128x64xf32, #tpu.memory_space<vmem>>, vector<16xf32>,
      %get3A_526 = arith.index_cast %add3A_494 : i32 to index
      %get3A_527 = arith.constant 16 : index
      %get3A_528 = tpu.vector_load %arg21[%get3A_526, %get3A_527] {strides = array<i32>} : memref<128x64xf32, #tpu.memory_space<vmem>>, vector<16xf32>,
      %add3A_529 = arith.constant 16 : i32
      %add3A_530 = arith.addi %squeeze3A_496, %add3A_529 : i32
      %get3A_531 = arith.index_cast %add3A_530 : i32 to index
      %get3A_532 = tpu.vector_load %arg8[%get3A_531] {strides = array<i32>} : memref<6400xf32, #tpu.memory_space<vmem>>, vector<16xf32>,
      %bitcast3A_533 = vector.bitcast %get3A_525 : vector<16xf32> to vector<32xbf16>
      %bitcast3A_534 = vector.bitcast %get3A_528 : vector<16xf32> to vector<32xbf16>
      %mul3A_535 = arith.mulf %bitcast3A_533, %bitcast3A_534 : vector<32xbf16>
      %bitcast3A_536 = vector.bitcast %get3A_532 : vector<16xf32> to vector<32xbf16>
      %mul3A_537 = arith.mulf %mul3A_535, %bitcast3A_536 : vector<32xbf16>
      %bitcast3A_538 = vector.bitcast %mul3A_537 : vector<32xbf16> to vector<16xi32>
      %shift_left3A_539 = arith.constant 16 : i32
      %shift_left3A_540 = vector.broadcast %shift_left3A_539 : i32 to vector<16xi32>
      %shift_left3A_541 = arith.shli %bitcast3A_538, %shift_left3A_540 : vector<16xi32>
      %bitcast3A_542 = vector.bitcast %shift_left3A_541 : vector<16xi32> to vector<16xf32>
      %and3A_543 = arith.constant -65536 : i32
      %and3A_544 = vector.broadcast %and3A_543 : i32 to vector<16xi32>
      %and3A_545 = arith.andi %bitcast3A_538, %and3A_544 : vector<16xi32>
      %bitcast3A_546 = vector.bitcast %and3A_545 : vector<16xi32> to vector<16xf32>
      %add3A_547 = arith.addf %add3A_521, %bitcast3A_542 : vector<16xf32>
      %add3A_548 = arith.addf %add3A_522, %bitcast3A_546 : vector<16xf32>
      %get3A_549 = arith.index_cast %add3A_494 : i32 to index
      %get3A_550 = arith.constant 32 : index
      %get3A_551 = tpu.vector_load %arg18[%get3A_549, %get3A_550] {strides = array<i32>} : memref<128x64xf32, #tpu.memory_space<vmem>>, vector<16xf32>,
      %get3A_552 = arith.index_cast %add3A_494 : i32 to index
      %get3A_553 = arith.constant 32 : index
      %get3A_554 = tpu.vector_load %arg21[%get3A_552, %get3A_553] {strides = array<i32>} : memref<128x64xf32, #tpu.memory_space<vmem>>, vector<16xf32>,
      %add3A_555 = arith.constant 32 : i32
      %add3A_556 = arith.addi %squeeze3A_496, %add3A_555 : i32
      %get3A_557 = arith.index_cast %add3A_556 : i32 to index
      %get3A_558 = tpu.vector_load %arg8[%get3A_557] {strides = array<i32>} : memref<6400xf32, #tpu.memory_space<vmem>>, vector<16xf32>,
      %bitcast3A_559 = vector.bitcast %get3A_551 : vector<16xf32> to vector<32xbf16>
      %bitcast3A_560 = vector.bitcast %get3A_554 : vector<16xf32> to vector<32xbf16>
      %mul3A_561 = arith.mulf %bitcast3A_559, %bitcast3A_560 : vector<32xbf16>
      %bitcast3A_562 = vector.bitcast %get3A_558 : vector<16xf32> to vector<32xbf16>
      %mul3A_563 = arith.mulf %mul3A_561, %bitcast3A_562 : vector<32xbf16>
      %bitcast3A_564 = vector.bitcast %mul3A_563 : vector<32xbf16> to vector<16xi32>
      %shift_left3A_565 = arith.constant 16 : i32
      %shift_left3A_566 = vector.broadcast %shift_left3A_565 : i32 to vector<16xi32>
      %shift_left3A_567 = arith.shli %bitcast3A_564, %shift_left3A_566 : vector<16xi32>
      %bitcast3A_568 = vector.bitcast %shift_left3A_567 : vector<16xi32> to vector<16xf32>
      %and3A_569 = arith.constant -65536 : i32
      %and3A_570 = vector.broadcast %and3A_569 : i32 to vector<16xi32>
      %and3A_571 = arith.andi %bitcast3A_564, %and3A_570 : vector<16xi32>
      %bitcast3A_572 = vector.bitcast %and3A_571 : vector<16xi32> to vector<16xf32>
      %add3A_573 = arith.addf %add3A_547, %bitcast3A_568 : vector<16xf32>
      %add3A_574 = arith.addf %add3A_548, %bitcast3A_572 : vector<16xf32>
      %get3A_575 = arith.index_cast %add3A_494 : i32 to index
      %get3A_576 = arith.constant 48 : index
      %get3A_577 = tpu.vector_load %arg18[%get3A_575, %get3A_576] {strides = array<i32>} : memref<128x64xf32, #tpu.memory_space<vmem>>, vector<16xf32>,
      %get3A_578 = arith.index_cast %add3A_494 : i32 to index
      %get3A_579 = arith.constant 48 : index
      %get3A_580 = tpu.vector_load %arg21[%get3A_578, %get3A_579] {strides = array<i32>} : memref<128x64xf32, #tpu.memory_space<vmem>>, vector<16xf32>,
      %add3A_581 = arith.constant 48 : i32
      %add3A_582 = arith.addi %squeeze3A_496, %add3A_581 : i32
      %get3A_583 = arith.index_cast %add3A_582 : i32 to index
      %get3A_584 = tpu.vector_load %arg8[%get3A_583] {strides = array<i32>} : memref<6400xf32, #tpu.memory_space<vmem>>, vector<16xf32>,
      %bitcast3A_585 = vector.bitcast %get3A_577 : vector<16xf32> to vector<32xbf16>
      %bitcast3A_586 = vector.bitcast %get3A_580 : vector<16xf32> to vector<32xbf16>
      %mul3A_587 = arith.mulf %bitcast3A_585, %bitcast3A_586 : vector<32xbf16>
      %bitcast3A_588 = vector.bitcast %get3A_584 : vector<16xf32> to vector<32xbf16>
      %mul3A_589 = arith.mulf %mul3A_587, %bitcast3A_588 : vector<32xbf16>
      %bitcast3A_590 = vector.bitcast %mul3A_589 : vector<32xbf16> to vector<16xi32>
      %shift_left3A_591 = arith.constant 16 : i32
      %shift_left3A_592 = vector.broadcast %shift_left3A_591 : i32 to vector<16xi32>
      %shift_left3A_593 = arith.shli %bitcast3A_590, %shift_left3A_592 : vector<16xi32>
      %bitcast3A_594 = vector.bitcast %shift_left3A_593 : vector<16xi32> to vector<16xf32>
      %and3A_595 = arith.constant -65536 : i32
      %and3A_596 = vector.broadcast %and3A_595 : i32 to vector<16xi32>
      %and3A_597 = arith.andi %bitcast3A_590, %and3A_596 : vector<16xi32>
      %bitcast3A_598 = vector.bitcast %and3A_597 : vector<16xi32> to vector<16xf32>
      %add3A_599 = arith.addf %add3A_573, %bitcast3A_594 : vector<16xf32>
      %add3A_600 = arith.addf %add3A_574, %bitcast3A_598 : vector<16xf32>
      %broadcast_in_dim3A_601 = vector.broadcast %add3A_494 : i32 to vector<16xi32>
      %add3A_602 = arith.addf %add3A_599, %add3A_600 : vector<16xf32>
      tpu.vector_store_idx %arg24[%broadcast_in_dim3A_601], %add3A_602 {add = true} : memref<128xf32, #tpu.memory_space<vmem>>[vector<16xi32>], vector<16xf32>,
    }
    %scan3A_282 = arith.constant 64 : i32
    %add3A_283 = arith.constant 15360 : i32
    %add3A_284 = arith.addi %mul3A_2, %add3A_283 : i32
    %dma_start3A_285 = tpu.memref_slice %arg7[%add3A_284] : memref<503808xf32, #tpu.memory_space<hbm>> -> memref<128xf32, #tpu.memory_space<hbm>>
    %dma_start3A_286 = tpu.memref_slice %arg7[%add3A_284] : memref<503808xf32, #tpu.memory_space<hbm>> -> memref<128xf32, #tpu.memory_space<hbm>>
    tpu.enqueue_dma source(%arg24 : memref<128xf32, #tpu.memory_space<vmem>>) target(%dma_start3A_286 : memref<128xf32, #tpu.memory_space<hbm>>) target_semaphore(%arg33 : memref<!tpu.dma_semaphore, #tpu.memory_space<semaphore_mem>>)
    %dma_wait3A_287 = arith.constant 0 : i32
    %dma_wait3A_288 = tpu.memref_slice %arg4[%dma_wait3A_287] : memref<503808xi32, #tpu.memory_space<hbm>> -> memref<128xi32, #tpu.memory_space<hbm>>
    %dma_wait3A_289 = arith.constant 0 : i32
    %dma_wait3A_290 = tpu.memref_slice %arg4[%dma_wait3A_289] : memref<503808xi32, #tpu.memory_space<hbm>> -> memref<128xi32, #tpu.memory_space<hbm>>
    tpu.wait_dma2 semaphore(%arg29 : memref<!tpu.dma_semaphore, #tpu.memory_space<semaphore_mem>>) src(%dma_wait3A_290 : memref<128xi32, #tpu.memory_space<hbm>>) dst(%arg11 : memref<128xi32, #tpu.memory_space<vmem>>)
    %dma_wait3A_291 = arith.constant 0 : i32
    %dma_wait3A_292 = tpu.memref_slice %arg6[%dma_wait3A_291] : memref<503808xi32, #tpu.memory_space<hbm>> -> memref<128xi32, #tpu.memory_space<hbm>>
    %dma_wait3A_293 = arith.constant 0 : i32
    %dma_wait3A_294 = tpu.memref_slice %arg6[%dma_wait3A_293] : memref<503808xi32, #tpu.memory_space<hbm>> -> memref<128xi32, #tpu.memory_space<hbm>>
    tpu.wait_dma2 semaphore(%arg29 : memref<!tpu.dma_semaphore, #tpu.memory_space<semaphore_mem>>) src(%dma_wait3A_294 : memref<128xi32, #tpu.memory_space<hbm>>) dst(%arg14 : memref<128xi32, #tpu.memory_space<vmem>>)
    %dma_wait3A_295 = arith.constant 0 : i32
    %dma_wait3A_296 = tpu.memref_slice %arg17[%dma_wait3A_295] : memref<144xi32, #tpu.memory_space<vmem>> -> memref<128xi32, #tpu.memory_space<vmem>>
    %dma_wait3A_297 = arith.constant 0 : i32
    %dma_wait3A_298 = tpu.memref_slice %arg5[%dma_wait3A_297] : memref<503808xi32, #tpu.memory_space<hbm>> -> memref<128xi32, #tpu.memory_space<hbm>>
    %dma_wait3A_299 = arith.constant 0 : i32
    %dma_wait3A_300 = tpu.memref_slice %arg17[%dma_wait3A_299] : memref<144xi32, #tpu.memory_space<vmem>> -> memref<128xi32, #tpu.memory_space<vmem>>
    %dma_wait3A_301 = arith.constant 0 : i32
    %dma_wait3A_302 = tpu.memref_slice %arg5[%dma_wait3A_301] : memref<503808xi32, #tpu.memory_space<hbm>> -> memref<128xi32, #tpu.memory_space<hbm>>
    tpu.wait_dma2 semaphore(%arg29 : memref<!tpu.dma_semaphore, #tpu.memory_space<semaphore_mem>>) src(%dma_wait3A_302 : memref<128xi32, #tpu.memory_space<hbm>>) dst(%dma_wait3A_300 : memref<128xi32, #tpu.memory_space<vmem>>)
    %dma_start3A_303 = arith.constant 0 : i32
    %dma_start3A_304 = arith.constant 0 : i32
    %dma_start3A_305 = tpu.memref_slice %arg2[%dma_start3A_303, %dma_start3A_304] : memref<100000x64xf32, #tpu.memory_space<hbm>> -> memref<100000x64xf32, #tpu.memory_space<hbm>>
    tpu.enqueue_indirect_dma source(%dma_start3A_305 : memref<100000x64xf32, #tpu.memory_space<hbm>>) target(%arg20 : memref<128x64xf32, #tpu.memory_space<vmem>>) offsets(%arg11 : memref<128xi32, #tpu.memory_space<vmem>>) semaphore(%arg32 : memref<!tpu.dma_semaphore, #tpu.memory_space<semaphore_mem>>)
    %dma_start3A_306 = arith.constant 0 : i32
    %dma_start3A_307 = arith.constant 0 : i32
    %dma_start3A_308 = tpu.memref_slice %arg2[%dma_start3A_306, %dma_start3A_307] : memref<100000x64xf32, #tpu.memory_space<hbm>> -> memref<100000x64xf32, #tpu.memory_space<hbm>>
    tpu.enqueue_indirect_dma source(%dma_start3A_308 : memref<100000x64xf32, #tpu.memory_space<hbm>>) target(%arg23 : memref<128x64xf32, #tpu.memory_space<vmem>>) offsets(%arg14 : memref<128xi32, #tpu.memory_space<vmem>>) semaphore(%arg32 : memref<!tpu.dma_semaphore, #tpu.memory_space<semaphore_mem>>)
    %dma_wait3A_309 = arith.constant 0 : i32
    %dma_wait3A_310 = arith.constant 0 : i32
    %dma_wait3A_311 = tpu.memref_slice %arg2[%dma_wait3A_309, %dma_wait3A_310] : memref<100000x64xf32, #tpu.memory_space<hbm>> -> memref<100000x64xf32, #tpu.memory_space<hbm>>
    tpu.wait_indirect_dma semaphore(%arg31 : memref<!tpu.dma_semaphore, #tpu.memory_space<semaphore_mem>>) src(%dma_wait3A_311 : memref<100000x64xf32, #tpu.memory_space<hbm>>) dst(%arg19 : memref<128x64xf32, #tpu.memory_space<vmem>>)
    %dma_wait3A_312 = arith.constant 0 : i32
    %dma_wait3A_313 = arith.constant 0 : i32
    %dma_wait3A_314 = tpu.memref_slice %arg2[%dma_wait3A_312, %dma_wait3A_313] : memref<100000x64xf32, #tpu.memory_space<hbm>> -> memref<100000x64xf32, #tpu.memory_space<hbm>>
    tpu.wait_indirect_dma semaphore(%arg31 : memref<!tpu.dma_semaphore, #tpu.memory_space<semaphore_mem>>) src(%dma_wait3A_314 : memref<100000x64xf32, #tpu.memory_space<hbm>>) dst(%arg22 : memref<128x64xf32, #tpu.memory_space<vmem>>)
    %dma_wait3A_315 = arith.constant 0 : i32
    %dma_wait3A_316 = tpu.memref_slice %arg7[%dma_wait3A_315] : memref<503808xf32, #tpu.memory_space<hbm>> -> memref<128xf32, #tpu.memory_space<hbm>>
    %dma_wait3A_317 = arith.constant 0 : i32
    %dma_wait3A_318 = tpu.memref_slice %arg7[%dma_wait3A_317] : memref<503808xf32, #tpu.memory_space<hbm>> -> memref<128xf32, #tpu.memory_space<hbm>>
    tpu.wait_dma2 semaphore(%arg34 : memref<!tpu.dma_semaphore, #tpu.memory_space<semaphore_mem>>) src(%arg25 : memref<128xf32, #tpu.memory_space<vmem>>) dst(%dma_wait3A_318 : memref<128xf32, #tpu.memory_space<hbm>>)
    %broadcast_in_dim3A_319 = arith.constant 0.000000e+00 : f32
    %broadcast_in_dim3A_320 = vector.broadcast %broadcast_in_dim3A_319 : f32 to vector<16xf32>
    %scan3A_321 = arith.constant 0 : i32
    %scan3A_322 = arith.constant 0 : i32
    %scan3A_323 = arith.constant 8 : i32
    %scan3A_324 = arith.addi %scan3A_322, %scan3A_323 : i32
    %scan3A_325 = arith.constant 1 : i32
    scf.for %scan3A_377 = %scan3A_322 to %scan3A_324 step %scan3A_325  : i32 {
      %mul3A_378 = arith.constant 16 : i32
      %mul3A_379 = arith.muli %scan3A_377, %mul3A_378 : i32
      %swap3A = arith.index_cast %mul3A_379 : i32 to index
      %swap3A_380 = tpu.vector_load %arg25[%swap3A] {strides = array<i32>} : memref<128xf32, #tpu.memory_space<vmem>>, vector<16xf32>,
      tpu.vector_store %arg25[%swap3A], %broadcast_in_dim3A_320 {strides = array<i32>} : memref<128xf32, #tpu.memory_space<vmem>>, vector<16xf32>,
    }
    %scan3A_326 = arith.constant 8 : i32
    %scan3A_327 = arith.constant 0 : i32
    %scan3A_328 = arith.constant 0 : i32
    %scan3A_329 = arith.constant 64 : i32
    %scan3A_330 = arith.addi %scan3A_328, %scan3A_329 : i32
    %scan3A_331 = arith.constant 1 : i32
    scf.for %scan3A_377 = %scan3A_328 to %scan3A_330 step %scan3A_331  : i32 {
      %mul3A_378 = arith.constant 2 : i32
      %mul3A_379 = arith.muli %scan3A_377, %mul3A_378 : i32
      %get3A = arith.index_cast %mul3A_379 : i32 to index
      %get3A_380 = tpu.vector_load %arg16[%get3A] {strides = array<i32>} : memref<144xi32, #tpu.memory_space<vmem>>, vector<16xi32>,
      %mul3A_381 = arith.constant 64 : i32
      %mul3A_382 = vector.broadcast %mul3A_381 : i32 to vector<16xi32>
      %mul3A_383 = arith.muli %get3A_380, %mul3A_382 : vector<16xi32>
      %mul3A_384 = arith.constant 2 : i32
      %mul3A_385 = arith.muli %scan3A_377, %mul3A_384 : i32
      %add3A_386 = arith.constant 0 : i32
      %add3A_387 = arith.addi %mul3A_385, %add3A_386 : i32
      %slice3A = vector.extract_strided_slice %mul3A_383 {offsets = [0], sizes = [1], strides = [1]} : vector<16xi32> to vector<1xi32>
      %squeeze3A = vector.extract %slice3A[0] : i32 from vector<1xi32>
      %get3A_388 = arith.index_cast %add3A_387 : i32 to index
      %get3A_389 = arith.constant 0 : index
      %get3A_390 = tpu.vector_load %arg19[%get3A_388, %get3A_389] {strides = array<i32>} : memref<128x64xf32, #tpu.memory_space<vmem>>, vector<16xf32>,
      %get3A_391 = arith.index_cast %add3A_387 : i32 to index
      %get3A_392 = arith.constant 0 : index
      %get3A_393 = tpu.vector_load %arg22[%get3A_391, %get3A_392] {strides = array<i32>} : memref<128x64xf32, #tpu.memory_space<vmem>>, vector<16xf32>,
      %add3A_394 = arith.constant 0 : i32
      %add3A_395 = arith.addi %squeeze3A, %add3A_394 : i32
      %get3A_396 = arith.index_cast %add3A_395 : i32 to index
      %get3A_397 = tpu.vector_load %arg8[%get3A_396] {strides = array<i32>} : memref<6400xf32, #tpu.memory_space<vmem>>, vector<16xf32>,
      %bitcast3A = vector.bitcast %get3A_390 : vector<16xf32> to vector<32xbf16>
      %bitcast3A_398 = vector.bitcast %get3A_393 : vector<16xf32> to vector<32xbf16>
      %mul3A_399 = arith.mulf %bitcast3A, %bitcast3A_398 : vector<32xbf16>
      %bitcast3A_400 = vector.bitcast %get3A_397 : vector<16xf32> to vector<32xbf16>
      %mul3A_401 = arith.mulf %mul3A_399, %bitcast3A_400 : vector<32xbf16>
      %bitcast3A_402 = vector.bitcast %mul3A_401 : vector<32xbf16> to vector<16xi32>
      %shift_left3A = arith.constant 16 : i32
      %shift_left3A_403 = vector.broadcast %shift_left3A : i32 to vector<16xi32>
      %shift_left3A_404 = arith.shli %bitcast3A_402, %shift_left3A_403 : vector<16xi32>
      %bitcast3A_405 = vector.bitcast %shift_left3A_404 : vector<16xi32> to vector<16xf32>
      %and3A = arith.constant -65536 : i32
      %and3A_406 = vector.broadcast %and3A : i32 to vector<16xi32>
      %and3A_407 = arith.andi %bitcast3A_402, %and3A_406 : vector<16xi32>
      %bitcast3A_408 = vector.bitcast %and3A_407 : vector<16xi32> to vector<16xf32>
      %add3A_409 = arith.addf %broadcast_in_dim3A_320, %bitcast3A_405 : vector<16xf32>
      %add3A_410 = arith.addf %broadcast_in_dim3A_320, %bitcast3A_408 : vector<16xf32>
      %get3A_411 = arith.index_cast %add3A_387 : i32 to index
      %get3A_412 = arith.constant 16 : index
      %get3A_413 = tpu.vector_load %arg19[%get3A_411, %get3A_412] {strides = array<i32>} : memref<128x64xf32, #tpu.memory_space<vmem>>, vector<16xf32>,
      %get3A_414 = arith.index_cast %add3A_387 : i32 to index
      %get3A_415 = arith.constant 16 : index
      %get3A_416 = tpu.vector_load %arg22[%get3A_414, %get3A_415] {strides = array<i32>} : memref<128x64xf32, #tpu.memory_space<vmem>>, vector<16xf32>,
      %add3A_417 = arith.constant 16 : i32
      %add3A_418 = arith.addi %squeeze3A, %add3A_417 : i32
      %get3A_419 = arith.index_cast %add3A_418 : i32 to index
      %get3A_420 = tpu.vector_load %arg8[%get3A_419] {strides = array<i32>} : memref<6400xf32, #tpu.memory_space<vmem>>, vector<16xf32>,
      %bitcast3A_421 = vector.bitcast %get3A_413 : vector<16xf32> to vector<32xbf16>
      %bitcast3A_422 = vector.bitcast %get3A_416 : vector<16xf32> to vector<32xbf16>
      %mul3A_423 = arith.mulf %bitcast3A_421, %bitcast3A_422 : vector<32xbf16>
      %bitcast3A_424 = vector.bitcast %get3A_420 : vector<16xf32> to vector<32xbf16>
      %mul3A_425 = arith.mulf %mul3A_423, %bitcast3A_424 : vector<32xbf16>
      %bitcast3A_426 = vector.bitcast %mul3A_425 : vector<32xbf16> to vector<16xi32>
      %shift_left3A_427 = arith.constant 16 : i32
      %shift_left3A_428 = vector.broadcast %shift_left3A_427 : i32 to vector<16xi32>
      %shift_left3A_429 = arith.shli %bitcast3A_426, %shift_left3A_428 : vector<16xi32>
      %bitcast3A_430 = vector.bitcast %shift_left3A_429 : vector<16xi32> to vector<16xf32>
      %and3A_431 = arith.constant -65536 : i32
      %and3A_432 = vector.broadcast %and3A_431 : i32 to vector<16xi32>
      %and3A_433 = arith.andi %bitcast3A_426, %and3A_432 : vector<16xi32>
      %bitcast3A_434 = vector.bitcast %and3A_433 : vector<16xi32> to vector<16xf32>
      %add3A_435 = arith.addf %add3A_409, %bitcast3A_430 : vector<16xf32>
      %add3A_436 = arith.addf %add3A_410, %bitcast3A_434 : vector<16xf32>
      %get3A_437 = arith.index_cast %add3A_387 : i32 to index
      %get3A_438 = arith.constant 32 : index
      %get3A_439 = tpu.vector_load %arg19[%get3A_437, %get3A_438] {strides = array<i32>} : memref<128x64xf32, #tpu.memory_space<vmem>>, vector<16xf32>,
      %get3A_440 = arith.index_cast %add3A_387 : i32 to index
      %get3A_441 = arith.constant 32 : index
      %get3A_442 = tpu.vector_load %arg22[%get3A_440, %get3A_441] {strides = array<i32>} : memref<128x64xf32, #tpu.memory_space<vmem>>, vector<16xf32>,
      %add3A_443 = arith.constant 32 : i32
      %add3A_444 = arith.addi %squeeze3A, %add3A_443 : i32
      %get3A_445 = arith.index_cast %add3A_444 : i32 to index
      %get3A_446 = tpu.vector_load %arg8[%get3A_445] {strides = array<i32>} : memref<6400xf32, #tpu.memory_space<vmem>>, vector<16xf32>,
      %bitcast3A_447 = vector.bitcast %get3A_439 : vector<16xf32> to vector<32xbf16>
      %bitcast3A_448 = vector.bitcast %get3A_442 : vector<16xf32> to vector<32xbf16>
      %mul3A_449 = arith.mulf %bitcast3A_447, %bitcast3A_448 : vector<32xbf16>
      %bitcast3A_450 = vector.bitcast %get3A_446 : vector<16xf32> to vector<32xbf16>
      %mul3A_451 = arith.mulf %mul3A_449, %bitcast3A_450 : vector<32xbf16>
      %bitcast3A_452 = vector.bitcast %mul3A_451 : vector<32xbf16> to vector<16xi32>
      %shift_left3A_453 = arith.constant 16 : i32
      %shift_left3A_454 = vector.broadcast %shift_left3A_453 : i32 to vector<16xi32>
      %shift_left3A_455 = arith.shli %bitcast3A_452, %shift_left3A_454 : vector<16xi32>
      %bitcast3A_456 = vector.bitcast %shift_left3A_455 : vector<16xi32> to vector<16xf32>
      %and3A_457 = arith.constant -65536 : i32
      %and3A_458 = vector.broadcast %and3A_457 : i32 to vector<16xi32>
      %and3A_459 = arith.andi %bitcast3A_452, %and3A_458 : vector<16xi32>
      %bitcast3A_460 = vector.bitcast %and3A_459 : vector<16xi32> to vector<16xf32>
      %add3A_461 = arith.addf %add3A_435, %bitcast3A_456 : vector<16xf32>
      %add3A_462 = arith.addf %add3A_436, %bitcast3A_460 : vector<16xf32>
      %get3A_463 = arith.index_cast %add3A_387 : i32 to index
      %get3A_464 = arith.constant 48 : index
      %get3A_465 = tpu.vector_load %arg19[%get3A_463, %get3A_464] {strides = array<i32>} : memref<128x64xf32, #tpu.memory_space<vmem>>, vector<16xf32>,
      %get3A_466 = arith.index_cast %add3A_387 : i32 to index
      %get3A_467 = arith.constant 48 : index
      %get3A_468 = tpu.vector_load %arg22[%get3A_466, %get3A_467] {strides = array<i32>} : memref<128x64xf32, #tpu.memory_space<vmem>>, vector<16xf32>,
      %add3A_469 = arith.constant 48 : i32
      %add3A_470 = arith.addi %squeeze3A, %add3A_469 : i32
      %get3A_471 = arith.index_cast %add3A_470 : i32 to index
      %get3A_472 = tpu.vector_load %arg8[%get3A_471] {strides = array<i32>} : memref<6400xf32, #tpu.memory_space<vmem>>, vector<16xf32>,
      %bitcast3A_473 = vector.bitcast %get3A_465 : vector<16xf32> to vector<32xbf16>
      %bitcast3A_474 = vector.bitcast %get3A_468 : vector<16xf32> to vector<32xbf16>
      %mul3A_475 = arith.mulf %bitcast3A_473, %bitcast3A_474 : vector<32xbf16>
      %bitcast3A_476 = vector.bitcast %get3A_472 : vector<16xf32> to vector<32xbf16>
      %mul3A_477 = arith.mulf %mul3A_475, %bitcast3A_476 : vector<32xbf16>
      %bitcast3A_478 = vector.bitcast %mul3A_477 : vector<32xbf16> to vector<16xi32>
      %shift_left3A_479 = arith.constant 16 : i32
      %shift_left3A_480 = vector.broadcast %shift_left3A_479 : i32 to vector<16xi32>
      %shift_left3A_481 = arith.shli %bitcast3A_478, %shift_left3A_480 : vector<16xi32>
      %bitcast3A_482 = vector.bitcast %shift_left3A_481 : vector<16xi32> to vector<16xf32>
      %and3A_483 = arith.constant -65536 : i32
      %and3A_484 = vector.broadcast %and3A_483 : i32 to vector<16xi32>
      %and3A_485 = arith.andi %bitcast3A_478, %and3A_484 : vector<16xi32>
      %bitcast3A_486 = vector.bitcast %and3A_485 : vector<16xi32> to vector<16xf32>
      %add3A_487 = arith.addf %add3A_461, %bitcast3A_482 : vector<16xf32>
      %add3A_488 = arith.addf %add3A_462, %bitcast3A_486 : vector<16xf32>
      %broadcast_in_dim3A_489 = vector.broadcast %add3A_387 : i32 to vector<16xi32>
      %add3A_490 = arith.addf %add3A_487, %add3A_488 : vector<16xf32>
      tpu.vector_store_idx %arg25[%broadcast_in_dim3A_489], %add3A_490 {add = true} : memref<128xf32, #tpu.memory_space<vmem>>[vector<16xi32>], vector<16xf32>,
      %mul3A_491 = arith.constant 2 : i32
      %mul3A_492 = arith.muli %scan3A_377, %mul3A_491 : i32
      %add3A_493 = arith.constant 1 : i32
      %add3A_494 = arith.addi %mul3A_492, %add3A_493 : i32
      %slice3A_495 = vector.extract_strided_slice %mul3A_383 {offsets = [1], sizes = [1], strides = [1]} : vector<16xi32> to vector<1xi32>
      %squeeze3A_496 = vector.extract %slice3A_495[0] : i32 from vector<1xi32>
      %get3A_497 = arith.index_cast %add3A_494 : i32 to index
      %get3A_498 = arith.constant 0 : index
      %get3A_499 = tpu.vector_load %arg19[%get3A_497, %get3A_498] {strides = array<i32>} : memref<128x64xf32, #tpu.memory_space<vmem>>, vector<16xf32>,
      %get3A_500 = arith.index_cast %add3A_494 : i32 to index
      %get3A_501 = arith.constant 0 : index
      %get3A_502 = tpu.vector_load %arg22[%get3A_500, %get3A_501] {strides = array<i32>} : memref<128x64xf32, #tpu.memory_space<vmem>>, vector<16xf32>,
      %add3A_503 = arith.constant 0 : i32
      %add3A_504 = arith.addi %squeeze3A_496, %add3A_503 : i32
      %get3A_505 = arith.index_cast %add3A_504 : i32 to index
      %get3A_506 = tpu.vector_load %arg8[%get3A_505] {strides = array<i32>} : memref<6400xf32, #tpu.memory_space<vmem>>, vector<16xf32>,
      %bitcast3A_507 = vector.bitcast %get3A_499 : vector<16xf32> to vector<32xbf16>
      %bitcast3A_508 = vector.bitcast %get3A_502 : vector<16xf32> to vector<32xbf16>
      %mul3A_509 = arith.mulf %bitcast3A_507, %bitcast3A_508 : vector<32xbf16>
      %bitcast3A_510 = vector.bitcast %get3A_506 : vector<16xf32> to vector<32xbf16>
      %mul3A_511 = arith.mulf %mul3A_509, %bitcast3A_510 : vector<32xbf16>
      %bitcast3A_512 = vector.bitcast %mul3A_511 : vector<32xbf16> to vector<16xi32>
      %shift_left3A_513 = arith.constant 16 : i32
      %shift_left3A_514 = vector.broadcast %shift_left3A_513 : i32 to vector<16xi32>
      %shift_left3A_515 = arith.shli %bitcast3A_512, %shift_left3A_514 : vector<16xi32>
      %bitcast3A_516 = vector.bitcast %shift_left3A_515 : vector<16xi32> to vector<16xf32>
      %and3A_517 = arith.constant -65536 : i32
      %and3A_518 = vector.broadcast %and3A_517 : i32 to vector<16xi32>
      %and3A_519 = arith.andi %bitcast3A_512, %and3A_518 : vector<16xi32>
      %bitcast3A_520 = vector.bitcast %and3A_519 : vector<16xi32> to vector<16xf32>
      %add3A_521 = arith.addf %broadcast_in_dim3A_320, %bitcast3A_516 : vector<16xf32>
      %add3A_522 = arith.addf %broadcast_in_dim3A_320, %bitcast3A_520 : vector<16xf32>
      %get3A_523 = arith.index_cast %add3A_494 : i32 to index
      %get3A_524 = arith.constant 16 : index
      %get3A_525 = tpu.vector_load %arg19[%get3A_523, %get3A_524] {strides = array<i32>} : memref<128x64xf32, #tpu.memory_space<vmem>>, vector<16xf32>,
      %get3A_526 = arith.index_cast %add3A_494 : i32 to index
      %get3A_527 = arith.constant 16 : index
      %get3A_528 = tpu.vector_load %arg22[%get3A_526, %get3A_527] {strides = array<i32>} : memref<128x64xf32, #tpu.memory_space<vmem>>, vector<16xf32>,
      %add3A_529 = arith.constant 16 : i32
      %add3A_530 = arith.addi %squeeze3A_496, %add3A_529 : i32
      %get3A_531 = arith.index_cast %add3A_530 : i32 to index
      %get3A_532 = tpu.vector_load %arg8[%get3A_531] {strides = array<i32>} : memref<6400xf32, #tpu.memory_space<vmem>>, vector<16xf32>,
      %bitcast3A_533 = vector.bitcast %get3A_525 : vector<16xf32> to vector<32xbf16>
      %bitcast3A_534 = vector.bitcast %get3A_528 : vector<16xf32> to vector<32xbf16>
      %mul3A_535 = arith.mulf %bitcast3A_533, %bitcast3A_534 : vector<32xbf16>
      %bitcast3A_536 = vector.bitcast %get3A_532 : vector<16xf32> to vector<32xbf16>
      %mul3A_537 = arith.mulf %mul3A_535, %bitcast3A_536 : vector<32xbf16>
      %bitcast3A_538 = vector.bitcast %mul3A_537 : vector<32xbf16> to vector<16xi32>
      %shift_left3A_539 = arith.constant 16 : i32
      %shift_left3A_540 = vector.broadcast %shift_left3A_539 : i32 to vector<16xi32>
      %shift_left3A_541 = arith.shli %bitcast3A_538, %shift_left3A_540 : vector<16xi32>
      %bitcast3A_542 = vector.bitcast %shift_left3A_541 : vector<16xi32> to vector<16xf32>
      %and3A_543 = arith.constant -65536 : i32
      %and3A_544 = vector.broadcast %and3A_543 : i32 to vector<16xi32>
      %and3A_545 = arith.andi %bitcast3A_538, %and3A_544 : vector<16xi32>
      %bitcast3A_546 = vector.bitcast %and3A_545 : vector<16xi32> to vector<16xf32>
      %add3A_547 = arith.addf %add3A_521, %bitcast3A_542 : vector<16xf32>
      %add3A_548 = arith.addf %add3A_522, %bitcast3A_546 : vector<16xf32>
      %get3A_549 = arith.index_cast %add3A_494 : i32 to index
      %get3A_550 = arith.constant 32 : index
      %get3A_551 = tpu.vector_load %arg19[%get3A_549, %get3A_550] {strides = array<i32>} : memref<128x64xf32, #tpu.memory_space<vmem>>, vector<16xf32>,
      %get3A_552 = arith.index_cast %add3A_494 : i32 to index
      %get3A_553 = arith.constant 32 : index
      %get3A_554 = tpu.vector_load %arg22[%get3A_552, %get3A_553] {strides = array<i32>} : memref<128x64xf32, #tpu.memory_space<vmem>>, vector<16xf32>,
      %add3A_555 = arith.constant 32 : i32
      %add3A_556 = arith.addi %squeeze3A_496, %add3A_555 : i32
      %get3A_557 = arith.index_cast %add3A_556 : i32 to index
      %get3A_558 = tpu.vector_load %arg8[%get3A_557] {strides = array<i32>} : memref<6400xf32, #tpu.memory_space<vmem>>, vector<16xf32>,
      %bitcast3A_559 = vector.bitcast %get3A_551 : vector<16xf32> to vector<32xbf16>
      %bitcast3A_560 = vector.bitcast %get3A_554 : vector<16xf32> to vector<32xbf16>
      %mul3A_561 = arith.mulf %bitcast3A_559, %bitcast3A_560 : vector<32xbf16>
      %bitcast3A_562 = vector.bitcast %get3A_558 : vector<16xf32> to vector<32xbf16>
      %mul3A_563 = arith.mulf %mul3A_561, %bitcast3A_562 : vector<32xbf16>
      %bitcast3A_564 = vector.bitcast %mul3A_563 : vector<32xbf16> to vector<16xi32>
      %shift_left3A_565 = arith.constant 16 : i32
      %shift_left3A_566 = vector.broadcast %shift_left3A_565 : i32 to vector<16xi32>
      %shift_left3A_567 = arith.shli %bitcast3A_564, %shift_left3A_566 : vector<16xi32>
      %bitcast3A_568 = vector.bitcast %shift_left3A_567 : vector<16xi32> to vector<16xf32>
      %and3A_569 = arith.constant -65536 : i32
      %and3A_570 = vector.broadcast %and3A_569 : i32 to vector<16xi32>
      %and3A_571 = arith.andi %bitcast3A_564, %and3A_570 : vector<16xi32>
      %bitcast3A_572 = vector.bitcast %and3A_571 : vector<16xi32> to vector<16xf32>
      %add3A_573 = arith.addf %add3A_547, %bitcast3A_568 : vector<16xf32>
      %add3A_574 = arith.addf %add3A_548, %bitcast3A_572 : vector<16xf32>
      %get3A_575 = arith.index_cast %add3A_494 : i32 to index
      %get3A_576 = arith.constant 48 : index
      %get3A_577 = tpu.vector_load %arg19[%get3A_575, %get3A_576] {strides = array<i32>} : memref<128x64xf32, #tpu.memory_space<vmem>>, vector<16xf32>,
      %get3A_578 = arith.index_cast %add3A_494 : i32 to index
      %get3A_579 = arith.constant 48 : index
      %get3A_580 = tpu.vector_load %arg22[%get3A_578, %get3A_579] {strides = array<i32>} : memref<128x64xf32, #tpu.memory_space<vmem>>, vector<16xf32>,
      %add3A_581 = arith.constant 48 : i32
      %add3A_582 = arith.addi %squeeze3A_496, %add3A_581 : i32
      %get3A_583 = arith.index_cast %add3A_582 : i32 to index
      %get3A_584 = tpu.vector_load %arg8[%get3A_583] {strides = array<i32>} : memref<6400xf32, #tpu.memory_space<vmem>>, vector<16xf32>,
      %bitcast3A_585 = vector.bitcast %get3A_577 : vector<16xf32> to vector<32xbf16>
      %bitcast3A_586 = vector.bitcast %get3A_580 : vector<16xf32> to vector<32xbf16>
      %mul3A_587 = arith.mulf %bitcast3A_585, %bitcast3A_586 : vector<32xbf16>
      %bitcast3A_588 = vector.bitcast %get3A_584 : vector<16xf32> to vector<32xbf16>
      %mul3A_589 = arith.mulf %mul3A_587, %bitcast3A_588 : vector<32xbf16>
      %bitcast3A_590 = vector.bitcast %mul3A_589 : vector<32xbf16> to vector<16xi32>
      %shift_left3A_591 = arith.constant 16 : i32
      %shift_left3A_592 = vector.broadcast %shift_left3A_591 : i32 to vector<16xi32>
      %shift_left3A_593 = arith.shli %bitcast3A_590, %shift_left3A_592 : vector<16xi32>
      %bitcast3A_594 = vector.bitcast %shift_left3A_593 : vector<16xi32> to vector<16xf32>
      %and3A_595 = arith.constant -65536 : i32
      %and3A_596 = vector.broadcast %and3A_595 : i32 to vector<16xi32>
      %and3A_597 = arith.andi %bitcast3A_590, %and3A_596 : vector<16xi32>
      %bitcast3A_598 = vector.bitcast %and3A_597 : vector<16xi32> to vector<16xf32>
      %add3A_599 = arith.addf %add3A_573, %bitcast3A_594 : vector<16xf32>
      %add3A_600 = arith.addf %add3A_574, %bitcast3A_598 : vector<16xf32>
      %broadcast_in_dim3A_601 = vector.broadcast %add3A_494 : i32 to vector<16xi32>
      %add3A_602 = arith.addf %add3A_599, %add3A_600 : vector<16xf32>
      tpu.vector_store_idx %arg25[%broadcast_in_dim3A_601], %add3A_602 {add = true} : memref<128xf32, #tpu.memory_space<vmem>>[vector<16xi32>], vector<16xf32>,
    }
    %scan3A_332 = arith.constant 64 : i32
    %add3A_333 = arith.constant 15488 : i32
    %add3A_334 = arith.addi %mul3A_2, %add3A_333 : i32
    %dma_start3A_335 = tpu.memref_slice %arg7[%add3A_334] : memref<503808xf32, #tpu.memory_space<hbm>> -> memref<128xf32, #tpu.memory_space<hbm>>
    %dma_start3A_336 = tpu.memref_slice %arg7[%add3A_334] : memref<503808xf32, #tpu.memory_space<hbm>> -> memref<128xf32, #tpu.memory_space<hbm>>
    tpu.enqueue_dma source(%arg25 : memref<128xf32, #tpu.memory_space<vmem>>) target(%dma_start3A_336 : memref<128xf32, #tpu.memory_space<hbm>>) target_semaphore(%arg34 : memref<!tpu.dma_semaphore, #tpu.memory_space<semaphore_mem>>)
    %dma_wait3A_337 = arith.constant 0 : i32
    %dma_wait3A_338 = arith.constant 0 : i32
    %dma_wait3A_339 = tpu.memref_slice %arg2[%dma_wait3A_337, %dma_wait3A_338] : memref<100000x64xf32, #tpu.memory_space<hbm>> -> memref<100000x64xf32, #tpu.memory_space<hbm>>
    tpu.wait_indirect_dma semaphore(%arg32 : memref<!tpu.dma_semaphore, #tpu.memory_space<semaphore_mem>>) src(%dma_wait3A_339 : memref<100000x64xf32, #tpu.memory_space<hbm>>) dst(%arg20 : memref<128x64xf32, #tpu.memory_space<vmem>>)
    %dma_wait3A_340 = arith.constant 0 : i32
    %dma_wait3A_341 = arith.constant 0 : i32
    %dma_wait3A_342 = tpu.memref_slice %arg2[%dma_wait3A_340, %dma_wait3A_341] : memref<100000x64xf32, #tpu.memory_space<hbm>> -> memref<100000x64xf32, #tpu.memory_space<hbm>>
    tpu.wait_indirect_dma semaphore(%arg32 : memref<!tpu.dma_semaphore, #tpu.memory_space<semaphore_mem>>) src(%dma_wait3A_342 : memref<100000x64xf32, #tpu.memory_space<hbm>>) dst(%arg23 : memref<128x64xf32, #tpu.memory_space<vmem>>)
    %dma_wait3A_343 = arith.constant 0 : i32
    %dma_wait3A_344 = tpu.memref_slice %arg7[%dma_wait3A_343] : memref<503808xf32, #tpu.memory_space<hbm>> -> memref<128xf32, #tpu.memory_space<hbm>>
    %dma_wait3A_345 = arith.constant 0 : i32
    %dma_wait3A_346 = tpu.memref_slice %arg7[%dma_wait3A_345] : memref<503808xf32, #tpu.memory_space<hbm>> -> memref<128xf32, #tpu.memory_space<hbm>>
    tpu.wait_dma2 semaphore(%arg35 : memref<!tpu.dma_semaphore, #tpu.memory_space<semaphore_mem>>) src(%arg26 : memref<128xf32, #tpu.memory_space<vmem>>) dst(%dma_wait3A_346 : memref<128xf32, #tpu.memory_space<hbm>>)
    %broadcast_in_dim3A_347 = arith.constant 0.000000e+00 : f32
    %broadcast_in_dim3A_348 = vector.broadcast %broadcast_in_dim3A_347 : f32 to vector<16xf32>
    %scan3A_349 = arith.constant 0 : i32
    %scan3A_350 = arith.constant 0 : i32
    %scan3A_351 = arith.constant 8 : i32
    %scan3A_352 = arith.addi %scan3A_350, %scan3A_351 : i32
    %scan3A_353 = arith.constant 1 : i32
    scf.for %scan3A_377 = %scan3A_350 to %scan3A_352 step %scan3A_353  : i32 {
      %mul3A_378 = arith.constant 16 : i32
      %mul3A_379 = arith.muli %scan3A_377, %mul3A_378 : i32
      %swap3A = arith.index_cast %mul3A_379 : i32 to index
      %swap3A_380 = tpu.vector_load %arg26[%swap3A] {strides = array<i32>} : memref<128xf32, #tpu.memory_space<vmem>>, vector<16xf32>,
      tpu.vector_store %arg26[%swap3A], %broadcast_in_dim3A_348 {strides = array<i32>} : memref<128xf32, #tpu.memory_space<vmem>>, vector<16xf32>,
    }
    %scan3A_354 = arith.constant 8 : i32
    %scan3A_355 = arith.constant 0 : i32
    %scan3A_356 = arith.constant 0 : i32
    %scan3A_357 = arith.constant 64 : i32
    %scan3A_358 = arith.addi %scan3A_356, %scan3A_357 : i32
    %scan3A_359 = arith.constant 1 : i32
    scf.for %scan3A_377 = %scan3A_356 to %scan3A_358 step %scan3A_359  : i32 {
      %mul3A_378 = arith.constant 2 : i32
      %mul3A_379 = arith.muli %scan3A_377, %mul3A_378 : i32
      %get3A = arith.index_cast %mul3A_379 : i32 to index
      %get3A_380 = tpu.vector_load %arg17[%get3A] {strides = array<i32>} : memref<144xi32, #tpu.memory_space<vmem>>, vector<16xi32>,
      %mul3A_381 = arith.constant 64 : i32
      %mul3A_382 = vector.broadcast %mul3A_381 : i32 to vector<16xi32>
      %mul3A_383 = arith.muli %get3A_380, %mul3A_382 : vector<16xi32>
      %mul3A_384 = arith.constant 2 : i32
      %mul3A_385 = arith.muli %scan3A_377, %mul3A_384 : i32
      %add3A_386 = arith.constant 0 : i32
      %add3A_387 = arith.addi %mul3A_385, %add3A_386 : i32
      %slice3A = vector.extract_strided_slice %mul3A_383 {offsets = [0], sizes = [1], strides = [1]} : vector<16xi32> to vector<1xi32>
      %squeeze3A = vector.extract %slice3A[0] : i32 from vector<1xi32>
      %get3A_388 = arith.index_cast %add3A_387 : i32 to index
      %get3A_389 = arith.constant 0 : index
      %get3A_390 = tpu.vector_load %arg20[%get3A_388, %get3A_389] {strides = array<i32>} : memref<128x64xf32, #tpu.memory_space<vmem>>, vector<16xf32>,
      %get3A_391 = arith.index_cast %add3A_387 : i32 to index
      %get3A_392 = arith.constant 0 : index
      %get3A_393 = tpu.vector_load %arg23[%get3A_391, %get3A_392] {strides = array<i32>} : memref<128x64xf32, #tpu.memory_space<vmem>>, vector<16xf32>,
      %add3A_394 = arith.constant 0 : i32
      %add3A_395 = arith.addi %squeeze3A, %add3A_394 : i32
      %get3A_396 = arith.index_cast %add3A_395 : i32 to index
      %get3A_397 = tpu.vector_load %arg8[%get3A_396] {strides = array<i32>} : memref<6400xf32, #tpu.memory_space<vmem>>, vector<16xf32>,
      %bitcast3A = vector.bitcast %get3A_390 : vector<16xf32> to vector<32xbf16>
      %bitcast3A_398 = vector.bitcast %get3A_393 : vector<16xf32> to vector<32xbf16>
      %mul3A_399 = arith.mulf %bitcast3A, %bitcast3A_398 : vector<32xbf16>
      %bitcast3A_400 = vector.bitcast %get3A_397 : vector<16xf32> to vector<32xbf16>
      %mul3A_401 = arith.mulf %mul3A_399, %bitcast3A_400 : vector<32xbf16>
      %bitcast3A_402 = vector.bitcast %mul3A_401 : vector<32xbf16> to vector<16xi32>
      %shift_left3A = arith.constant 16 : i32
      %shift_left3A_403 = vector.broadcast %shift_left3A : i32 to vector<16xi32>
      %shift_left3A_404 = arith.shli %bitcast3A_402, %shift_left3A_403 : vector<16xi32>
      %bitcast3A_405 = vector.bitcast %shift_left3A_404 : vector<16xi32> to vector<16xf32>
      %and3A = arith.constant -65536 : i32
      %and3A_406 = vector.broadcast %and3A : i32 to vector<16xi32>
      %and3A_407 = arith.andi %bitcast3A_402, %and3A_406 : vector<16xi32>
      %bitcast3A_408 = vector.bitcast %and3A_407 : vector<16xi32> to vector<16xf32>
      %add3A_409 = arith.addf %broadcast_in_dim3A_348, %bitcast3A_405 : vector<16xf32>
      %add3A_410 = arith.addf %broadcast_in_dim3A_348, %bitcast3A_408 : vector<16xf32>
      %get3A_411 = arith.index_cast %add3A_387 : i32 to index
      %get3A_412 = arith.constant 16 : index
      %get3A_413 = tpu.vector_load %arg20[%get3A_411, %get3A_412] {strides = array<i32>} : memref<128x64xf32, #tpu.memory_space<vmem>>, vector<16xf32>,
      %get3A_414 = arith.index_cast %add3A_387 : i32 to index
      %get3A_415 = arith.constant 16 : index
      %get3A_416 = tpu.vector_load %arg23[%get3A_414, %get3A_415] {strides = array<i32>} : memref<128x64xf32, #tpu.memory_space<vmem>>, vector<16xf32>,
      %add3A_417 = arith.constant 16 : i32
      %add3A_418 = arith.addi %squeeze3A, %add3A_417 : i32
      %get3A_419 = arith.index_cast %add3A_418 : i32 to index
      %get3A_420 = tpu.vector_load %arg8[%get3A_419] {strides = array<i32>} : memref<6400xf32, #tpu.memory_space<vmem>>, vector<16xf32>,
      %bitcast3A_421 = vector.bitcast %get3A_413 : vector<16xf32> to vector<32xbf16>
      %bitcast3A_422 = vector.bitcast %get3A_416 : vector<16xf32> to vector<32xbf16>
      %mul3A_423 = arith.mulf %bitcast3A_421, %bitcast3A_422 : vector<32xbf16>
      %bitcast3A_424 = vector.bitcast %get3A_420 : vector<16xf32> to vector<32xbf16>
      %mul3A_425 = arith.mulf %mul3A_423, %bitcast3A_424 : vector<32xbf16>
      %bitcast3A_426 = vector.bitcast %mul3A_425 : vector<32xbf16> to vector<16xi32>
      %shift_left3A_427 = arith.constant 16 : i32
      %shift_left3A_428 = vector.broadcast %shift_left3A_427 : i32 to vector<16xi32>
      %shift_left3A_429 = arith.shli %bitcast3A_426, %shift_left3A_428 : vector<16xi32>
      %bitcast3A_430 = vector.bitcast %shift_left3A_429 : vector<16xi32> to vector<16xf32>
      %and3A_431 = arith.constant -65536 : i32
      %and3A_432 = vector.broadcast %and3A_431 : i32 to vector<16xi32>
      %and3A_433 = arith.andi %bitcast3A_426, %and3A_432 : vector<16xi32>
      %bitcast3A_434 = vector.bitcast %and3A_433 : vector<16xi32> to vector<16xf32>
      %add3A_435 = arith.addf %add3A_409, %bitcast3A_430 : vector<16xf32>
      %add3A_436 = arith.addf %add3A_410, %bitcast3A_434 : vector<16xf32>
      %get3A_437 = arith.index_cast %add3A_387 : i32 to index
      %get3A_438 = arith.constant 32 : index
      %get3A_439 = tpu.vector_load %arg20[%get3A_437, %get3A_438] {strides = array<i32>} : memref<128x64xf32, #tpu.memory_space<vmem>>, vector<16xf32>,
      %get3A_440 = arith.index_cast %add3A_387 : i32 to index
      %get3A_441 = arith.constant 32 : index
      %get3A_442 = tpu.vector_load %arg23[%get3A_440, %get3A_441] {strides = array<i32>} : memref<128x64xf32, #tpu.memory_space<vmem>>, vector<16xf32>,
      %add3A_443 = arith.constant 32 : i32
      %add3A_444 = arith.addi %squeeze3A, %add3A_443 : i32
      %get3A_445 = arith.index_cast %add3A_444 : i32 to index
      %get3A_446 = tpu.vector_load %arg8[%get3A_445] {strides = array<i32>} : memref<6400xf32, #tpu.memory_space<vmem>>, vector<16xf32>,
      %bitcast3A_447 = vector.bitcast %get3A_439 : vector<16xf32> to vector<32xbf16>
      %bitcast3A_448 = vector.bitcast %get3A_442 : vector<16xf32> to vector<32xbf16>
      %mul3A_449 = arith.mulf %bitcast3A_447, %bitcast3A_448 : vector<32xbf16>
      %bitcast3A_450 = vector.bitcast %get3A_446 : vector<16xf32> to vector<32xbf16>
      %mul3A_451 = arith.mulf %mul3A_449, %bitcast3A_450 : vector<32xbf16>
      %bitcast3A_452 = vector.bitcast %mul3A_451 : vector<32xbf16> to vector<16xi32>
      %shift_left3A_453 = arith.constant 16 : i32
      %shift_left3A_454 = vector.broadcast %shift_left3A_453 : i32 to vector<16xi32>
      %shift_left3A_455 = arith.shli %bitcast3A_452, %shift_left3A_454 : vector<16xi32>
      %bitcast3A_456 = vector.bitcast %shift_left3A_455 : vector<16xi32> to vector<16xf32>
      %and3A_457 = arith.constant -65536 : i32
      %and3A_458 = vector.broadcast %and3A_457 : i32 to vector<16xi32>
      %and3A_459 = arith.andi %bitcast3A_452, %and3A_458 : vector<16xi32>
      %bitcast3A_460 = vector.bitcast %and3A_459 : vector<16xi32> to vector<16xf32>
      %add3A_461 = arith.addf %add3A_435, %bitcast3A_456 : vector<16xf32>
      %add3A_462 = arith.addf %add3A_436, %bitcast3A_460 : vector<16xf32>
      %get3A_463 = arith.index_cast %add3A_387 : i32 to index
      %get3A_464 = arith.constant 48 : index
      %get3A_465 = tpu.vector_load %arg20[%get3A_463, %get3A_464] {strides = array<i32>} : memref<128x64xf32, #tpu.memory_space<vmem>>, vector<16xf32>,
      %get3A_466 = arith.index_cast %add3A_387 : i32 to index
      %get3A_467 = arith.constant 48 : index
      %get3A_468 = tpu.vector_load %arg23[%get3A_466, %get3A_467] {strides = array<i32>} : memref<128x64xf32, #tpu.memory_space<vmem>>, vector<16xf32>,
      %add3A_469 = arith.constant 48 : i32
      %add3A_470 = arith.addi %squeeze3A, %add3A_469 : i32
      %get3A_471 = arith.index_cast %add3A_470 : i32 to index
      %get3A_472 = tpu.vector_load %arg8[%get3A_471] {strides = array<i32>} : memref<6400xf32, #tpu.memory_space<vmem>>, vector<16xf32>,
      %bitcast3A_473 = vector.bitcast %get3A_465 : vector<16xf32> to vector<32xbf16>
      %bitcast3A_474 = vector.bitcast %get3A_468 : vector<16xf32> to vector<32xbf16>
      %mul3A_475 = arith.mulf %bitcast3A_473, %bitcast3A_474 : vector<32xbf16>
      %bitcast3A_476 = vector.bitcast %get3A_472 : vector<16xf32> to vector<32xbf16>
      %mul3A_477 = arith.mulf %mul3A_475, %bitcast3A_476 : vector<32xbf16>
      %bitcast3A_478 = vector.bitcast %mul3A_477 : vector<32xbf16> to vector<16xi32>
      %shift_left3A_479 = arith.constant 16 : i32
      %shift_left3A_480 = vector.broadcast %shift_left3A_479 : i32 to vector<16xi32>
      %shift_left3A_481 = arith.shli %bitcast3A_478, %shift_left3A_480 : vector<16xi32>
      %bitcast3A_482 = vector.bitcast %shift_left3A_481 : vector<16xi32> to vector<16xf32>
      %and3A_483 = arith.constant -65536 : i32
      %and3A_484 = vector.broadcast %and3A_483 : i32 to vector<16xi32>
      %and3A_485 = arith.andi %bitcast3A_478, %and3A_484 : vector<16xi32>
      %bitcast3A_486 = vector.bitcast %and3A_485 : vector<16xi32> to vector<16xf32>
      %add3A_487 = arith.addf %add3A_461, %bitcast3A_482 : vector<16xf32>
      %add3A_488 = arith.addf %add3A_462, %bitcast3A_486 : vector<16xf32>
      %broadcast_in_dim3A_489 = vector.broadcast %add3A_387 : i32 to vector<16xi32>
      %add3A_490 = arith.addf %add3A_487, %add3A_488 : vector<16xf32>
      tpu.vector_store_idx %arg26[%broadcast_in_dim3A_489], %add3A_490 {add = true} : memref<128xf32, #tpu.memory_space<vmem>>[vector<16xi32>], vector<16xf32>,
      %mul3A_491 = arith.constant 2 : i32
      %mul3A_492 = arith.muli %scan3A_377, %mul3A_491 : i32
      %add3A_493 = arith.constant 1 : i32
      %add3A_494 = arith.addi %mul3A_492, %add3A_493 : i32
      %slice3A_495 = vector.extract_strided_slice %mul3A_383 {offsets = [1], sizes = [1], strides = [1]} : vector<16xi32> to vector<1xi32>
      %squeeze3A_496 = vector.extract %slice3A_495[0] : i32 from vector<1xi32>
      %get3A_497 = arith.index_cast %add3A_494 : i32 to index
      %get3A_498 = arith.constant 0 : index
      %get3A_499 = tpu.vector_load %arg20[%get3A_497, %get3A_498] {strides = array<i32>} : memref<128x64xf32, #tpu.memory_space<vmem>>, vector<16xf32>,
      %get3A_500 = arith.index_cast %add3A_494 : i32 to index
      %get3A_501 = arith.constant 0 : index
      %get3A_502 = tpu.vector_load %arg23[%get3A_500, %get3A_501] {strides = array<i32>} : memref<128x64xf32, #tpu.memory_space<vmem>>, vector<16xf32>,
      %add3A_503 = arith.constant 0 : i32
      %add3A_504 = arith.addi %squeeze3A_496, %add3A_503 : i32
      %get3A_505 = arith.index_cast %add3A_504 : i32 to index
      %get3A_506 = tpu.vector_load %arg8[%get3A_505] {strides = array<i32>} : memref<6400xf32, #tpu.memory_space<vmem>>, vector<16xf32>,
      %bitcast3A_507 = vector.bitcast %get3A_499 : vector<16xf32> to vector<32xbf16>
      %bitcast3A_508 = vector.bitcast %get3A_502 : vector<16xf32> to vector<32xbf16>
      %mul3A_509 = arith.mulf %bitcast3A_507, %bitcast3A_508 : vector<32xbf16>
      %bitcast3A_510 = vector.bitcast %get3A_506 : vector<16xf32> to vector<32xbf16>
      %mul3A_511 = arith.mulf %mul3A_509, %bitcast3A_510 : vector<32xbf16>
      %bitcast3A_512 = vector.bitcast %mul3A_511 : vector<32xbf16> to vector<16xi32>
      %shift_left3A_513 = arith.constant 16 : i32
      %shift_left3A_514 = vector.broadcast %shift_left3A_513 : i32 to vector<16xi32>
      %shift_left3A_515 = arith.shli %bitcast3A_512, %shift_left3A_514 : vector<16xi32>
      %bitcast3A_516 = vector.bitcast %shift_left3A_515 : vector<16xi32> to vector<16xf32>
      %and3A_517 = arith.constant -65536 : i32
      %and3A_518 = vector.broadcast %and3A_517 : i32 to vector<16xi32>
      %and3A_519 = arith.andi %bitcast3A_512, %and3A_518 : vector<16xi32>
      %bitcast3A_520 = vector.bitcast %and3A_519 : vector<16xi32> to vector<16xf32>
      %add3A_521 = arith.addf %broadcast_in_dim3A_348, %bitcast3A_516 : vector<16xf32>
      %add3A_522 = arith.addf %broadcast_in_dim3A_348, %bitcast3A_520 : vector<16xf32>
      %get3A_523 = arith.index_cast %add3A_494 : i32 to index
      %get3A_524 = arith.constant 16 : index
      %get3A_525 = tpu.vector_load %arg20[%get3A_523, %get3A_524] {strides = array<i32>} : memref<128x64xf32, #tpu.memory_space<vmem>>, vector<16xf32>,
      %get3A_526 = arith.index_cast %add3A_494 : i32 to index
      %get3A_527 = arith.constant 16 : index
      %get3A_528 = tpu.vector_load %arg23[%get3A_526, %get3A_527] {strides = array<i32>} : memref<128x64xf32, #tpu.memory_space<vmem>>, vector<16xf32>,
      %add3A_529 = arith.constant 16 : i32
      %add3A_530 = arith.addi %squeeze3A_496, %add3A_529 : i32
      %get3A_531 = arith.index_cast %add3A_530 : i32 to index
      %get3A_532 = tpu.vector_load %arg8[%get3A_531] {strides = array<i32>} : memref<6400xf32, #tpu.memory_space<vmem>>, vector<16xf32>,
      %bitcast3A_533 = vector.bitcast %get3A_525 : vector<16xf32> to vector<32xbf16>
      %bitcast3A_534 = vector.bitcast %get3A_528 : vector<16xf32> to vector<32xbf16>
      %mul3A_535 = arith.mulf %bitcast3A_533, %bitcast3A_534 : vector<32xbf16>
      %bitcast3A_536 = vector.bitcast %get3A_532 : vector<16xf32> to vector<32xbf16>
      %mul3A_537 = arith.mulf %mul3A_535, %bitcast3A_536 : vector<32xbf16>
      %bitcast3A_538 = vector.bitcast %mul3A_537 : vector<32xbf16> to vector<16xi32>
      %shift_left3A_539 = arith.constant 16 : i32
      %shift_left3A_540 = vector.broadcast %shift_left3A_539 : i32 to vector<16xi32>
      %shift_left3A_541 = arith.shli %bitcast3A_538, %shift_left3A_540 : vector<16xi32>
      %bitcast3A_542 = vector.bitcast %shift_left3A_541 : vector<16xi32> to vector<16xf32>
      %and3A_543 = arith.constant -65536 : i32
      %and3A_544 = vector.broadcast %and3A_543 : i32 to vector<16xi32>
      %and3A_545 = arith.andi %bitcast3A_538, %and3A_544 : vector<16xi32>
      %bitcast3A_546 = vector.bitcast %and3A_545 : vector<16xi32> to vector<16xf32>
      %add3A_547 = arith.addf %add3A_521, %bitcast3A_542 : vector<16xf32>
      %add3A_548 = arith.addf %add3A_522, %bitcast3A_546 : vector<16xf32>
      %get3A_549 = arith.index_cast %add3A_494 : i32 to index
      %get3A_550 = arith.constant 32 : index
      %get3A_551 = tpu.vector_load %arg20[%get3A_549, %get3A_550] {strides = array<i32>} : memref<128x64xf32, #tpu.memory_space<vmem>>, vector<16xf32>,
      %get3A_552 = arith.index_cast %add3A_494 : i32 to index
      %get3A_553 = arith.constant 32 : index
      %get3A_554 = tpu.vector_load %arg23[%get3A_552, %get3A_553] {strides = array<i32>} : memref<128x64xf32, #tpu.memory_space<vmem>>, vector<16xf32>,
      %add3A_555 = arith.constant 32 : i32
      %add3A_556 = arith.addi %squeeze3A_496, %add3A_555 : i32
      %get3A_557 = arith.index_cast %add3A_556 : i32 to index
      %get3A_558 = tpu.vector_load %arg8[%get3A_557] {strides = array<i32>} : memref<6400xf32, #tpu.memory_space<vmem>>, vector<16xf32>,
      %bitcast3A_559 = vector.bitcast %get3A_551 : vector<16xf32> to vector<32xbf16>
      %bitcast3A_560 = vector.bitcast %get3A_554 : vector<16xf32> to vector<32xbf16>
      %mul3A_561 = arith.mulf %bitcast3A_559, %bitcast3A_560 : vector<32xbf16>
      %bitcast3A_562 = vector.bitcast %get3A_558 : vector<16xf32> to vector<32xbf16>
      %mul3A_563 = arith.mulf %mul3A_561, %bitcast3A_562 : vector<32xbf16>
      %bitcast3A_564 = vector.bitcast %mul3A_563 : vector<32xbf16> to vector<16xi32>
      %shift_left3A_565 = arith.constant 16 : i32
      %shift_left3A_566 = vector.broadcast %shift_left3A_565 : i32 to vector<16xi32>
      %shift_left3A_567 = arith.shli %bitcast3A_564, %shift_left3A_566 : vector<16xi32>
      %bitcast3A_568 = vector.bitcast %shift_left3A_567 : vector<16xi32> to vector<16xf32>
      %and3A_569 = arith.constant -65536 : i32
      %and3A_570 = vector.broadcast %and3A_569 : i32 to vector<16xi32>
      %and3A_571 = arith.andi %bitcast3A_564, %and3A_570 : vector<16xi32>
      %bitcast3A_572 = vector.bitcast %and3A_571 : vector<16xi32> to vector<16xf32>
      %add3A_573 = arith.addf %add3A_547, %bitcast3A_568 : vector<16xf32>
      %add3A_574 = arith.addf %add3A_548, %bitcast3A_572 : vector<16xf32>
      %get3A_575 = arith.index_cast %add3A_494 : i32 to index
      %get3A_576 = arith.constant 48 : index
      %get3A_577 = tpu.vector_load %arg20[%get3A_575, %get3A_576] {strides = array<i32>} : memref<128x64xf32, #tpu.memory_space<vmem>>, vector<16xf32>,
      %get3A_578 = arith.index_cast %add3A_494 : i32 to index
      %get3A_579 = arith.constant 48 : index
      %get3A_580 = tpu.vector_load %arg23[%get3A_578, %get3A_579] {strides = array<i32>} : memref<128x64xf32, #tpu.memory_space<vmem>>, vector<16xf32>,
      %add3A_581 = arith.constant 48 : i32
      %add3A_582 = arith.addi %squeeze3A_496, %add3A_581 : i32
      %get3A_583 = arith.index_cast %add3A_582 : i32 to index
      %get3A_584 = tpu.vector_load %arg8[%get3A_583] {strides = array<i32>} : memref<6400xf32, #tpu.memory_space<vmem>>, vector<16xf32>,
      %bitcast3A_585 = vector.bitcast %get3A_577 : vector<16xf32> to vector<32xbf16>
      %bitcast3A_586 = vector.bitcast %get3A_580 : vector<16xf32> to vector<32xbf16>
      %mul3A_587 = arith.mulf %bitcast3A_585, %bitcast3A_586 : vector<32xbf16>
      %bitcast3A_588 = vector.bitcast %get3A_584 : vector<16xf32> to vector<32xbf16>
      %mul3A_589 = arith.mulf %mul3A_587, %bitcast3A_588 : vector<32xbf16>
      %bitcast3A_590 = vector.bitcast %mul3A_589 : vector<32xbf16> to vector<16xi32>
      %shift_left3A_591 = arith.constant 16 : i32
      %shift_left3A_592 = vector.broadcast %shift_left3A_591 : i32 to vector<16xi32>
      %shift_left3A_593 = arith.shli %bitcast3A_590, %shift_left3A_592 : vector<16xi32>
      %bitcast3A_594 = vector.bitcast %shift_left3A_593 : vector<16xi32> to vector<16xf32>
      %and3A_595 = arith.constant -65536 : i32
      %and3A_596 = vector.broadcast %and3A_595 : i32 to vector<16xi32>
      %and3A_597 = arith.andi %bitcast3A_590, %and3A_596 : vector<16xi32>
      %bitcast3A_598 = vector.bitcast %and3A_597 : vector<16xi32> to vector<16xf32>
      %add3A_599 = arith.addf %add3A_573, %bitcast3A_594 : vector<16xf32>
      %add3A_600 = arith.addf %add3A_574, %bitcast3A_598 : vector<16xf32>
      %broadcast_in_dim3A_601 = vector.broadcast %add3A_494 : i32 to vector<16xi32>
      %add3A_602 = arith.addf %add3A_599, %add3A_600 : vector<16xf32>
      tpu.vector_store_idx %arg26[%broadcast_in_dim3A_601], %add3A_602 {add = true} : memref<128xf32, #tpu.memory_space<vmem>>[vector<16xi32>], vector<16xf32>,
    }
    %scan3A_360 = arith.constant 64 : i32
    %add3A_361 = arith.constant 15616 : i32
    %add3A_362 = arith.addi %mul3A_2, %add3A_361 : i32
    %dma_start3A_363 = tpu.memref_slice %arg7[%add3A_362] : memref<503808xf32, #tpu.memory_space<hbm>> -> memref<128xf32, #tpu.memory_space<hbm>>
    %dma_start3A_364 = tpu.memref_slice %arg7[%add3A_362] : memref<503808xf32, #tpu.memory_space<hbm>> -> memref<128xf32, #tpu.memory_space<hbm>>
    tpu.enqueue_dma source(%arg26 : memref<128xf32, #tpu.memory_space<vmem>>) target(%dma_start3A_364 : memref<128xf32, #tpu.memory_space<hbm>>) target_semaphore(%arg35 : memref<!tpu.dma_semaphore, #tpu.memory_space<semaphore_mem>>)
    %dma_wait3A_365 = arith.constant 0 : i32
    %dma_wait3A_366 = tpu.memref_slice %arg7[%dma_wait3A_365] : memref<503808xf32, #tpu.memory_space<hbm>> -> memref<128xf32, #tpu.memory_space<hbm>>
    %dma_wait3A_367 = arith.constant 0 : i32
    %dma_wait3A_368 = tpu.memref_slice %arg7[%dma_wait3A_367] : memref<503808xf32, #tpu.memory_space<hbm>> -> memref<128xf32, #tpu.memory_space<hbm>>
    tpu.wait_dma2 semaphore(%arg33 : memref<!tpu.dma_semaphore, #tpu.memory_space<semaphore_mem>>) src(%arg24 : memref<128xf32, #tpu.memory_space<vmem>>) dst(%dma_wait3A_368 : memref<128xf32, #tpu.memory_space<hbm>>)
    %dma_wait3A_369 = arith.constant 0 : i32
    %dma_wait3A_370 = tpu.memref_slice %arg7[%dma_wait3A_369] : memref<503808xf32, #tpu.memory_space<hbm>> -> memref<128xf32, #tpu.memory_space<hbm>>
    %dma_wait3A_371 = arith.constant 0 : i32
    %dma_wait3A_372 = tpu.memref_slice %arg7[%dma_wait3A_371] : memref<503808xf32, #tpu.memory_space<hbm>> -> memref<128xf32, #tpu.memory_space<hbm>>
    tpu.wait_dma2 semaphore(%arg34 : memref<!tpu.dma_semaphore, #tpu.memory_space<semaphore_mem>>) src(%arg25 : memref<128xf32, #tpu.memory_space<vmem>>) dst(%dma_wait3A_372 : memref<128xf32, #tpu.memory_space<hbm>>)
    %dma_wait3A_373 = arith.constant 0 : i32
    %dma_wait3A_374 = tpu.memref_slice %arg7[%dma_wait3A_373] : memref<503808xf32, #tpu.memory_space<hbm>> -> memref<128xf32, #tpu.memory_space<hbm>>
    %dma_wait3A_375 = arith.constant 0 : i32
    %dma_wait3A_376 = tpu.memref_slice %arg7[%dma_wait3A_375] : memref<503808xf32, #tpu.memory_space<hbm>> -> memref<128xf32, #tpu.memory_space<hbm>>
    tpu.wait_dma2 semaphore(%arg35 : memref<!tpu.dma_semaphore, #tpu.memory_space<semaphore_mem>>) src(%arg26 : memref<128xf32, #tpu.memory_space<vmem>>) dst(%dma_wait3A_376 : memref<128xf32, #tpu.memory_space<hbm>>)
    return
  }
}

</mosaic_0001>

<sc_bundles>
// kernel: kernel.3.cloned.1.call-start
scs
__scs_entry_jumppad:
0x0: {  	(pc) =	sbr.rel $0x88, $3  }
0x1: {  	(tag) =	ssettag $0x0;
	lr =	simm.s32 $0x1  }
0x2: {  	[smem:$0x3F9C] =	sst lr;
	_ =	strace $0xD0000000  }
0x3: {  	_ = 	snop  }
0x4: {  	_ = 	snop  }
0x5: {  	_ = 	snop  }
0x6: {  	_ = 	snop  }
0x7: {  	_ = 	snop  }
__scs_overlays_trampoline_lowered:
0x8: {  	[smem:$0x3FAB] =	sst s0  }
0x9: {  	[smem:$0x3FAC] =	sst s1  }
0xa: {  	[smem:$0x3FAD] =	sst s2  }
0xb: {  	[smem:$0x3FAE] =	sst s3  }
0xc: {  	[smem:$0x3FAF] =	sst s4  }
0xd: {  	[smem:$0x3FB0] =	sst s5  }
0xe: {  	[smem:$0x3FB1] =	sst s6  }
0xf: {  	[smem:$0x3FB2] =	sst s7  }
0x10: {  	[smem:$0x3FB3] =	sst s8  }
0x11: {  	[smem:$0x3FB4] =	sst s9;
	s0 =	simm.s32 @!p0 $0x0  }
0x12: {  	s1 =	sld [smem:$0x3F9A];
	s0 =	simm.s32 @p0 $0x1  }
0x13: {  	[smem:$0x3FB5] =	sst s0;
	s0 =	simm.s32 @!p1 $0x0  }
0x14: {  	s2 =	sld [smem:$0x3F99];
	s0 =	simm.s32 @p1 $0x1  }
0x15: {  	[smem:$0x3FB6] =	sst s0;
	s0 =	simm.s32 @!p2 $0x0  }
0x16: {  	s3 =	sld [smem:$0x3FDB];
	s0 =	simm.s32 @p2 $0x1  }
0x17: {  	s4 =	simm.s32 $0x1BF5;
	[smem:$0x3FB8] =	sst s0  }
0x18: {  	s0 =	sld [smem:$0x3F9B];
	_ =	swait.ge [sflag:s4], $0x0  }
0x19: {  	s7 =	sld [smem:$0x3F9C]  }
0x1a: {  	s8 =	sadd.s32 $0xFFFFE003, lr  }
0x1b: {  	s9 =	sadd.s32 $0xFFFFFEF7, lr;
	s5 =	simm.s32 $0xFFFFFFFF;
	p2 =	slt.u32 s8, $0xFFFFF086  }
0x1c: {  	p1 =	slt.u32 s9, $0xF7A;
	s5 =	simm.s32 @!p2 $0x0  }
0x1d: {  	s5 =	simm.s32 @p1 $0x1;
	p0 =	seq.s32 s7, s2  }
0x1e: {  	s7 =	smul.u32 @!p0 $0xF7A, s2;
	p2 =	seq.s32 @!p0 s5, $0x0  }
0x1f: {  	s9 =	smul.u32 $0xF7A, s1;
	s8 =	simm.s32 @!p0 $0x1BF5;
	p2 =	por !p2, p0  }
0x20: {  	[sflag:s8] =	ssyncset.s32 @!p0 $0xFFFFF086;
	s6 =	sadd.s32 @!p0 s3, s7;
	s7 =	simm.s32 @!p0 $0x108  }
0x21: {  	s3 =	sadd.s32 s3, s9;
	s6 =	sadd.s32 @!p0 $0x88, s6;
	s7 =	simm.s32 @p2 $0x1082  }
0x22: {  	[simem:s7], [sflag:s8] =	dma.local @!p0 [hbm:s6], $0xF7A  }
0x23: {  	s9 =	sor.u32 $0xD0000000, s2;
	s6 =	simm.s32 $0x108;
	_ =	swait.ge @!p0 [sflag:s8], $0x0  }
0x24: {  	s3 =	sadd.s32 $0x88, s3;
	s6 =	simm.s32 @!p1 $0x1082;
	[sflag:s4] =	ssyncset.s32 $0xFFFFF086  }
0x25: {  	[simem:s6], [sflag:s4] =	dma.local [hbm:s3], $0xF7A  }
0x26: {  	[smem:$0x3F9C] =	sst s1;
	(tag) =	ssettag s2;
	_ =	strace s9  }
0x27: {  	s1 =	sld [smem:$0x3FAC]  }
0x28: {  	s2 =	sld [smem:$0x3FAD]  }
0x29: {  	s4 =	sld [smem:$0x3FAF]  }
0x2a: {  	p0 =	seq.s32 s5, $0x0;
	s5 =	sld [smem:$0x3FB0]  }
0x2b: {  	s6 =	sld [smem:$0x3FB1]  }
0x2c: {  	s7 =	sld [smem:$0x3FB2]  }
0x2d: {  	s3 =	simm.s32 $0x108;
	s8 =	sld [smem:$0x3FB3]  }
0x2e: {  	s3 =	simm.s32 @!p0 $0x1082;
	s9 =	sld [smem:$0x3FB4]  }
0x2f: {  	lr =	sadd.s32 s0, s3;
	s0 =	sld [smem:$0x3FAB]  }
0x30: {  	s3 =	sld [smem:$0x3FAE]  }
0x31: {  	[smem:$0x3FB7] =	sst s10  }
0x32: {  	s10 =	sld [smem:$0x3FB5];
	_ =	sdelay $0x3  }
0x33: {  	p0 =	seq.s32 s10, $0x1;
	s10 =	sld [smem:$0x3FB7];
	_ =	sdelay $0x3  }
0x34: {  	[smem:$0x3FB7] =	sst s10  }
0x35: {  	s10 =	sld [smem:$0x3FB6];
	_ =	sdelay $0x3  }
0x36: {  	p1 =	seq.s32 s10, $0x1;
	s10 =	sld [smem:$0x3FB7];
	_ =	sdelay $0x3  }
0x37: {  	[smem:$0x3FB7] =	sst s10  }
0x38: {  	s10 =	sld [smem:$0x3FB8]  }
0x39: {  	_ = 	snop;
	(pc) =	sbr.ind lr, $3  }
0x3a: {  	_ = 	snop  }
0x3b: {  	_ = 	snop  }
0x3c: {  	p2 =	seq.s32 s10, $0x1;
	s10 =	sld [smem:$0x3FB7]  }
0x3d: {  	_ =	shalt  }
0x3e: {  	_ =	shalt  }
0x3f: {  	_ =	shalt  }
0x40: {  	_ =	shalt  }
0x41: {  	_ =	shalt  }
0x42: {  	_ =	shalt  }
0x43: {  	_ =	shalt  }
0x44: {  	_ =	shalt  }
0x45: {  	_ =	shalt  }
0x46: {  	_ =	shalt  }
0x47: {  	_ =	shalt  }
0x48: {  	_ =	shalt  }
0x49: {  	_ =	shalt  }
0x4a: {  	_ =	shalt  }
0x4b: {  	_ =	shalt  }
0x4c: {  	_ =	shalt  }
0x4d: {  	_ =	shalt  }
0x4e: {  	_ =	shalt  }
0x4f: {  	_ =	shalt  }
0x50: {  	_ =	shalt  }
0x51: {  	_ =	shalt  }
0x52: {  	_ =	shalt  }
0x53: {  	_ =	shalt  }
0x54: {  	_ =	shalt  }
0x55: {  	_ =	shalt  }
0x56: {  	_ =	shalt  }
0x57: {  	_ =	shalt  }
0x58: {  	_ =	shalt  }
0x59: {  	_ =	shalt  }
0x5a: {  	_ =	shalt  }
0x5b: {  	_ =	shalt  }
0x5c: {  	_ =	shalt  }
0x5d: {  	_ =	shalt  }
0x5e: {  	_ =	shalt  }
0x5f: {  	_ =	shalt  }
0x60: {  	_ =	shalt  }
0x61: {  	_ =	shalt  }
0x62: {  	_ =	shalt  }
0x63: {  	_ =	shalt  }
0x64: {  	_ =	shalt  }
0x65: {  	_ =	shalt  }
0x66: {  	_ =	shalt  }
0x67: {  	_ =	shalt  }
0x68: {  	_ =	shalt  }
0x69: {  	_ =	shalt  }
0x6a: {  	_ =	shalt  }
0x6b: {  	_ =	shalt  }
0x6c: {  	_ =	shalt  }
0x6d: {  	_ =	shalt  }
0x6e: {  	_ =	shalt  }
0x6f: {  	_ =	shalt  }
0x70: {  	_ =	shalt  }
0x71: {  	_ =	shalt  }
0x72: {  	_ =	shalt  }
0x73: {  	_ =	shalt  }
0x74: {  	_ =	shalt  }
0x75: {  	_ =	shalt  }
0x76: {  	_ =	shalt  }
0x77: {  	_ =	shalt  }
0x78: {  	_ =	shalt  }
0x79: {  	_ =	shalt  }
0x7a: {  	_ =	shalt  }
0x7b: {  	_ =	shalt  }
0x7c: {  	_ =	shalt  }
0x7d: {  	_ =	shalt  }
0x7e: {  	_ =	shalt  }
0x7f: {  	_ =	shalt  }
0x80: {  	_ =	shalt  }
0x81: {  	_ =	shalt  }
0x82: {  	_ =	shalt  }
0x83: {  	_ =	shalt  }
0x84: {  	_ =	shalt  }
0x85: {  	_ =	shalt  }
0x86: {  	_ =	shalt  }
0x87: {  	_ =	shalt  }
.Lfunc_end0:
.L_simem_size_0:
called_computation_lowered:
.L_overlay_start_0:
0x88: {  	s2 =	sld [smem:$0x3FD9]  }
0x89: {  	s3 =	sld [smem:$0x3FFE];
	_ =	sdelay $0x1  }
0x8a: {  	s1 =	srdreg.scid  }
0x8b: {  	s0 =	sand.u32 $0x1, s1  }
0x8c: {  	s17 =	sshll.u32 s0, $0xA;
	s2 =	sadd.s32 s3, s2  }
0x8d: {  	s2 =	sadd.s32 s2, s17  }
0x8e: {  	[smem:$0x3FC3] =	sst s2  }
0x8f: {  	_ = 	snop  }
0x90: {  	s2 =	sld [smem:$0x3FD0];
	(tm) =	ssettm $0x1  }
0x91: {  	s18 =	sld [smem:$0x3FFB];
	_ =	sdelay $0x3  }
0x92: {  	_ =	strace s18  }
0x93: {  	s3 =	sld [smem:$0x3FFC];
	_ =	sdelay $0x3  }
0x94: {  	_ =	strace s3  }
0x95: {  	s3 =	sld [smem:$0x3FFD];
	_ =	sdelay $0x3  }
0x96: {  	_ =	strace s3  }
0x97: {  	_ =	strace $0x8FFFFFFF  }
0x98: {  	s19 =	sld [smem:$0x3FDB];
	_ =	sdelay $0x1  }
0x99: {  	s4 =	simm.s32 $_scs_section_size  }
0x9a: {  	s5 =	simm.s32 $_size__tile_overlayer_lowered;
	s6 =	simm.s32 $_tile_overlayer_lowered  }
0x9b: {  	s22 =	simm.s32 $0x1BFF;
	s21 =	sshll.u32 s6, $0x1;
	s3 =	sadd.s32 s4, s19  }
0x9c: {  	s7 =	simm.s32 $0x0;
	s20 =	sshll.u32 s5, $0x1;
	s5 =	sadd.s32 s21, s3  }
0x9d: {  	[timem:s7], [sflag:s22] =	dma.local [hbm:s5], s20  }
0x9e: {  	_ =	swait.ge [sflag:s22], s20  }
0x9f: {  	s4 =	ssub.s32 $0x0, s20;
	[sflag:s22] =	ssyncset.done $0x0  }
0xa0: {  	[sflag:s22] =	ssyncadd.s32 s4;
	_ =	sdelay $0x1  }
0xa1: {  	s23 =	simm.s32 $0x1B8B  }
0xa2: {  	_ =	swait.ge [sflag:s23], $0x1  }
0xa3: {  	[sflag:s23] =	ssyncset.done $0x0  }
0xa4: {  	s25 =	simm.s32 $0x1B8E;
	s24 =	sld [smem:$0x3FFE];
	[sflag:s23] =	ssyncadd.s32 $0xFFFFFFFF  }
0xa5: {  	s26 =	simm.s32 $execute0_lowered;
	[smem:$0x3FD2] =	sst s25  }
0xa6: {  	s5 =	sshll.u32 s26, $0x1;
	_ =	strace $0x80000046;
	[dreg:$0x1] =	wrdreg $0xFFFFFFFF  }
0xa7: {  	s28 =	simm.s32 $_size_execute0_lowered;
	s3 =	sadd.s32 s3, s5;
	[dreg:$0x0] =	wrdreg $0x0  }
0xa8: {  	s5 =	sshll.u32 s28, $0x1;
	[dreg:$0x2] =	wrdreg s3  }
0xa9: {  	[dreg:$0x3] =	wrdreg s5  }
0xaa: {  	[dreg:$0x4] =	wrdreg $0xC0  }
0xab: {  	_ =	task [dreg:s7], $0x5FFFF  }
0xac: {  	[dreg:$0x1] =	wrdreg $0xFFFFFFFF  }
0xad: {  	[dreg:$0x0] =	wrdreg $0x60  }
0xae: {  	[dreg:$0x2] =	wrdreg s24  }
0xaf: {  	[dreg:$0x3] =	wrdreg s2  }
0xb0: {  	[dreg:$0x4] =	wrdreg $0x9  }
0xb1: {  	_ =	task.clear_ibuf [dreg:s7], $0x5FFFF;
	_ =	strace $0x90000046  }
0xb2: {  	s29 =	simm.s32 $0x9;
	_ =	strace $0x80000048  }
0xb3: {  	_ =	swait.ge [sflag:s29], $0x1  }
0xb4: {  	[sflag:s29] =	ssyncadd.s32 $0xFFFFFFFF  }
0xb5: {  	_ =	strace $0x90000048  }
0xb6: {  	_ =	sfence  }
0xb7: {  	s30 =	sld [smem:$0x0];
	_ =	sdelay $0x2  }
0xb8: {  	s31 =	sshll.u32 s1, $0xD;
	s1 =	sshrl.u32 s1, $0x2  }
0xb9: {  	s3 =	sand.u32 $0x4000, s31;
	s1 =	sadd.s32 s1, s30  }
0xba: {  	s0 =	sor.u32 s3, s0;
	s1 =	sshll.u32 s1, $0x11  }
0xbb: {  	s0 =	sor.u32 s1, s0  }
0xbc: {  	s0 =	sadd.s32 $0x8F2B, s0  }
0xbd: {  	[sflag:s0] =	ssyncadd.remote.s32 $0x1  }
0xbe: {  	_ =	sfence.sel $0xFFFF  }
0xbf: {  	[dreg:$0x0] =	wrdreg $0xFFFFFFFF;
	(pc) =	sbr.abs _section_cstart, $3  }
0xc0: {  	[dreg:$0x1] =	wrdreg $0xFFFFFFFF  }
0xc1: {  	_ =	task.clear_ibuf [dreg:s7], $0x2FFFF;
	_ =	strace $0x9FFFFFFF  }
0xc2: {  	(tm) =	ssettm $0x7FFFFFFF  }
0xc3: {  	_ =	shalt  }
tec
execute0_lowered:
.L_overlay_start_1:
0x0: {  	(tag) =	ssettag $0x1  }
0x1: {  	s0 =	rddreg [dreg:$0x0]  }
0x2: {  	s1 =	srdreg.scid;
	s2 =	stileid.u32  }
0x3: {  	s3 =	simm.s32 $0x0;
	s1 =	sand.u32 $0x1, s1;
	s2 =	sshll.u32 s2, $0x1  }
0x4: {  	[smem:$0x7FF] =	sst s3;
	s4 =	sadd.s32 $0xC00, s0;
	s2 =	sor.u32 s1, s2  }
0x5: {  	s5 =	sadd.s32 $0xE2E00, s0;
	s6 =	sadd.s32 $0xD3800, s0;
	s2 =	smul.u32 $0x3D80, s2  }
0x6: {  	s7 =	sadd.s32 $0xC4200, s0;
	s8 =	sadd.s32 $0xF2400, s0;
	s1 =	ssub.s32 $0x2, s1  }
0x7: {  	_ =	strace $0x80000047;
	s9 =	sshrl.u32 s1, $0x1;
	s11 =	sadd.s32 $0x180, s2  }
0x8: {  	s0 =	ssub.s32 s1, s9;
	s23 =	sadd.s32 $0x200, s2;
	[dreg:$0x9] =	wrdreg s11  }
0x9: {  	s14 =	sshrl.u32 s2, $0x3;
	s0 =	smax.u32 s0, $0x1;
	[dreg:$0xb] =	wrdreg s23  }
0xa: {  	s15 =	sadd.s32 s5, s14;
	s16 =	sadd.s32 s7, s14;
	[dreg:$0x1e] =	wrdreg s0  }
0xb: {  	s17 =	sadd.s32 $0x10, s14;
	s10 =	sadd.s32 s6, s14;
	[dreg:$0x3] =	wrdreg s15  }
0xc: {  	s21 =	sadd.s32 $0x20, s14;
	s12 =	sadd.s32 s8, s14;
	[dreg:$0x4] =	wrdreg s16  }
0xd: {  	s22 =	sshrl.u32 s11, $0x3;
	s14 =	sadd.s32 $0x280, s2;
	[dreg:$0x5] =	wrdreg s10  }
0xe: {  	s11 =	sshrl.u32 s23, $0x3;
	s23 =	sadd.s32 $0x400, s2;
	[dreg:$0x13] =	wrdreg s14  }
0xf: {  	[dreg:$0x1d] =	wrdreg s23  }
0x10: {  	s18 =	sadd.s32 s5, s17;
	[dreg:$0xa] =	wrdreg s12  }
0x11: {  	s19 =	sadd.s32 s7, s17;
	[dreg:$0x6] =	wrdreg s18  }
0x12: {  	s20 =	sadd.s32 s6, s17;
	[dreg:$0x7] =	wrdreg s19  }
0x13: {  	s13 =	sadd.s32 s5, s22;
	[dreg:$0x8] =	wrdreg s20  }
0x14: {  	s24 =	sadd.s32 s7, s22;
	[dreg:$0xc] =	wrdreg s13  }
0x15: {  	s29 =	simm.s32 $0x1;
	s1 =	sadd.s32 s6, s22;
	[dreg:$0xd] =	wrdreg s24  }
0x16: {  	s30 =	simm.s32 $0x80;
	s25 =	sadd.s32 s8, s17;
	[dreg:$0xe] =	wrdreg s1  }
0x17: {  	s31 =	simm.s32 $0x5;
	s26 =	sadd.s32 s5, s11;
	[dreg:$0xf] =	wrdreg s25  }
0x18: {  	s28 =	simm.s32 $0x8;
	s9 =	sadd.s32 s7, s11;
	[dreg:$0x10] =	wrdreg s26  }
0x19: {  	s0 =	simm.s32 $0xDE30;
	s15 =	sadd.s32 s5, s21;
	[dreg:$0x11] =	wrdreg s9  }
0x1a: {  	s16 =	sadd.s32 s7, s21;
	s17 =	sadd.s32 s6, s21;
	[dreg:$0x14] =	wrdreg s15  }
0x1b: {  	s22 =	sadd.s32 $0x380, s2;
	s23 =	simm.s32 $0x7;
	[dreg:$0x15] =	wrdreg s16  }
0x1c: {  	s13 =	sadd.s32 s6, s11;
	s1 =	sshrl.u32 s14, $0x3;
	[dreg:$0x16] =	wrdreg s17  }
0x1d: {  	s18 =	sadd.s32 s8, s21;
	s21 =	sadd.s32 $0x300, s2;
	[dreg:$0x1c] =	wrdreg s22  }
0x1e: {  	s24 =	sadd.s32 $0x780, s12;
	s25 =	sadd.s32 $0x790, s12;
	[dreg:$0x12] =	wrdreg s13  }
0x1f: {  	s26 =	sadd.s32 $0x7A0, s12;
	s14 =	simm.s32 $0xDDB0;
	[dreg:$0x17] =	wrdreg s18  }
0x20: {  	s11 =	simm.s32 $0x6;
	s12 =	simm.s32 $0xDEB0;
	[dreg:$0x1b] =	wrdreg s21  }
0x21: {  	s16 =	simm.s32 $0x9;
	s9 =	simm.s32 $0x0;
	[dreg:$0x1f] =	wrdreg s24  }
0x22: {  	s22 =	simm.s32 $0x1B00;
	s19 =	sadd.s32 s5, s1;
	[smem:$0x7FC] =	sst s25  }
0x23: {  	s20 =	sadd.s32 s7, s1;
	s1 =	sadd.s32 s6, s1;
	[smem:$0x7FD] =	sst s26  }
0x24: {  	s21 =	simm.s32 $0x1A00;
	s13 =	simm.s32 $0x4;
	[dreg:$0x18] =	wrdreg s19  }
0x25: {  	s18 =	simm.s32 $0x3;
	s24 =	simm.s32 $0x1A80;
	[dreg:$0x19] =	wrdreg s20  }
0x26: {  	v0 =	vimm.f32 $0.0e+00;
	s26 =	simm.s32 $0x1980;
	[dreg:$0x1a] =	wrdreg s1;
	s1 =	simm.s32 $0x2  }
.LBB2_1:
0x27: {  	[smem:$0x7FB] =	sst s9  }
0x28: {  	s2 =	rddreg [dreg:$0x1];
	s19 =	simm.s32 $0xA  }
0x29: {  	[tilespmem:s3], [sflag:$0xA] =	stream.linear.gather [hbm4b:s2+s3], $0x1900, $0x38;
	[tilespmem:$0xDF30] =	vst v63  }
0x2a: {  	_ =	swait.ge [sflag:s19], $0x1900  }
0x2b: {  	[sflag:s19] =	ssyncset.done $0x0  }
0x2c: {  	s9 =	simm.s32 $0x1900;
	s20 =	rddreg [dreg:$0x3];
	[sflag:s19] =	ssyncadd.s32 $0xFFFFE700  }
0x2d: {  	[tilespmem:s9], [sflag:$0x1] =	stream.linear.gather [hbm4b:s20+s3], $0x80, $0x38;
	[tilespmem:$0xDF30] =	vst v63  }
0x2e: {  	s10 =	simm.s32 $0x1A80;
	s25 =	rddreg [dreg:$0x4]  }
0x2f: {  	[tilespmem:s10], [sflag:$0x1] =	stream.linear.gather [hbm4b:s25+s3], $0x80, $0x38;
	[tilespmem:$0xDF30] =	vst v63  }
0x30: {  	s15 =	rddreg [dreg:$0x5];
	s20 =	simm.s32 $0x1C00  }
0x31: {  	[tilespmem:s20], [sflag:$0x1] =	stream.linear.gather [hbm4b:s15+s3], $0x80, $0x38;
	[tilespmem:$0xDF30] =	vst v63  }
0x32: {  	s17 =	rddreg [dreg:$0x6];
	s15 =	simm.s32 $0x1980  }
0x33: {  	[tilespmem:s15], [sflag:$0x2] =	stream.linear.gather [hbm4b:s17+s3], $0x80, $0x38;
	[tilespmem:$0xDF30] =	vst v63  }
0x34: {  	s19 =	rddreg [dreg:$0x7];
	s17 =	simm.s32 $0x1B00  }
0x35: {  	[tilespmem:s17], [sflag:$0x2] =	stream.linear.gather [hbm4b:s19+s3], $0x80, $0x38;
	[tilespmem:$0xDF30] =	vst v63  }
0x36: {  	s25 =	rddreg [dreg:$0x8];
	s19 =	simm.s32 $0x1C90  }
0x37: {  	[tilespmem:s19], [sflag:$0x2] =	stream.linear.gather [hbm4b:s25+s3], $0x80, $0x38;
	[tilespmem:$0xDF30] =	vst v63  }
0x38: {  	s25 =	rddreg [dreg:$0x14]  }
0x39: {  	[tilespmem:s21], [sflag:$0x3] =	stream.linear.gather [hbm4b:s25+s3], $0x80, $0x38;
	[tilespmem:$0xDF30] =	vst v63  }
0x3a: {  	s19 =	rddreg [dreg:$0x15];
	s25 =	simm.s32 $0x1B80  }
0x3b: {  	[tilespmem:s25], [sflag:$0x3] =	stream.linear.gather [hbm4b:s19+s3], $0x80, $0x38;
	[tilespmem:$0xDF30] =	vst v63  }
0x3c: {  	s19 =	rddreg [dreg:$0x16];
	s25 =	simm.s32 $0x1D20  }
0x3d: {  	[tilespmem:s25], [sflag:$0x3] =	stream.linear.gather [hbm4b:s19+s3], $0x80, $0x38;
	[tilespmem:$0xDF30] =	vst v63  }
0x3e: {  	_ =	swait.ge [sflag:s29], $0x80  }
0x3f: {  	[sflag:s29] =	ssyncset.done $0x0  }
0x40: {  	[sflag:s29] =	ssyncadd.s32 $0xFFFFFF80  }
0x41: {  	_ =	swait.ge [sflag:s29], $0x80  }
0x42: {  	[sflag:s29] =	ssyncset.done $0x0  }
0x43: {  	[sflag:s29] =	ssyncadd.s32 $0xFFFFFF80  }
0x44: {  	_ =	swait.ge [sflag:s29], $0x80  }
0x45: {  	[sflag:s29] =	ssyncset.done $0x0  }
0x46: {  	s25 =	simm.s32 $0x1DB0;
	[sflag:s29] =	ssyncadd.s32 $0xFFFFFF80  }
0x47: {  	[tilespmem:s25], [sflag:$0x4] =	stream.indirect.gather [hbm4b:s4+s30], $0x40, s9, s30, $0xb8;
	[tilespmem:$0xDF30] =	vst v63  }
0x48: {  	s9 =	simm.s32 $0x7DB0  }
0x49: {  	[tilespmem:s9], [sflag:$0x4] =	stream.indirect.gather [hbm4b:s4+s30], $0x40, s10, s30, $0xb8;
	[tilespmem:$0xDF30] =	vst v63  }
0x4a: {  	_ =	swait.ge [sflag:s1], $0x80  }
0x4b: {  	[sflag:s1] =	ssyncset.done $0x0  }
0x4c: {  	[sflag:s1] =	ssyncadd.s32 $0xFFFFFF80  }
0x4d: {  	_ =	swait.ge [sflag:s1], $0x80  }
0x4e: {  	[sflag:s1] =	ssyncset.done $0x0  }
0x4f: {  	[sflag:s1] =	ssyncadd.s32 $0xFFFFFF80  }
0x50: {  	_ =	swait.ge [sflag:s1], $0x80  }
0x51: {  	[sflag:s1] =	ssyncset.done $0x0  }
0x52: {  	s10 =	simm.s32 $0x3DB0;
	[sflag:s1] =	ssyncadd.s32 $0xFFFFFF80  }
0x53: {  	[tilespmem:s10], [sflag:$0x5] =	stream.indirect.gather [hbm4b:s4+s30], $0x40, s15, s30, $0xb8;
	[tilespmem:$0xDF30] =	vst v63  }
0x54: {  	s19 =	simm.s32 $0x9DB0  }
0x55: {  	[tilespmem:s19], [sflag:$0x5] =	stream.indirect.gather [hbm4b:s4+s30], $0x40, s17, s30, $0xb8;
	[tilespmem:$0xDF30] =	vst v63  }
0x56: {  	_ =	swait.ge [sflag:s13], $0x2000  }
0x57: {  	[sflag:s13] =	ssyncset.done $0x0  }
0x58: {  	[sflag:s13] =	ssyncadd.s32 $0xFFFFE000  }
0x59: {  	_ =	swait.ge [sflag:s13], $0x2000  }
0x5a: {  	[sflag:s13] =	ssyncset.done $0x0  }
0x5b: {  	[sflag:s13] =	ssyncadd.s32 $0xFFFFE000  }
0x5c: {  	[tilespmem:$0xDDB0] =	vst v0  }
0x5d: {  	[tilespmem:$0xDDC0] =	vst v0  }
0x5e: {  	[tilespmem:$0xDDD0] =	vst v0  }
0x5f: {  	[tilespmem:$0xDDE0] =	vst v0  }
0x60: {  	[tilespmem:$0xDDF0] =	vst v0  }
0x61: {  	[tilespmem:$0xDE00] =	vst v0  }
0x62: {  	[tilespmem:$0xDE10] =	vst v0  }
0x63: {  	[tilespmem:$0xDE20] =	vst v0  }
0x64: {  	v1 =	vld [tilespmem:s20+$0x0];
	_ =	sdelay $0x4  }
0x65: {  	v1 =	vshll.u32 v1, $0x6  }
0x66: {  	(v2sf) =	vpush v1, $0x0;
	_ =	sdelay $0x7  }
0x67: {  	s2 =	simm.s32 $0x7DF0  }
0x68: {  	s9 =	simm.s32 $0x1DF0;
	v2 =	vld [tilespmem:s2+$0xFFFFFFE0]  }
0x69: {  	v3 =	vld [tilespmem:s9+$0xFFFFFFE0]  }
0x6a: {  	v4 =	vld [tilespmem:s2+$0xFFFFFFF0]  }
0x6b: {  	v5 =	vld [tilespmem:s2+$0xFFFFFFD0]  }
0x6c: {  	v6 =	vld [tilespmem:s2+$0xFFFFFFC0]  }
0x6d: {  	v7 =	vld [tilespmem:s9+$0xFFFFFFC0]  }
0x6e: {  	v8 =	vld [tilespmem:s9+$0xFFFFFFD0];
	s20 =	spop (v2sf)  }
0x6f: {  	v9 =	vld [tilespmem:s20+$0x0]  }
0x70: {  	v10 =	vld [tilespmem:s9+$0xFFFFFFF0]  }
0x71: {  	v11 =	vld [tilespmem:s20+$0x10]  }
0x72: {  	v6 =	vmul.bf16 v6, v7;
	(v2sf) =	vpush v1, $0x1;
	v7 =	vld [tilespmem:s20+$0x30]  }
0x73: {  	v1 =	vld [tilespmem:s20+$0x20]  }
0x74: {  	v5 =	vmul.bf16 v5, v8;
	v6 =	vmul.bf16 v9, v6  }
0x75: {  	v2 =	vmul.bf16 v2, v3;
	v3 =	vmul.bf16 v4, v10  }
0x76: {  	v5 =	vmul.bf16 v11, v5;
	v4 =	vshll.u32 v6, $0x10;
	v6 =	vand.u32 $0xFFFF0000, v6  }
0x77: {  	v3 =	vmul.bf16 v7, v3;
	v4 =	vadd.f32 $0.0e+00, v4;
	v6 =	vadd.f32 $0.0e+00, v6  }
0x78: {  	v1 =	vmul.bf16 v1, v2;
	v7 =	vshll.u32 v5, $0x10;
	v5 =	vand.u32 $0xFFFF0000, v5  }
0x79: {  	v2 =	vadd.f32 v7, v4;
	v4 =	vadd.f32 v5, v6;
	v5 =	vmov s3  }
0x7a: {  	v6 =	vshll.u32 v1, $0x10;
	v1 =	vand.u32 $0xFFFF0000, v1;
	v5 =	vand.u32 $0xFFFFFFFE, v5  }
0x7b: {  	v2 =	vadd.f32 v6, v2;
	v1 =	vadd.f32 v1, v4;
	v4 =	vbroadcast v5, $0x0  }
0x7c: {  	v5 =	vshll.u32 v3, $0x10;
	v3 =	vand.u32 $0xFFFF0000, v3  }
0x7d: {  	v2 =	vadd.f32 v5, v2;
	v1 =	vadd.f32 v3, v1;
	_ =	sdelay $0x1  }
0x7e: {  	v1 =	vadd.f32 v1, v2;
	_ =	sdelay $0x1  }
0x7f: {  	s25 =	spop (v2sf);
	[tilespmem:v4+s14+$0x0] =	vst.idx.add.f32.msk $0xffff, v1  }
0x80: {  	v1 =	vld [tilespmem:s25+$0x10]  }
0x81: {  	v2 =	vld [tilespmem:s2+$0x10]  }
0x82: {  	v3 =	vld [tilespmem:s9+$0x0]  }
0x83: {  	v4 =	vld [tilespmem:s9+$0x10]  }
0x84: {  	v5 =	vld [tilespmem:s2+$0x0]  }
0x85: {  	v7 =	vld [tilespmem:s25+$0x0]  }
0x86: {  	v62 =	vld [tilespmem:s2+$0x20]  }
0x87: {  	v63 =	vld [tilespmem:s9+$0x20]  }
0x88: {  	v6 =	vld [tilespmem:s2+$0x30]  }
0x89: {  	v3 =	vmul.bf16 v5, v3;
	v5 =	vld [tilespmem:s9+$0x30]  }
0x8a: {  	v2 =	vmul.bf16 v2, v4;
	v4 =	vld [tilespmem:s25+$0x20]  }
0x8b: {  	v3 =	vmul.bf16 v7, v3;
	v7 =	vld [tilespmem:s25+$0x30]  }
0x8c: {  	v8 =	vmul.bf16 v62, v63  }
0x8d: {  	v1 =	vmul.bf16 v1, v2;
	v2 =	vshll.u32 v3, $0x10;
	v3 =	vand.u32 $0xFFFF0000, v3  }
0x8e: {  	v2 =	vadd.f32 $0.0e+00, v2;
	v3 =	vadd.f32 $0.0e+00, v3;
	v5 =	vmul.bf16 v6, v5  }
0x8f: {  	v6 =	vshll.u32 v1, $0x10;
	v1 =	vand.u32 $0xFFFF0000, v1;
	v4 =	vmul.bf16 v4, v8  }
0x90: {  	s10 =	simm.s32 $0x2;
	s15 =	simm.s32 $0x1C00;
	s17 =	simm.s32 $0x0;
	v2 =	vadd.f32 v6, v2;
	v3 =	vadd.f32 v1, v3;
	v1 =	vmul.bf16 v7, v5  }
.LBB2_2:
0x91: {  	s15 =	sadd.s32 $0x2, s15  }
0x92: {  	v5 =	vshll.u32 v4, $0x10;
	v4 =	vand.u32 $0xFFFF0000, v4;
	s9 =	sadd.s32 $0x80, s9;
	s2 =	sadd.s32 $0x80, s2;
	s19 =	smov.u32 s10  }
0x93: {  	p0 =	sne.s32 s10, $0x7E;
	s10 =	sadd.s32 $0x2, s10;
	s17 =	sadd.s32 $0x1, s17;
	v2 =	vadd.f32 v5, v2;
	v3 =	vadd.f32 v4, v3  }
0x94: {  	v4 =	vshll.u32 v1, $0x10;
	v1 =	vand.u32 $0xFFFF0000, v1;
	v5 =	vmov s17;
	s17 =	smov.u32 s19  }
0x95: {  	v2 =	vadd.f32 v4, v2;
	v1 =	vadd.f32 v1, v3;
	_ =	sdelay $0x1  }
0x96: {  	v1 =	vadd.f32 v1, v2;
	_ =	sdelay $0x1  }
0x97: {  	[tilespmem:v5+s14+$0x0] =	vst.idx.add.f32.msk $0xffff, v1  }
0x98: {  	v1 =	vld [tilespmem:s15+$0x0];
	_ =	sdelay $0x4  }
0x99: {  	v1 =	vshll.u32 v1, $0x6  }
0x9a: {  	(v2sf) =	vpush v1, $0x0;
	_ =	sdelay $0x7  }
0x9b: {  	v2 =	vld [tilespmem:s2+$0xFFFFFFE0]  }
0x9c: {  	v3 =	vld [tilespmem:s9+$0xFFFFFFE0]  }
0x9d: {  	v4 =	vld [tilespmem:s2+$0xFFFFFFF0]  }
0x9e: {  	v5 =	vld [tilespmem:s9+$0xFFFFFFF0]  }
0x9f: {  	v6 =	vld [tilespmem:s2+$0xFFFFFFD0]  }
0xa0: {  	v7 =	vld [tilespmem:s2+$0xFFFFFFC0]  }
0xa1: {  	v8 =	vld [tilespmem:s9+$0xFFFFFFC0];
	v2 =	vmul.bf16 v2, v3  }
0xa2: {  	v3 =	vld [tilespmem:s9+$0xFFFFFFD0];
	s19 =	spop (v2sf)  }
0xa3: {  	v9 =	vld [tilespmem:s19+$0x0]  }
0xa4: {  	v10 =	vld [tilespmem:s19+$0x20]  }
0xa5: {  	v11 =	vld [tilespmem:s19+$0x10]  }
0xa6: {  	v7 =	vmul.bf16 v7, v8;
	v8 =	vld [tilespmem:s19+$0x30];
	(v2sf) =	vpush v1, $0x1  }
0xa7: {  	v1 =	vmul.bf16 v6, v3  }
0xa8: {  	v3 =	vmul.bf16 v9, v7  }
0xa9: {  	v4 =	vmul.bf16 v4, v5  }
0xaa: {  	v5 =	vshll.u32 v3, $0x10;
	v3 =	vand.u32 $0xFFFF0000, v3;
	v1 =	vmul.bf16 v11, v1  }
0xab: {  	v5 =	vadd.f32 $0.0e+00, v5;
	v3 =	vadd.f32 $0.0e+00, v3;
	v4 =	vmul.bf16 v8, v4  }
0xac: {  	v2 =	vmul.bf16 v10, v2;
	v6 =	vshll.u32 v1, $0x10;
	v1 =	vand.u32 $0xFFFF0000, v1  }
0xad: {  	v5 =	vadd.f32 v6, v5;
	v1 =	vadd.f32 v1, v3;
	v3 =	vmov s17  }
0xae: {  	v6 =	vshll.u32 v2, $0x10;
	v2 =	vand.u32 $0xFFFF0000, v2;
	v3 =	vand.u32 $0xFFFFFFFE, v3  }
0xaf: {  	v5 =	vadd.f32 v6, v5;
	v1 =	vadd.f32 v2, v1;
	v2 =	vbroadcast v3, $0x0  }
0xb0: {  	v3 =	vshll.u32 v4, $0x10;
	v4 =	vand.u32 $0xFFFF0000, v4  }
0xb1: {  	v3 =	vadd.f32 v3, v5;
	v1 =	vadd.f32 v4, v1;
	_ =	sdelay $0x1  }
0xb2: {  	v1 =	vadd.f32 v1, v3;
	_ =	sdelay $0x1  }
0xb3: {  	[tilespmem:v2+s14+$0x0] =	vst.idx.add.f32.msk $0xffff, v1;
	s19 =	spop (v2sf)  }
0xb4: {  	v1 =	vld [tilespmem:s19+$0x10]  }
0xb5: {  	v2 =	vld [tilespmem:s2+$0x10]  }
0xb6: {  	v3 =	vld [tilespmem:s9+$0x0]  }
0xb7: {  	v4 =	vld [tilespmem:s9+$0x10]  }
0xb8: {  	v5 =	vld [tilespmem:s2+$0x0]  }
0xb9: {  	v6 =	vld [tilespmem:s2+$0x30]  }
0xba: {  	v7 =	vld [tilespmem:s19+$0x0]  }
0xbb: {  	v8 =	vld [tilespmem:s2+$0x20]  }
0xbc: {  	v2 =	vmul.bf16 v2, v4;
	v4 =	vld [tilespmem:s9+$0x20]  }
0xbd: {  	v3 =	vmul.bf16 v5, v3;
	v5 =	vld [tilespmem:s9+$0x30]  }
0xbe: {  	v1 =	vmul.bf16 v1, v2;
	v2 =	vld [tilespmem:s19+$0x20]  }
0xbf: {  	v3 =	vmul.bf16 v7, v3;
	v7 =	vld [tilespmem:s19+$0x30]  }
.Ltmp0:
0xc0: {  	(pc) =	sbr.rel @p0 .LBB2_2-.Ltmp0, $4  }
0xc1: {  	v9 =	vshll.u32 v3, $0x10;
	v3 =	vand.u32 $0xFFFF0000, v3;
	v4 =	vmul.bf16 v8, v4  }
0xc2: {  	v8 =	vadd.f32 $0.0e+00, v9;
	v3 =	vadd.f32 $0.0e+00, v3;
	v5 =	vmul.bf16 v6, v5  }
0xc3: {  	v6 =	vshll.u32 v1, $0x10;
	v1 =	vand.u32 $0xFFFF0000, v1;
	v4 =	vmul.bf16 v2, v4  }
0xc4: {  	v2 =	vadd.f32 v6, v8;
	v3 =	vadd.f32 v1, v3;
	v1 =	vmul.bf16 v7, v5  }
0xc5: {  	v5 =	vshll.u32 v4, $0x10;
	v4 =	vand.u32 $0xFFFF0000, v4  }
0xc6: {  	s2 =	sadd.s32 $0x1, s17;
	v2 =	vadd.f32 v5, v2;
	v3 =	vadd.f32 v4, v3  }
0xc7: {  	v4 =	vshll.u32 v1, $0x10;
	v1 =	vand.u32 $0xFFFF0000, v1;
	v5 =	vmov s2  }
0xc8: {  	v2 =	vadd.f32 v4, v2;
	v1 =	vadd.f32 v1, v3;
	_ =	sdelay $0x1  }
0xc9: {  	v1 =	vadd.f32 v1, v2;
	_ =	sdelay $0x1  }
0xca: {  	s9 =	rddreg [dreg:$0xa];
	s2 =	simm.s32 $0x0;
	[tilespmem:v5+s14+$0x0] =	vst.idx.add.f32.msk $0xffff, v1  }
0xcb: {  	[hbm4b:s9+s2] =	stream.linear.scatter [tilespmem:s14], [sflag:$0x7], $0x80, $0x38;
	[tilespmem:$0xDF30] =	vst v63  }
0xcc: {  	s17 =	rddreg [dreg:$0xc];
	s10 =	simm.s32 $0x1900  }
0xcd: {  	[tilespmem:s10], [sflag:$0x1] =	stream.linear.gather [hbm4b:s17+s2], $0x80, $0x38;
	[tilespmem:$0xDF30] =	vst v63  }
0xce: {  	s19 =	rddreg [dreg:$0xd]  }
0xcf: {  	[tilespmem:s24], [sflag:$0x1] =	stream.linear.gather [hbm4b:s19+s2], $0x80, $0x38;
	[tilespmem:$0xDF30] =	vst v63  }
0xd0: {  	s20 =	rddreg [dreg:$0xe];
	s25 =	simm.s32 $0x1C00  }
0xd1: {  	[tilespmem:s25], [sflag:$0x1] =	stream.linear.gather [hbm4b:s20+s2], $0x80, $0x38;
	[tilespmem:$0xDF30] =	vst v63  }
0xd2: {  	_ =	swait.ge [sflag:s18], $0x80  }
0xd3: {  	[sflag:s18] =	ssyncset.done $0x0  }
0xd4: {  	[sflag:s18] =	ssyncadd.s32 $0xFFFFFF80  }
0xd5: {  	_ =	swait.ge [sflag:s18], $0x80  }
0xd6: {  	[sflag:s18] =	ssyncset.done $0x0  }
0xd7: {  	[sflag:s18] =	ssyncadd.s32 $0xFFFFFF80  }
0xd8: {  	_ =	swait.ge [sflag:s18], $0x80  }
0xd9: {  	[sflag:s18] =	ssyncset.done $0x0  }
0xda: {  	s15 =	simm.s32 $0x5DB0;
	[sflag:s18] =	ssyncadd.s32 $0xFFFFFF80  }
0xdb: {  	[tilespmem:s15], [sflag:$0x6] =	stream.indirect.gather [hbm4b:s4+s30], $0x40, s21, s30, $0xb8;
	[tilespmem:$0xDF30] =	vst v63  }
0xdc: {  	s17 =	simm.s32 $0x1B80;
	s19 =	simm.s32 $0xBDB0  }
0xdd: {  	[tilespmem:s19], [sflag:$0x6] =	stream.indirect.gather [hbm4b:s4+s30], $0x40, s17, s30, $0xb8;
	[tilespmem:$0xDF30] =	vst v63  }
0xde: {  	_ =	swait.ge [sflag:s31], $0x2000  }
0xdf: {  	[sflag:s31] =	ssyncset.done $0x0  }
0xe0: {  	[sflag:s31] =	ssyncadd.s32 $0xFFFFE000  }
0xe1: {  	_ =	swait.ge [sflag:s31], $0x2000  }
0xe2: {  	[sflag:s31] =	ssyncset.done $0x0  }
0xe3: {  	[sflag:s31] =	ssyncadd.s32 $0xFFFFE000  }
0xe4: {  	[tilespmem:$0xDE30] =	vst v0  }
0xe5: {  	[tilespmem:$0xDE40] =	vst v0  }
0xe6: {  	[tilespmem:$0xDE50] =	vst v0  }
0xe7: {  	[tilespmem:$0xDE60] =	vst v0  }
0xe8: {  	[tilespmem:$0xDE70] =	vst v0  }
0xe9: {  	[tilespmem:$0xDE80] =	vst v0  }
0xea: {  	[tilespmem:$0xDE90] =	vst v0  }
0xeb: {  	s15 =	simm.s32 $0x1C90;
	[tilespmem:$0xDEA0] =	vst v0  }
0xec: {  	v1 =	vld [tilespmem:s15+$0x0];
	_ =	sdelay $0x4  }
0xed: {  	v1 =	vshll.u32 v1, $0x6  }
0xee: {  	(v2sf) =	vpush v1, $0x0;
	_ =	sdelay $0x7  }
0xef: {  	s9 =	simm.s32 $0x9DF0  }
0xf0: {  	s10 =	simm.s32 $0x3DF0;
	v2 =	vld [tilespmem:s9+$0xFFFFFFE0]  }
0xf1: {  	v3 =	vld [tilespmem:s10+$0xFFFFFFE0]  }
0xf2: {  	v4 =	vld [tilespmem:s9+$0xFFFFFFF0]  }
0xf3: {  	v5 =	vld [tilespmem:s9+$0xFFFFFFD0]  }
0xf4: {  	v6 =	vld [tilespmem:s9+$0xFFFFFFC0]  }
0xf5: {  	v7 =	vld [tilespmem:s10+$0xFFFFFFC0]  }
0xf6: {  	v8 =	vld [tilespmem:s10+$0xFFFFFFD0];
	s20 =	spop (v2sf)  }
0xf7: {  	v9 =	vld [tilespmem:s20+$0x0]  }
0xf8: {  	v10 =	vld [tilespmem:s10+$0xFFFFFFF0]  }
0xf9: {  	v11 =	vld [tilespmem:s20+$0x10]  }
0xfa: {  	v6 =	vmul.bf16 v6, v7;
	(v2sf) =	vpush v1, $0x1;
	v7 =	vld [tilespmem:s20+$0x30]  }
0xfb: {  	v1 =	vld [tilespmem:s20+$0x20]  }
0xfc: {  	v5 =	vmul.bf16 v5, v8;
	v6 =	vmul.bf16 v9, v6  }
0xfd: {  	v2 =	vmul.bf16 v2, v3;
	v3 =	vmul.bf16 v4, v10  }
0xfe: {  	v5 =	vmul.bf16 v11, v5;
	v4 =	vshll.u32 v6, $0x10;
	v6 =	vand.u32 $0xFFFF0000, v6  }
0xff: {  	v3 =	vmul.bf16 v7, v3;
	v4 =	vadd.f32 $0.0e+00, v4;
	v6 =	vadd.f32 $0.0e+00, v6  }
0x100: {  	v1 =	vmul.bf16 v1, v2;
	v7 =	vshll.u32 v5, $0x10;
	v5 =	vand.u32 $0xFFFF0000, v5  }
0x101: {  	v2 =	vadd.f32 v7, v4;
	v4 =	vadd.f32 v5, v6;
	v5 =	vmov s2  }
0x102: {  	v6 =	vshll.u32 v1, $0x10;
	v1 =	vand.u32 $0xFFFF0000, v1;
	v5 =	vand.u32 $0xFFFFFFFE, v5  }
0x103: {  	v2 =	vadd.f32 v6, v2;
	v1 =	vadd.f32 v1, v4;
	v4 =	vbroadcast v5, $0x0  }
0x104: {  	v5 =	vshll.u32 v3, $0x10;
	v3 =	vand.u32 $0xFFFF0000, v3  }
0x105: {  	v2 =	vadd.f32 v5, v2;
	v1 =	vadd.f32 v3, v1;
	_ =	sdelay $0x1  }
0x106: {  	v1 =	vadd.f32 v1, v2;
	_ =	sdelay $0x1  }
0x107: {  	s25 =	spop (v2sf);
	[tilespmem:v4+s0+$0x0] =	vst.idx.add.f32.msk $0xffff, v1  }
0x108: {  	v1 =	vld [tilespmem:s25+$0x10]  }
0x109: {  	v2 =	vld [tilespmem:s9+$0x10]  }
0x10a: {  	v3 =	vld [tilespmem:s10+$0x0]  }
0x10b: {  	v4 =	vld [tilespmem:s10+$0x10]  }
0x10c: {  	v5 =	vld [tilespmem:s9+$0x0]  }
0x10d: {  	v7 =	vld [tilespmem:s25+$0x0]  }
0x10e: {  	v62 =	vld [tilespmem:s9+$0x20]  }
0x10f: {  	v63 =	vld [tilespmem:s10+$0x20]  }
0x110: {  	v6 =	vld [tilespmem:s9+$0x30]  }
0x111: {  	v3 =	vmul.bf16 v5, v3;
	v5 =	vld [tilespmem:s10+$0x30]  }
0x112: {  	v2 =	vmul.bf16 v2, v4;
	v4 =	vld [tilespmem:s25+$0x20]  }
0x113: {  	v3 =	vmul.bf16 v7, v3;
	v7 =	vld [tilespmem:s25+$0x30]  }
0x114: {  	v8 =	vmul.bf16 v62, v63  }
0x115: {  	v1 =	vmul.bf16 v1, v2;
	v2 =	vshll.u32 v3, $0x10;
	v3 =	vand.u32 $0xFFFF0000, v3  }
0x116: {  	v2 =	vadd.f32 $0.0e+00, v2;
	v3 =	vadd.f32 $0.0e+00, v3;
	v5 =	vmul.bf16 v6, v5  }
0x117: {  	v6 =	vshll.u32 v1, $0x10;
	v1 =	vand.u32 $0xFFFF0000, v1;
	v4 =	vmul.bf16 v4, v8  }
0x118: {  	s17 =	simm.s32 $0x2;
	v2 =	vadd.f32 v6, v2;
	v3 =	vadd.f32 v1, v3;
	v1 =	vmul.bf16 v7, v5  }
.LBB2_4:
0x119: {  	s15 =	sadd.s32 $0x2, s15  }
0x11a: {  	v5 =	vshll.u32 v4, $0x10;
	v4 =	vand.u32 $0xFFFF0000, v4;
	s10 =	sadd.s32 $0x80, s10;
	s9 =	sadd.s32 $0x80, s9;
	s19 =	smov.u32 s17  }
0x11b: {  	p0 =	sne.s32 s17, $0x7E;
	s17 =	sadd.s32 $0x2, s17;
	s2 =	sadd.s32 $0x1, s2;
	v2 =	vadd.f32 v5, v2;
	v3 =	vadd.f32 v4, v3  }
0x11c: {  	v4 =	vshll.u32 v1, $0x10;
	v1 =	vand.u32 $0xFFFF0000, v1;
	v5 =	vmov s2;
	s2 =	smov.u32 s19  }
0x11d: {  	v2 =	vadd.f32 v4, v2;
	v1 =	vadd.f32 v1, v3;
	_ =	sdelay $0x1  }
0x11e: {  	v1 =	vadd.f32 v1, v2;
	_ =	sdelay $0x1  }
0x11f: {  	[tilespmem:v5+s0+$0x0] =	vst.idx.add.f32.msk $0xffff, v1  }
0x120: {  	v1 =	vld [tilespmem:s15+$0x0];
	_ =	sdelay $0x4  }
0x121: {  	v1 =	vshll.u32 v1, $0x6  }
0x122: {  	(v2sf) =	vpush v1, $0x0;
	_ =	sdelay $0x7  }
0x123: {  	v2 =	vld [tilespmem:s9+$0xFFFFFFE0]  }
0x124: {  	v3 =	vld [tilespmem:s10+$0xFFFFFFE0]  }
0x125: {  	v4 =	vld [tilespmem:s9+$0xFFFFFFF0]  }
0x126: {  	v5 =	vld [tilespmem:s10+$0xFFFFFFF0]  }
0x127: {  	v6 =	vld [tilespmem:s9+$0xFFFFFFD0]  }
0x128: {  	v7 =	vld [tilespmem:s9+$0xFFFFFFC0]  }
0x129: {  	v8 =	vld [tilespmem:s10+$0xFFFFFFC0];
	v2 =	vmul.bf16 v2, v3  }
0x12a: {  	v3 =	vld [tilespmem:s10+$0xFFFFFFD0];
	s19 =	spop (v2sf)  }
0x12b: {  	v9 =	vld [tilespmem:s19+$0x0]  }
0x12c: {  	v10 =	vld [tilespmem:s19+$0x20]  }
0x12d: {  	v11 =	vld [tilespmem:s19+$0x10]  }
0x12e: {  	v7 =	vmul.bf16 v7, v8;
	v8 =	vld [tilespmem:s19+$0x30];
	(v2sf) =	vpush v1, $0x1  }
0x12f: {  	v1 =	vmul.bf16 v6, v3  }
0x130: {  	v3 =	vmul.bf16 v9, v7  }
0x131: {  	v4 =	vmul.bf16 v4, v5  }
0x132: {  	v5 =	vshll.u32 v3, $0x10;
	v3 =	vand.u32 $0xFFFF0000, v3;
	v1 =	vmul.bf16 v11, v1  }
0x133: {  	v5 =	vadd.f32 $0.0e+00, v5;
	v3 =	vadd.f32 $0.0e+00, v3;
	v4 =	vmul.bf16 v8, v4  }
0x134: {  	v2 =	vmul.bf16 v10, v2;
	v6 =	vshll.u32 v1, $0x10;
	v1 =	vand.u32 $0xFFFF0000, v1  }
0x135: {  	v5 =	vadd.f32 v6, v5;
	v1 =	vadd.f32 v1, v3;
	v3 =	vmov s2  }
0x136: {  	v6 =	vshll.u32 v2, $0x10;
	v2 =	vand.u32 $0xFFFF0000, v2;
	v3 =	vand.u32 $0xFFFFFFFE, v3  }
0x137: {  	v5 =	vadd.f32 v6, v5;
	v1 =	vadd.f32 v2, v1;
	v2 =	vbroadcast v3, $0x0  }
0x138: {  	v3 =	vshll.u32 v4, $0x10;
	v4 =	vand.u32 $0xFFFF0000, v4  }
0x139: {  	v3 =	vadd.f32 v3, v5;
	v1 =	vadd.f32 v4, v1;
	_ =	sdelay $0x1  }
0x13a: {  	v1 =	vadd.f32 v1, v3;
	_ =	sdelay $0x1  }
0x13b: {  	[tilespmem:v2+s0+$0x0] =	vst.idx.add.f32.msk $0xffff, v1;
	s19 =	spop (v2sf)  }
0x13c: {  	v1 =	vld [tilespmem:s19+$0x10]  }
0x13d: {  	v2 =	vld [tilespmem:s9+$0x10]  }
0x13e: {  	v3 =	vld [tilespmem:s10+$0x0]  }
0x13f: {  	v4 =	vld [tilespmem:s10+$0x10]  }
0x140: {  	v5 =	vld [tilespmem:s9+$0x0]  }
0x141: {  	v6 =	vld [tilespmem:s9+$0x30]  }
0x142: {  	v7 =	vld [tilespmem:s19+$0x0]  }
0x143: {  	v8 =	vld [tilespmem:s9+$0x20]  }
0x144: {  	v2 =	vmul.bf16 v2, v4;
	v4 =	vld [tilespmem:s10+$0x20]  }
0x145: {  	v3 =	vmul.bf16 v5, v3;
	v5 =	vld [tilespmem:s10+$0x30]  }
0x146: {  	v1 =	vmul.bf16 v1, v2;
	v2 =	vld [tilespmem:s19+$0x20]  }
0x147: {  	v3 =	vmul.bf16 v7, v3;
	v7 =	vld [tilespmem:s19+$0x30]  }
.Ltmp1:
0x148: {  	(pc) =	sbr.rel @p0 .LBB2_4-.Ltmp1, $4  }
0x149: {  	v9 =	vshll.u32 v3, $0x10;
	v3 =	vand.u32 $0xFFFF0000, v3;
	v4 =	vmul.bf16 v8, v4  }
0x14a: {  	v8 =	vadd.f32 $0.0e+00, v9;
	v3 =	vadd.f32 $0.0e+00, v3;
	v5 =	vmul.bf16 v6, v5  }
0x14b: {  	v6 =	vshll.u32 v1, $0x10;
	v1 =	vand.u32 $0xFFFF0000, v1;
	v4 =	vmul.bf16 v2, v4  }
0x14c: {  	v2 =	vadd.f32 v6, v8;
	v3 =	vadd.f32 v1, v3;
	v1 =	vmul.bf16 v7, v5  }
0x14d: {  	v5 =	vshll.u32 v4, $0x10;
	v4 =	vand.u32 $0xFFFF0000, v4  }
0x14e: {  	s2 =	sadd.s32 $0x1, s2;
	v2 =	vadd.f32 v5, v2;
	v3 =	vadd.f32 v4, v3  }
0x14f: {  	v4 =	vshll.u32 v1, $0x10;
	v1 =	vand.u32 $0xFFFF0000, v1;
	v5 =	vmov s2  }
0x150: {  	v2 =	vadd.f32 v4, v2;
	v1 =	vadd.f32 v1, v3;
	_ =	sdelay $0x1  }
0x151: {  	v1 =	vadd.f32 v1, v2;
	_ =	sdelay $0x1  }
0x152: {  	s9 =	rddreg [dreg:$0xf];
	s2 =	simm.s32 $0x0;
	[tilespmem:v5+s0+$0x0] =	vst.idx.add.f32.msk $0xffff, v1  }
0x153: {  	[hbm4b:s9+s2] =	stream.linear.scatter [tilespmem:s0], [sflag:$0x8], $0x80, $0x38;
	[tilespmem:$0xDF30] =	vst v63  }
0x154: {  	s25 =	rddreg [dreg:$0x10]  }
0x155: {  	[tilespmem:s26], [sflag:$0x2] =	stream.linear.gather [hbm4b:s25+s2], $0x80, $0x38;
	[tilespmem:$0xDF30] =	vst v63  }
0x156: {  	s10 =	rddreg [dreg:$0x11]  }
0x157: {  	[tilespmem:s22], [sflag:$0x2] =	stream.linear.gather [hbm4b:s10+s2], $0x80, $0x38;
	[tilespmem:$0xDF30] =	vst v63  }
0x158: {  	s15 =	rddreg [dreg:$0x12];
	s10 =	simm.s32 $0x1C90  }
0x159: {  	[tilespmem:s10], [sflag:$0x2] =	stream.linear.gather [hbm4b:s15+s2], $0x80, $0x38;
	[tilespmem:$0xDF30] =	vst v63  }
0x15a: {  	_ =	swait.ge [sflag:s29], $0x80  }
0x15b: {  	[sflag:s29] =	ssyncset.done $0x0  }
0x15c: {  	[sflag:s29] =	ssyncadd.s32 $0xFFFFFF80  }
0x15d: {  	_ =	swait.ge [sflag:s29], $0x80  }
0x15e: {  	[sflag:s29] =	ssyncset.done $0x0  }
0x15f: {  	[sflag:s29] =	ssyncadd.s32 $0xFFFFFF80  }
0x160: {  	_ =	swait.ge [sflag:s29], $0x80  }
0x161: {  	[sflag:s29] =	ssyncset.done $0x0  }
0x162: {  	s17 =	simm.s32 $0x1900;
	s19 =	simm.s32 $0x1DB0;
	[sflag:s29] =	ssyncadd.s32 $0xFFFFFF80  }
0x163: {  	[tilespmem:s19], [sflag:$0x4] =	stream.indirect.gather [hbm4b:s4+s30], $0x40, s17, s30, $0xb8;
	[tilespmem:$0xDF30] =	vst v63  }
0x164: {  	s20 =	simm.s32 $0x7DB0  }
0x165: {  	[tilespmem:s20], [sflag:$0x4] =	stream.indirect.gather [hbm4b:s4+s30], $0x40, s24, s30, $0xb8;
	[tilespmem:$0xDF30] =	vst v63  }
0x166: {  	_ =	swait.ge [sflag:s11], $0x2000  }
0x167: {  	[sflag:s11] =	ssyncset.done $0x0  }
0x168: {  	[sflag:s11] =	ssyncadd.s32 $0xFFFFE000  }
0x169: {  	_ =	swait.ge [sflag:s11], $0x2000  }
0x16a: {  	[sflag:s11] =	ssyncset.done $0x0  }
0x16b: {  	[sflag:s11] =	ssyncadd.s32 $0xFFFFE000  }
0x16c: {  	[tilespmem:$0xDEB0] =	vst v0  }
0x16d: {  	[tilespmem:$0xDEC0] =	vst v0  }
0x16e: {  	[tilespmem:$0xDED0] =	vst v0  }
0x16f: {  	[tilespmem:$0xDEE0] =	vst v0  }
0x170: {  	[tilespmem:$0xDEF0] =	vst v0  }
0x171: {  	[tilespmem:$0xDF00] =	vst v0  }
0x172: {  	[tilespmem:$0xDF10] =	vst v0  }
0x173: {  	s15 =	simm.s32 $0x1D20;
	[tilespmem:$0xDF20] =	vst v0  }
0x174: {  	v1 =	vld [tilespmem:s15+$0x0];
	_ =	sdelay $0x4  }
0x175: {  	v1 =	vshll.u32 v1, $0x6  }
0x176: {  	(v2sf) =	vpush v1, $0x0;
	_ =	sdelay $0x7  }
0x177: {  	s9 =	simm.s32 $0xBDF0  }
0x178: {  	s10 =	simm.s32 $0x5DF0;
	v2 =	vld [tilespmem:s9+$0xFFFFFFE0]  }
0x179: {  	v3 =	vld [tilespmem:s10+$0xFFFFFFE0]  }
0x17a: {  	v4 =	vld [tilespmem:s9+$0xFFFFFFF0]  }
0x17b: {  	v5 =	vld [tilespmem:s9+$0xFFFFFFD0]  }
0x17c: {  	v6 =	vld [tilespmem:s9+$0xFFFFFFC0]  }
0x17d: {  	v7 =	vld [tilespmem:s10+$0xFFFFFFC0]  }
0x17e: {  	v8 =	vld [tilespmem:s10+$0xFFFFFFD0];
	s17 =	spop (v2sf)  }
0x17f: {  	v9 =	vld [tilespmem:s17+$0x0]  }
0x180: {  	v10 =	vld [tilespmem:s10+$0xFFFFFFF0]  }
0x181: {  	v11 =	vld [tilespmem:s17+$0x10]  }
0x182: {  	v6 =	vmul.bf16 v6, v7;
	(v2sf) =	vpush v1, $0x1;
	v7 =	vld [tilespmem:s17+$0x30]  }
0x183: {  	v1 =	vld [tilespmem:s17+$0x20]  }
0x184: {  	v5 =	vmul.bf16 v5, v8;
	v6 =	vmul.bf16 v9, v6  }
0x185: {  	v2 =	vmul.bf16 v2, v3;
	v3 =	vmul.bf16 v4, v10  }
0x186: {  	v5 =	vmul.bf16 v11, v5;
	v4 =	vshll.u32 v6, $0x10;
	v6 =	vand.u32 $0xFFFF0000, v6  }
0x187: {  	v3 =	vmul.bf16 v7, v3;
	v4 =	vadd.f32 $0.0e+00, v4;
	v6 =	vadd.f32 $0.0e+00, v6  }
0x188: {  	v1 =	vmul.bf16 v1, v2;
	v7 =	vshll.u32 v5, $0x10;
	v5 =	vand.u32 $0xFFFF0000, v5  }
0x189: {  	v2 =	vadd.f32 v7, v4;
	v4 =	vadd.f32 v5, v6;
	v5 =	vmov s2  }
0x18a: {  	v6 =	vshll.u32 v1, $0x10;
	v1 =	vand.u32 $0xFFFF0000, v1;
	v5 =	vand.u32 $0xFFFFFFFE, v5  }
0x18b: {  	v2 =	vadd.f32 v6, v2;
	v1 =	vadd.f32 v1, v4;
	v4 =	vbroadcast v5, $0x0  }
0x18c: {  	v5 =	vshll.u32 v3, $0x10;
	v3 =	vand.u32 $0xFFFF0000, v3  }
0x18d: {  	v2 =	vadd.f32 v5, v2;
	v1 =	vadd.f32 v3, v1;
	_ =	sdelay $0x1  }
0x18e: {  	v1 =	vadd.f32 v1, v2;
	_ =	sdelay $0x1  }
0x18f: {  	s25 =	spop (v2sf);
	[tilespmem:v4+s12+$0x0] =	vst.idx.add.f32.msk $0xffff, v1  }
0x190: {  	v1 =	vld [tilespmem:s25+$0x10]  }
0x191: {  	v2 =	vld [tilespmem:s9+$0x10]  }
0x192: {  	v3 =	vld [tilespmem:s10+$0x0]  }
0x193: {  	v4 =	vld [tilespmem:s10+$0x10]  }
0x194: {  	v5 =	vld [tilespmem:s9+$0x0]  }
0x195: {  	v7 =	vld [tilespmem:s25+$0x0]  }
0x196: {  	v62 =	vld [tilespmem:s9+$0x20]  }
0x197: {  	v63 =	vld [tilespmem:s10+$0x20]  }
0x198: {  	v6 =	vld [tilespmem:s9+$0x30]  }
0x199: {  	v3 =	vmul.bf16 v5, v3;
	v5 =	vld [tilespmem:s10+$0x30]  }
0x19a: {  	v2 =	vmul.bf16 v2, v4;
	v4 =	vld [tilespmem:s25+$0x20]  }
0x19b: {  	v3 =	vmul.bf16 v7, v3;
	v7 =	vld [tilespmem:s25+$0x30]  }
0x19c: {  	v8 =	vmul.bf16 v62, v63  }
0x19d: {  	v1 =	vmul.bf16 v1, v2;
	v2 =	vshll.u32 v3, $0x10;
	v3 =	vand.u32 $0xFFFF0000, v3  }
0x19e: {  	v2 =	vadd.f32 $0.0e+00, v2;
	v3 =	vadd.f32 $0.0e+00, v3;
	v5 =	vmul.bf16 v6, v5  }
0x19f: {  	v6 =	vshll.u32 v1, $0x10;
	v1 =	vand.u32 $0xFFFF0000, v1;
	v4 =	vmul.bf16 v4, v8  }
0x1a0: {  	s17 =	simm.s32 $0x2;
	v2 =	vadd.f32 v6, v2;
	v3 =	vadd.f32 v1, v3;
	v1 =	vmul.bf16 v7, v5  }
.LBB2_6:
0x1a1: {  	s15 =	sadd.s32 $0x2, s15  }
0x1a2: {  	v5 =	vshll.u32 v4, $0x10;
	v4 =	vand.u32 $0xFFFF0000, v4;
	s10 =	sadd.s32 $0x80, s10;
	s9 =	sadd.s32 $0x80, s9;
	s19 =	smov.u32 s17  }
0x1a3: {  	p0 =	sne.s32 s17, $0x7E;
	s17 =	sadd.s32 $0x2, s17;
	s2 =	sadd.s32 $0x1, s2;
	v2 =	vadd.f32 v5, v2;
	v3 =	vadd.f32 v4, v3  }
0x1a4: {  	v4 =	vshll.u32 v1, $0x10;
	v1 =	vand.u32 $0xFFFF0000, v1;
	v5 =	vmov s2;
	s2 =	smov.u32 s19  }
0x1a5: {  	v2 =	vadd.f32 v4, v2;
	v1 =	vadd.f32 v1, v3;
	_ =	sdelay $0x1  }
0x1a6: {  	v1 =	vadd.f32 v1, v2;
	_ =	sdelay $0x1  }
0x1a7: {  	[tilespmem:v5+s12+$0x0] =	vst.idx.add.f32.msk $0xffff, v1  }
0x1a8: {  	v1 =	vld [tilespmem:s15+$0x0];
	_ =	sdelay $0x4  }
0x1a9: {  	v1 =	vshll.u32 v1, $0x6  }
0x1aa: {  	(v2sf) =	vpush v1, $0x0;
	_ =	sdelay $0x7  }
0x1ab: {  	v2 =	vld [tilespmem:s9+$0xFFFFFFE0]  }
0x1ac: {  	v3 =	vld [tilespmem:s10+$0xFFFFFFE0]  }
0x1ad: {  	v4 =	vld [tilespmem:s9+$0xFFFFFFF0]  }
0x1ae: {  	v5 =	vld [tilespmem:s10+$0xFFFFFFF0]  }
0x1af: {  	v6 =	vld [tilespmem:s9+$0xFFFFFFD0]  }
0x1b0: {  	v7 =	vld [tilespmem:s9+$0xFFFFFFC0]  }
0x1b1: {  	v8 =	vld [tilespmem:s10+$0xFFFFFFC0];
	v2 =	vmul.bf16 v2, v3  }
0x1b2: {  	v3 =	vld [tilespmem:s10+$0xFFFFFFD0];
	s19 =	spop (v2sf)  }
0x1b3: {  	v9 =	vld [tilespmem:s19+$0x0]  }
0x1b4: {  	v10 =	vld [tilespmem:s19+$0x20]  }
0x1b5: {  	v11 =	vld [tilespmem:s19+$0x10]  }
0x1b6: {  	v7 =	vmul.bf16 v7, v8;
	v8 =	vld [tilespmem:s19+$0x30];
	(v2sf) =	vpush v1, $0x1  }
0x1b7: {  	v1 =	vmul.bf16 v6, v3  }
0x1b8: {  	v3 =	vmul.bf16 v9, v7  }
0x1b9: {  	v4 =	vmul.bf16 v4, v5  }
0x1ba: {  	v5 =	vshll.u32 v3, $0x10;
	v3 =	vand.u32 $0xFFFF0000, v3;
	v1 =	vmul.bf16 v11, v1  }
0x1bb: {  	v5 =	vadd.f32 $0.0e+00, v5;
	v3 =	vadd.f32 $0.0e+00, v3;
	v4 =	vmul.bf16 v8, v4  }
0x1bc: {  	v2 =	vmul.bf16 v10, v2;
	v6 =	vshll.u32 v1, $0x10;
	v1 =	vand.u32 $0xFFFF0000, v1  }
0x1bd: {  	v5 =	vadd.f32 v6, v5;
	v1 =	vadd.f32 v1, v3;
	v3 =	vmov s2  }
0x1be: {  	v6 =	vshll.u32 v2, $0x10;
	v2 =	vand.u32 $0xFFFF0000, v2;
	v3 =	vand.u32 $0xFFFFFFFE, v3  }
0x1bf: {  	v5 =	vadd.f32 v6, v5;
	v1 =	vadd.f32 v2, v1;
	v2 =	vbroadcast v3, $0x0  }
0x1c0: {  	v3 =	vshll.u32 v4, $0x10;
	v4 =	vand.u32 $0xFFFF0000, v4  }
0x1c1: {  	v3 =	vadd.f32 v3, v5;
	v1 =	vadd.f32 v4, v1;
	_ =	sdelay $0x1  }
0x1c2: {  	v1 =	vadd.f32 v1, v3;
	_ =	sdelay $0x1  }
0x1c3: {  	[tilespmem:v2+s12+$0x0] =	vst.idx.add.f32.msk $0xffff, v1;
	s19 =	spop (v2sf)  }
0x1c4: {  	v1 =	vld [tilespmem:s19+$0x10]  }
0x1c5: {  	v2 =	vld [tilespmem:s9+$0x10]  }
0x1c6: {  	v3 =	vld [tilespmem:s10+$0x0]  }
0x1c7: {  	v4 =	vld [tilespmem:s10+$0x10]  }
0x1c8: {  	v5 =	vld [tilespmem:s9+$0x0]  }
0x1c9: {  	v6 =	vld [tilespmem:s9+$0x30]  }
0x1ca: {  	v7 =	vld [tilespmem:s19+$0x0]  }
0x1cb: {  	v8 =	vld [tilespmem:s9+$0x20]  }
0x1cc: {  	v2 =	vmul.bf16 v2, v4;
	v4 =	vld [tilespmem:s10+$0x20]  }
0x1cd: {  	v3 =	vmul.bf16 v5, v3;
	v5 =	vld [tilespmem:s10+$0x30]  }
0x1ce: {  	v1 =	vmul.bf16 v1, v2;
	v2 =	vld [tilespmem:s19+$0x20]  }
0x1cf: {  	v3 =	vmul.bf16 v7, v3;
	v7 =	vld [tilespmem:s19+$0x30]  }
.Ltmp2:
0x1d0: {  	(pc) =	sbr.rel @p0 .LBB2_6-.Ltmp2, $4  }
0x1d1: {  	v9 =	vshll.u32 v3, $0x10;
	v3 =	vand.u32 $0xFFFF0000, v3;
	v4 =	vmul.bf16 v8, v4  }
0x1d2: {  	v8 =	vadd.f32 $0.0e+00, v9;
	v3 =	vadd.f32 $0.0e+00, v3;
	v5 =	vmul.bf16 v6, v5  }
0x1d3: {  	v6 =	vshll.u32 v1, $0x10;
	v1 =	vand.u32 $0xFFFF0000, v1;
	v4 =	vmul.bf16 v2, v4  }
0x1d4: {  	v2 =	vadd.f32 v6, v8;
	v3 =	vadd.f32 v1, v3;
	v1 =	vmul.bf16 v7, v5  }
0x1d5: {  	v5 =	vshll.u32 v4, $0x10;
	v61 =	vand.u32 $0xFFFF0000, v4  }
0x1d6: {  	s2 =	sadd.s32 $0x1, s2;
	v2 =	vadd.f32 v5, v2;
	v3 =	vadd.f32 v61, v3  }
0x1d7: {  	v62 =	vshll.u32 v1, $0x10;
	v1 =	vand.u32 $0xFFFF0000, v1;
	v63 =	vmov s2  }
0x1d8: {  	v2 =	vadd.f32 v62, v2;
	v1 =	vadd.f32 v1, v3;
	_ =	sdelay $0x1  }
0x1d9: {  	v1 =	vadd.f32 v1, v2;
	_ =	sdelay $0x1  }
0x1da: {  	s15 =	simm.s32 $0x0;
	s10 =	rddreg [dreg:$0x17];
	[tilespmem:v63+s12+$0x0] =	vst.idx.add.f32.msk $0xffff, v1  }
0x1db: {  	[hbm4b:s10+s15] =	stream.linear.scatter [tilespmem:s12], [sflag:$0x9], $0x80, $0x38;
	[tilespmem:$0xDF30] =	vst v63  }
0x1dc: {  	s17 =	rddreg [dreg:$0x18]  }
0x1dd: {  	[tilespmem:s21], [sflag:$0x3] =	stream.linear.gather [hbm4b:s17+s15], $0x80, $0x38;
	[tilespmem:$0xDF30] =	vst v63  }
0x1de: {  	s19 =	rddreg [dreg:$0x19];
	s9 =	simm.s32 $0x1B80  }
0x1df: {  	[tilespmem:s9], [sflag:$0x3] =	stream.linear.gather [hbm4b:s19+s15], $0x80, $0x38;
	[tilespmem:$0xDF30] =	vst v63  }
0x1e0: {  	s20 =	rddreg [dreg:$0x1a];
	s25 =	simm.s32 $0x1D20;
	s17 =	simm.s32 $0x0  }
0x1e1: {  	[tilespmem:s25], [sflag:$0x3] =	stream.linear.gather [hbm4b:s20+s15], $0x80, $0x38;
	[tilespmem:$0xDF30] =	vst v63  }
.LBB2_8:
0x1e2: {  	_ =	swait.ge [sflag:s1], $0x80  }
0x1e3: {  	[sflag:s1] =	ssyncset.done $0x0  }
0x1e4: {  	[sflag:s1] =	ssyncadd.s32 $0xFFFFFF80  }
0x1e5: {  	_ =	swait.ge [sflag:s1], $0x80  }
0x1e6: {  	[sflag:s1] =	ssyncset.done $0x0  }
0x1e7: {  	[sflag:s1] =	ssyncadd.s32 $0xFFFFFF80  }
0x1e8: {  	_ =	swait.ge [sflag:s1], $0x80  }
0x1e9: {  	[sflag:s1] =	ssyncset.done $0x0  }
0x1ea: {  	s2 =	simm.s32 $0x3DB0;
	[sflag:s1] =	ssyncadd.s32 $0xFFFFFF80  }
0x1eb: {  	[tilespmem:s2], [sflag:$0x5] =	stream.indirect.gather [hbm4b:s4+s30], $0x40, s26, s30, $0xb8;
	[tilespmem:$0xDF30] =	vst v63  }
0x1ec: {  	s19 =	simm.s32 $0x9DB0  }
0x1ed: {  	[tilespmem:s19], [sflag:$0x5] =	stream.indirect.gather [hbm4b:s4+s30], $0x40, s22, s30, $0xb8;
	[tilespmem:$0xDF30] =	vst v63  }
0x1ee: {  	_ =	swait.ge [sflag:s13], $0x2000  }
0x1ef: {  	[sflag:s13] =	ssyncset.done $0x0  }
0x1f0: {  	[sflag:s13] =	ssyncadd.s32 $0xFFFFE000  }
0x1f1: {  	_ =	swait.ge [sflag:s13], $0x2000  }
0x1f2: {  	[sflag:s13] =	ssyncset.done $0x0  }
0x1f3: {  	[sflag:s13] =	ssyncadd.s32 $0xFFFFE000  }
0x1f4: {  	_ =	swait.ge [sflag:s23], $0x80  }
0x1f5: {  	[sflag:s23] =	ssyncset.done $0x0  }
0x1f6: {  	[sflag:s23] =	ssyncadd.s32 $0xFFFFFF80  }
0x1f7: {  	[tilespmem:$0xDDB0] =	vst v0  }
0x1f8: {  	[tilespmem:$0xDDC0] =	vst v0  }
0x1f9: {  	[tilespmem:$0xDDD0] =	vst v0  }
0x1fa: {  	[tilespmem:$0xDDE0] =	vst v0  }
0x1fb: {  	[tilespmem:$0xDDF0] =	vst v0  }
0x1fc: {  	[tilespmem:$0xDE00] =	vst v0  }
0x1fd: {  	[tilespmem:$0xDE10] =	vst v0  }
0x1fe: {  	s2 =	simm.s32 $0x1C00;
	[tilespmem:$0xDE20] =	vst v0  }
0x1ff: {  	v1 =	vld [tilespmem:s2+$0x0];
	_ =	sdelay $0x4  }
0x200: {  	v1 =	vshll.u32 v1, $0x6  }
0x201: {  	(v2sf) =	vpush v1, $0x0;
	_ =	sdelay $0x7  }
0x202: {  	s9 =	simm.s32 $0x7DF0  }
0x203: {  	s25 =	simm.s32 $0x1DF0;
	v2 =	vld [tilespmem:s9+$0xFFFFFFE0]  }
0x204: {  	v3 =	vld [tilespmem:s25+$0xFFFFFFE0]  }
0x205: {  	v4 =	vld [tilespmem:s9+$0xFFFFFFF0]  }
0x206: {  	v5 =	vld [tilespmem:s9+$0xFFFFFFD0]  }
0x207: {  	v6 =	vld [tilespmem:s9+$0xFFFFFFC0]  }
0x208: {  	v7 =	vld [tilespmem:s25+$0xFFFFFFC0]  }
0x209: {  	v8 =	vld [tilespmem:s25+$0xFFFFFFD0];
	s10 =	spop (v2sf)  }
0x20a: {  	v9 =	vld [tilespmem:s10+$0x0]  }
0x20b: {  	v10 =	vld [tilespmem:s25+$0xFFFFFFF0]  }
0x20c: {  	v11 =	vld [tilespmem:s10+$0x10]  }
0x20d: {  	v6 =	vmul.bf16 v6, v7;
	(v2sf) =	vpush v1, $0x1;
	v7 =	vld [tilespmem:s10+$0x30]  }
0x20e: {  	v1 =	vld [tilespmem:s10+$0x20]  }
0x20f: {  	v5 =	vmul.bf16 v5, v8;
	v6 =	vmul.bf16 v9, v6  }
0x210: {  	v2 =	vmul.bf16 v2, v3;
	v3 =	vmul.bf16 v4, v10  }
0x211: {  	v5 =	vmul.bf16 v11, v5;
	v4 =	vshll.u32 v6, $0x10;
	v6 =	vand.u32 $0xFFFF0000, v6  }
0x212: {  	v3 =	vmul.bf16 v7, v3;
	v4 =	vadd.f32 $0.0e+00, v4;
	v6 =	vadd.f32 $0.0e+00, v6  }
0x213: {  	v1 =	vmul.bf16 v1, v2;
	v7 =	vshll.u32 v5, $0x10;
	v5 =	vand.u32 $0xFFFF0000, v5  }
0x214: {  	v2 =	vadd.f32 v7, v4;
	v4 =	vadd.f32 v5, v6;
	v5 =	vmov s15  }
0x215: {  	v6 =	vshll.u32 v1, $0x10;
	v1 =	vand.u32 $0xFFFF0000, v1;
	v5 =	vand.u32 $0xFFFFFFFE, v5  }
0x216: {  	v2 =	vadd.f32 v6, v2;
	v1 =	vadd.f32 v1, v4;
	v4 =	vbroadcast v5, $0x0  }
0x217: {  	v5 =	vshll.u32 v3, $0x10;
	v3 =	vand.u32 $0xFFFF0000, v3  }
0x218: {  	v2 =	vadd.f32 v5, v2;
	v1 =	vadd.f32 v3, v1;
	_ =	sdelay $0x1  }
0x219: {  	v1 =	vadd.f32 v1, v2;
	_ =	sdelay $0x1  }
0x21a: {  	s20 =	spop (v2sf);
	[tilespmem:v4+s14+$0x0] =	vst.idx.add.f32.msk $0xffff, v1  }
0x21b: {  	v1 =	vld [tilespmem:s20+$0x10]  }
0x21c: {  	v2 =	vld [tilespmem:s9+$0x10]  }
0x21d: {  	v3 =	vld [tilespmem:s25+$0x0]  }
0x21e: {  	v4 =	vld [tilespmem:s25+$0x10]  }
0x21f: {  	v5 =	vld [tilespmem:s9+$0x0]  }
0x220: {  	v7 =	vld [tilespmem:s20+$0x0]  }
0x221: {  	v62 =	vld [tilespmem:s9+$0x20]  }
0x222: {  	v63 =	vld [tilespmem:s25+$0x20]  }
0x223: {  	v6 =	vld [tilespmem:s9+$0x30]  }
0x224: {  	v3 =	vmul.bf16 v5, v3;
	v5 =	vld [tilespmem:s25+$0x30]  }
0x225: {  	v2 =	vmul.bf16 v2, v4;
	v4 =	vld [tilespmem:s20+$0x20]  }
0x226: {  	v3 =	vmul.bf16 v7, v3;
	v7 =	vld [tilespmem:s20+$0x30]  }
0x227: {  	v8 =	vmul.bf16 v62, v63  }
0x228: {  	v1 =	vmul.bf16 v1, v2;
	v2 =	vshll.u32 v3, $0x10;
	v3 =	vand.u32 $0xFFFF0000, v3  }
0x229: {  	v2 =	vadd.f32 $0.0e+00, v2;
	v3 =	vadd.f32 $0.0e+00, v3;
	v5 =	vmul.bf16 v6, v5  }
0x22a: {  	v6 =	vshll.u32 v1, $0x10;
	v1 =	vand.u32 $0xFFFF0000, v1;
	v4 =	vmul.bf16 v4, v8  }
0x22b: {  	s19 =	simm.s32 $0x0;
	s10 =	simm.s32 $0x2;
	v2 =	vadd.f32 v6, v2;
	v3 =	vadd.f32 v1, v3;
	v1 =	vmul.bf16 v7, v5  }
.LBB2_9:
0x22c: {  	s2 =	sadd.s32 $0x2, s2  }
0x22d: {  	v5 =	vshll.u32 v4, $0x10;
	v4 =	vand.u32 $0xFFFF0000, v4;
	s25 =	sadd.s32 $0x80, s25;
	s9 =	sadd.s32 $0x80, s9;
	s20 =	smov.u32 s10  }
0x22e: {  	p0 =	sne.s32 s10, $0x7E;
	s10 =	sadd.s32 $0x2, s10;
	s19 =	sadd.s32 $0x1, s19;
	v2 =	vadd.f32 v5, v2;
	v3 =	vadd.f32 v4, v3  }
0x22f: {  	v4 =	vshll.u32 v1, $0x10;
	v1 =	vand.u32 $0xFFFF0000, v1;
	v5 =	vmov s19;
	s19 =	smov.u32 s20  }
0x230: {  	v2 =	vadd.f32 v4, v2;
	v1 =	vadd.f32 v1, v3;
	_ =	sdelay $0x1  }
0x231: {  	v1 =	vadd.f32 v1, v2;
	_ =	sdelay $0x1  }
0x232: {  	[tilespmem:v5+s14+$0x0] =	vst.idx.add.f32.msk $0xffff, v1  }
0x233: {  	v1 =	vld [tilespmem:s2+$0x0];
	_ =	sdelay $0x4  }
0x234: {  	v1 =	vshll.u32 v1, $0x6  }
0x235: {  	(v2sf) =	vpush v1, $0x0;
	_ =	sdelay $0x7  }
0x236: {  	v2 =	vld [tilespmem:s9+$0xFFFFFFE0]  }
0x237: {  	v3 =	vld [tilespmem:s25+$0xFFFFFFE0]  }
0x238: {  	v4 =	vld [tilespmem:s9+$0xFFFFFFF0]  }
0x239: {  	v5 =	vld [tilespmem:s25+$0xFFFFFFF0]  }
0x23a: {  	v6 =	vld [tilespmem:s9+$0xFFFFFFD0]  }
0x23b: {  	v7 =	vld [tilespmem:s9+$0xFFFFFFC0]  }
0x23c: {  	v8 =	vld [tilespmem:s25+$0xFFFFFFC0];
	v2 =	vmul.bf16 v2, v3  }
0x23d: {  	v3 =	vld [tilespmem:s25+$0xFFFFFFD0];
	s20 =	spop (v2sf)  }
0x23e: {  	v9 =	vld [tilespmem:s20+$0x0]  }
0x23f: {  	v10 =	vld [tilespmem:s20+$0x20]  }
0x240: {  	v11 =	vld [tilespmem:s20+$0x10]  }
0x241: {  	v7 =	vmul.bf16 v7, v8;
	v8 =	vld [tilespmem:s20+$0x30];
	(v2sf) =	vpush v1, $0x1  }
0x242: {  	v1 =	vmul.bf16 v6, v3  }
0x243: {  	v3 =	vmul.bf16 v9, v7  }
0x244: {  	v4 =	vmul.bf16 v4, v5  }
0x245: {  	v5 =	vshll.u32 v3, $0x10;
	v3 =	vand.u32 $0xFFFF0000, v3;
	v1 =	vmul.bf16 v11, v1  }
0x246: {  	v5 =	vadd.f32 $0.0e+00, v5;
	v3 =	vadd.f32 $0.0e+00, v3;
	v4 =	vmul.bf16 v8, v4  }
0x247: {  	v2 =	vmul.bf16 v10, v2;
	v6 =	vshll.u32 v1, $0x10;
	v1 =	vand.u32 $0xFFFF0000, v1  }
0x248: {  	v5 =	vadd.f32 v6, v5;
	v1 =	vadd.f32 v1, v3;
	v3 =	vmov s19  }
0x249: {  	v6 =	vshll.u32 v2, $0x10;
	v2 =	vand.u32 $0xFFFF0000, v2;
	v3 =	vand.u32 $0xFFFFFFFE, v3  }
0x24a: {  	v5 =	vadd.f32 v6, v5;
	v1 =	vadd.f32 v2, v1;
	v2 =	vbroadcast v3, $0x0  }
0x24b: {  	v3 =	vshll.u32 v4, $0x10;
	v4 =	vand.u32 $0xFFFF0000, v4  }
0x24c: {  	v3 =	vadd.f32 v3, v5;
	v1 =	vadd.f32 v4, v1;
	_ =	sdelay $0x1  }
0x24d: {  	v1 =	vadd.f32 v1, v3;
	_ =	sdelay $0x1  }
0x24e: {  	[tilespmem:v2+s14+$0x0] =	vst.idx.add.f32.msk $0xffff, v1;
	s20 =	spop (v2sf)  }
0x24f: {  	v1 =	vld [tilespmem:s20+$0x10]  }
0x250: {  	v2 =	vld [tilespmem:s9+$0x10]  }
0x251: {  	v3 =	vld [tilespmem:s25+$0x0]  }
0x252: {  	v4 =	vld [tilespmem:s25+$0x10]  }
0x253: {  	v5 =	vld [tilespmem:s9+$0x0]  }
0x254: {  	v6 =	vld [tilespmem:s9+$0x30]  }
0x255: {  	v7 =	vld [tilespmem:s20+$0x0]  }
0x256: {  	v8 =	vld [tilespmem:s9+$0x20]  }
0x257: {  	v2 =	vmul.bf16 v2, v4;
	v4 =	vld [tilespmem:s25+$0x20]  }
0x258: {  	v3 =	vmul.bf16 v5, v3;
	v5 =	vld [tilespmem:s25+$0x30]  }
0x259: {  	v1 =	vmul.bf16 v1, v2;
	v2 =	vld [tilespmem:s20+$0x20]  }
0x25a: {  	v3 =	vmul.bf16 v7, v3;
	v7 =	vld [tilespmem:s20+$0x30]  }
.Ltmp3:
0x25b: {  	(pc) =	sbr.rel @p0 .LBB2_9-.Ltmp3, $4  }
0x25c: {  	v9 =	vshll.u32 v3, $0x10;
	v3 =	vand.u32 $0xFFFF0000, v3;
	v4 =	vmul.bf16 v8, v4  }
0x25d: {  	v8 =	vadd.f32 $0.0e+00, v9;
	v3 =	vadd.f32 $0.0e+00, v3;
	v5 =	vmul.bf16 v6, v5  }
0x25e: {  	v6 =	vshll.u32 v1, $0x10;
	v1 =	vand.u32 $0xFFFF0000, v1;
	v4 =	vmul.bf16 v2, v4  }
0x25f: {  	v2 =	vadd.f32 v6, v8;
	v3 =	vadd.f32 v1, v3;
	v1 =	vmul.bf16 v7, v5  }
0x260: {  	v5 =	vshll.u32 v4, $0x10;
	v4 =	vand.u32 $0xFFFF0000, v4  }
0x261: {  	s2 =	sadd.s32 $0x1, s19;
	v2 =	vadd.f32 v5, v2;
	v3 =	vadd.f32 v4, v3  }
0x262: {  	v4 =	vshll.u32 v1, $0x10;
	v1 =	vand.u32 $0xFFFF0000, v1;
	v5 =	vmov s2  }
0x263: {  	s25 =	smul.u32 $0x180, s17;
	v2 =	vadd.f32 v4, v2;
	v1 =	vadd.f32 v1, v3  }
0x264: {  	s10 =	rddreg [dreg:$0x9]  }
0x265: {  	s2 =	sadd.s32 s25, s10;
	v1 =	vadd.f32 v1, v2  }
0x266: {  	s2 =	sshrl.u32 s2, $0x3  }
0x267: {  	s19 =	rddreg [dreg:$0x1b];
	s9 =	sadd.s32 s8, s2;
	s2 =	simm.s32 $0x0;
	[tilespmem:v5+s14+$0x0] =	vst.idx.add.f32.msk $0xffff, v1  }
0x268: {  	[hbm4b:s9+s2] =	stream.linear.scatter [tilespmem:s14], [sflag:$0x7], $0x80, $0x38;
	[tilespmem:$0xDF30] =	vst v63  }
0x269: {  	s9 =	sadd.s32 s25, s19  }
0x26a: {  	s9 =	sshrl.u32 s9, $0x3  }
0x26b: {  	s20 =	simm.s32 $0x1900;
	s10 =	sadd.s32 s5, s9  }
0x26c: {  	[tilespmem:s20], [sflag:$0x1] =	stream.linear.gather [hbm4b:s10+s2], $0x80, $0x38;
	[tilespmem:$0xDF30] =	vst v63  }
0x26d: {  	s19 =	sadd.s32 s7, s9  }
0x26e: {  	[tilespmem:s24], [sflag:$0x1] =	stream.linear.gather [hbm4b:s19+s2], $0x80, $0x38;
	[tilespmem:$0xDF30] =	vst v63  }
0x26f: {  	s9 =	sadd.s32 s6, s9;
	s20 =	simm.s32 $0x1C00  }
0x270: {  	[tilespmem:s20], [sflag:$0x1] =	stream.linear.gather [hbm4b:s9+s2], $0x80, $0x38;
	[tilespmem:$0xDF30] =	vst v63  }
0x271: {  	_ =	swait.ge [sflag:s18], $0x80  }
0x272: {  	[sflag:s18] =	ssyncset.done $0x0  }
0x273: {  	[sflag:s18] =	ssyncadd.s32 $0xFFFFFF80  }
0x274: {  	_ =	swait.ge [sflag:s18], $0x80  }
0x275: {  	[sflag:s18] =	ssyncset.done $0x0  }
0x276: {  	[sflag:s18] =	ssyncadd.s32 $0xFFFFFF80  }
0x277: {  	_ =	swait.ge [sflag:s18], $0x80  }
0x278: {  	[sflag:s18] =	ssyncset.done $0x0  }
0x279: {  	s10 =	simm.s32 $0x5DB0;
	[sflag:s18] =	ssyncadd.s32 $0xFFFFFF80  }
0x27a: {  	[tilespmem:s10], [sflag:$0x6] =	stream.indirect.gather [hbm4b:s4+s30], $0x40, s21, s30, $0xb8;
	[tilespmem:$0xDF30] =	vst v63  }
0x27b: {  	s19 =	simm.s32 $0x1B80;
	s20 =	simm.s32 $0xBDB0  }
0x27c: {  	[tilespmem:s20], [sflag:$0x6] =	stream.indirect.gather [hbm4b:s4+s30], $0x40, s19, s30, $0xb8;
	[tilespmem:$0xDF30] =	vst v63  }
0x27d: {  	_ =	swait.ge [sflag:s31], $0x2000  }
0x27e: {  	[sflag:s31] =	ssyncset.done $0x0  }
0x27f: {  	[sflag:s31] =	ssyncadd.s32 $0xFFFFE000  }
0x280: {  	_ =	swait.ge [sflag:s31], $0x2000  }
0x281: {  	[sflag:s31] =	ssyncset.done $0x0  }
0x282: {  	[sflag:s31] =	ssyncadd.s32 $0xFFFFE000  }
0x283: {  	_ =	swait.ge [sflag:s28], $0x80  }
0x284: {  	[sflag:s28] =	ssyncset.done $0x0  }
0x285: {  	[sflag:s28] =	ssyncadd.s32 $0xFFFFFF80  }
0x286: {  	[tilespmem:$0xDE30] =	vst v0  }
0x287: {  	[tilespmem:$0xDE40] =	vst v0  }
0x288: {  	[tilespmem:$0xDE50] =	vst v0  }
0x289: {  	[tilespmem:$0xDE60] =	vst v0  }
0x28a: {  	[tilespmem:$0xDE70] =	vst v0  }
0x28b: {  	[tilespmem:$0xDE80] =	vst v0  }
0x28c: {  	[tilespmem:$0xDE90] =	vst v0  }
0x28d: {  	s9 =	simm.s32 $0x1C90;
	[tilespmem:$0xDEA0] =	vst v0  }
0x28e: {  	v1 =	vld [tilespmem:s9+$0x0];
	_ =	sdelay $0x4  }
0x28f: {  	v1 =	vshll.u32 v1, $0x6  }
0x290: {  	(v2sf) =	vpush v1, $0x0;
	_ =	sdelay $0x7  }
0x291: {  	s10 =	simm.s32 $0x9DF0  }
0x292: {  	s19 =	simm.s32 $0x3DF0;
	v2 =	vld [tilespmem:s10+$0xFFFFFFE0]  }
0x293: {  	v3 =	vld [tilespmem:s19+$0xFFFFFFE0]  }
0x294: {  	v4 =	vld [tilespmem:s10+$0xFFFFFFF0]  }
0x295: {  	v5 =	vld [tilespmem:s10+$0xFFFFFFD0]  }
0x296: {  	v6 =	vld [tilespmem:s10+$0xFFFFFFC0]  }
0x297: {  	v7 =	vld [tilespmem:s19+$0xFFFFFFC0]  }
0x298: {  	v8 =	vld [tilespmem:s19+$0xFFFFFFD0];
	s20 =	spop (v2sf)  }
0x299: {  	v9 =	vld [tilespmem:s20+$0x0]  }
0x29a: {  	v10 =	vld [tilespmem:s19+$0xFFFFFFF0]  }
0x29b: {  	v11 =	vld [tilespmem:s20+$0x10]  }
0x29c: {  	v6 =	vmul.bf16 v6, v7;
	(v2sf) =	vpush v1, $0x1;
	v7 =	vld [tilespmem:s20+$0x30]  }
0x29d: {  	v1 =	vld [tilespmem:s20+$0x20]  }
0x29e: {  	v5 =	vmul.bf16 v5, v8;
	v6 =	vmul.bf16 v9, v6  }
0x29f: {  	v2 =	vmul.bf16 v2, v3;
	v3 =	vmul.bf16 v4, v10  }
0x2a0: {  	v5 =	vmul.bf16 v11, v5;
	v4 =	vshll.u32 v6, $0x10;
	v6 =	vand.u32 $0xFFFF0000, v6  }
0x2a1: {  	v3 =	vmul.bf16 v7, v3;
	v4 =	vadd.f32 $0.0e+00, v4;
	v6 =	vadd.f32 $0.0e+00, v6  }
0x2a2: {  	v1 =	vmul.bf16 v1, v2;
	v7 =	vshll.u32 v5, $0x10;
	v5 =	vand.u32 $0xFFFF0000, v5  }
0x2a3: {  	v2 =	vadd.f32 v7, v4;
	v4 =	vadd.f32 v5, v6;
	v5 =	vmov s2  }
0x2a4: {  	v6 =	vshll.u32 v1, $0x10;
	v1 =	vand.u32 $0xFFFF0000, v1;
	v5 =	vand.u32 $0xFFFFFFFE, v5  }
0x2a5: {  	v2 =	vadd.f32 v6, v2;
	v1 =	vadd.f32 v1, v4;
	v4 =	vbroadcast v5, $0x0  }
0x2a6: {  	v5 =	vshll.u32 v3, $0x10;
	v3 =	vand.u32 $0xFFFF0000, v3  }
0x2a7: {  	v2 =	vadd.f32 v5, v2;
	v1 =	vadd.f32 v3, v1;
	_ =	sdelay $0x1  }
0x2a8: {  	v1 =	vadd.f32 v1, v2;
	_ =	sdelay $0x1  }
0x2a9: {  	s21 =	spop (v2sf);
	[tilespmem:v4+s0+$0x0] =	vst.idx.add.f32.msk $0xffff, v1  }
0x2aa: {  	v1 =	vld [tilespmem:s21+$0x10]  }
0x2ab: {  	v2 =	vld [tilespmem:s10+$0x10]  }
0x2ac: {  	v3 =	vld [tilespmem:s19+$0x0]  }
0x2ad: {  	v4 =	vld [tilespmem:s19+$0x10]  }
0x2ae: {  	v5 =	vld [tilespmem:s10+$0x0]  }
0x2af: {  	v7 =	vld [tilespmem:s21+$0x0]  }
0x2b0: {  	v62 =	vld [tilespmem:s10+$0x20]  }
0x2b1: {  	v63 =	vld [tilespmem:s19+$0x20]  }
0x2b2: {  	v6 =	vld [tilespmem:s10+$0x30]  }
0x2b3: {  	v3 =	vmul.bf16 v5, v3;
	v5 =	vld [tilespmem:s19+$0x30]  }
0x2b4: {  	v2 =	vmul.bf16 v2, v4;
	v4 =	vld [tilespmem:s21+$0x20]  }
0x2b5: {  	v3 =	vmul.bf16 v7, v3;
	v7 =	vld [tilespmem:s21+$0x30]  }
0x2b6: {  	v8 =	vmul.bf16 v62, v63  }
0x2b7: {  	v1 =	vmul.bf16 v1, v2;
	v2 =	vshll.u32 v3, $0x10;
	v3 =	vand.u32 $0xFFFF0000, v3  }
0x2b8: {  	v2 =	vadd.f32 $0.0e+00, v2;
	v3 =	vadd.f32 $0.0e+00, v3;
	v5 =	vmul.bf16 v6, v5  }
0x2b9: {  	v6 =	vshll.u32 v1, $0x10;
	v1 =	vand.u32 $0xFFFF0000, v1;
	v4 =	vmul.bf16 v4, v8  }
0x2ba: {  	s20 =	simm.s32 $0x2;
	v2 =	vadd.f32 v6, v2;
	v3 =	vadd.f32 v1, v3;
	v1 =	vmul.bf16 v7, v5  }
.LBB2_11:
0x2bb: {  	s9 =	sadd.s32 $0x2, s9  }
0x2bc: {  	v5 =	vshll.u32 v4, $0x10;
	v4 =	vand.u32 $0xFFFF0000, v4;
	s19 =	sadd.s32 $0x80, s19;
	s10 =	sadd.s32 $0x80, s10;
	s21 =	smov.u32 s20  }
0x2bd: {  	p0 =	sne.s32 s20, $0x7E;
	s20 =	sadd.s32 $0x2, s20;
	s2 =	sadd.s32 $0x1, s2;
	v2 =	vadd.f32 v5, v2;
	v3 =	vadd.f32 v4, v3  }
0x2be: {  	v4 =	vshll.u32 v1, $0x10;
	v1 =	vand.u32 $0xFFFF0000, v1;
	v5 =	vmov s2;
	s2 =	smov.u32 s21  }
0x2bf: {  	v2 =	vadd.f32 v4, v2;
	v1 =	vadd.f32 v1, v3;
	_ =	sdelay $0x1  }
0x2c0: {  	v1 =	vadd.f32 v1, v2;
	_ =	sdelay $0x1  }
0x2c1: {  	[tilespmem:v5+s0+$0x0] =	vst.idx.add.f32.msk $0xffff, v1  }
0x2c2: {  	v1 =	vld [tilespmem:s9+$0x0];
	_ =	sdelay $0x4  }
0x2c3: {  	v1 =	vshll.u32 v1, $0x6  }
0x2c4: {  	(v2sf) =	vpush v1, $0x0;
	_ =	sdelay $0x7  }
0x2c5: {  	v2 =	vld [tilespmem:s10+$0xFFFFFFE0]  }
0x2c6: {  	v3 =	vld [tilespmem:s19+$0xFFFFFFE0]  }
0x2c7: {  	v4 =	vld [tilespmem:s10+$0xFFFFFFF0]  }
0x2c8: {  	v5 =	vld [tilespmem:s19+$0xFFFFFFF0]  }
0x2c9: {  	v6 =	vld [tilespmem:s10+$0xFFFFFFD0]  }
0x2ca: {  	v7 =	vld [tilespmem:s10+$0xFFFFFFC0]  }
0x2cb: {  	v8 =	vld [tilespmem:s19+$0xFFFFFFC0];
	v2 =	vmul.bf16 v2, v3  }
0x2cc: {  	v3 =	vld [tilespmem:s19+$0xFFFFFFD0];
	s21 =	spop (v2sf)  }
0x2cd: {  	v9 =	vld [tilespmem:s21+$0x0]  }
0x2ce: {  	v10 =	vld [tilespmem:s21+$0x20]  }
0x2cf: {  	v11 =	vld [tilespmem:s21+$0x10]  }
0x2d0: {  	v7 =	vmul.bf16 v7, v8;
	v8 =	vld [tilespmem:s21+$0x30];
	(v2sf) =	vpush v1, $0x1  }
0x2d1: {  	v1 =	vmul.bf16 v6, v3  }
0x2d2: {  	v3 =	vmul.bf16 v9, v7  }
0x2d3: {  	v4 =	vmul.bf16 v4, v5  }
0x2d4: {  	v5 =	vshll.u32 v3, $0x10;
	v3 =	vand.u32 $0xFFFF0000, v3;
	v1 =	vmul.bf16 v11, v1  }
0x2d5: {  	v5 =	vadd.f32 $0.0e+00, v5;
	v3 =	vadd.f32 $0.0e+00, v3;
	v4 =	vmul.bf16 v8, v4  }
0x2d6: {  	v2 =	vmul.bf16 v10, v2;
	v6 =	vshll.u32 v1, $0x10;
	v1 =	vand.u32 $0xFFFF0000, v1  }
0x2d7: {  	v5 =	vadd.f32 v6, v5;
	v1 =	vadd.f32 v1, v3;
	v3 =	vmov s2  }
0x2d8: {  	v6 =	vshll.u32 v2, $0x10;
	v2 =	vand.u32 $0xFFFF0000, v2;
	v3 =	vand.u32 $0xFFFFFFFE, v3  }
0x2d9: {  	v5 =	vadd.f32 v6, v5;
	v1 =	vadd.f32 v2, v1;
	v2 =	vbroadcast v3, $0x0  }
0x2da: {  	v3 =	vshll.u32 v4, $0x10;
	v4 =	vand.u32 $0xFFFF0000, v4  }
0x2db: {  	v3 =	vadd.f32 v3, v5;
	v1 =	vadd.f32 v4, v1;
	_ =	sdelay $0x1  }
0x2dc: {  	v1 =	vadd.f32 v1, v3;
	_ =	sdelay $0x1  }
0x2dd: {  	[tilespmem:v2+s0+$0x0] =	vst.idx.add.f32.msk $0xffff, v1;
	s21 =	spop (v2sf)  }
0x2de: {  	v1 =	vld [tilespmem:s21+$0x10]  }
0x2df: {  	v2 =	vld [tilespmem:s10+$0x10]  }
0x2e0: {  	v3 =	vld [tilespmem:s19+$0x0]  }
0x2e1: {  	v4 =	vld [tilespmem:s19+$0x10]  }
0x2e2: {  	v5 =	vld [tilespmem:s10+$0x0]  }
0x2e3: {  	v6 =	vld [tilespmem:s10+$0x30]  }
0x2e4: {  	v7 =	vld [tilespmem:s21+$0x0]  }
0x2e5: {  	v8 =	vld [tilespmem:s10+$0x20]  }
0x2e6: {  	v2 =	vmul.bf16 v2, v4;
	v4 =	vld [tilespmem:s19+$0x20]  }
0x2e7: {  	v3 =	vmul.bf16 v5, v3;
	v5 =	vld [tilespmem:s19+$0x30]  }
0x2e8: {  	v1 =	vmul.bf16 v1, v2;
	v2 =	vld [tilespmem:s21+$0x20]  }
0x2e9: {  	v3 =	vmul.bf16 v7, v3;
	v7 =	vld [tilespmem:s21+$0x30]  }
.Ltmp4:
0x2ea: {  	(pc) =	sbr.rel @p0 .LBB2_11-.Ltmp4, $4  }
0x2eb: {  	v9 =	vshll.u32 v3, $0x10;
	v3 =	vand.u32 $0xFFFF0000, v3;
	v4 =	vmul.bf16 v8, v4  }
0x2ec: {  	v8 =	vadd.f32 $0.0e+00, v9;
	v3 =	vadd.f32 $0.0e+00, v3;
	v5 =	vmul.bf16 v6, v5  }
0x2ed: {  	v6 =	vshll.u32 v1, $0x10;
	v1 =	vand.u32 $0xFFFF0000, v1;
	v4 =	vmul.bf16 v2, v4  }
0x2ee: {  	v2 =	vadd.f32 v6, v8;
	v3 =	vadd.f32 v1, v3;
	v1 =	vmul.bf16 v7, v5  }
0x2ef: {  	v5 =	vshll.u32 v4, $0x10;
	v4 =	vand.u32 $0xFFFF0000, v4  }
0x2f0: {  	s2 =	sadd.s32 $0x1, s2;
	v2 =	vadd.f32 v5, v2;
	v3 =	vadd.f32 v4, v3  }
0x2f1: {  	v4 =	vshll.u32 v1, $0x10;
	v1 =	vand.u32 $0xFFFF0000, v1;
	v5 =	vmov s2  }
0x2f2: {  	v2 =	vadd.f32 v4, v2;
	v1 =	vadd.f32 v1, v3  }
0x2f3: {  	s10 =	rddreg [dreg:$0xb]  }
0x2f4: {  	s2 =	sadd.s32 s25, s10;
	v1 =	vadd.f32 v1, v2  }
0x2f5: {  	s2 =	sshrl.u32 s2, $0x3  }
0x2f6: {  	s19 =	rddreg [dreg:$0x1c];
	s9 =	sadd.s32 s8, s2;
	s2 =	simm.s32 $0x0;
	[tilespmem:v5+s0+$0x0] =	vst.idx.add.f32.msk $0xffff, v1  }
0x2f7: {  	[hbm4b:s9+s2] =	stream.linear.scatter [tilespmem:s0], [sflag:$0x8], $0x80, $0x38;
	[tilespmem:$0xDF30] =	vst v63  }
0x2f8: {  	s9 =	sadd.s32 s25, s19  }
0x2f9: {  	s9 =	sshrl.u32 s9, $0x3  }
0x2fa: {  	s10 =	sadd.s32 s5, s9  }
0x2fb: {  	[tilespmem:s26], [sflag:$0x2] =	stream.linear.gather [hbm4b:s10+s2], $0x80, $0x38;
	[tilespmem:$0xDF30] =	vst v63  }
0x2fc: {  	s20 =	sadd.s32 s7, s9  }
0x2fd: {  	[tilespmem:s22], [sflag:$0x2] =	stream.linear.gather [hbm4b:s20+s2], $0x80, $0x38;
	[tilespmem:$0xDF30] =	vst v63  }
0x2fe: {  	s21 =	simm.s32 $0x1C90;
	s9 =	sadd.s32 s6, s9  }
0x2ff: {  	[tilespmem:s21], [sflag:$0x2] =	stream.linear.gather [hbm4b:s9+s2], $0x80, $0x38;
	[tilespmem:$0xDF30] =	vst v63  }
0x300: {  	_ =	swait.ge [sflag:s29], $0x80  }
0x301: {  	[sflag:s29] =	ssyncset.done $0x0  }
0x302: {  	[sflag:s29] =	ssyncadd.s32 $0xFFFFFF80  }
0x303: {  	_ =	swait.ge [sflag:s29], $0x80  }
0x304: {  	[sflag:s29] =	ssyncset.done $0x0  }
0x305: {  	[sflag:s29] =	ssyncadd.s32 $0xFFFFFF80  }
0x306: {  	_ =	swait.ge [sflag:s29], $0x80  }
0x307: {  	[sflag:s29] =	ssyncset.done $0x0  }
0x308: {  	s19 =	simm.s32 $0x1DB0;
	s10 =	simm.s32 $0x1900;
	[sflag:s29] =	ssyncadd.s32 $0xFFFFFF80  }
0x309: {  	[tilespmem:s19], [sflag:$0x4] =	stream.indirect.gather [hbm4b:s4+s30], $0x40, s10, s30, $0xb8;
	[tilespmem:$0xDF30] =	vst v63  }
0x30a: {  	s20 =	simm.s32 $0x7DB0  }
0x30b: {  	[tilespmem:s20], [sflag:$0x4] =	stream.indirect.gather [hbm4b:s4+s30], $0x40, s24, s30, $0xb8;
	[tilespmem:$0xDF30] =	vst v63  }
0x30c: {  	_ =	swait.ge [sflag:s11], $0x2000  }
0x30d: {  	[sflag:s11] =	ssyncset.done $0x0  }
0x30e: {  	[sflag:s11] =	ssyncadd.s32 $0xFFFFE000  }
0x30f: {  	_ =	swait.ge [sflag:s11], $0x2000  }
0x310: {  	[sflag:s11] =	ssyncset.done $0x0  }
0x311: {  	[sflag:s11] =	ssyncadd.s32 $0xFFFFE000  }
0x312: {  	_ =	swait.ge [sflag:s16], $0x80  }
0x313: {  	[sflag:s16] =	ssyncset.done $0x0  }
0x314: {  	[sflag:s16] =	ssyncadd.s32 $0xFFFFFF80  }
0x315: {  	[tilespmem:$0xDEB0] =	vst v0  }
0x316: {  	[tilespmem:$0xDEC0] =	vst v0  }
0x317: {  	[tilespmem:$0xDED0] =	vst v0  }
0x318: {  	[tilespmem:$0xDEE0] =	vst v0  }
0x319: {  	[tilespmem:$0xDEF0] =	vst v0  }
0x31a: {  	[tilespmem:$0xDF00] =	vst v0  }
0x31b: {  	[tilespmem:$0xDF10] =	vst v0  }
0x31c: {  	s9 =	simm.s32 $0x1D20;
	[tilespmem:$0xDF20] =	vst v0  }
0x31d: {  	v1 =	vld [tilespmem:s9+$0x0];
	_ =	sdelay $0x4  }
0x31e: {  	v1 =	vshll.u32 v1, $0x6  }
0x31f: {  	(v2sf) =	vpush v1, $0x0;
	_ =	sdelay $0x7  }
0x320: {  	s10 =	simm.s32 $0xBDF0  }
0x321: {  	s19 =	simm.s32 $0x5DF0;
	v2 =	vld [tilespmem:s10+$0xFFFFFFE0]  }
0x322: {  	v3 =	vld [tilespmem:s19+$0xFFFFFFE0]  }
0x323: {  	v4 =	vld [tilespmem:s10+$0xFFFFFFF0]  }
0x324: {  	v5 =	vld [tilespmem:s10+$0xFFFFFFD0]  }
0x325: {  	v6 =	vld [tilespmem:s10+$0xFFFFFFC0]  }
0x326: {  	v7 =	vld [tilespmem:s19+$0xFFFFFFC0]  }
0x327: {  	v8 =	vld [tilespmem:s19+$0xFFFFFFD0];
	s20 =	spop (v2sf)  }
0x328: {  	v9 =	vld [tilespmem:s20+$0x0]  }
0x329: {  	v10 =	vld [tilespmem:s19+$0xFFFFFFF0]  }
0x32a: {  	v11 =	vld [tilespmem:s20+$0x10]  }
0x32b: {  	v6 =	vmul.bf16 v6, v7;
	(v2sf) =	vpush v1, $0x1;
	v7 =	vld [tilespmem:s20+$0x30]  }
0x32c: {  	v1 =	vld [tilespmem:s20+$0x20]  }
0x32d: {  	v5 =	vmul.bf16 v5, v8;
	v6 =	vmul.bf16 v9, v6  }
0x32e: {  	v2 =	vmul.bf16 v2, v3;
	v3 =	vmul.bf16 v4, v10  }
0x32f: {  	v5 =	vmul.bf16 v11, v5;
	v4 =	vshll.u32 v6, $0x10;
	v6 =	vand.u32 $0xFFFF0000, v6  }
0x330: {  	v3 =	vmul.bf16 v7, v3;
	v4 =	vadd.f32 $0.0e+00, v4;
	v6 =	vadd.f32 $0.0e+00, v6  }
0x331: {  	v1 =	vmul.bf16 v1, v2;
	v7 =	vshll.u32 v5, $0x10;
	v5 =	vand.u32 $0xFFFF0000, v5  }
0x332: {  	v2 =	vadd.f32 v7, v4;
	v4 =	vadd.f32 v5, v6;
	v5 =	vmov s2  }
0x333: {  	v6 =	vshll.u32 v1, $0x10;
	v1 =	vand.u32 $0xFFFF0000, v1;
	v5 =	vand.u32 $0xFFFFFFFE, v5  }
0x334: {  	v2 =	vadd.f32 v6, v2;
	v1 =	vadd.f32 v1, v4;
	v4 =	vbroadcast v5, $0x0  }
0x335: {  	v5 =	vshll.u32 v3, $0x10;
	v3 =	vand.u32 $0xFFFF0000, v3  }
0x336: {  	v2 =	vadd.f32 v5, v2;
	v1 =	vadd.f32 v3, v1;
	_ =	sdelay $0x1  }
0x337: {  	v1 =	vadd.f32 v1, v2;
	_ =	sdelay $0x1  }
0x338: {  	s21 =	spop (v2sf);
	[tilespmem:v4+s12+$0x0] =	vst.idx.add.f32.msk $0xffff, v1  }
0x339: {  	v1 =	vld [tilespmem:s21+$0x10]  }
0x33a: {  	v2 =	vld [tilespmem:s10+$0x10]  }
0x33b: {  	v3 =	vld [tilespmem:s19+$0x0]  }
0x33c: {  	v4 =	vld [tilespmem:s19+$0x10]  }
0x33d: {  	v5 =	vld [tilespmem:s10+$0x0]  }
0x33e: {  	v7 =	vld [tilespmem:s21+$0x0]  }
0x33f: {  	v62 =	vld [tilespmem:s10+$0x20]  }
0x340: {  	v63 =	vld [tilespmem:s19+$0x20]  }
0x341: {  	v6 =	vld [tilespmem:s10+$0x30]  }
0x342: {  	v3 =	vmul.bf16 v5, v3;
	v5 =	vld [tilespmem:s19+$0x30]  }
0x343: {  	v2 =	vmul.bf16 v2, v4;
	v4 =	vld [tilespmem:s21+$0x20]  }
0x344: {  	v3 =	vmul.bf16 v7, v3;
	v7 =	vld [tilespmem:s21+$0x30]  }
0x345: {  	v8 =	vmul.bf16 v62, v63  }
0x346: {  	v1 =	vmul.bf16 v1, v2;
	v2 =	vshll.u32 v3, $0x10;
	v3 =	vand.u32 $0xFFFF0000, v3  }
0x347: {  	v2 =	vadd.f32 $0.0e+00, v2;
	v3 =	vadd.f32 $0.0e+00, v3;
	v5 =	vmul.bf16 v6, v5  }
0x348: {  	v6 =	vshll.u32 v1, $0x10;
	v1 =	vand.u32 $0xFFFF0000, v1;
	v4 =	vmul.bf16 v4, v8  }
0x349: {  	s20 =	simm.s32 $0x2;
	v2 =	vadd.f32 v6, v2;
	v3 =	vadd.f32 v1, v3;
	v1 =	vmul.bf16 v7, v5  }
.LBB2_13:
0x34a: {  	s9 =	sadd.s32 $0x2, s9  }
0x34b: {  	v5 =	vshll.u32 v4, $0x10;
	v4 =	vand.u32 $0xFFFF0000, v4;
	s19 =	sadd.s32 $0x80, s19;
	s10 =	sadd.s32 $0x80, s10;
	s21 =	smov.u32 s20  }
0x34c: {  	p0 =	sne.s32 s20, $0x7E;
	s20 =	sadd.s32 $0x2, s20;
	s2 =	sadd.s32 $0x1, s2;
	v2 =	vadd.f32 v5, v2;
	v3 =	vadd.f32 v4, v3  }
0x34d: {  	v4 =	vshll.u32 v1, $0x10;
	v1 =	vand.u32 $0xFFFF0000, v1;
	v5 =	vmov s2;
	s2 =	smov.u32 s21  }
0x34e: {  	v2 =	vadd.f32 v4, v2;
	v1 =	vadd.f32 v1, v3;
	_ =	sdelay $0x1  }
0x34f: {  	v1 =	vadd.f32 v1, v2;
	_ =	sdelay $0x1  }
0x350: {  	[tilespmem:v5+s12+$0x0] =	vst.idx.add.f32.msk $0xffff, v1  }
0x351: {  	v1 =	vld [tilespmem:s9+$0x0];
	_ =	sdelay $0x4  }
0x352: {  	v1 =	vshll.u32 v1, $0x6  }
0x353: {  	(v2sf) =	vpush v1, $0x0;
	_ =	sdelay $0x7  }
0x354: {  	v2 =	vld [tilespmem:s10+$0xFFFFFFE0]  }
0x355: {  	v3 =	vld [tilespmem:s19+$0xFFFFFFE0]  }
0x356: {  	v4 =	vld [tilespmem:s10+$0xFFFFFFF0]  }
0x357: {  	v5 =	vld [tilespmem:s19+$0xFFFFFFF0]  }
0x358: {  	v6 =	vld [tilespmem:s10+$0xFFFFFFD0]  }
0x359: {  	v7 =	vld [tilespmem:s10+$0xFFFFFFC0]  }
0x35a: {  	v8 =	vld [tilespmem:s19+$0xFFFFFFC0];
	v2 =	vmul.bf16 v2, v3  }
0x35b: {  	v3 =	vld [tilespmem:s19+$0xFFFFFFD0];
	s21 =	spop (v2sf)  }
0x35c: {  	v9 =	vld [tilespmem:s21+$0x0]  }
0x35d: {  	v10 =	vld [tilespmem:s21+$0x20]  }
0x35e: {  	v11 =	vld [tilespmem:s21+$0x10]  }
0x35f: {  	v7 =	vmul.bf16 v7, v8;
	v8 =	vld [tilespmem:s21+$0x30];
	(v2sf) =	vpush v1, $0x1  }
0x360: {  	v1 =	vmul.bf16 v6, v3  }
0x361: {  	v3 =	vmul.bf16 v9, v7  }
0x362: {  	v4 =	vmul.bf16 v4, v5  }
0x363: {  	v5 =	vshll.u32 v3, $0x10;
	v3 =	vand.u32 $0xFFFF0000, v3;
	v1 =	vmul.bf16 v11, v1  }
0x364: {  	v5 =	vadd.f32 $0.0e+00, v5;
	v3 =	vadd.f32 $0.0e+00, v3;
	v4 =	vmul.bf16 v8, v4  }
0x365: {  	v2 =	vmul.bf16 v10, v2;
	v6 =	vshll.u32 v1, $0x10;
	v1 =	vand.u32 $0xFFFF0000, v1  }
0x366: {  	v5 =	vadd.f32 v6, v5;
	v1 =	vadd.f32 v1, v3;
	v3 =	vmov s2  }
0x367: {  	v6 =	vshll.u32 v2, $0x10;
	v2 =	vand.u32 $0xFFFF0000, v2;
	v3 =	vand.u32 $0xFFFFFFFE, v3  }
0x368: {  	v5 =	vadd.f32 v6, v5;
	v1 =	vadd.f32 v2, v1;
	v2 =	vbroadcast v3, $0x0  }
0x369: {  	v3 =	vshll.u32 v4, $0x10;
	v4 =	vand.u32 $0xFFFF0000, v4  }
0x36a: {  	v3 =	vadd.f32 v3, v5;
	v1 =	vadd.f32 v4, v1;
	_ =	sdelay $0x1  }
0x36b: {  	v1 =	vadd.f32 v1, v3;
	_ =	sdelay $0x1  }
0x36c: {  	[tilespmem:v2+s12+$0x0] =	vst.idx.add.f32.msk $0xffff, v1;
	s21 =	spop (v2sf)  }
0x36d: {  	v1 =	vld [tilespmem:s21+$0x10]  }
0x36e: {  	v2 =	vld [tilespmem:s10+$0x10]  }
0x36f: {  	v3 =	vld [tilespmem:s19+$0x0]  }
0x370: {  	v4 =	vld [tilespmem:s19+$0x10]  }
0x371: {  	v5 =	vld [tilespmem:s10+$0x0]  }
0x372: {  	v6 =	vld [tilespmem:s10+$0x30]  }
0x373: {  	v7 =	vld [tilespmem:s21+$0x0]  }
0x374: {  	v8 =	vld [tilespmem:s10+$0x20]  }
0x375: {  	v2 =	vmul.bf16 v2, v4;
	v4 =	vld [tilespmem:s19+$0x20]  }
0x376: {  	v3 =	vmul.bf16 v5, v3;
	v5 =	vld [tilespmem:s19+$0x30]  }
0x377: {  	v1 =	vmul.bf16 v1, v2;
	v2 =	vld [tilespmem:s21+$0x20]  }
0x378: {  	v3 =	vmul.bf16 v7, v3;
	v7 =	vld [tilespmem:s21+$0x30]  }
.Ltmp5:
0x379: {  	(pc) =	sbr.rel @p0 .LBB2_13-.Ltmp5, $4  }
0x37a: {  	v9 =	vshll.u32 v3, $0x10;
	v3 =	vand.u32 $0xFFFF0000, v3;
	v4 =	vmul.bf16 v8, v4  }
0x37b: {  	v8 =	vadd.f32 $0.0e+00, v9;
	v3 =	vadd.f32 $0.0e+00, v3;
	v5 =	vmul.bf16 v6, v5  }
0x37c: {  	v6 =	vshll.u32 v1, $0x10;
	v1 =	vand.u32 $0xFFFF0000, v1;
	v4 =	vmul.bf16 v2, v4  }
0x37d: {  	v2 =	vadd.f32 v6, v8;
	v3 =	vadd.f32 v1, v3;
	v1 =	vmul.bf16 v7, v5  }
0x37e: {  	v5 =	vshll.u32 v4, $0x10;
	v61 =	vand.u32 $0xFFFF0000, v4  }
0x37f: {  	s2 =	sadd.s32 $0x1, s2;
	v2 =	vadd.f32 v5, v2;
	v3 =	vadd.f32 v61, v3  }
0x380: {  	v62 =	vshll.u32 v1, $0x10;
	v1 =	vand.u32 $0xFFFF0000, v1;
	v63 =	vmov s2  }
0x381: {  	v2 =	vadd.f32 v62, v2;
	v1 =	vadd.f32 v1, v3  }
0x382: {  	s10 =	rddreg [dreg:$0x13]  }
0x383: {  	s2 =	sadd.s32 s25, s10;
	v1 =	vadd.f32 v1, v2  }
0x384: {  	s2 =	sshrl.u32 s2, $0x3  }
0x385: {  	s19 =	rddreg [dreg:$0x1d];
	s2 =	sadd.s32 s8, s2;
	[tilespmem:v63+s12+$0x0] =	vst.idx.add.f32.msk $0xffff, v1  }
0x386: {  	[hbm4b:s2+s3] =	stream.linear.scatter [tilespmem:s12], [sflag:$0x9], $0x80, $0x38;
	[tilespmem:$0xDF30] =	vst v63  }
0x387: {  	s2 =	sadd.s32 s25, s19  }
0x388: {  	s17 =	sadd.s32 $0x1, s17;
	s2 =	sshrl.u32 s2, $0x3  }
0x389: {  	s21 =	simm.s32 $0x1A00;
	p0 =	sne.s32 s17, $0x27;
	s9 =	sadd.s32 s5, s2  }
0x38a: {  	[tilespmem:s21], [sflag:$0x3] =	stream.linear.gather [hbm4b:s9+s3], $0x80, $0x38;
	[tilespmem:$0xDF30] =	vst v63  }
.Ltmp6:
0x38b: {  	_ = 	snop;
	(pc) =	sbr.rel @p0 .LBB2_8-.Ltmp6, $4  }
0x38c: {  	s10 =	simm.s32 $0x1B80;
	s20 =	sadd.s32 s7, s2  }
0x38d: {  	[tilespmem:s10], [sflag:$0x3] =	stream.linear.gather [hbm4b:s20+s3], $0x80, $0x38;
	[tilespmem:$0xDF30] =	vst v63  }
0x38e: {  	s25 =	simm.s32 $0x1D20;
	s2 =	sadd.s32 s6, s2  }
0x38f: {  	[tilespmem:s25], [sflag:$0x3] =	stream.linear.gather [hbm4b:s2+s3], $0x80, $0x38;
	[tilespmem:$0xDF30] =	vst v63  }
0x390: {  	_ =	swait.ge [sflag:s1], $0x80  }
0x391: {  	[sflag:s1] =	ssyncset.done $0x0  }
0x392: {  	[sflag:s1] =	ssyncadd.s32 $0xFFFFFF80  }
0x393: {  	_ =	swait.ge [sflag:s1], $0x80  }
0x394: {  	[sflag:s1] =	ssyncset.done $0x0  }
0x395: {  	[sflag:s1] =	ssyncadd.s32 $0xFFFFFF80  }
0x396: {  	_ =	swait.ge [sflag:s1], $0x80  }
0x397: {  	[sflag:s1] =	ssyncset.done $0x0  }
0x398: {  	s2 =	simm.s32 $0x3DB0;
	[sflag:s1] =	ssyncadd.s32 $0xFFFFFF80  }
0x399: {  	[tilespmem:s2], [sflag:$0x5] =	stream.indirect.gather [hbm4b:s4+s30], $0x40, s26, s30, $0xb8;
	[tilespmem:$0xDF30] =	vst v63  }
0x39a: {  	s25 =	simm.s32 $0x9DB0  }
0x39b: {  	[tilespmem:s25], [sflag:$0x5] =	stream.indirect.gather [hbm4b:s4+s30], $0x40, s22, s30, $0xb8;
	[tilespmem:$0xDF30] =	vst v63  }
0x39c: {  	_ =	swait.ge [sflag:s13], $0x2000  }
0x39d: {  	[sflag:s13] =	ssyncset.done $0x0  }
0x39e: {  	[sflag:s13] =	ssyncadd.s32 $0xFFFFE000  }
0x39f: {  	_ =	swait.ge [sflag:s13], $0x2000  }
0x3a0: {  	[sflag:s13] =	ssyncset.done $0x0  }
0x3a1: {  	[sflag:s13] =	ssyncadd.s32 $0xFFFFE000  }
0x3a2: {  	_ =	swait.ge [sflag:s23], $0x80  }
0x3a3: {  	[sflag:s23] =	ssyncset.done $0x0  }
0x3a4: {  	[sflag:s23] =	ssyncadd.s32 $0xFFFFFF80  }
0x3a5: {  	[tilespmem:$0xDDB0] =	vst v0  }
0x3a6: {  	[tilespmem:$0xDDC0] =	vst v0  }
0x3a7: {  	[tilespmem:$0xDDD0] =	vst v0  }
0x3a8: {  	[tilespmem:$0xDDE0] =	vst v0  }
0x3a9: {  	[tilespmem:$0xDDF0] =	vst v0  }
0x3aa: {  	[tilespmem:$0xDE00] =	vst v0  }
0x3ab: {  	[tilespmem:$0xDE10] =	vst v0  }
0x3ac: {  	s2 =	simm.s32 $0x1C00;
	[tilespmem:$0xDE20] =	vst v0  }
0x3ad: {  	v1 =	vld [tilespmem:s2+$0x0];
	_ =	sdelay $0x4  }
0x3ae: {  	v1 =	vshll.u32 v1, $0x6  }
0x3af: {  	(v2sf) =	vpush v1, $0x0;
	_ =	sdelay $0x7  }
0x3b0: {  	s9 =	simm.s32 $0x7DF0  }
0x3b1: {  	s10 =	simm.s32 $0x1DF0;
	v2 =	vld [tilespmem:s9+$0xFFFFFFE0]  }
0x3b2: {  	v3 =	vld [tilespmem:s10+$0xFFFFFFE0]  }
0x3b3: {  	v4 =	vld [tilespmem:s9+$0xFFFFFFF0]  }
0x3b4: {  	v5 =	vld [tilespmem:s9+$0xFFFFFFD0]  }
0x3b5: {  	v6 =	vld [tilespmem:s9+$0xFFFFFFC0]  }
0x3b6: {  	v7 =	vld [tilespmem:s10+$0xFFFFFFC0]  }
0x3b7: {  	v8 =	vld [tilespmem:s10+$0xFFFFFFD0];
	s15 =	spop (v2sf)  }
0x3b8: {  	v9 =	vld [tilespmem:s15+$0x0]  }
0x3b9: {  	v10 =	vld [tilespmem:s10+$0xFFFFFFF0]  }
0x3ba: {  	v11 =	vld [tilespmem:s15+$0x10]  }
0x3bb: {  	v6 =	vmul.bf16 v6, v7;
	(v2sf) =	vpush v1, $0x1;
	v7 =	vld [tilespmem:s15+$0x30]  }
0x3bc: {  	v1 =	vld [tilespmem:s15+$0x20]  }
0x3bd: {  	v5 =	vmul.bf16 v5, v8;
	v6 =	vmul.bf16 v9, v6  }
0x3be: {  	v2 =	vmul.bf16 v2, v3;
	v3 =	vmul.bf16 v4, v10  }
0x3bf: {  	v5 =	vmul.bf16 v11, v5;
	v4 =	vshll.u32 v6, $0x10;
	v6 =	vand.u32 $0xFFFF0000, v6  }
0x3c0: {  	v3 =	vmul.bf16 v7, v3;
	v4 =	vadd.f32 $0.0e+00, v4;
	v6 =	vadd.f32 $0.0e+00, v6  }
0x3c1: {  	s15 =	simm.s32 $0x0;
	v1 =	vmul.bf16 v1, v2;
	v7 =	vshll.u32 v5, $0x10;
	v5 =	vand.u32 $0xFFFF0000, v5  }
0x3c2: {  	v2 =	vadd.f32 v7, v4;
	v4 =	vadd.f32 v5, v6;
	v5 =	vmov s15  }
0x3c3: {  	v6 =	vshll.u32 v1, $0x10;
	v1 =	vand.u32 $0xFFFF0000, v1;
	v5 =	vand.u32 $0xFFFFFFFE, v5  }
0x3c4: {  	v2 =	vadd.f32 v6, v2;
	v1 =	vadd.f32 v1, v4;
	v4 =	vbroadcast v5, $0x0  }
0x3c5: {  	v5 =	vshll.u32 v3, $0x10;
	v3 =	vand.u32 $0xFFFF0000, v3  }
0x3c6: {  	v2 =	vadd.f32 v5, v2;
	v1 =	vadd.f32 v3, v1;
	_ =	sdelay $0x1  }
0x3c7: {  	v1 =	vadd.f32 v1, v2;
	_ =	sdelay $0x1  }
0x3c8: {  	s17 =	spop (v2sf);
	[tilespmem:v4+s14+$0x0] =	vst.idx.add.f32.msk $0xffff, v1  }
0x3c9: {  	v1 =	vld [tilespmem:s17+$0x10]  }
0x3ca: {  	v2 =	vld [tilespmem:s9+$0x10]  }
0x3cb: {  	v3 =	vld [tilespmem:s10+$0x0]  }
0x3cc: {  	v4 =	vld [tilespmem:s10+$0x10]  }
0x3cd: {  	v5 =	vld [tilespmem:s9+$0x0]  }
0x3ce: {  	v7 =	vld [tilespmem:s17+$0x0]  }
0x3cf: {  	v62 =	vld [tilespmem:s9+$0x20]  }
0x3d0: {  	v63 =	vld [tilespmem:s10+$0x20]  }
0x3d1: {  	v6 =	vld [tilespmem:s9+$0x30]  }
0x3d2: {  	v3 =	vmul.bf16 v5, v3;
	v5 =	vld [tilespmem:s10+$0x30]  }
0x3d3: {  	v2 =	vmul.bf16 v2, v4;
	v4 =	vld [tilespmem:s17+$0x20]  }
0x3d4: {  	v3 =	vmul.bf16 v7, v3;
	v7 =	vld [tilespmem:s17+$0x30]  }
0x3d5: {  	v8 =	vmul.bf16 v62, v63  }
0x3d6: {  	v1 =	vmul.bf16 v1, v2;
	v2 =	vshll.u32 v3, $0x10;
	v3 =	vand.u32 $0xFFFF0000, v3  }
0x3d7: {  	v2 =	vadd.f32 $0.0e+00, v2;
	v3 =	vadd.f32 $0.0e+00, v3;
	v5 =	vmul.bf16 v6, v5  }
0x3d8: {  	v6 =	vshll.u32 v1, $0x10;
	v1 =	vand.u32 $0xFFFF0000, v1;
	v4 =	vmul.bf16 v4, v8  }
0x3d9: {  	s17 =	simm.s32 $0x2;
	v2 =	vadd.f32 v6, v2;
	v3 =	vadd.f32 v1, v3;
	v1 =	vmul.bf16 v7, v5  }
.LBB2_16:
0x3da: {  	s2 =	sadd.s32 $0x2, s2  }
0x3db: {  	v5 =	vshll.u32 v4, $0x10;
	v4 =	vand.u32 $0xFFFF0000, v4;
	s10 =	sadd.s32 $0x80, s10;
	s9 =	sadd.s32 $0x80, s9;
	s19 =	smov.u32 s17  }
0x3dc: {  	p0 =	sne.s32 s17, $0x7E;
	s17 =	sadd.s32 $0x2, s17;
	s15 =	sadd.s32 $0x1, s15;
	v2 =	vadd.f32 v5, v2;
	v3 =	vadd.f32 v4, v3  }
0x3dd: {  	v4 =	vshll.u32 v1, $0x10;
	v1 =	vand.u32 $0xFFFF0000, v1;
	v5 =	vmov s15;
	s15 =	smov.u32 s19  }
0x3de: {  	v2 =	vadd.f32 v4, v2;
	v1 =	vadd.f32 v1, v3;
	_ =	sdelay $0x1  }
0x3df: {  	v1 =	vadd.f32 v1, v2;
	_ =	sdelay $0x1  }
0x3e0: {  	[tilespmem:v5+s14+$0x0] =	vst.idx.add.f32.msk $0xffff, v1  }
0x3e1: {  	v1 =	vld [tilespmem:s2+$0x0];
	_ =	sdelay $0x4  }
0x3e2: {  	v1 =	vshll.u32 v1, $0x6  }
0x3e3: {  	(v2sf) =	vpush v1, $0x0;
	_ =	sdelay $0x7  }
0x3e4: {  	v2 =	vld [tilespmem:s9+$0xFFFFFFE0]  }
0x3e5: {  	v3 =	vld [tilespmem:s10+$0xFFFFFFE0]  }
0x3e6: {  	v4 =	vld [tilespmem:s9+$0xFFFFFFF0]  }
0x3e7: {  	v5 =	vld [tilespmem:s10+$0xFFFFFFF0]  }
0x3e8: {  	v6 =	vld [tilespmem:s9+$0xFFFFFFD0]  }
0x3e9: {  	v7 =	vld [tilespmem:s9+$0xFFFFFFC0]  }
0x3ea: {  	v8 =	vld [tilespmem:s10+$0xFFFFFFC0];
	v2 =	vmul.bf16 v2, v3  }
0x3eb: {  	v3 =	vld [tilespmem:s10+$0xFFFFFFD0];
	s19 =	spop (v2sf)  }
0x3ec: {  	v9 =	vld [tilespmem:s19+$0x0]  }
0x3ed: {  	v10 =	vld [tilespmem:s19+$0x20]  }
0x3ee: {  	v11 =	vld [tilespmem:s19+$0x10]  }
0x3ef: {  	v7 =	vmul.bf16 v7, v8;
	v8 =	vld [tilespmem:s19+$0x30];
	(v2sf) =	vpush v1, $0x1  }
0x3f0: {  	v1 =	vmul.bf16 v6, v3  }
0x3f1: {  	v3 =	vmul.bf16 v9, v7  }
0x3f2: {  	v4 =	vmul.bf16 v4, v5  }
0x3f3: {  	v5 =	vshll.u32 v3, $0x10;
	v3 =	vand.u32 $0xFFFF0000, v3;
	v1 =	vmul.bf16 v11, v1  }
0x3f4: {  	v5 =	vadd.f32 $0.0e+00, v5;
	v3 =	vadd.f32 $0.0e+00, v3;
	v4 =	vmul.bf16 v8, v4  }
0x3f5: {  	v2 =	vmul.bf16 v10, v2;
	v6 =	vshll.u32 v1, $0x10;
	v1 =	vand.u32 $0xFFFF0000, v1  }
0x3f6: {  	v5 =	vadd.f32 v6, v5;
	v1 =	vadd.f32 v1, v3;
	v3 =	vmov s15  }
0x3f7: {  	v6 =	vshll.u32 v2, $0x10;
	v2 =	vand.u32 $0xFFFF0000, v2;
	v3 =	vand.u32 $0xFFFFFFFE, v3  }
0x3f8: {  	v5 =	vadd.f32 v6, v5;
	v1 =	vadd.f32 v2, v1;
	v2 =	vbroadcast v3, $0x0  }
0x3f9: {  	v3 =	vshll.u32 v4, $0x10;
	v4 =	vand.u32 $0xFFFF0000, v4  }
0x3fa: {  	v3 =	vadd.f32 v3, v5;
	v1 =	vadd.f32 v4, v1;
	_ =	sdelay $0x1  }
0x3fb: {  	v1 =	vadd.f32 v1, v3;
	_ =	sdelay $0x1  }
0x3fc: {  	[tilespmem:v2+s14+$0x0] =	vst.idx.add.f32.msk $0xffff, v1;
	s19 =	spop (v2sf)  }
0x3fd: {  	v1 =	vld [tilespmem:s19+$0x10]  }
0x3fe: {  	v2 =	vld [tilespmem:s9+$0x10]  }
0x3ff: {  	v3 =	vld [tilespmem:s10+$0x0]  }
0x400: {  	v4 =	vld [tilespmem:s10+$0x10]  }
0x401: {  	v5 =	vld [tilespmem:s9+$0x0]  }
0x402: {  	v6 =	vld [tilespmem:s9+$0x30]  }
0x403: {  	v7 =	vld [tilespmem:s19+$0x0]  }
0x404: {  	v8 =	vld [tilespmem:s9+$0x20]  }
0x405: {  	v2 =	vmul.bf16 v2, v4;
	v4 =	vld [tilespmem:s10+$0x20]  }
0x406: {  	v3 =	vmul.bf16 v5, v3;
	v5 =	vld [tilespmem:s10+$0x30]  }
0x407: {  	v1 =	vmul.bf16 v1, v2;
	v2 =	vld [tilespmem:s19+$0x20]  }
0x408: {  	v3 =	vmul.bf16 v7, v3;
	v7 =	vld [tilespmem:s19+$0x30]  }
.Ltmp7:
0x409: {  	(pc) =	sbr.rel @p0 .LBB2_16-.Ltmp7, $4  }
0x40a: {  	v9 =	vshll.u32 v3, $0x10;
	v3 =	vand.u32 $0xFFFF0000, v3;
	v4 =	vmul.bf16 v8, v4  }
0x40b: {  	v8 =	vadd.f32 $0.0e+00, v9;
	v3 =	vadd.f32 $0.0e+00, v3;
	v5 =	vmul.bf16 v6, v5  }
0x40c: {  	v6 =	vshll.u32 v1, $0x10;
	v1 =	vand.u32 $0xFFFF0000, v1;
	v4 =	vmul.bf16 v2, v4  }
0x40d: {  	v2 =	vadd.f32 v6, v8;
	v3 =	vadd.f32 v1, v3;
	v1 =	vmul.bf16 v7, v5  }
0x40e: {  	v5 =	vshll.u32 v4, $0x10;
	v4 =	vand.u32 $0xFFFF0000, v4  }
0x40f: {  	s2 =	sadd.s32 $0x1, s15;
	v2 =	vadd.f32 v5, v2;
	v3 =	vadd.f32 v4, v3  }
0x410: {  	v4 =	vshll.u32 v1, $0x10;
	v1 =	vand.u32 $0xFFFF0000, v1;
	v5 =	vmov s2  }
0x411: {  	v2 =	vadd.f32 v4, v2;
	v1 =	vadd.f32 v1, v3;
	_ =	sdelay $0x1  }
0x412: {  	v1 =	vadd.f32 v1, v2;
	_ =	sdelay $0x1  }
0x413: {  	s9 =	rddreg [dreg:$0x1f];
	s2 =	simm.s32 $0x0;
	[tilespmem:v5+s14+$0x0] =	vst.idx.add.f32.msk $0xffff, v1  }
0x414: {  	[hbm4b:s9+s2] =	stream.linear.scatter [tilespmem:s14], [sflag:$0x7], $0x80, $0x38;
	[tilespmem:$0xDF30] =	vst v63  }
0x415: {  	_ =	swait.ge [sflag:s18], $0x80  }
0x416: {  	[sflag:s18] =	ssyncset.done $0x0  }
0x417: {  	[sflag:s18] =	ssyncadd.s32 $0xFFFFFF80  }
0x418: {  	_ =	swait.ge [sflag:s18], $0x80  }
0x419: {  	[sflag:s18] =	ssyncset.done $0x0  }
0x41a: {  	[sflag:s18] =	ssyncadd.s32 $0xFFFFFF80  }
0x41b: {  	_ =	swait.ge [sflag:s18], $0x80  }
0x41c: {  	[sflag:s18] =	ssyncset.done $0x0  }
0x41d: {  	s19 =	simm.s32 $0x5DB0;
	[sflag:s18] =	ssyncadd.s32 $0xFFFFFF80  }
0x41e: {  	[tilespmem:s19], [sflag:$0x6] =	stream.indirect.gather [hbm4b:s4+s30], $0x40, s21, s30, $0xb8;
	[tilespmem:$0xDF30] =	vst v63  }
0x41f: {  	s20 =	simm.s32 $0x1B80;
	s10 =	simm.s32 $0xBDB0  }
0x420: {  	[tilespmem:s10], [sflag:$0x6] =	stream.indirect.gather [hbm4b:s4+s30], $0x40, s20, s30, $0xb8;
	[tilespmem:$0xDF30] =	vst v63  }
0x421: {  	_ =	swait.ge [sflag:s31], $0x2000  }
0x422: {  	[sflag:s31] =	ssyncset.done $0x0  }
0x423: {  	[sflag:s31] =	ssyncadd.s32 $0xFFFFE000  }
0x424: {  	_ =	swait.ge [sflag:s31], $0x2000  }
0x425: {  	[sflag:s31] =	ssyncset.done $0x0  }
0x426: {  	[sflag:s31] =	ssyncadd.s32 $0xFFFFE000  }
0x427: {  	_ =	swait.ge [sflag:s28], $0x80  }
0x428: {  	[sflag:s28] =	ssyncset.done $0x0  }
0x429: {  	[sflag:s28] =	ssyncadd.s32 $0xFFFFFF80  }
0x42a: {  	[tilespmem:$0xDE30] =	vst v0  }
0x42b: {  	[tilespmem:$0xDE40] =	vst v0  }
0x42c: {  	[tilespmem:$0xDE50] =	vst v0  }
0x42d: {  	[tilespmem:$0xDE60] =	vst v0  }
0x42e: {  	[tilespmem:$0xDE70] =	vst v0  }
0x42f: {  	[tilespmem:$0xDE80] =	vst v0  }
0x430: {  	[tilespmem:$0xDE90] =	vst v0  }
0x431: {  	s9 =	simm.s32 $0x1C90;
	[tilespmem:$0xDEA0] =	vst v0  }
0x432: {  	v1 =	vld [tilespmem:s9+$0x0];
	_ =	sdelay $0x4  }
0x433: {  	v1 =	vshll.u32 v1, $0x6  }
0x434: {  	(v2sf) =	vpush v1, $0x0;
	_ =	sdelay $0x7  }
0x435: {  	s10 =	simm.s32 $0x9DF0  }
0x436: {  	s15 =	simm.s32 $0x3DF0;
	v2 =	vld [tilespmem:s10+$0xFFFFFFE0]  }
0x437: {  	v3 =	vld [tilespmem:s15+$0xFFFFFFE0]  }
0x438: {  	v4 =	vld [tilespmem:s10+$0xFFFFFFF0]  }
0x439: {  	v5 =	vld [tilespmem:s10+$0xFFFFFFD0]  }
0x43a: {  	v6 =	vld [tilespmem:s10+$0xFFFFFFC0]  }
0x43b: {  	v7 =	vld [tilespmem:s15+$0xFFFFFFC0]  }
0x43c: {  	v8 =	vld [tilespmem:s15+$0xFFFFFFD0];
	s17 =	spop (v2sf)  }
0x43d: {  	v9 =	vld [tilespmem:s17+$0x0]  }
0x43e: {  	v10 =	vld [tilespmem:s15+$0xFFFFFFF0]  }
0x43f: {  	v11 =	vld [tilespmem:s17+$0x10]  }
0x440: {  	v6 =	vmul.bf16 v6, v7;
	(v2sf) =	vpush v1, $0x1;
	v7 =	vld [tilespmem:s17+$0x30]  }
0x441: {  	v1 =	vld [tilespmem:s17+$0x20]  }
0x442: {  	v5 =	vmul.bf16 v5, v8;
	v6 =	vmul.bf16 v9, v6  }
0x443: {  	v2 =	vmul.bf16 v2, v3;
	v3 =	vmul.bf16 v4, v10  }
0x444: {  	v5 =	vmul.bf16 v11, v5;
	v4 =	vshll.u32 v6, $0x10;
	v6 =	vand.u32 $0xFFFF0000, v6  }
0x445: {  	v3 =	vmul.bf16 v7, v3;
	v4 =	vadd.f32 $0.0e+00, v4;
	v6 =	vadd.f32 $0.0e+00, v6  }
0x446: {  	v1 =	vmul.bf16 v1, v2;
	v7 =	vshll.u32 v5, $0x10;
	v5 =	vand.u32 $0xFFFF0000, v5  }
0x447: {  	v2 =	vadd.f32 v7, v4;
	v4 =	vadd.f32 v5, v6;
	v5 =	vmov s2  }
0x448: {  	v6 =	vshll.u32 v1, $0x10;
	v1 =	vand.u32 $0xFFFF0000, v1;
	v5 =	vand.u32 $0xFFFFFFFE, v5  }
0x449: {  	v2 =	vadd.f32 v6, v2;
	v1 =	vadd.f32 v1, v4;
	v4 =	vbroadcast v5, $0x0  }
0x44a: {  	v5 =	vshll.u32 v3, $0x10;
	v3 =	vand.u32 $0xFFFF0000, v3  }
0x44b: {  	v2 =	vadd.f32 v5, v2;
	v1 =	vadd.f32 v3, v1;
	_ =	sdelay $0x1  }
0x44c: {  	v1 =	vadd.f32 v1, v2;
	_ =	sdelay $0x1  }
0x44d: {  	s25 =	spop (v2sf);
	[tilespmem:v4+s0+$0x0] =	vst.idx.add.f32.msk $0xffff, v1  }
0x44e: {  	v1 =	vld [tilespmem:s25+$0x10]  }
0x44f: {  	v2 =	vld [tilespmem:s10+$0x10]  }
0x450: {  	v3 =	vld [tilespmem:s15+$0x0]  }
0x451: {  	v4 =	vld [tilespmem:s15+$0x10]  }
0x452: {  	v5 =	vld [tilespmem:s10+$0x0]  }
0x453: {  	v7 =	vld [tilespmem:s25+$0x0]  }
0x454: {  	v62 =	vld [tilespmem:s10+$0x20]  }
0x455: {  	v63 =	vld [tilespmem:s15+$0x20]  }
0x456: {  	v6 =	vld [tilespmem:s10+$0x30]  }
0x457: {  	v3 =	vmul.bf16 v5, v3;
	v5 =	vld [tilespmem:s15+$0x30]  }
0x458: {  	v2 =	vmul.bf16 v2, v4;
	v4 =	vld [tilespmem:s25+$0x20]  }
0x459: {  	v3 =	vmul.bf16 v7, v3;
	v7 =	vld [tilespmem:s25+$0x30]  }
0x45a: {  	v8 =	vmul.bf16 v62, v63  }
0x45b: {  	v1 =	vmul.bf16 v1, v2;
	v2 =	vshll.u32 v3, $0x10;
	v3 =	vand.u32 $0xFFFF0000, v3  }
0x45c: {  	v2 =	vadd.f32 $0.0e+00, v2;
	v3 =	vadd.f32 $0.0e+00, v3;
	v5 =	vmul.bf16 v6, v5  }
0x45d: {  	v6 =	vshll.u32 v1, $0x10;
	v1 =	vand.u32 $0xFFFF0000, v1;
	v4 =	vmul.bf16 v4, v8  }
0x45e: {  	s17 =	simm.s32 $0x2;
	v2 =	vadd.f32 v6, v2;
	v3 =	vadd.f32 v1, v3;
	v1 =	vmul.bf16 v7, v5  }
.LBB2_18:
0x45f: {  	s9 =	sadd.s32 $0x2, s9  }
0x460: {  	v5 =	vshll.u32 v4, $0x10;
	v4 =	vand.u32 $0xFFFF0000, v4;
	s15 =	sadd.s32 $0x80, s15;
	s10 =	sadd.s32 $0x80, s10;
	s19 =	smov.u32 s17  }
0x461: {  	p0 =	sne.s32 s17, $0x7E;
	s17 =	sadd.s32 $0x2, s17;
	s2 =	sadd.s32 $0x1, s2;
	v2 =	vadd.f32 v5, v2;
	v3 =	vadd.f32 v4, v3  }
0x462: {  	v4 =	vshll.u32 v1, $0x10;
	v1 =	vand.u32 $0xFFFF0000, v1;
	v5 =	vmov s2;
	s2 =	smov.u32 s19  }
0x463: {  	v2 =	vadd.f32 v4, v2;
	v1 =	vadd.f32 v1, v3;
	_ =	sdelay $0x1  }
0x464: {  	v1 =	vadd.f32 v1, v2;
	_ =	sdelay $0x1  }
0x465: {  	[tilespmem:v5+s0+$0x0] =	vst.idx.add.f32.msk $0xffff, v1  }
0x466: {  	v1 =	vld [tilespmem:s9+$0x0];
	_ =	sdelay $0x4  }
0x467: {  	v1 =	vshll.u32 v1, $0x6  }
0x468: {  	(v2sf) =	vpush v1, $0x0;
	_ =	sdelay $0x7  }
0x469: {  	v2 =	vld [tilespmem:s10+$0xFFFFFFE0]  }
0x46a: {  	v3 =	vld [tilespmem:s15+$0xFFFFFFE0]  }
0x46b: {  	v4 =	vld [tilespmem:s10+$0xFFFFFFF0]  }
0x46c: {  	v5 =	vld [tilespmem:s15+$0xFFFFFFF0]  }
0x46d: {  	v6 =	vld [tilespmem:s10+$0xFFFFFFD0]  }
0x46e: {  	v7 =	vld [tilespmem:s10+$0xFFFFFFC0]  }
0x46f: {  	v8 =	vld [tilespmem:s15+$0xFFFFFFC0];
	v2 =	vmul.bf16 v2, v3  }
0x470: {  	v3 =	vld [tilespmem:s15+$0xFFFFFFD0];
	s19 =	spop (v2sf)  }
0x471: {  	v9 =	vld [tilespmem:s19+$0x0]  }
0x472: {  	v10 =	vld [tilespmem:s19+$0x20]  }
0x473: {  	v11 =	vld [tilespmem:s19+$0x10]  }
0x474: {  	v7 =	vmul.bf16 v7, v8;
	v8 =	vld [tilespmem:s19+$0x30];
	(v2sf) =	vpush v1, $0x1  }
0x475: {  	v1 =	vmul.bf16 v6, v3  }
0x476: {  	v3 =	vmul.bf16 v9, v7  }
0x477: {  	v4 =	vmul.bf16 v4, v5  }
0x478: {  	v5 =	vshll.u32 v3, $0x10;
	v3 =	vand.u32 $0xFFFF0000, v3;
	v1 =	vmul.bf16 v11, v1  }
0x479: {  	v5 =	vadd.f32 $0.0e+00, v5;
	v3 =	vadd.f32 $0.0e+00, v3;
	v4 =	vmul.bf16 v8, v4  }
0x47a: {  	v2 =	vmul.bf16 v10, v2;
	v6 =	vshll.u32 v1, $0x10;
	v1 =	vand.u32 $0xFFFF0000, v1  }
0x47b: {  	v5 =	vadd.f32 v6, v5;
	v1 =	vadd.f32 v1, v3;
	v3 =	vmov s2  }
0x47c: {  	v6 =	vshll.u32 v2, $0x10;
	v2 =	vand.u32 $0xFFFF0000, v2;
	v3 =	vand.u32 $0xFFFFFFFE, v3  }
0x47d: {  	v5 =	vadd.f32 v6, v5;
	v1 =	vadd.f32 v2, v1;
	v2 =	vbroadcast v3, $0x0  }
0x47e: {  	v3 =	vshll.u32 v4, $0x10;
	v4 =	vand.u32 $0xFFFF0000, v4  }
0x47f: {  	v3 =	vadd.f32 v3, v5;
	v1 =	vadd.f32 v4, v1;
	_ =	sdelay $0x1  }
0x480: {  	v1 =	vadd.f32 v1, v3;
	_ =	sdelay $0x1  }
0x481: {  	[tilespmem:v2+s0+$0x0] =	vst.idx.add.f32.msk $0xffff, v1;
	s19 =	spop (v2sf)  }
0x482: {  	v1 =	vld [tilespmem:s19+$0x10]  }
0x483: {  	v2 =	vld [tilespmem:s10+$0x10]  }
0x484: {  	v3 =	vld [tilespmem:s15+$0x0]  }
0x485: {  	v4 =	vld [tilespmem:s15+$0x10]  }
0x486: {  	v5 =	vld [tilespmem:s10+$0x0]  }
0x487: {  	v6 =	vld [tilespmem:s10+$0x30]  }
0x488: {  	v7 =	vld [tilespmem:s19+$0x0]  }
0x489: {  	v8 =	vld [tilespmem:s10+$0x20]  }
0x48a: {  	v2 =	vmul.bf16 v2, v4;
	v4 =	vld [tilespmem:s15+$0x20]  }
0x48b: {  	v3 =	vmul.bf16 v5, v3;
	v5 =	vld [tilespmem:s15+$0x30]  }
0x48c: {  	v1 =	vmul.bf16 v1, v2;
	v2 =	vld [tilespmem:s19+$0x20]  }
0x48d: {  	v3 =	vmul.bf16 v7, v3;
	v7 =	vld [tilespmem:s19+$0x30]  }
.Ltmp8:
0x48e: {  	(pc) =	sbr.rel @p0 .LBB2_18-.Ltmp8, $4  }
0x48f: {  	v9 =	vshll.u32 v3, $0x10;
	v3 =	vand.u32 $0xFFFF0000, v3;
	v4 =	vmul.bf16 v8, v4  }
0x490: {  	v8 =	vadd.f32 $0.0e+00, v9;
	v3 =	vadd.f32 $0.0e+00, v3;
	v5 =	vmul.bf16 v6, v5  }
0x491: {  	v6 =	vshll.u32 v1, $0x10;
	v1 =	vand.u32 $0xFFFF0000, v1;
	v4 =	vmul.bf16 v2, v4  }
0x492: {  	v2 =	vadd.f32 v6, v8;
	v3 =	vadd.f32 v1, v3;
	v1 =	vmul.bf16 v7, v5  }
0x493: {  	v5 =	vshll.u32 v4, $0x10;
	v4 =	vand.u32 $0xFFFF0000, v4  }
0x494: {  	s2 =	sadd.s32 $0x1, s2;
	v2 =	vadd.f32 v5, v2;
	v3 =	vadd.f32 v4, v3  }
0x495: {  	v4 =	vshll.u32 v1, $0x10;
	v1 =	vand.u32 $0xFFFF0000, v1;
	v5 =	vmov s2  }
0x496: {  	v2 =	vadd.f32 v4, v2;
	v1 =	vadd.f32 v1, v3;
	_ =	sdelay $0x1  }
0x497: {  	s9 =	sld [smem:$0x7FC];
	v1 =	vadd.f32 v1, v2;
	_ =	sdelay $0x1  }
0x498: {  	s2 =	simm.s32 $0x0;
	[tilespmem:v5+s0+$0x0] =	vst.idx.add.f32.msk $0xffff, v1  }
0x499: {  	[hbm4b:s9+s2] =	stream.linear.scatter [tilespmem:s0], [sflag:$0x8], $0x80, $0x38;
	[tilespmem:$0xDF30] =	vst v63  }
0x49a: {  	_ =	swait.ge [sflag:s11], $0x2000  }
0x49b: {  	[sflag:s11] =	ssyncset.done $0x0  }
0x49c: {  	[sflag:s11] =	ssyncadd.s32 $0xFFFFE000  }
0x49d: {  	_ =	swait.ge [sflag:s11], $0x2000  }
0x49e: {  	[sflag:s11] =	ssyncset.done $0x0  }
0x49f: {  	[sflag:s11] =	ssyncadd.s32 $0xFFFFE000  }
0x4a0: {  	_ =	swait.ge [sflag:s16], $0x80  }
0x4a1: {  	[sflag:s16] =	ssyncset.done $0x0  }
0x4a2: {  	[sflag:s16] =	ssyncadd.s32 $0xFFFFFF80  }
0x4a3: {  	[tilespmem:$0xDEB0] =	vst v0  }
0x4a4: {  	[tilespmem:$0xDEC0] =	vst v0  }
0x4a5: {  	[tilespmem:$0xDED0] =	vst v0  }
0x4a6: {  	[tilespmem:$0xDEE0] =	vst v0  }
0x4a7: {  	[tilespmem:$0xDEF0] =	vst v0  }
0x4a8: {  	[tilespmem:$0xDF00] =	vst v0  }
0x4a9: {  	[tilespmem:$0xDF10] =	vst v0  }
0x4aa: {  	s9 =	simm.s32 $0x1D20;
	[tilespmem:$0xDF20] =	vst v0  }
0x4ab: {  	v1 =	vld [tilespmem:s9+$0x0];
	_ =	sdelay $0x4  }
0x4ac: {  	v1 =	vshll.u32 v1, $0x6  }
0x4ad: {  	(v2sf) =	vpush v1, $0x0;
	_ =	sdelay $0x7  }
0x4ae: {  	s10 =	simm.s32 $0xBDF0  }
0x4af: {  	s15 =	simm.s32 $0x5DF0;
	v2 =	vld [tilespmem:s10+$0xFFFFFFE0]  }
0x4b0: {  	v3 =	vld [tilespmem:s15+$0xFFFFFFE0]  }
0x4b1: {  	v4 =	vld [tilespmem:s10+$0xFFFFFFF0]  }
0x4b2: {  	v5 =	vld [tilespmem:s10+$0xFFFFFFD0]  }
0x4b3: {  	v6 =	vld [tilespmem:s10+$0xFFFFFFC0]  }
0x4b4: {  	v7 =	vld [tilespmem:s15+$0xFFFFFFC0]  }
0x4b5: {  	v8 =	vld [tilespmem:s15+$0xFFFFFFD0];
	s17 =	spop (v2sf)  }
0x4b6: {  	v9 =	vld [tilespmem:s17+$0x0]  }
0x4b7: {  	v10 =	vld [tilespmem:s15+$0xFFFFFFF0]  }
0x4b8: {  	v11 =	vld [tilespmem:s17+$0x10]  }
0x4b9: {  	v6 =	vmul.bf16 v6, v7;
	(v2sf) =	vpush v1, $0x1;
	v7 =	vld [tilespmem:s17+$0x30]  }
0x4ba: {  	v1 =	vld [tilespmem:s17+$0x20]  }
0x4bb: {  	v5 =	vmul.bf16 v5, v8;
	v6 =	vmul.bf16 v9, v6  }
0x4bc: {  	v2 =	vmul.bf16 v2, v3;
	v3 =	vmul.bf16 v4, v10  }
0x4bd: {  	v5 =	vmul.bf16 v11, v5;
	v4 =	vshll.u32 v6, $0x10;
	v6 =	vand.u32 $0xFFFF0000, v6  }
0x4be: {  	v3 =	vmul.bf16 v7, v3;
	v4 =	vadd.f32 $0.0e+00, v4;
	v6 =	vadd.f32 $0.0e+00, v6  }
0x4bf: {  	v1 =	vmul.bf16 v1, v2;
	v7 =	vshll.u32 v5, $0x10;
	v5 =	vand.u32 $0xFFFF0000, v5  }
0x4c0: {  	v2 =	vadd.f32 v7, v4;
	v4 =	vadd.f32 v5, v6;
	v5 =	vmov s2  }
0x4c1: {  	v6 =	vshll.u32 v1, $0x10;
	v1 =	vand.u32 $0xFFFF0000, v1;
	v5 =	vand.u32 $0xFFFFFFFE, v5  }
0x4c2: {  	v2 =	vadd.f32 v6, v2;
	v1 =	vadd.f32 v1, v4;
	v4 =	vbroadcast v5, $0x0  }
0x4c3: {  	v5 =	vshll.u32 v3, $0x10;
	v3 =	vand.u32 $0xFFFF0000, v3  }
0x4c4: {  	v2 =	vadd.f32 v5, v2;
	v1 =	vadd.f32 v3, v1;
	_ =	sdelay $0x1  }
0x4c5: {  	v1 =	vadd.f32 v1, v2;
	_ =	sdelay $0x1  }
0x4c6: {  	s25 =	spop (v2sf);
	[tilespmem:v4+s12+$0x0] =	vst.idx.add.f32.msk $0xffff, v1  }
0x4c7: {  	v1 =	vld [tilespmem:s25+$0x10]  }
0x4c8: {  	v2 =	vld [tilespmem:s10+$0x10]  }
0x4c9: {  	v3 =	vld [tilespmem:s15+$0x0]  }
0x4ca: {  	v4 =	vld [tilespmem:s15+$0x10]  }
0x4cb: {  	v5 =	vld [tilespmem:s10+$0x0]  }
0x4cc: {  	v7 =	vld [tilespmem:s25+$0x0]  }
0x4cd: {  	v62 =	vld [tilespmem:s10+$0x20]  }
0x4ce: {  	v63 =	vld [tilespmem:s15+$0x20]  }
0x4cf: {  	v6 =	vld [tilespmem:s10+$0x30]  }
0x4d0: {  	v3 =	vmul.bf16 v5, v3;
	v5 =	vld [tilespmem:s15+$0x30]  }
0x4d1: {  	v2 =	vmul.bf16 v2, v4;
	v4 =	vld [tilespmem:s25+$0x20]  }
0x4d2: {  	v3 =	vmul.bf16 v7, v3;
	v7 =	vld [tilespmem:s25+$0x30]  }
0x4d3: {  	v8 =	vmul.bf16 v62, v63  }
0x4d4: {  	v1 =	vmul.bf16 v1, v2;
	v2 =	vshll.u32 v3, $0x10;
	v3 =	vand.u32 $0xFFFF0000, v3  }
0x4d5: {  	v2 =	vadd.f32 $0.0e+00, v2;
	v3 =	vadd.f32 $0.0e+00, v3;
	v5 =	vmul.bf16 v6, v5  }
0x4d6: {  	v6 =	vshll.u32 v1, $0x10;
	v1 =	vand.u32 $0xFFFF0000, v1;
	v4 =	vmul.bf16 v4, v8  }
0x4d7: {  	s17 =	simm.s32 $0x2;
	v2 =	vadd.f32 v6, v2;
	v3 =	vadd.f32 v1, v3;
	v1 =	vmul.bf16 v7, v5  }
.LBB2_20:
0x4d8: {  	s9 =	sadd.s32 $0x2, s9  }
0x4d9: {  	v5 =	vshll.u32 v4, $0x10;
	v4 =	vand.u32 $0xFFFF0000, v4;
	s15 =	sadd.s32 $0x80, s15;
	s10 =	sadd.s32 $0x80, s10;
	s19 =	smov.u32 s17  }
0x4da: {  	p0 =	sne.s32 s17, $0x7E;
	s17 =	sadd.s32 $0x2, s17;
	s2 =	sadd.s32 $0x1, s2;
	v2 =	vadd.f32 v5, v2;
	v3 =	vadd.f32 v4, v3  }
0x4db: {  	v4 =	vshll.u32 v1, $0x10;
	v1 =	vand.u32 $0xFFFF0000, v1;
	v5 =	vmov s2;
	s2 =	smov.u32 s19  }
0x4dc: {  	v2 =	vadd.f32 v4, v2;
	v1 =	vadd.f32 v1, v3;
	_ =	sdelay $0x1  }
0x4dd: {  	v1 =	vadd.f32 v1, v2;
	_ =	sdelay $0x1  }
0x4de: {  	[tilespmem:v5+s12+$0x0] =	vst.idx.add.f32.msk $0xffff, v1  }
0x4df: {  	v1 =	vld [tilespmem:s9+$0x0];
	_ =	sdelay $0x4  }
0x4e0: {  	v1 =	vshll.u32 v1, $0x6  }
0x4e1: {  	(v2sf) =	vpush v1, $0x0;
	_ =	sdelay $0x7  }
0x4e2: {  	v2 =	vld [tilespmem:s10+$0xFFFFFFE0]  }
0x4e3: {  	v3 =	vld [tilespmem:s15+$0xFFFFFFE0]  }
0x4e4: {  	v4 =	vld [tilespmem:s10+$0xFFFFFFF0]  }
0x4e5: {  	v5 =	vld [tilespmem:s15+$0xFFFFFFF0]  }
0x4e6: {  	v6 =	vld [tilespmem:s10+$0xFFFFFFD0]  }
0x4e7: {  	v7 =	vld [tilespmem:s10+$0xFFFFFFC0]  }
0x4e8: {  	v8 =	vld [tilespmem:s15+$0xFFFFFFC0];
	v2 =	vmul.bf16 v2, v3  }
0x4e9: {  	v3 =	vld [tilespmem:s15+$0xFFFFFFD0];
	s19 =	spop (v2sf)  }
0x4ea: {  	v9 =	vld [tilespmem:s19+$0x0]  }
0x4eb: {  	v10 =	vld [tilespmem:s19+$0x20]  }
0x4ec: {  	v11 =	vld [tilespmem:s19+$0x10]  }
0x4ed: {  	v7 =	vmul.bf16 v7, v8;
	v8 =	vld [tilespmem:s19+$0x30];
	(v2sf) =	vpush v1, $0x1  }
0x4ee: {  	v1 =	vmul.bf16 v6, v3  }
0x4ef: {  	v3 =	vmul.bf16 v9, v7  }
0x4f0: {  	v4 =	vmul.bf16 v4, v5  }
0x4f1: {  	v5 =	vshll.u32 v3, $0x10;
	v3 =	vand.u32 $0xFFFF0000, v3;
	v1 =	vmul.bf16 v11, v1  }
0x4f2: {  	v5 =	vadd.f32 $0.0e+00, v5;
	v3 =	vadd.f32 $0.0e+00, v3;
	v4 =	vmul.bf16 v8, v4  }
0x4f3: {  	v2 =	vmul.bf16 v10, v2;
	v6 =	vshll.u32 v1, $0x10;
	v1 =	vand.u32 $0xFFFF0000, v1  }
0x4f4: {  	v5 =	vadd.f32 v6, v5;
	v1 =	vadd.f32 v1, v3;
	v3 =	vmov s2  }
0x4f5: {  	v6 =	vshll.u32 v2, $0x10;
	v2 =	vand.u32 $0xFFFF0000, v2;
	v3 =	vand.u32 $0xFFFFFFFE, v3  }
0x4f6: {  	v5 =	vadd.f32 v6, v5;
	v1 =	vadd.f32 v2, v1;
	v2 =	vbroadcast v3, $0x0  }
0x4f7: {  	v3 =	vshll.u32 v4, $0x10;
	v4 =	vand.u32 $0xFFFF0000, v4  }
0x4f8: {  	v3 =	vadd.f32 v3, v5;
	v1 =	vadd.f32 v4, v1;
	_ =	sdelay $0x1  }
0x4f9: {  	v1 =	vadd.f32 v1, v3;
	_ =	sdelay $0x1  }
0x4fa: {  	[tilespmem:v2+s12+$0x0] =	vst.idx.add.f32.msk $0xffff, v1;
	s19 =	spop (v2sf)  }
0x4fb: {  	v1 =	vld [tilespmem:s19+$0x10]  }
0x4fc: {  	v2 =	vld [tilespmem:s10+$0x10]  }
0x4fd: {  	v3 =	vld [tilespmem:s15+$0x0]  }
0x4fe: {  	v4 =	vld [tilespmem:s15+$0x10]  }
0x4ff: {  	v5 =	vld [tilespmem:s10+$0x0]  }
0x500: {  	v6 =	vld [tilespmem:s10+$0x30]  }
0x501: {  	v7 =	vld [tilespmem:s19+$0x0]  }
0x502: {  	v8 =	vld [tilespmem:s10+$0x20]  }
0x503: {  	v2 =	vmul.bf16 v2, v4;
	v4 =	vld [tilespmem:s15+$0x20]  }
0x504: {  	v3 =	vmul.bf16 v5, v3;
	v5 =	vld [tilespmem:s15+$0x30]  }
0x505: {  	v1 =	vmul.bf16 v1, v2;
	v2 =	vld [tilespmem:s19+$0x20]  }
0x506: {  	v3 =	vmul.bf16 v7, v3;
	v7 =	vld [tilespmem:s19+$0x30]  }
.Ltmp9:
0x507: {  	(pc) =	sbr.rel @p0 .LBB2_20-.Ltmp9, $4  }
0x508: {  	v9 =	vshll.u32 v3, $0x10;
	v3 =	vand.u32 $0xFFFF0000, v3;
	v4 =	vmul.bf16 v8, v4  }
0x509: {  	v8 =	vadd.f32 $0.0e+00, v9;
	v3 =	vadd.f32 $0.0e+00, v3;
	v5 =	vmul.bf16 v6, v5  }
0x50a: {  	v6 =	vshll.u32 v1, $0x10;
	v1 =	vand.u32 $0xFFFF0000, v1;
	v4 =	vmul.bf16 v2, v4  }
0x50b: {  	v2 =	vadd.f32 v6, v8;
	v3 =	vadd.f32 v1, v3;
	v1 =	vmul.bf16 v7, v5  }
0x50c: {  	v5 =	vshll.u32 v4, $0x10;
	v61 =	vand.u32 $0xFFFF0000, v4  }
0x50d: {  	s2 =	sadd.s32 $0x1, s2;
	v2 =	vadd.f32 v5, v2;
	v3 =	vadd.f32 v61, v3  }
0x50e: {  	v62 =	vshll.u32 v1, $0x10;
	v1 =	vand.u32 $0xFFFF0000, v1;
	v63 =	vmov s2  }
0x50f: {  	v2 =	vadd.f32 v62, v2;
	v1 =	vadd.f32 v1, v3;
	_ =	sdelay $0x1  }
0x510: {  	s20 =	sld [smem:$0x7FD];
	v1 =	vadd.f32 v1, v2;
	_ =	sdelay $0x1  }
0x511: {  	[tilespmem:v63+s12+$0x0] =	vst.idx.add.f32.msk $0xffff, v1  }
0x512: {  	[hbm4b:s20+s3] =	stream.linear.scatter [tilespmem:s12], [sflag:$0x9], $0x80, $0x38;
	[tilespmem:$0xDF30] =	vst v63  }
0x513: {  	_ =	swait.ge [sflag:s23], $0x80  }
0x514: {  	[sflag:s23] =	ssyncset.done $0x0  }
0x515: {  	[sflag:s23] =	ssyncadd.s32 $0xFFFFFF80  }
0x516: {  	_ =	swait.ge [sflag:s28], $0x80  }
0x517: {  	[sflag:s28] =	ssyncset.done $0x0  }
0x518: {  	[sflag:s28] =	ssyncadd.s32 $0xFFFFFF80  }
0x519: {  	_ =	swait.ge [sflag:s16], $0x80  }
0x51a: {  	s9 =	sld [smem:$0x7FB];
	_ =	sdelay $0x2  }
0x51b: {  	s25 =	rddreg [dreg:$0x1e];
	s9 =	sadd.s32 $0x1, s9  }
0x51c: {  	p0 =	sne.s32 s9, s25  }
.Ltmp10:
0x51d: {  	_ = 	snop;
	(pc) =	sbr.rel @p0 .LBB2_1-.Ltmp10, $3  }
0x51e: {  	_ =	sdelay $0x1  }
0x51f: {  	[sflag:s16] =	ssyncset.done $0x0  }
0x520: {  	[sflag:s16] =	ssyncadd.s32 $0xFFFFFF80  }
0x521: {  	_ =	sfence.sel $0x180000  }
0x522: {  	[bflag:$0x0] =	sbarrier.arrive $0xFFFF  }
0x523: {  	_ =	strace $0x90000047  }
0x524: {  	s0 =	stileid.u32;
	[bflag:$0x2] =	sbarrier.arrive $0xFFFF  }
0x525: {  	p0 =	sne.s32 s0, $0x0;
	s0 =	rddreg [dreg:$0x2]  }
0x526: {  	s0 =	sadd.s32 @!p0 $0x100000, s0  }
0x527: {  	[sflag:s0] =	ssyncadd.tile.s32 @!p0 $0x1;
	_ =	shalt  }
.Lfunc_end2:
_tile_overlayer_lowered:
.L_overlay_start_2:
0x528: {  	(tag) =	ssettag $0x2  }
0x529: {  	s0 =	rddreg [dreg:$0x0];
	s2 =	stileid.u32  }
0x52a: {  	s1 =	rddreg [dreg:$0x1];
	p0 =	sne.s32 s2, $0x0  }
0x52b: {  	s3 =	rddreg [dreg:$0x2];
	[bflag:$0x3] =	sbarrier.arrive $0xFFFF;
	s2 =	simm.s32 @!p0 $0x1C0A  }
0x52c: {  	[timem:s3], [sflag:s2] =	dma.local @!p0 [hbm:s0], s1  }
0x52d: {  	s0 =	simm.s32 @!p0 $0xA  }
0x52e: {  	_ =	swait.ge @!p0 [sflag:s0], s1  }
0x52f: {  	s1 =	ssub.s32 @!p0 $0x0, s1;
	[sflag:s0] =	ssyncset.done @!p0 $0x0  }
0x530: {  	[sflag:s0] =	ssyncadd.s32 @!p0 s1  }
0x531: {  	[bflag:$0x3] =	sbarrier.arrive $0xFFFF  }
0x532: {  	_ =	shalt  }

</sc_bundles>
